<compile_context>
chip_gen: v7x
topology: tpu7x:2x2x1
jax: 0.10.2.dev20260603
libtpu: 0.0.44.dev20260713+nightly
codegen_flags: <defaults>
</compile_context>

<pallas_src>
import functools

import jax
import jax.numpy as jnp
from jax import lax
from jax.experimental import pallas as pl
from jax.experimental.pallas import tpu as pltpu
from jax.experimental.pallas import tpu_sc as plsc

_B, _C, _HW = 64, 768, 576
_BSC = 16
_BBLK = 4
_RCHUNK = 48
_RHALF = _HW // 2
_NCHUNK = _RHALF // _RCHUNK
_NV = _C // 16


def _sc_pool_body(x_hbm, out_hbm, buf0, buf1, sem0, sem1):
    nc = plsc.get_sparse_core_info().num_cores
    w = lax.axis_index("s") * nc + lax.axis_index("c")
    b = w // 2
    r0 = (w % 2) * _RHALF
    bufs = (buf0, buf1)
    sems = (sem0, sem1)

    def chunk_acc(buf, accs):
        def row(r, a):
            return tuple(a[j] + buf[r, pl.ds(j * 16, 16)] for j in range(_NV))
        return lax.fori_loop(0, _RCHUNK, row, accs)

    accs = tuple(jnp.zeros((16,), jnp.float32) for _ in range(_NV))
    cps = [None, None]
    cps[0] = pltpu.async_copy(x_hbm.at[b, pl.ds(r0, _RCHUNK)], buf0, sem0)
    for c in range(_NCHUNK):
        nxt = c + 1
        if nxt < _NCHUNK:
            cps[nxt % 2] = pltpu.async_copy(
                x_hbm.at[b, pl.ds(r0 + nxt * _RCHUNK, _RCHUNK)],
                bufs[nxt % 2], sems[nxt % 2])
        cps[c % 2].wait()
        accs = chunk_acc(bufs[c % 2], accs)
    for j in range(_NV):
        buf0[0, pl.ds(j * 16, 16)] = accs[j]
    pltpu.sync_copy(buf0.at[0], out_hbm.at[w])


_sc_pool = functools.partial(
    pl.kernel,
    mesh=plsc.VectorSubcoreMesh(core_axis_name="c", subcore_axis_name="s"),
    out_type=jax.ShapeDtypeStruct((2 * _BSC, _C), jnp.float32),
    scratch_types=[
        pltpu.VMEM((_RCHUNK, _C), jnp.float32),
        pltpu.VMEM((_RCHUNK, _C), jnp.float32),
        pltpu.SemaphoreType.DMA,
        pltpu.SemaphoreType.DMA,
    ],
)(_sc_pool_body)


def _mlp(pooled, w1_ref, b1_ref, w2_ref, b2_ref):
    h = pooled @ w1_ref[...] + b1_ref[...]
    h = 0.5 * h * (1.0 + jax.lax.erf(h * (2.0 ** -0.5)))
    logits = h @ w2_ref[...] + b2_ref[...]
    m = jnp.max(logits, axis=-1, keepdims=True)
    e = jnp.exp(logits - m)
    return e / jnp.sum(e, axis=-1, keepdims=True)


def _tc_router_body(x_ref, w1_ref, b1_ref, w2_ref, b2_ref, out_ref):
    hw = x_ref.shape[1]
    pooled = jnp.sum(x_ref[...], axis=1) * (1.0 / hw)
    out_ref[0, :, :] = _mlp(pooled, w1_ref, b1_ref, w2_ref, b2_ref)


def _sc_mlp_body(sums_ref, w1_ref, b1_ref, w2_ref, b2_ref, out_ref):
    pooled = jnp.sum(sums_ref[...], axis=1) * (1.0 / _HW)
    out_ref[...] = _mlp(pooled, w1_ref, b1_ref, w2_ref, b2_ref)


def kernel(x, W1, b1, W2, b2):
    B, C, H, W = x.shape
    hw = H * W
    E = W2.shape[1]
    xt = jnp.transpose(x, (0, 2, 3, 1)).reshape(B, hw, C)

    sc_sums = _sc_pool(xt)

    n_tc = (B - _BSC) // _BBLK
    out_tc = pl.pallas_call(
        _tc_router_body,
        grid=(n_tc,),
        in_specs=[
            pl.BlockSpec((_BBLK, hw, C), lambda i: (i + _BSC // _BBLK, 0, 0)),
            pl.BlockSpec((C, W1.shape[1]), lambda i: (0, 0)),
            pl.BlockSpec((W1.shape[1],), lambda i: (0,)),
            pl.BlockSpec((W1.shape[1], E), lambda i: (0, 0)),
            pl.BlockSpec((E,), lambda i: (0,)),
        ],
        out_specs=pl.BlockSpec((1, _BBLK, E), lambda i: (i, 0, 0)),
        out_shape=jax.ShapeDtypeStruct((n_tc, _BBLK, E), jnp.float32),
    )(xt, W1, b1, W2, b2)

    out_sc = pl.pallas_call(
        _sc_mlp_body,
        out_shape=jax.ShapeDtypeStruct((_BSC, E), jnp.float32),
    )(sc_sums.reshape(_BSC, 2, C), W1, b1, W2, b2)

    return jnp.concatenate([out_sc, out_tc.reshape(B - _BSC, E)], axis=0)

# --- scband reference (transcript-rebuilt; emitter-appended) ---
"""Pipeline reference for scband-expert-router-18459769438889 (READ-ONLY COPY).

The authoritative reference and input builder live on the scoring server;
editing this copy changes nothing except your own understanding.
"""

import jax, jax.numpy as jnp
import numpy as np


def setup_inputs(seed: int = 0) -> dict:
    key = jax.random.key(seed)
    k_x, k_w1, k_b1, k_w2, k_b2 = jax.random.split(key, 5)
    B, C, H, W = 64, 768, 24, 24
    dim = 768
    hidden = dim // 4
    num_experts = 8
    x = jax.random.normal(k_x, (B, C, H, W), dtype=jnp.float32)
    # Linear params, stored as [in, out] for x @ W + b
    W1 = jax.random.normal(k_w1, (dim, hidden), dtype=jnp.float32) * (1.0 / np.sqrt(dim))
    b1 = jax.random.normal(k_b1, (hidden,), dtype=jnp.float32) * 0.01
    W2 = jax.random.normal(k_w2, (hidden, num_experts), dtype=jnp.float32) * (1.0 / np.sqrt(hidden))
    b2 = jax.random.normal(k_b2, (num_experts,), dtype=jnp.float32) * 0.01
    return {"x": x, "W1": W1, "b1": b1, "W2": W2, "b2": b2}


def reference(x, W1, b1, W2, b2):
    # AdaptiveAvgPool2d(1) -> global mean over spatial dims, then Flatten
    pooled = jnp.mean(x, axis=(2, 3))  # [B, C]
    h = pooled @ W1 + b1               # [B, dim//4]
    h = jax.nn.gelu(h, approximate=False)  # torch nn.GELU default is exact (erf)
    logits = h @ W2 + b2               # [B, num_experts]
    weights = jax.nn.softmax(logits, axis=-1)
    return weights

if __name__ == "__main__":
    import jax
    _d = setup_inputs()
    print(jax.jit(kernel)(*tuple(_d.values())))

</pallas_src>

<mosaic_0001>
#map = affine_map<(d0, d1) -> (0, 0, 0)>
#map1 = affine_map<(d0, d1) -> (0, 0)>
module attributes {stable_mosaic.version = 14 : i64} {
  func.func @_sc_pool_body(%arg0: i32, %arg1: i32, %arg2: memref<64x576x768xf32, #tpu.memory_space<hbm>>, %arg3: memref<32x768xf32, #tpu.memory_space<hbm>>, %arg4: memref<48x768xf32, #tpu.memory_space<vmem>>, %arg5: memref<48x768xf32, #tpu.memory_space<vmem>>, %arg6: memref<!tpu.dma_semaphore, #tpu.memory_space<semaphore_mem>>, %arg7: memref<!tpu.dma_semaphore, #tpu.memory_space<semaphore_mem>>) attributes {dimension_semantics = [#tpu.dimension_semantics<core_parallel>, #tpu.dimension_semantics<subcore_parallel>], iteration_bounds = array<i64: 2, 16>, scalar_prefetch = 0 : i64, scratch_operands = 4 : i64, tpu.core_type = #tpu.core_type<sc_vector_subcore>, window_params = [{transform_indices = #map}, {transform_indices = #map1}]} {
    %mul3A = arith.constant 2 : i32
    %mul3A_0 = arith.muli %arg1, %mul3A : i32
    %add3A = arith.addi %mul3A_0, %arg0 : i32
    %jit3A = arith.constant 2 : i32
    %div3A = arith.divsi %add3A, %jit3A : i32
    %sign3A = arith.constant 0 : i32
    %sign3A_1 = arith.cmpi sgt, %add3A, %sign3A : i32
    %sign3A_2 = arith.extui %sign3A_1 : i1 to i32
    %sign3A_3 = arith.constant 0 : i32
    %sign3A_4 = arith.cmpi slt, %add3A, %sign3A_3 : i32
    %sign3A_5 = arith.extui %sign3A_4 : i1 to i32
    %sign3A_6 = arith.subi %sign3A_2, %sign3A_5 : i32
    %sign3A_7 = arith.constant 0 : i32
    %sign3A_8 = arith.cmpi sgt, %jit3A, %sign3A_7 : i32
    %sign3A_9 = arith.extui %sign3A_8 : i1 to i32
    %sign3A_10 = arith.constant 0 : i32
    %sign3A_11 = arith.cmpi slt, %jit3A, %sign3A_10 : i32
    %sign3A_12 = arith.extui %sign3A_11 : i1 to i32
    %sign3A_13 = arith.subi %sign3A_9, %sign3A_12 : i32
    %ne3A = arith.cmpi ne, %sign3A_6, %sign3A_13 : i32
    %rem3A = arith.remsi %add3A, %jit3A : i32
    %ne3A_14 = arith.constant 0 : i32
    %ne3A_15 = arith.cmpi ne, %rem3A, %ne3A_14 : i32
    %and3A = arith.andi %ne3A, %ne3A_15 : i1
    %sub3A = arith.constant 1 : i32
    %sub3A_16 = arith.subi %div3A, %sub3A : i32
    %select_n3A = arith.select %and3A, %sub3A_16, %div3A : i32
    %jit3A_17 = arith.constant 2 : i32
    %eq3A = arith.constant 0 : i32
    %eq3A_18 = arith.cmpi eq, %jit3A_17, %eq3A : i32
    %jit3A_19 = arith.constant 1 : i32
    %select_n3A_20 = arith.select %eq3A_18, %jit3A_19, %jit3A_17 : i32
    %rem3A_21 = arith.remsi %add3A, %select_n3A_20 : i32
    %ne3A_22 = arith.constant 0 : i32
    %ne3A_23 = arith.cmpi ne, %rem3A_21, %ne3A_22 : i32
    %lt3A = arith.constant 0 : i32
    %lt3A_24 = arith.cmpi slt, %rem3A_21, %lt3A : i32
    %lt3A_25 = arith.constant 0 : i32
    %lt3A_26 = arith.cmpi slt, %select_n3A_20, %lt3A_25 : i32
    %ne3A_27 = arith.xori %lt3A_24, %lt3A_26 : i1
    %and3A_28 = arith.andi %ne3A_27, %ne3A_23 : i1
    %add3A_29 = arith.addi %rem3A_21, %select_n3A_20 : i32
    %select_n3A_30 = arith.select %and3A_28, %add3A_29, %rem3A_21 : i32
    %mul3A_31 = arith.constant 288 : i32
    %mul3A_32 = arith.muli %select_n3A_30, %mul3A_31 : i32
    %broadcast_in_dim3A = arith.constant 0.000000e+00 : f32
    %broadcast_in_dim3A_33 = vector.broadcast %broadcast_in_dim3A : f32 to vector<16xf32>
    %broadcast_in_dim3A_34 = arith.constant 0.000000e+00 : f32
    %broadcast_in_dim3A_35 = vector.broadcast %broadcast_in_dim3A_34 : f32 to vector<16xf32>
    %broadcast_in_dim3A_36 = arith.constant 0.000000e+00 : f32
    %broadcast_in_dim3A_37 = vector.broadcast %broadcast_in_dim3A_36 : f32 to vector<16xf32>
    %broadcast_in_dim3A_38 = arith.constant 0.000000e+00 : f32
    %broadcast_in_dim3A_39 = vector.broadcast %broadcast_in_dim3A_38 : f32 to vector<16xf32>
    %broadcast_in_dim3A_40 = arith.constant 0.000000e+00 : f32
    %broadcast_in_dim3A_41 = vector.broadcast %broadcast_in_dim3A_40 : f32 to vector<16xf32>
    %broadcast_in_dim3A_42 = arith.constant 0.000000e+00 : f32
    %broadcast_in_dim3A_43 = vector.broadcast %broadcast_in_dim3A_42 : f32 to vector<16xf32>
    %broadcast_in_dim3A_44 = arith.constant 0.000000e+00 : f32
    %broadcast_in_dim3A_45 = vector.broadcast %broadcast_in_dim3A_44 : f32 to vector<16xf32>
    %broadcast_in_dim3A_46 = arith.constant 0.000000e+00 : f32
    %broadcast_in_dim3A_47 = vector.broadcast %broadcast_in_dim3A_46 : f32 to vector<16xf32>
    %broadcast_in_dim3A_48 = arith.constant 0.000000e+00 : f32
    %broadcast_in_dim3A_49 = vector.broadcast %broadcast_in_dim3A_48 : f32 to vector<16xf32>
    %broadcast_in_dim3A_50 = arith.constant 0.000000e+00 : f32
    %broadcast_in_dim3A_51 = vector.broadcast %broadcast_in_dim3A_50 : f32 to vector<16xf32>
    %broadcast_in_dim3A_52 = arith.constant 0.000000e+00 : f32
    %broadcast_in_dim3A_53 = vector.broadcast %broadcast_in_dim3A_52 : f32 to vector<16xf32>
    %broadcast_in_dim3A_54 = arith.constant 0.000000e+00 : f32
    %broadcast_in_dim3A_55 = vector.broadcast %broadcast_in_dim3A_54 : f32 to vector<16xf32>
    %broadcast_in_dim3A_56 = arith.constant 0.000000e+00 : f32
    %broadcast_in_dim3A_57 = vector.broadcast %broadcast_in_dim3A_56 : f32 to vector<16xf32>
    %broadcast_in_dim3A_58 = arith.constant 0.000000e+00 : f32
    %broadcast_in_dim3A_59 = vector.broadcast %broadcast_in_dim3A_58 : f32 to vector<16xf32>
    %broadcast_in_dim3A_60 = arith.constant 0.000000e+00 : f32
    %broadcast_in_dim3A_61 = vector.broadcast %broadcast_in_dim3A_60 : f32 to vector<16xf32>
    %broadcast_in_dim3A_62 = arith.constant 0.000000e+00 : f32
    %broadcast_in_dim3A_63 = vector.broadcast %broadcast_in_dim3A_62 : f32 to vector<16xf32>
    %broadcast_in_dim3A_64 = arith.constant 0.000000e+00 : f32
    %broadcast_in_dim3A_65 = vector.broadcast %broadcast_in_dim3A_64 : f32 to vector<16xf32>
    %broadcast_in_dim3A_66 = arith.constant 0.000000e+00 : f32
    %broadcast_in_dim3A_67 = vector.broadcast %broadcast_in_dim3A_66 : f32 to vector<16xf32>
    %broadcast_in_dim3A_68 = arith.constant 0.000000e+00 : f32
    %broadcast_in_dim3A_69 = vector.broadcast %broadcast_in_dim3A_68 : f32 to vector<16xf32>
    %broadcast_in_dim3A_70 = arith.constant 0.000000e+00 : f32
    %broadcast_in_dim3A_71 = vector.broadcast %broadcast_in_dim3A_70 : f32 to vector<16xf32>
    %broadcast_in_dim3A_72 = arith.constant 0.000000e+00 : f32
    %broadcast_in_dim3A_73 = vector.broadcast %broadcast_in_dim3A_72 : f32 to vector<16xf32>
    %broadcast_in_dim3A_74 = arith.constant 0.000000e+00 : f32
    %broadcast_in_dim3A_75 = vector.broadcast %broadcast_in_dim3A_74 : f32 to vector<16xf32>
    %broadcast_in_dim3A_76 = arith.constant 0.000000e+00 : f32
    %broadcast_in_dim3A_77 = vector.broadcast %broadcast_in_dim3A_76 : f32 to vector<16xf32>
    %broadcast_in_dim3A_78 = arith.constant 0.000000e+00 : f32
    %broadcast_in_dim3A_79 = vector.broadcast %broadcast_in_dim3A_78 : f32 to vector<16xf32>
    %broadcast_in_dim3A_80 = arith.constant 0.000000e+00 : f32
    %broadcast_in_dim3A_81 = vector.broadcast %broadcast_in_dim3A_80 : f32 to vector<16xf32>
    %broadcast_in_dim3A_82 = arith.constant 0.000000e+00 : f32
    %broadcast_in_dim3A_83 = vector.broadcast %broadcast_in_dim3A_82 : f32 to vector<16xf32>
    %broadcast_in_dim3A_84 = arith.constant 0.000000e+00 : f32
    %broadcast_in_dim3A_85 = vector.broadcast %broadcast_in_dim3A_84 : f32 to vector<16xf32>
    %broadcast_in_dim3A_86 = arith.constant 0.000000e+00 : f32
    %broadcast_in_dim3A_87 = vector.broadcast %broadcast_in_dim3A_86 : f32 to vector<16xf32>
    %broadcast_in_dim3A_88 = arith.constant 0.000000e+00 : f32
    %broadcast_in_dim3A_89 = vector.broadcast %broadcast_in_dim3A_88 : f32 to vector<16xf32>
    %broadcast_in_dim3A_90 = arith.constant 0.000000e+00 : f32
    %broadcast_in_dim3A_91 = vector.broadcast %broadcast_in_dim3A_90 : f32 to vector<16xf32>
    %broadcast_in_dim3A_92 = arith.constant 0.000000e+00 : f32
    %broadcast_in_dim3A_93 = vector.broadcast %broadcast_in_dim3A_92 : f32 to vector<16xf32>
    %broadcast_in_dim3A_94 = arith.constant 0.000000e+00 : f32
    %broadcast_in_dim3A_95 = vector.broadcast %broadcast_in_dim3A_94 : f32 to vector<16xf32>
    %broadcast_in_dim3A_96 = arith.constant 0.000000e+00 : f32
    %broadcast_in_dim3A_97 = vector.broadcast %broadcast_in_dim3A_96 : f32 to vector<16xf32>
    %broadcast_in_dim3A_98 = arith.constant 0.000000e+00 : f32
    %broadcast_in_dim3A_99 = vector.broadcast %broadcast_in_dim3A_98 : f32 to vector<16xf32>
    %broadcast_in_dim3A_100 = arith.constant 0.000000e+00 : f32
    %broadcast_in_dim3A_101 = vector.broadcast %broadcast_in_dim3A_100 : f32 to vector<16xf32>
    %broadcast_in_dim3A_102 = arith.constant 0.000000e+00 : f32
    %broadcast_in_dim3A_103 = vector.broadcast %broadcast_in_dim3A_102 : f32 to vector<16xf32>
    %broadcast_in_dim3A_104 = arith.constant 0.000000e+00 : f32
    %broadcast_in_dim3A_105 = vector.broadcast %broadcast_in_dim3A_104 : f32 to vector<16xf32>
    %broadcast_in_dim3A_106 = arith.constant 0.000000e+00 : f32
    %broadcast_in_dim3A_107 = vector.broadcast %broadcast_in_dim3A_106 : f32 to vector<16xf32>
    %broadcast_in_dim3A_108 = arith.constant 0.000000e+00 : f32
    %broadcast_in_dim3A_109 = vector.broadcast %broadcast_in_dim3A_108 : f32 to vector<16xf32>
    %broadcast_in_dim3A_110 = arith.constant 0.000000e+00 : f32
    %broadcast_in_dim3A_111 = vector.broadcast %broadcast_in_dim3A_110 : f32 to vector<16xf32>
    %broadcast_in_dim3A_112 = arith.constant 0.000000e+00 : f32
    %broadcast_in_dim3A_113 = vector.broadcast %broadcast_in_dim3A_112 : f32 to vector<16xf32>
    %broadcast_in_dim3A_114 = arith.constant 0.000000e+00 : f32
    %broadcast_in_dim3A_115 = vector.broadcast %broadcast_in_dim3A_114 : f32 to vector<16xf32>
    %broadcast_in_dim3A_116 = arith.constant 0.000000e+00 : f32
    %broadcast_in_dim3A_117 = vector.broadcast %broadcast_in_dim3A_116 : f32 to vector<16xf32>
    %broadcast_in_dim3A_118 = arith.constant 0.000000e+00 : f32
    %broadcast_in_dim3A_119 = vector.broadcast %broadcast_in_dim3A_118 : f32 to vector<16xf32>
    %broadcast_in_dim3A_120 = arith.constant 0.000000e+00 : f32
    %broadcast_in_dim3A_121 = vector.broadcast %broadcast_in_dim3A_120 : f32 to vector<16xf32>
    %broadcast_in_dim3A_122 = arith.constant 0.000000e+00 : f32
    %broadcast_in_dim3A_123 = vector.broadcast %broadcast_in_dim3A_122 : f32 to vector<16xf32>
    %broadcast_in_dim3A_124 = arith.constant 0.000000e+00 : f32
    %broadcast_in_dim3A_125 = vector.broadcast %broadcast_in_dim3A_124 : f32 to vector<16xf32>
    %broadcast_in_dim3A_126 = arith.constant 0.000000e+00 : f32
    %broadcast_in_dim3A_127 = vector.broadcast %broadcast_in_dim3A_126 : f32 to vector<16xf32>
    %dma_start3A = arith.constant 0 : i32
    %dma_start3A_128 = tpu.memref_slice %arg2[%select_n3A, %mul3A_32, %dma_start3A] : memref<64x576x768xf32, #tpu.memory_space<hbm>> -> memref<1x48x768xf32, #tpu.memory_space<hbm>>
    %dma_start3A_129 = tpu.memref_squeeze %dma_start3A_128 : memref<1x48x768xf32, #tpu.memory_space<hbm>> -> memref<48x768xf32, #tpu.memory_space<hbm>>
    %dma_start3A_130 = arith.constant 0 : i32
    %dma_start3A_131 = tpu.memref_slice %arg2[%select_n3A, %mul3A_32, %dma_start3A_130] : memref<64x576x768xf32, #tpu.memory_space<hbm>> -> memref<1x48x768xf32, #tpu.memory_space<hbm>>
    %dma_start3A_132 = tpu.memref_squeeze %dma_start3A_131 : memref<1x48x768xf32, #tpu.memory_space<hbm>> -> memref<48x768xf32, #tpu.memory_space<hbm>>
    tpu.enqueue_dma source(%dma_start3A_132 : memref<48x768xf32, #tpu.memory_space<hbm>>) target(%arg4 : memref<48x768xf32, #tpu.memory_space<vmem>>) target_semaphore(%arg6 : memref<!tpu.dma_semaphore, #tpu.memory_space<semaphore_mem>>)
    %add3A_133 = arith.constant 48 : i32
    %add3A_134 = arith.addi %mul3A_32, %add3A_133 : i32
    %dma_start3A_135 = arith.constant 0 : i32
    %dma_start3A_136 = tpu.memref_slice %arg2[%select_n3A, %add3A_134, %dma_start3A_135] : memref<64x576x768xf32, #tpu.memory_space<hbm>> -> memref<1x48x768xf32, #tpu.memory_space<hbm>>
    %dma_start3A_137 = tpu.memref_squeeze %dma_start3A_136 : memref<1x48x768xf32, #tpu.memory_space<hbm>> -> memref<48x768xf32, #tpu.memory_space<hbm>>
    %dma_start3A_138 = arith.constant 0 : i32
    %dma_start3A_139 = tpu.memref_slice %arg2[%select_n3A, %add3A_134, %dma_start3A_138] : memref<64x576x768xf32, #tpu.memory_space<hbm>> -> memref<1x48x768xf32, #tpu.memory_space<hbm>>
    %dma_start3A_140 = tpu.memref_squeeze %dma_start3A_139 : memref<1x48x768xf32, #tpu.memory_space<hbm>> -> memref<48x768xf32, #tpu.memory_space<hbm>>
    tpu.enqueue_dma source(%dma_start3A_140 : memref<48x768xf32, #tpu.memory_space<hbm>>) target(%arg5 : memref<48x768xf32, #tpu.memory_space<vmem>>) target_semaphore(%arg7 : memref<!tpu.dma_semaphore, #tpu.memory_space<semaphore_mem>>)
    %dma_wait3A = arith.constant 0 : i32
    %dma_wait3A_141 = tpu.memref_slice %arg2[%select_n3A, %mul3A_32, %dma_wait3A] : memref<64x576x768xf32, #tpu.memory_space<hbm>> -> memref<1x48x768xf32, #tpu.memory_space<hbm>>
    %dma_wait3A_142 = tpu.memref_squeeze %dma_wait3A_141 : memref<1x48x768xf32, #tpu.memory_space<hbm>> -> memref<48x768xf32, #tpu.memory_space<hbm>>
    %dma_wait3A_143 = arith.constant 0 : i32
    %dma_wait3A_144 = tpu.memref_slice %arg2[%select_n3A, %mul3A_32, %dma_wait3A_143] : memref<64x576x768xf32, #tpu.memory_space<hbm>> -> memref<1x48x768xf32, #tpu.memory_space<hbm>>
    %dma_wait3A_145 = tpu.memref_squeeze %dma_wait3A_144 : memref<1x48x768xf32, #tpu.memory_space<hbm>> -> memref<48x768xf32, #tpu.memory_space<hbm>>
    tpu.wait_dma2 semaphore(%arg6 : memref<!tpu.dma_semaphore, #tpu.memory_space<semaphore_mem>>) src(%dma_wait3A_145 : memref<48x768xf32, #tpu.memory_space<hbm>>) dst(%arg4 : memref<48x768xf32, #tpu.memory_space<vmem>>)
    %scan3A = arith.constant 0 : i32
    %scan3A_146 = arith.constant 48 : i32
    %scan3A_147 = arith.addi %scan3A, %scan3A_146 : i32
    %scan3A_148 = arith.constant 1 : i32
    %scan3A_149:48 = scf.for %scan3A_530 = %scan3A to %scan3A_147 step %scan3A_148 iter_args(%scan3A_531 = %broadcast_in_dim3A_33, %scan3A_532 = %broadcast_in_dim3A_35, %scan3A_533 = %broadcast_in_dim3A_37, %scan3A_534 = %broadcast_in_dim3A_39, %scan3A_535 = %broadcast_in_dim3A_41, %scan3A_536 = %broadcast_in_dim3A_43, %scan3A_537 = %broadcast_in_dim3A_45, %scan3A_538 = %broadcast_in_dim3A_47, %scan3A_539 = %broadcast_in_dim3A_49, %scan3A_540 = %broadcast_in_dim3A_51, %scan3A_541 = %broadcast_in_dim3A_53, %scan3A_542 = %broadcast_in_dim3A_55, %scan3A_543 = %broadcast_in_dim3A_57, %scan3A_544 = %broadcast_in_dim3A_59, %scan3A_545 = %broadcast_in_dim3A_61, %scan3A_546 = %broadcast_in_dim3A_63, %scan3A_547 = %broadcast_in_dim3A_65, %scan3A_548 = %broadcast_in_dim3A_67, %scan3A_549 = %broadcast_in_dim3A_69, %scan3A_550 = %broadcast_in_dim3A_71, %scan3A_551 = %broadcast_in_dim3A_73, %scan3A_552 = %broadcast_in_dim3A_75, %scan3A_553 = %broadcast_in_dim3A_77, %scan3A_554 = %broadcast_in_dim3A_79, %scan3A_555 = %broadcast_in_dim3A_81, %scan3A_556 = %broadcast_in_dim3A_83, %scan3A_557 = %broadcast_in_dim3A_85, %scan3A_558 = %broadcast_in_dim3A_87, %scan3A_559 = %broadcast_in_dim3A_89, %scan3A_560 = %broadcast_in_dim3A_91, %scan3A_561 = %broadcast_in_dim3A_93, %scan3A_562 = %broadcast_in_dim3A_95, %scan3A_563 = %broadcast_in_dim3A_97, %scan3A_564 = %broadcast_in_dim3A_99, %scan3A_565 = %broadcast_in_dim3A_101, %scan3A_566 = %broadcast_in_dim3A_103, %scan3A_567 = %broadcast_in_dim3A_105, %scan3A_568 = %broadcast_in_dim3A_107, %scan3A_569 = %broadcast_in_dim3A_109, %scan3A_570 = %broadcast_in_dim3A_111, %scan3A_571 = %broadcast_in_dim3A_113, %scan3A_572 = %broadcast_in_dim3A_115, %scan3A_573 = %broadcast_in_dim3A_117, %scan3A_574 = %broadcast_in_dim3A_119, %scan3A_575 = %broadcast_in_dim3A_121, %scan3A_576 = %broadcast_in_dim3A_123, %scan3A_577 = %broadcast_in_dim3A_125, %scan3A_578 = %broadcast_in_dim3A_127) -> (vector<16xf32>, vector<16xf32>, vector<16xf32>, vector<16xf32>, vector<16xf32>, vector<16xf32>, vector<16xf32>, vector<16xf32>, vector<16xf32>, vector<16xf32>, vector<16xf32>, vector<16xf32>, vector<16xf32>, vector<16xf32>, vector<16xf32>, vector<16xf32>, vector<16xf32>, vector<16xf32>, vector<16xf32>, vector<16xf32>, vector<16xf32>, vector<16xf32>, vector<16xf32>, vector<16xf32>, vector<16xf32>, vector<16xf32>, vector<16xf32>, vector<16xf32>, vector<16xf32>, vector<16xf32>, vector<16xf32>, vector<16xf32>, vector<16xf32>, vector<16xf32>, vector<16xf32>, vector<16xf32>, vector<16xf32>, vector<16xf32>, vector<16xf32>, vector<16xf32>, vector<16xf32>, vector<16xf32>, vector<16xf32>, vector<16xf32>, vector<16xf32>, vector<16xf32>, vector<16xf32>, vector<16xf32>)  : i32 {
      %get3A = arith.index_cast %scan3A_530 : i32 to index
      %get3A_579 = arith.constant 0 : index
      %get3A_580 = tpu.vector_load %arg4[%get3A, %get3A_579] {strides = array<i32>} : memref<48x768xf32, #tpu.memory_space<vmem>>, vector<1x16xf32>,
      %get3A_581 = vector.shape_cast %get3A_580 : vector<1x16xf32> to vector<16xf32>
      %add3A_582 = arith.addf %scan3A_531, %get3A_581 : vector<16xf32>
      %get3A_583 = arith.index_cast %scan3A_530 : i32 to index
      %get3A_584 = arith.constant 16 : index
      %get3A_585 = tpu.vector_load %arg4[%get3A_583, %get3A_584] {strides = array<i32>} : memref<48x768xf32, #tpu.memory_space<vmem>>, vector<1x16xf32>,
      %get3A_586 = vector.shape_cast %get3A_585 : vector<1x16xf32> to vector<16xf32>
      %add3A_587 = arith.addf %scan3A_532, %get3A_586 : vector<16xf32>
      %get3A_588 = arith.index_cast %scan3A_530 : i32 to index
      %get3A_589 = arith.constant 32 : index
      %get3A_590 = tpu.vector_load %arg4[%get3A_588, %get3A_589] {strides = array<i32>} : memref<48x768xf32, #tpu.memory_space<vmem>>, vector<1x16xf32>,
      %get3A_591 = vector.shape_cast %get3A_590 : vector<1x16xf32> to vector<16xf32>
      %add3A_592 = arith.addf %scan3A_533, %get3A_591 : vector<16xf32>
      %get3A_593 = arith.index_cast %scan3A_530 : i32 to index
      %get3A_594 = arith.constant 48 : index
      %get3A_595 = tpu.vector_load %arg4[%get3A_593, %get3A_594] {strides = array<i32>} : memref<48x768xf32, #tpu.memory_space<vmem>>, vector<1x16xf32>,
      %get3A_596 = vector.shape_cast %get3A_595 : vector<1x16xf32> to vector<16xf32>
      %add3A_597 = arith.addf %scan3A_534, %get3A_596 : vector<16xf32>
      %get3A_598 = arith.index_cast %scan3A_530 : i32 to index
      %get3A_599 = arith.constant 64 : index
      %get3A_600 = tpu.vector_load %arg4[%get3A_598, %get3A_599] {strides = array<i32>} : memref<48x768xf32, #tpu.memory_space<vmem>>, vector<1x16xf32>,
      %get3A_601 = vector.shape_cast %get3A_600 : vector<1x16xf32> to vector<16xf32>
      %add3A_602 = arith.addf %scan3A_535, %get3A_601 : vector<16xf32>
      %get3A_603 = arith.index_cast %scan3A_530 : i32 to index
      %get3A_604 = arith.constant 80 : index
      %get3A_605 = tpu.vector_load %arg4[%get3A_603, %get3A_604] {strides = array<i32>} : memref<48x768xf32, #tpu.memory_space<vmem>>, vector<1x16xf32>,
      %get3A_606 = vector.shape_cast %get3A_605 : vector<1x16xf32> to vector<16xf32>
      %add3A_607 = arith.addf %scan3A_536, %get3A_606 : vector<16xf32>
      %get3A_608 = arith.index_cast %scan3A_530 : i32 to index
      %get3A_609 = arith.constant 96 : index
      %get3A_610 = tpu.vector_load %arg4[%get3A_608, %get3A_609] {strides = array<i32>} : memref<48x768xf32, #tpu.memory_space<vmem>>, vector<1x16xf32>,
      %get3A_611 = vector.shape_cast %get3A_610 : vector<1x16xf32> to vector<16xf32>
      %add3A_612 = arith.addf %scan3A_537, %get3A_611 : vector<16xf32>
      %get3A_613 = arith.index_cast %scan3A_530 : i32 to index
      %get3A_614 = arith.constant 112 : index
      %get3A_615 = tpu.vector_load %arg4[%get3A_613, %get3A_614] {strides = array<i32>} : memref<48x768xf32, #tpu.memory_space<vmem>>, vector<1x16xf32>,
      %get3A_616 = vector.shape_cast %get3A_615 : vector<1x16xf32> to vector<16xf32>
      %add3A_617 = arith.addf %scan3A_538, %get3A_616 : vector<16xf32>
      %get3A_618 = arith.index_cast %scan3A_530 : i32 to index
      %get3A_619 = arith.constant 128 : index
      %get3A_620 = tpu.vector_load %arg4[%get3A_618, %get3A_619] {strides = array<i32>} : memref<48x768xf32, #tpu.memory_space<vmem>>, vector<1x16xf32>,
      %get3A_621 = vector.shape_cast %get3A_620 : vector<1x16xf32> to vector<16xf32>
      %add3A_622 = arith.addf %scan3A_539, %get3A_621 : vector<16xf32>
      %get3A_623 = arith.index_cast %scan3A_530 : i32 to index
      %get3A_624 = arith.constant 144 : index
      %get3A_625 = tpu.vector_load %arg4[%get3A_623, %get3A_624] {strides = array<i32>} : memref<48x768xf32, #tpu.memory_space<vmem>>, vector<1x16xf32>,
      %get3A_626 = vector.shape_cast %get3A_625 : vector<1x16xf32> to vector<16xf32>
      %add3A_627 = arith.addf %scan3A_540, %get3A_626 : vector<16xf32>
      %get3A_628 = arith.index_cast %scan3A_530 : i32 to index
      %get3A_629 = arith.constant 160 : index
      %get3A_630 = tpu.vector_load %arg4[%get3A_628, %get3A_629] {strides = array<i32>} : memref<48x768xf32, #tpu.memory_space<vmem>>, vector<1x16xf32>,
      %get3A_631 = vector.shape_cast %get3A_630 : vector<1x16xf32> to vector<16xf32>
      %add3A_632 = arith.addf %scan3A_541, %get3A_631 : vector<16xf32>
      %get3A_633 = arith.index_cast %scan3A_530 : i32 to index
      %get3A_634 = arith.constant 176 : index
      %get3A_635 = tpu.vector_load %arg4[%get3A_633, %get3A_634] {strides = array<i32>} : memref<48x768xf32, #tpu.memory_space<vmem>>, vector<1x16xf32>,
      %get3A_636 = vector.shape_cast %get3A_635 : vector<1x16xf32> to vector<16xf32>
      %add3A_637 = arith.addf %scan3A_542, %get3A_636 : vector<16xf32>
      %get3A_638 = arith.index_cast %scan3A_530 : i32 to index
      %get3A_639 = arith.constant 192 : index
      %get3A_640 = tpu.vector_load %arg4[%get3A_638, %get3A_639] {strides = array<i32>} : memref<48x768xf32, #tpu.memory_space<vmem>>, vector<1x16xf32>,
      %get3A_641 = vector.shape_cast %get3A_640 : vector<1x16xf32> to vector<16xf32>
      %add3A_642 = arith.addf %scan3A_543, %get3A_641 : vector<16xf32>
      %get3A_643 = arith.index_cast %scan3A_530 : i32 to index
      %get3A_644 = arith.constant 208 : index
      %get3A_645 = tpu.vector_load %arg4[%get3A_643, %get3A_644] {strides = array<i32>} : memref<48x768xf32, #tpu.memory_space<vmem>>, vector<1x16xf32>,
      %get3A_646 = vector.shape_cast %get3A_645 : vector<1x16xf32> to vector<16xf32>
      %add3A_647 = arith.addf %scan3A_544, %get3A_646 : vector<16xf32>
      %get3A_648 = arith.index_cast %scan3A_530 : i32 to index
      %get3A_649 = arith.constant 224 : index
      %get3A_650 = tpu.vector_load %arg4[%get3A_648, %get3A_649] {strides = array<i32>} : memref<48x768xf32, #tpu.memory_space<vmem>>, vector<1x16xf32>,
      %get3A_651 = vector.shape_cast %get3A_650 : vector<1x16xf32> to vector<16xf32>
      %add3A_652 = arith.addf %scan3A_545, %get3A_651 : vector<16xf32>
      %get3A_653 = arith.index_cast %scan3A_530 : i32 to index
      %get3A_654 = arith.constant 240 : index
      %get3A_655 = tpu.vector_load %arg4[%get3A_653, %get3A_654] {strides = array<i32>} : memref<48x768xf32, #tpu.memory_space<vmem>>, vector<1x16xf32>,
      %get3A_656 = vector.shape_cast %get3A_655 : vector<1x16xf32> to vector<16xf32>
      %add3A_657 = arith.addf %scan3A_546, %get3A_656 : vector<16xf32>
      %get3A_658 = arith.index_cast %scan3A_530 : i32 to index
      %get3A_659 = arith.constant 256 : index
      %get3A_660 = tpu.vector_load %arg4[%get3A_658, %get3A_659] {strides = array<i32>} : memref<48x768xf32, #tpu.memory_space<vmem>>, vector<1x16xf32>,
      %get3A_661 = vector.shape_cast %get3A_660 : vector<1x16xf32> to vector<16xf32>
      %add3A_662 = arith.addf %scan3A_547, %get3A_661 : vector<16xf32>
      %get3A_663 = arith.index_cast %scan3A_530 : i32 to index
      %get3A_664 = arith.constant 272 : index
      %get3A_665 = tpu.vector_load %arg4[%get3A_663, %get3A_664] {strides = array<i32>} : memref<48x768xf32, #tpu.memory_space<vmem>>, vector<1x16xf32>,
      %get3A_666 = vector.shape_cast %get3A_665 : vector<1x16xf32> to vector<16xf32>
      %add3A_667 = arith.addf %scan3A_548, %get3A_666 : vector<16xf32>
      %get3A_668 = arith.index_cast %scan3A_530 : i32 to index
      %get3A_669 = arith.constant 288 : index
      %get3A_670 = tpu.vector_load %arg4[%get3A_668, %get3A_669] {strides = array<i32>} : memref<48x768xf32, #tpu.memory_space<vmem>>, vector<1x16xf32>,
      %get3A_671 = vector.shape_cast %get3A_670 : vector<1x16xf32> to vector<16xf32>
      %add3A_672 = arith.addf %scan3A_549, %get3A_671 : vector<16xf32>
      %get3A_673 = arith.index_cast %scan3A_530 : i32 to index
      %get3A_674 = arith.constant 304 : index
      %get3A_675 = tpu.vector_load %arg4[%get3A_673, %get3A_674] {strides = array<i32>} : memref<48x768xf32, #tpu.memory_space<vmem>>, vector<1x16xf32>,
      %get3A_676 = vector.shape_cast %get3A_675 : vector<1x16xf32> to vector<16xf32>
      %add3A_677 = arith.addf %scan3A_550, %get3A_676 : vector<16xf32>
      %get3A_678 = arith.index_cast %scan3A_530 : i32 to index
      %get3A_679 = arith.constant 320 : index
      %get3A_680 = tpu.vector_load %arg4[%get3A_678, %get3A_679] {strides = array<i32>} : memref<48x768xf32, #tpu.memory_space<vmem>>, vector<1x16xf32>,
      %get3A_681 = vector.shape_cast %get3A_680 : vector<1x16xf32> to vector<16xf32>
      %add3A_682 = arith.addf %scan3A_551, %get3A_681 : vector<16xf32>
      %get3A_683 = arith.index_cast %scan3A_530 : i32 to index
      %get3A_684 = arith.constant 336 : index
      %get3A_685 = tpu.vector_load %arg4[%get3A_683, %get3A_684] {strides = array<i32>} : memref<48x768xf32, #tpu.memory_space<vmem>>, vector<1x16xf32>,
      %get3A_686 = vector.shape_cast %get3A_685 : vector<1x16xf32> to vector<16xf32>
      %add3A_687 = arith.addf %scan3A_552, %get3A_686 : vector<16xf32>
      %get3A_688 = arith.index_cast %scan3A_530 : i32 to index
      %get3A_689 = arith.constant 352 : index
      %get3A_690 = tpu.vector_load %arg4[%get3A_688, %get3A_689] {strides = array<i32>} : memref<48x768xf32, #tpu.memory_space<vmem>>, vector<1x16xf32>,
      %get3A_691 = vector.shape_cast %get3A_690 : vector<1x16xf32> to vector<16xf32>
      %add3A_692 = arith.addf %scan3A_553, %get3A_691 : vector<16xf32>
      %get3A_693 = arith.index_cast %scan3A_530 : i32 to index
      %get3A_694 = arith.constant 368 : index
      %get3A_695 = tpu.vector_load %arg4[%get3A_693, %get3A_694] {strides = array<i32>} : memref<48x768xf32, #tpu.memory_space<vmem>>, vector<1x16xf32>,
      %get3A_696 = vector.shape_cast %get3A_695 : vector<1x16xf32> to vector<16xf32>
      %add3A_697 = arith.addf %scan3A_554, %get3A_696 : vector<16xf32>
      %get3A_698 = arith.index_cast %scan3A_530 : i32 to index
      %get3A_699 = arith.constant 384 : index
      %get3A_700 = tpu.vector_load %arg4[%get3A_698, %get3A_699] {strides = array<i32>} : memref<48x768xf32, #tpu.memory_space<vmem>>, vector<1x16xf32>,
      %get3A_701 = vector.shape_cast %get3A_700 : vector<1x16xf32> to vector<16xf32>
      %add3A_702 = arith.addf %scan3A_555, %get3A_701 : vector<16xf32>
      %get3A_703 = arith.index_cast %scan3A_530 : i32 to index
      %get3A_704 = arith.constant 400 : index
      %get3A_705 = tpu.vector_load %arg4[%get3A_703, %get3A_704] {strides = array<i32>} : memref<48x768xf32, #tpu.memory_space<vmem>>, vector<1x16xf32>,
      %get3A_706 = vector.shape_cast %get3A_705 : vector<1x16xf32> to vector<16xf32>
      %add3A_707 = arith.addf %scan3A_556, %get3A_706 : vector<16xf32>
      %get3A_708 = arith.index_cast %scan3A_530 : i32 to index
      %get3A_709 = arith.constant 416 : index
      %get3A_710 = tpu.vector_load %arg4[%get3A_708, %get3A_709] {strides = array<i32>} : memref<48x768xf32, #tpu.memory_space<vmem>>, vector<1x16xf32>,
      %get3A_711 = vector.shape_cast %get3A_710 : vector<1x16xf32> to vector<16xf32>
      %add3A_712 = arith.addf %scan3A_557, %get3A_711 : vector<16xf32>
      %get3A_713 = arith.index_cast %scan3A_530 : i32 to index
      %get3A_714 = arith.constant 432 : index
      %get3A_715 = tpu.vector_load %arg4[%get3A_713, %get3A_714] {strides = array<i32>} : memref<48x768xf32, #tpu.memory_space<vmem>>, vector<1x16xf32>,
      %get3A_716 = vector.shape_cast %get3A_715 : vector<1x16xf32> to vector<16xf32>
      %add3A_717 = arith.addf %scan3A_558, %get3A_716 : vector<16xf32>
      %get3A_718 = arith.index_cast %scan3A_530 : i32 to index
      %get3A_719 = arith.constant 448 : index
      %get3A_720 = tpu.vector_load %arg4[%get3A_718, %get3A_719] {strides = array<i32>} : memref<48x768xf32, #tpu.memory_space<vmem>>, vector<1x16xf32>,
      %get3A_721 = vector.shape_cast %get3A_720 : vector<1x16xf32> to vector<16xf32>
      %add3A_722 = arith.addf %scan3A_559, %get3A_721 : vector<16xf32>
      %get3A_723 = arith.index_cast %scan3A_530 : i32 to index
      %get3A_724 = arith.constant 464 : index
      %get3A_725 = tpu.vector_load %arg4[%get3A_723, %get3A_724] {strides = array<i32>} : memref<48x768xf32, #tpu.memory_space<vmem>>, vector<1x16xf32>,
      %get3A_726 = vector.shape_cast %get3A_725 : vector<1x16xf32> to vector<16xf32>
      %add3A_727 = arith.addf %scan3A_560, %get3A_726 : vector<16xf32>
      %get3A_728 = arith.index_cast %scan3A_530 : i32 to index
      %get3A_729 = arith.constant 480 : index
      %get3A_730 = tpu.vector_load %arg4[%get3A_728, %get3A_729] {strides = array<i32>} : memref<48x768xf32, #tpu.memory_space<vmem>>, vector<1x16xf32>,
      %get3A_731 = vector.shape_cast %get3A_730 : vector<1x16xf32> to vector<16xf32>
      %add3A_732 = arith.addf %scan3A_561, %get3A_731 : vector<16xf32>
      %get3A_733 = arith.index_cast %scan3A_530 : i32 to index
      %get3A_734 = arith.constant 496 : index
      %get3A_735 = tpu.vector_load %arg4[%get3A_733, %get3A_734] {strides = array<i32>} : memref<48x768xf32, #tpu.memory_space<vmem>>, vector<1x16xf32>,
      %get3A_736 = vector.shape_cast %get3A_735 : vector<1x16xf32> to vector<16xf32>
      %add3A_737 = arith.addf %scan3A_562, %get3A_736 : vector<16xf32>
      %get3A_738 = arith.index_cast %scan3A_530 : i32 to index
      %get3A_739 = arith.constant 512 : index
      %get3A_740 = tpu.vector_load %arg4[%get3A_738, %get3A_739] {strides = array<i32>} : memref<48x768xf32, #tpu.memory_space<vmem>>, vector<1x16xf32>,
      %get3A_741 = vector.shape_cast %get3A_740 : vector<1x16xf32> to vector<16xf32>
      %add3A_742 = arith.addf %scan3A_563, %get3A_741 : vector<16xf32>
      %get3A_743 = arith.index_cast %scan3A_530 : i32 to index
      %get3A_744 = arith.constant 528 : index
      %get3A_745 = tpu.vector_load %arg4[%get3A_743, %get3A_744] {strides = array<i32>} : memref<48x768xf32, #tpu.memory_space<vmem>>, vector<1x16xf32>,
      %get3A_746 = vector.shape_cast %get3A_745 : vector<1x16xf32> to vector<16xf32>
      %add3A_747 = arith.addf %scan3A_564, %get3A_746 : vector<16xf32>
      %get3A_748 = arith.index_cast %scan3A_530 : i32 to index
      %get3A_749 = arith.constant 544 : index
      %get3A_750 = tpu.vector_load %arg4[%get3A_748, %get3A_749] {strides = array<i32>} : memref<48x768xf32, #tpu.memory_space<vmem>>, vector<1x16xf32>,
      %get3A_751 = vector.shape_cast %get3A_750 : vector<1x16xf32> to vector<16xf32>
      %add3A_752 = arith.addf %scan3A_565, %get3A_751 : vector<16xf32>
      %get3A_753 = arith.index_cast %scan3A_530 : i32 to index
      %get3A_754 = arith.constant 560 : index
      %get3A_755 = tpu.vector_load %arg4[%get3A_753, %get3A_754] {strides = array<i32>} : memref<48x768xf32, #tpu.memory_space<vmem>>, vector<1x16xf32>,
      %get3A_756 = vector.shape_cast %get3A_755 : vector<1x16xf32> to vector<16xf32>
      %add3A_757 = arith.addf %scan3A_566, %get3A_756 : vector<16xf32>
      %get3A_758 = arith.index_cast %scan3A_530 : i32 to index
      %get3A_759 = arith.constant 576 : index
      %get3A_760 = tpu.vector_load %arg4[%get3A_758, %get3A_759] {strides = array<i32>} : memref<48x768xf32, #tpu.memory_space<vmem>>, vector<1x16xf32>,
      %get3A_761 = vector.shape_cast %get3A_760 : vector<1x16xf32> to vector<16xf32>
      %add3A_762 = arith.addf %scan3A_567, %get3A_761 : vector<16xf32>
      %get3A_763 = arith.index_cast %scan3A_530 : i32 to index
      %get3A_764 = arith.constant 592 : index
      %get3A_765 = tpu.vector_load %arg4[%get3A_763, %get3A_764] {strides = array<i32>} : memref<48x768xf32, #tpu.memory_space<vmem>>, vector<1x16xf32>,
      %get3A_766 = vector.shape_cast %get3A_765 : vector<1x16xf32> to vector<16xf32>
      %add3A_767 = arith.addf %scan3A_568, %get3A_766 : vector<16xf32>
      %get3A_768 = arith.index_cast %scan3A_530 : i32 to index
      %get3A_769 = arith.constant 608 : index
      %get3A_770 = tpu.vector_load %arg4[%get3A_768, %get3A_769] {strides = array<i32>} : memref<48x768xf32, #tpu.memory_space<vmem>>, vector<1x16xf32>,
      %get3A_771 = vector.shape_cast %get3A_770 : vector<1x16xf32> to vector<16xf32>
      %add3A_772 = arith.addf %scan3A_569, %get3A_771 : vector<16xf32>
      %get3A_773 = arith.index_cast %scan3A_530 : i32 to index
      %get3A_774 = arith.constant 624 : index
      %get3A_775 = tpu.vector_load %arg4[%get3A_773, %get3A_774] {strides = array<i32>} : memref<48x768xf32, #tpu.memory_space<vmem>>, vector<1x16xf32>,
      %get3A_776 = vector.shape_cast %get3A_775 : vector<1x16xf32> to vector<16xf32>
      %add3A_777 = arith.addf %scan3A_570, %get3A_776 : vector<16xf32>
      %get3A_778 = arith.index_cast %scan3A_530 : i32 to index
      %get3A_779 = arith.constant 640 : index
      %get3A_780 = tpu.vector_load %arg4[%get3A_778, %get3A_779] {strides = array<i32>} : memref<48x768xf32, #tpu.memory_space<vmem>>, vector<1x16xf32>,
      %get3A_781 = vector.shape_cast %get3A_780 : vector<1x16xf32> to vector<16xf32>
      %add3A_782 = arith.addf %scan3A_571, %get3A_781 : vector<16xf32>
      %get3A_783 = arith.index_cast %scan3A_530 : i32 to index
      %get3A_784 = arith.constant 656 : index
      %get3A_785 = tpu.vector_load %arg4[%get3A_783, %get3A_784] {strides = array<i32>} : memref<48x768xf32, #tpu.memory_space<vmem>>, vector<1x16xf32>,
      %get3A_786 = vector.shape_cast %get3A_785 : vector<1x16xf32> to vector<16xf32>
      %add3A_787 = arith.addf %scan3A_572, %get3A_786 : vector<16xf32>
      %get3A_788 = arith.index_cast %scan3A_530 : i32 to index
      %get3A_789 = arith.constant 672 : index
      %get3A_790 = tpu.vector_load %arg4[%get3A_788, %get3A_789] {strides = array<i32>} : memref<48x768xf32, #tpu.memory_space<vmem>>, vector<1x16xf32>,
      %get3A_791 = vector.shape_cast %get3A_790 : vector<1x16xf32> to vector<16xf32>
      %add3A_792 = arith.addf %scan3A_573, %get3A_791 : vector<16xf32>
      %get3A_793 = arith.index_cast %scan3A_530 : i32 to index
      %get3A_794 = arith.constant 688 : index
      %get3A_795 = tpu.vector_load %arg4[%get3A_793, %get3A_794] {strides = array<i32>} : memref<48x768xf32, #tpu.memory_space<vmem>>, vector<1x16xf32>,
      %get3A_796 = vector.shape_cast %get3A_795 : vector<1x16xf32> to vector<16xf32>
      %add3A_797 = arith.addf %scan3A_574, %get3A_796 : vector<16xf32>
      %get3A_798 = arith.index_cast %scan3A_530 : i32 to index
      %get3A_799 = arith.constant 704 : index
      %get3A_800 = tpu.vector_load %arg4[%get3A_798, %get3A_799] {strides = array<i32>} : memref<48x768xf32, #tpu.memory_space<vmem>>, vector<1x16xf32>,
      %get3A_801 = vector.shape_cast %get3A_800 : vector<1x16xf32> to vector<16xf32>
      %add3A_802 = arith.addf %scan3A_575, %get3A_801 : vector<16xf32>
      %get3A_803 = arith.index_cast %scan3A_530 : i32 to index
      %get3A_804 = arith.constant 720 : index
      %get3A_805 = tpu.vector_load %arg4[%get3A_803, %get3A_804] {strides = array<i32>} : memref<48x768xf32, #tpu.memory_space<vmem>>, vector<1x16xf32>,
      %get3A_806 = vector.shape_cast %get3A_805 : vector<1x16xf32> to vector<16xf32>
      %add3A_807 = arith.addf %scan3A_576, %get3A_806 : vector<16xf32>
      %get3A_808 = arith.index_cast %scan3A_530 : i32 to index
      %get3A_809 = arith.constant 736 : index
      %get3A_810 = tpu.vector_load %arg4[%get3A_808, %get3A_809] {strides = array<i32>} : memref<48x768xf32, #tpu.memory_space<vmem>>, vector<1x16xf32>,
      %get3A_811 = vector.shape_cast %get3A_810 : vector<1x16xf32> to vector<16xf32>
      %add3A_812 = arith.addf %scan3A_577, %get3A_811 : vector<16xf32>
      %get3A_813 = arith.index_cast %scan3A_530 : i32 to index
      %get3A_814 = arith.constant 752 : index
      %get3A_815 = tpu.vector_load %arg4[%get3A_813, %get3A_814] {strides = array<i32>} : memref<48x768xf32, #tpu.memory_space<vmem>>, vector<1x16xf32>,
      %get3A_816 = vector.shape_cast %get3A_815 : vector<1x16xf32> to vector<16xf32>
      %add3A_817 = arith.addf %scan3A_578, %get3A_816 : vector<16xf32>
      scf.yield %add3A_582, %add3A_587, %add3A_592, %add3A_597, %add3A_602, %add3A_607, %add3A_612, %add3A_617, %add3A_622, %add3A_627, %add3A_632, %add3A_637, %add3A_642, %add3A_647, %add3A_652, %add3A_657, %add3A_662, %add3A_667, %add3A_672, %add3A_677, %add3A_682, %add3A_687, %add3A_692, %add3A_697, %add3A_702, %add3A_707, %add3A_712, %add3A_717, %add3A_722, %add3A_727, %add3A_732, %add3A_737, %add3A_742, %add3A_747, %add3A_752, %add3A_757, %add3A_762, %add3A_767, %add3A_772, %add3A_777, %add3A_782, %add3A_787, %add3A_792, %add3A_797, %add3A_802, %add3A_807, %add3A_812, %add3A_817 : vector<16xf32>, vector<16xf32>, vector<16xf32>, vector<16xf32>, vector<16xf32>, vector<16xf32>, vector<16xf32>, vector<16xf32>, vector<16xf32>, vector<16xf32>, vector<16xf32>, vector<16xf32>, vector<16xf32>, vector<16xf32>, vector<16xf32>, vector<16xf32>, vector<16xf32>, vector<16xf32>, vector<16xf32>, vector<16xf32>, vector<16xf32>, vector<16xf32>, vector<16xf32>, vector<16xf32>, vector<16xf32>, vector<16xf32>, vector<16xf32>, vector<16xf32>, vector<16xf32>, vector<16xf32>, vector<16xf32>, vector<16xf32>, vector<16xf32>, vector<16xf32>, vector<16xf32>, vector<16xf32>, vector<16xf32>, vector<16xf32>, vector<16xf32>, vector<16xf32>, vector<16xf32>, vector<16xf32>, vector<16xf32>, vector<16xf32>, vector<16xf32>, vector<16xf32>, vector<16xf32>, vector<16xf32>
    }
    %scan3A_150 = arith.constant 48 : i32
    %add3A_151 = arith.constant 96 : i32
    %add3A_152 = arith.addi %mul3A_32, %add3A_151 : i32
    %dma_start3A_153 = arith.constant 0 : i32
    %dma_start3A_154 = tpu.memref_slice %arg2[%select_n3A, %add3A_152, %dma_start3A_153] : memref<64x576x768xf32, #tpu.memory_space<hbm>> -> memref<1x48x768xf32, #tpu.memory_space<hbm>>
    %dma_start3A_155 = tpu.memref_squeeze %dma_start3A_154 : memref<1x48x768xf32, #tpu.memory_space<hbm>> -> memref<48x768xf32, #tpu.memory_space<hbm>>
    %dma_start3A_156 = arith.constant 0 : i32
    %dma_start3A_157 = tpu.memref_slice %arg2[%select_n3A, %add3A_152, %dma_start3A_156] : memref<64x576x768xf32, #tpu.memory_space<hbm>> -> memref<1x48x768xf32, #tpu.memory_space<hbm>>
    %dma_start3A_158 = tpu.memref_squeeze %dma_start3A_157 : memref<1x48x768xf32, #tpu.memory_space<hbm>> -> memref<48x768xf32, #tpu.memory_space<hbm>>
    tpu.enqueue_dma source(%dma_start3A_158 : memref<48x768xf32, #tpu.memory_space<hbm>>) target(%arg4 : memref<48x768xf32, #tpu.memory_space<vmem>>) target_semaphore(%arg6 : memref<!tpu.dma_semaphore, #tpu.memory_space<semaphore_mem>>)
    %dma_wait3A_159 = arith.constant 0 : i32
    %dma_wait3A_160 = tpu.memref_slice %arg2[%select_n3A, %add3A_134, %dma_wait3A_159] : memref<64x576x768xf32, #tpu.memory_space<hbm>> -> memref<1x48x768xf32, #tpu.memory_space<hbm>>
    %dma_wait3A_161 = tpu.memref_squeeze %dma_wait3A_160 : memref<1x48x768xf32, #tpu.memory_space<hbm>> -> memref<48x768xf32, #tpu.memory_space<hbm>>
    %dma_wait3A_162 = arith.constant 0 : i32
    %dma_wait3A_163 = tpu.memref_slice %arg2[%select_n3A, %add3A_134, %dma_wait3A_162] : memref<64x576x768xf32, #tpu.memory_space<hbm>> -> memref<1x48x768xf32, #tpu.memory_space<hbm>>
    %dma_wait3A_164 = tpu.memref_squeeze %dma_wait3A_163 : memref<1x48x768xf32, #tpu.memory_space<hbm>> -> memref<48x768xf32, #tpu.memory_space<hbm>>
    tpu.wait_dma2 semaphore(%arg7 : memref<!tpu.dma_semaphore, #tpu.memory_space<semaphore_mem>>) src(%dma_wait3A_164 : memref<48x768xf32, #tpu.memory_space<hbm>>) dst(%arg5 : memref<48x768xf32, #tpu.memory_space<vmem>>)
    %scan3A_165 = arith.constant 0 : i32
    %scan3A_166 = arith.constant 48 : i32
    %scan3A_167 = arith.addi %scan3A_165, %scan3A_166 : i32
    %scan3A_168 = arith.constant 1 : i32
    %scan3A_169:48 = scf.for %scan3A_530 = %scan3A_165 to %scan3A_167 step %scan3A_168 iter_args(%scan3A_531 = %scan3A_149#0, %scan3A_532 = %scan3A_149#1, %scan3A_533 = %scan3A_149#2, %scan3A_534 = %scan3A_149#3, %scan3A_535 = %scan3A_149#4, %scan3A_536 = %scan3A_149#5, %scan3A_537 = %scan3A_149#6, %scan3A_538 = %scan3A_149#7, %scan3A_539 = %scan3A_149#8, %scan3A_540 = %scan3A_149#9, %scan3A_541 = %scan3A_149#10, %scan3A_542 = %scan3A_149#11, %scan3A_543 = %scan3A_149#12, %scan3A_544 = %scan3A_149#13, %scan3A_545 = %scan3A_149#14, %scan3A_546 = %scan3A_149#15, %scan3A_547 = %scan3A_149#16, %scan3A_548 = %scan3A_149#17, %scan3A_549 = %scan3A_149#18, %scan3A_550 = %scan3A_149#19, %scan3A_551 = %scan3A_149#20, %scan3A_552 = %scan3A_149#21, %scan3A_553 = %scan3A_149#22, %scan3A_554 = %scan3A_149#23, %scan3A_555 = %scan3A_149#24, %scan3A_556 = %scan3A_149#25, %scan3A_557 = %scan3A_149#26, %scan3A_558 = %scan3A_149#27, %scan3A_559 = %scan3A_149#28, %scan3A_560 = %scan3A_149#29, %scan3A_561 = %scan3A_149#30, %scan3A_562 = %scan3A_149#31, %scan3A_563 = %scan3A_149#32, %scan3A_564 = %scan3A_149#33, %scan3A_565 = %scan3A_149#34, %scan3A_566 = %scan3A_149#35, %scan3A_567 = %scan3A_149#36, %scan3A_568 = %scan3A_149#37, %scan3A_569 = %scan3A_149#38, %scan3A_570 = %scan3A_149#39, %scan3A_571 = %scan3A_149#40, %scan3A_572 = %scan3A_149#41, %scan3A_573 = %scan3A_149#42, %scan3A_574 = %scan3A_149#43, %scan3A_575 = %scan3A_149#44, %scan3A_576 = %scan3A_149#45, %scan3A_577 = %scan3A_149#46, %scan3A_578 = %scan3A_149#47) -> (vector<16xf32>, vector<16xf32>, vector<16xf32>, vector<16xf32>, vector<16xf32>, vector<16xf32>, vector<16xf32>, vector<16xf32>, vector<16xf32>, vector<16xf32>, vector<16xf32>, vector<16xf32>, vector<16xf32>, vector<16xf32>, vector<16xf32>, vector<16xf32>, vector<16xf32>, vector<16xf32>, vector<16xf32>, vector<16xf32>, vector<16xf32>, vector<16xf32>, vector<16xf32>, vector<16xf32>, vector<16xf32>, vector<16xf32>, vector<16xf32>, vector<16xf32>, vector<16xf32>, vector<16xf32>, vector<16xf32>, vector<16xf32>, vector<16xf32>, vector<16xf32>, vector<16xf32>, vector<16xf32>, vector<16xf32>, vector<16xf32>, vector<16xf32>, vector<16xf32>, vector<16xf32>, vector<16xf32>, vector<16xf32>, vector<16xf32>, vector<16xf32>, vector<16xf32>, vector<16xf32>, vector<16xf32>)  : i32 {
      %get3A = arith.index_cast %scan3A_530 : i32 to index
      %get3A_579 = arith.constant 0 : index
      %get3A_580 = tpu.vector_load %arg5[%get3A, %get3A_579] {strides = array<i32>} : memref<48x768xf32, #tpu.memory_space<vmem>>, vector<1x16xf32>,
      %get3A_581 = vector.shape_cast %get3A_580 : vector<1x16xf32> to vector<16xf32>
      %add3A_582 = arith.addf %scan3A_531, %get3A_581 : vector<16xf32>
      %get3A_583 = arith.index_cast %scan3A_530 : i32 to index
      %get3A_584 = arith.constant 16 : index
      %get3A_585 = tpu.vector_load %arg5[%get3A_583, %get3A_584] {strides = array<i32>} : memref<48x768xf32, #tpu.memory_space<vmem>>, vector<1x16xf32>,
      %get3A_586 = vector.shape_cast %get3A_585 : vector<1x16xf32> to vector<16xf32>
      %add3A_587 = arith.addf %scan3A_532, %get3A_586 : vector<16xf32>
      %get3A_588 = arith.index_cast %scan3A_530 : i32 to index
      %get3A_589 = arith.constant 32 : index
      %get3A_590 = tpu.vector_load %arg5[%get3A_588, %get3A_589] {strides = array<i32>} : memref<48x768xf32, #tpu.memory_space<vmem>>, vector<1x16xf32>,
      %get3A_591 = vector.shape_cast %get3A_590 : vector<1x16xf32> to vector<16xf32>
      %add3A_592 = arith.addf %scan3A_533, %get3A_591 : vector<16xf32>
      %get3A_593 = arith.index_cast %scan3A_530 : i32 to index
      %get3A_594 = arith.constant 48 : index
      %get3A_595 = tpu.vector_load %arg5[%get3A_593, %get3A_594] {strides = array<i32>} : memref<48x768xf32, #tpu.memory_space<vmem>>, vector<1x16xf32>,
      %get3A_596 = vector.shape_cast %get3A_595 : vector<1x16xf32> to vector<16xf32>
      %add3A_597 = arith.addf %scan3A_534, %get3A_596 : vector<16xf32>
      %get3A_598 = arith.index_cast %scan3A_530 : i32 to index
      %get3A_599 = arith.constant 64 : index
      %get3A_600 = tpu.vector_load %arg5[%get3A_598, %get3A_599] {strides = array<i32>} : memref<48x768xf32, #tpu.memory_space<vmem>>, vector<1x16xf32>,
      %get3A_601 = vector.shape_cast %get3A_600 : vector<1x16xf32> to vector<16xf32>
      %add3A_602 = arith.addf %scan3A_535, %get3A_601 : vector<16xf32>
      %get3A_603 = arith.index_cast %scan3A_530 : i32 to index
      %get3A_604 = arith.constant 80 : index
      %get3A_605 = tpu.vector_load %arg5[%get3A_603, %get3A_604] {strides = array<i32>} : memref<48x768xf32, #tpu.memory_space<vmem>>, vector<1x16xf32>,
      %get3A_606 = vector.shape_cast %get3A_605 : vector<1x16xf32> to vector<16xf32>
      %add3A_607 = arith.addf %scan3A_536, %get3A_606 : vector<16xf32>
      %get3A_608 = arith.index_cast %scan3A_530 : i32 to index
      %get3A_609 = arith.constant 96 : index
      %get3A_610 = tpu.vector_load %arg5[%get3A_608, %get3A_609] {strides = array<i32>} : memref<48x768xf32, #tpu.memory_space<vmem>>, vector<1x16xf32>,
      %get3A_611 = vector.shape_cast %get3A_610 : vector<1x16xf32> to vector<16xf32>
      %add3A_612 = arith.addf %scan3A_537, %get3A_611 : vector<16xf32>
      %get3A_613 = arith.index_cast %scan3A_530 : i32 to index
      %get3A_614 = arith.constant 112 : index
      %get3A_615 = tpu.vector_load %arg5[%get3A_613, %get3A_614] {strides = array<i32>} : memref<48x768xf32, #tpu.memory_space<vmem>>, vector<1x16xf32>,
      %get3A_616 = vector.shape_cast %get3A_615 : vector<1x16xf32> to vector<16xf32>
      %add3A_617 = arith.addf %scan3A_538, %get3A_616 : vector<16xf32>
      %get3A_618 = arith.index_cast %scan3A_530 : i32 to index
      %get3A_619 = arith.constant 128 : index
      %get3A_620 = tpu.vector_load %arg5[%get3A_618, %get3A_619] {strides = array<i32>} : memref<48x768xf32, #tpu.memory_space<vmem>>, vector<1x16xf32>,
      %get3A_621 = vector.shape_cast %get3A_620 : vector<1x16xf32> to vector<16xf32>
      %add3A_622 = arith.addf %scan3A_539, %get3A_621 : vector<16xf32>
      %get3A_623 = arith.index_cast %scan3A_530 : i32 to index
      %get3A_624 = arith.constant 144 : index
      %get3A_625 = tpu.vector_load %arg5[%get3A_623, %get3A_624] {strides = array<i32>} : memref<48x768xf32, #tpu.memory_space<vmem>>, vector<1x16xf32>,
      %get3A_626 = vector.shape_cast %get3A_625 : vector<1x16xf32> to vector<16xf32>
      %add3A_627 = arith.addf %scan3A_540, %get3A_626 : vector<16xf32>
      %get3A_628 = arith.index_cast %scan3A_530 : i32 to index
      %get3A_629 = arith.constant 160 : index
      %get3A_630 = tpu.vector_load %arg5[%get3A_628, %get3A_629] {strides = array<i32>} : memref<48x768xf32, #tpu.memory_space<vmem>>, vector<1x16xf32>,
      %get3A_631 = vector.shape_cast %get3A_630 : vector<1x16xf32> to vector<16xf32>
      %add3A_632 = arith.addf %scan3A_541, %get3A_631 : vector<16xf32>
      %get3A_633 = arith.index_cast %scan3A_530 : i32 to index
      %get3A_634 = arith.constant 176 : index
      %get3A_635 = tpu.vector_load %arg5[%get3A_633, %get3A_634] {strides = array<i32>} : memref<48x768xf32, #tpu.memory_space<vmem>>, vector<1x16xf32>,
      %get3A_636 = vector.shape_cast %get3A_635 : vector<1x16xf32> to vector<16xf32>
      %add3A_637 = arith.addf %scan3A_542, %get3A_636 : vector<16xf32>
      %get3A_638 = arith.index_cast %scan3A_530 : i32 to index
      %get3A_639 = arith.constant 192 : index
      %get3A_640 = tpu.vector_load %arg5[%get3A_638, %get3A_639] {strides = array<i32>} : memref<48x768xf32, #tpu.memory_space<vmem>>, vector<1x16xf32>,
      %get3A_641 = vector.shape_cast %get3A_640 : vector<1x16xf32> to vector<16xf32>
      %add3A_642 = arith.addf %scan3A_543, %get3A_641 : vector<16xf32>
      %get3A_643 = arith.index_cast %scan3A_530 : i32 to index
      %get3A_644 = arith.constant 208 : index
      %get3A_645 = tpu.vector_load %arg5[%get3A_643, %get3A_644] {strides = array<i32>} : memref<48x768xf32, #tpu.memory_space<vmem>>, vector<1x16xf32>,
      %get3A_646 = vector.shape_cast %get3A_645 : vector<1x16xf32> to vector<16xf32>
      %add3A_647 = arith.addf %scan3A_544, %get3A_646 : vector<16xf32>
      %get3A_648 = arith.index_cast %scan3A_530 : i32 to index
      %get3A_649 = arith.constant 224 : index
      %get3A_650 = tpu.vector_load %arg5[%get3A_648, %get3A_649] {strides = array<i32>} : memref<48x768xf32, #tpu.memory_space<vmem>>, vector<1x16xf32>,
      %get3A_651 = vector.shape_cast %get3A_650 : vector<1x16xf32> to vector<16xf32>
      %add3A_652 = arith.addf %scan3A_545, %get3A_651 : vector<16xf32>
      %get3A_653 = arith.index_cast %scan3A_530 : i32 to index
      %get3A_654 = arith.constant 240 : index
      %get3A_655 = tpu.vector_load %arg5[%get3A_653, %get3A_654] {strides = array<i32>} : memref<48x768xf32, #tpu.memory_space<vmem>>, vector<1x16xf32>,
      %get3A_656 = vector.shape_cast %get3A_655 : vector<1x16xf32> to vector<16xf32>
      %add3A_657 = arith.addf %scan3A_546, %get3A_656 : vector<16xf32>
      %get3A_658 = arith.index_cast %scan3A_530 : i32 to index
      %get3A_659 = arith.constant 256 : index
      %get3A_660 = tpu.vector_load %arg5[%get3A_658, %get3A_659] {strides = array<i32>} : memref<48x768xf32, #tpu.memory_space<vmem>>, vector<1x16xf32>,
      %get3A_661 = vector.shape_cast %get3A_660 : vector<1x16xf32> to vector<16xf32>
      %add3A_662 = arith.addf %scan3A_547, %get3A_661 : vector<16xf32>
      %get3A_663 = arith.index_cast %scan3A_530 : i32 to index
      %get3A_664 = arith.constant 272 : index
      %get3A_665 = tpu.vector_load %arg5[%get3A_663, %get3A_664] {strides = array<i32>} : memref<48x768xf32, #tpu.memory_space<vmem>>, vector<1x16xf32>,
      %get3A_666 = vector.shape_cast %get3A_665 : vector<1x16xf32> to vector<16xf32>
      %add3A_667 = arith.addf %scan3A_548, %get3A_666 : vector<16xf32>
      %get3A_668 = arith.index_cast %scan3A_530 : i32 to index
      %get3A_669 = arith.constant 288 : index
      %get3A_670 = tpu.vector_load %arg5[%get3A_668, %get3A_669] {strides = array<i32>} : memref<48x768xf32, #tpu.memory_space<vmem>>, vector<1x16xf32>,
      %get3A_671 = vector.shape_cast %get3A_670 : vector<1x16xf32> to vector<16xf32>
      %add3A_672 = arith.addf %scan3A_549, %get3A_671 : vector<16xf32>
      %get3A_673 = arith.index_cast %scan3A_530 : i32 to index
      %get3A_674 = arith.constant 304 : index
      %get3A_675 = tpu.vector_load %arg5[%get3A_673, %get3A_674] {strides = array<i32>} : memref<48x768xf32, #tpu.memory_space<vmem>>, vector<1x16xf32>,
      %get3A_676 = vector.shape_cast %get3A_675 : vector<1x16xf32> to vector<16xf32>
      %add3A_677 = arith.addf %scan3A_550, %get3A_676 : vector<16xf32>
      %get3A_678 = arith.index_cast %scan3A_530 : i32 to index
      %get3A_679 = arith.constant 320 : index
      %get3A_680 = tpu.vector_load %arg5[%get3A_678, %get3A_679] {strides = array<i32>} : memref<48x768xf32, #tpu.memory_space<vmem>>, vector<1x16xf32>,
      %get3A_681 = vector.shape_cast %get3A_680 : vector<1x16xf32> to vector<16xf32>
      %add3A_682 = arith.addf %scan3A_551, %get3A_681 : vector<16xf32>
      %get3A_683 = arith.index_cast %scan3A_530 : i32 to index
      %get3A_684 = arith.constant 336 : index
      %get3A_685 = tpu.vector_load %arg5[%get3A_683, %get3A_684] {strides = array<i32>} : memref<48x768xf32, #tpu.memory_space<vmem>>, vector<1x16xf32>,
      %get3A_686 = vector.shape_cast %get3A_685 : vector<1x16xf32> to vector<16xf32>
      %add3A_687 = arith.addf %scan3A_552, %get3A_686 : vector<16xf32>
      %get3A_688 = arith.index_cast %scan3A_530 : i32 to index
      %get3A_689 = arith.constant 352 : index
      %get3A_690 = tpu.vector_load %arg5[%get3A_688, %get3A_689] {strides = array<i32>} : memref<48x768xf32, #tpu.memory_space<vmem>>, vector<1x16xf32>,
      %get3A_691 = vector.shape_cast %get3A_690 : vector<1x16xf32> to vector<16xf32>
      %add3A_692 = arith.addf %scan3A_553, %get3A_691 : vector<16xf32>
      %get3A_693 = arith.index_cast %scan3A_530 : i32 to index
      %get3A_694 = arith.constant 368 : index
      %get3A_695 = tpu.vector_load %arg5[%get3A_693, %get3A_694] {strides = array<i32>} : memref<48x768xf32, #tpu.memory_space<vmem>>, vector<1x16xf32>,
      %get3A_696 = vector.shape_cast %get3A_695 : vector<1x16xf32> to vector<16xf32>
      %add3A_697 = arith.addf %scan3A_554, %get3A_696 : vector<16xf32>
      %get3A_698 = arith.index_cast %scan3A_530 : i32 to index
      %get3A_699 = arith.constant 384 : index
      %get3A_700 = tpu.vector_load %arg5[%get3A_698, %get3A_699] {strides = array<i32>} : memref<48x768xf32, #tpu.memory_space<vmem>>, vector<1x16xf32>,
      %get3A_701 = vector.shape_cast %get3A_700 : vector<1x16xf32> to vector<16xf32>
      %add3A_702 = arith.addf %scan3A_555, %get3A_701 : vector<16xf32>
      %get3A_703 = arith.index_cast %scan3A_530 : i32 to index
      %get3A_704 = arith.constant 400 : index
      %get3A_705 = tpu.vector_load %arg5[%get3A_703, %get3A_704] {strides = array<i32>} : memref<48x768xf32, #tpu.memory_space<vmem>>, vector<1x16xf32>,
      %get3A_706 = vector.shape_cast %get3A_705 : vector<1x16xf32> to vector<16xf32>
      %add3A_707 = arith.addf %scan3A_556, %get3A_706 : vector<16xf32>
      %get3A_708 = arith.index_cast %scan3A_530 : i32 to index
      %get3A_709 = arith.constant 416 : index
      %get3A_710 = tpu.vector_load %arg5[%get3A_708, %get3A_709] {strides = array<i32>} : memref<48x768xf32, #tpu.memory_space<vmem>>, vector<1x16xf32>,
      %get3A_711 = vector.shape_cast %get3A_710 : vector<1x16xf32> to vector<16xf32>
      %add3A_712 = arith.addf %scan3A_557, %get3A_711 : vector<16xf32>
      %get3A_713 = arith.index_cast %scan3A_530 : i32 to index
      %get3A_714 = arith.constant 432 : index
      %get3A_715 = tpu.vector_load %arg5[%get3A_713, %get3A_714] {strides = array<i32>} : memref<48x768xf32, #tpu.memory_space<vmem>>, vector<1x16xf32>,
      %get3A_716 = vector.shape_cast %get3A_715 : vector<1x16xf32> to vector<16xf32>
      %add3A_717 = arith.addf %scan3A_558, %get3A_716 : vector<16xf32>
      %get3A_718 = arith.index_cast %scan3A_530 : i32 to index
      %get3A_719 = arith.constant 448 : index
      %get3A_720 = tpu.vector_load %arg5[%get3A_718, %get3A_719] {strides = array<i32>} : memref<48x768xf32, #tpu.memory_space<vmem>>, vector<1x16xf32>,
      %get3A_721 = vector.shape_cast %get3A_720 : vector<1x16xf32> to vector<16xf32>
      %add3A_722 = arith.addf %scan3A_559, %get3A_721 : vector<16xf32>
      %get3A_723 = arith.index_cast %scan3A_530 : i32 to index
      %get3A_724 = arith.constant 464 : index
      %get3A_725 = tpu.vector_load %arg5[%get3A_723, %get3A_724] {strides = array<i32>} : memref<48x768xf32, #tpu.memory_space<vmem>>, vector<1x16xf32>,
      %get3A_726 = vector.shape_cast %get3A_725 : vector<1x16xf32> to vector<16xf32>
      %add3A_727 = arith.addf %scan3A_560, %get3A_726 : vector<16xf32>
      %get3A_728 = arith.index_cast %scan3A_530 : i32 to index
      %get3A_729 = arith.constant 480 : index
      %get3A_730 = tpu.vector_load %arg5[%get3A_728, %get3A_729] {strides = array<i32>} : memref<48x768xf32, #tpu.memory_space<vmem>>, vector<1x16xf32>,
      %get3A_731 = vector.shape_cast %get3A_730 : vector<1x16xf32> to vector<16xf32>
      %add3A_732 = arith.addf %scan3A_561, %get3A_731 : vector<16xf32>
      %get3A_733 = arith.index_cast %scan3A_530 : i32 to index
      %get3A_734 = arith.constant 496 : index
      %get3A_735 = tpu.vector_load %arg5[%get3A_733, %get3A_734] {strides = array<i32>} : memref<48x768xf32, #tpu.memory_space<vmem>>, vector<1x16xf32>,
      %get3A_736 = vector.shape_cast %get3A_735 : vector<1x16xf32> to vector<16xf32>
      %add3A_737 = arith.addf %scan3A_562, %get3A_736 : vector<16xf32>
      %get3A_738 = arith.index_cast %scan3A_530 : i32 to index
      %get3A_739 = arith.constant 512 : index
      %get3A_740 = tpu.vector_load %arg5[%get3A_738, %get3A_739] {strides = array<i32>} : memref<48x768xf32, #tpu.memory_space<vmem>>, vector<1x16xf32>,
      %get3A_741 = vector.shape_cast %get3A_740 : vector<1x16xf32> to vector<16xf32>
      %add3A_742 = arith.addf %scan3A_563, %get3A_741 : vector<16xf32>
      %get3A_743 = arith.index_cast %scan3A_530 : i32 to index
      %get3A_744 = arith.constant 528 : index
      %get3A_745 = tpu.vector_load %arg5[%get3A_743, %get3A_744] {strides = array<i32>} : memref<48x768xf32, #tpu.memory_space<vmem>>, vector<1x16xf32>,
      %get3A_746 = vector.shape_cast %get3A_745 : vector<1x16xf32> to vector<16xf32>
      %add3A_747 = arith.addf %scan3A_564, %get3A_746 : vector<16xf32>
      %get3A_748 = arith.index_cast %scan3A_530 : i32 to index
      %get3A_749 = arith.constant 544 : index
      %get3A_750 = tpu.vector_load %arg5[%get3A_748, %get3A_749] {strides = array<i32>} : memref<48x768xf32, #tpu.memory_space<vmem>>, vector<1x16xf32>,
      %get3A_751 = vector.shape_cast %get3A_750 : vector<1x16xf32> to vector<16xf32>
      %add3A_752 = arith.addf %scan3A_565, %get3A_751 : vector<16xf32>
      %get3A_753 = arith.index_cast %scan3A_530 : i32 to index
      %get3A_754 = arith.constant 560 : index
      %get3A_755 = tpu.vector_load %arg5[%get3A_753, %get3A_754] {strides = array<i32>} : memref<48x768xf32, #tpu.memory_space<vmem>>, vector<1x16xf32>,
      %get3A_756 = vector.shape_cast %get3A_755 : vector<1x16xf32> to vector<16xf32>
      %add3A_757 = arith.addf %scan3A_566, %get3A_756 : vector<16xf32>
      %get3A_758 = arith.index_cast %scan3A_530 : i32 to index
      %get3A_759 = arith.constant 576 : index
      %get3A_760 = tpu.vector_load %arg5[%get3A_758, %get3A_759] {strides = array<i32>} : memref<48x768xf32, #tpu.memory_space<vmem>>, vector<1x16xf32>,
      %get3A_761 = vector.shape_cast %get3A_760 : vector<1x16xf32> to vector<16xf32>
      %add3A_762 = arith.addf %scan3A_567, %get3A_761 : vector<16xf32>
      %get3A_763 = arith.index_cast %scan3A_530 : i32 to index
      %get3A_764 = arith.constant 592 : index
      %get3A_765 = tpu.vector_load %arg5[%get3A_763, %get3A_764] {strides = array<i32>} : memref<48x768xf32, #tpu.memory_space<vmem>>, vector<1x16xf32>,
      %get3A_766 = vector.shape_cast %get3A_765 : vector<1x16xf32> to vector<16xf32>
      %add3A_767 = arith.addf %scan3A_568, %get3A_766 : vector<16xf32>
      %get3A_768 = arith.index_cast %scan3A_530 : i32 to index
      %get3A_769 = arith.constant 608 : index
      %get3A_770 = tpu.vector_load %arg5[%get3A_768, %get3A_769] {strides = array<i32>} : memref<48x768xf32, #tpu.memory_space<vmem>>, vector<1x16xf32>,
      %get3A_771 = vector.shape_cast %get3A_770 : vector<1x16xf32> to vector<16xf32>
      %add3A_772 = arith.addf %scan3A_569, %get3A_771 : vector<16xf32>
      %get3A_773 = arith.index_cast %scan3A_530 : i32 to index
      %get3A_774 = arith.constant 624 : index
      %get3A_775 = tpu.vector_load %arg5[%get3A_773, %get3A_774] {strides = array<i32>} : memref<48x768xf32, #tpu.memory_space<vmem>>, vector<1x16xf32>,
      %get3A_776 = vector.shape_cast %get3A_775 : vector<1x16xf32> to vector<16xf32>
      %add3A_777 = arith.addf %scan3A_570, %get3A_776 : vector<16xf32>
      %get3A_778 = arith.index_cast %scan3A_530 : i32 to index
      %get3A_779 = arith.constant 640 : index
      %get3A_780 = tpu.vector_load %arg5[%get3A_778, %get3A_779] {strides = array<i32>} : memref<48x768xf32, #tpu.memory_space<vmem>>, vector<1x16xf32>,
      %get3A_781 = vector.shape_cast %get3A_780 : vector<1x16xf32> to vector<16xf32>
      %add3A_782 = arith.addf %scan3A_571, %get3A_781 : vector<16xf32>
      %get3A_783 = arith.index_cast %scan3A_530 : i32 to index
      %get3A_784 = arith.constant 656 : index
      %get3A_785 = tpu.vector_load %arg5[%get3A_783, %get3A_784] {strides = array<i32>} : memref<48x768xf32, #tpu.memory_space<vmem>>, vector<1x16xf32>,
      %get3A_786 = vector.shape_cast %get3A_785 : vector<1x16xf32> to vector<16xf32>
      %add3A_787 = arith.addf %scan3A_572, %get3A_786 : vector<16xf32>
      %get3A_788 = arith.index_cast %scan3A_530 : i32 to index
      %get3A_789 = arith.constant 672 : index
      %get3A_790 = tpu.vector_load %arg5[%get3A_788, %get3A_789] {strides = array<i32>} : memref<48x768xf32, #tpu.memory_space<vmem>>, vector<1x16xf32>,
      %get3A_791 = vector.shape_cast %get3A_790 : vector<1x16xf32> to vector<16xf32>
      %add3A_792 = arith.addf %scan3A_573, %get3A_791 : vector<16xf32>
      %get3A_793 = arith.index_cast %scan3A_530 : i32 to index
      %get3A_794 = arith.constant 688 : index
      %get3A_795 = tpu.vector_load %arg5[%get3A_793, %get3A_794] {strides = array<i32>} : memref<48x768xf32, #tpu.memory_space<vmem>>, vector<1x16xf32>,
      %get3A_796 = vector.shape_cast %get3A_795 : vector<1x16xf32> to vector<16xf32>
      %add3A_797 = arith.addf %scan3A_574, %get3A_796 : vector<16xf32>
      %get3A_798 = arith.index_cast %scan3A_530 : i32 to index
      %get3A_799 = arith.constant 704 : index
      %get3A_800 = tpu.vector_load %arg5[%get3A_798, %get3A_799] {strides = array<i32>} : memref<48x768xf32, #tpu.memory_space<vmem>>, vector<1x16xf32>,
      %get3A_801 = vector.shape_cast %get3A_800 : vector<1x16xf32> to vector<16xf32>
      %add3A_802 = arith.addf %scan3A_575, %get3A_801 : vector<16xf32>
      %get3A_803 = arith.index_cast %scan3A_530 : i32 to index
      %get3A_804 = arith.constant 720 : index
      %get3A_805 = tpu.vector_load %arg5[%get3A_803, %get3A_804] {strides = array<i32>} : memref<48x768xf32, #tpu.memory_space<vmem>>, vector<1x16xf32>,
      %get3A_806 = vector.shape_cast %get3A_805 : vector<1x16xf32> to vector<16xf32>
      %add3A_807 = arith.addf %scan3A_576, %get3A_806 : vector<16xf32>
      %get3A_808 = arith.index_cast %scan3A_530 : i32 to index
      %get3A_809 = arith.constant 736 : index
      %get3A_810 = tpu.vector_load %arg5[%get3A_808, %get3A_809] {strides = array<i32>} : memref<48x768xf32, #tpu.memory_space<vmem>>, vector<1x16xf32>,
      %get3A_811 = vector.shape_cast %get3A_810 : vector<1x16xf32> to vector<16xf32>
      %add3A_812 = arith.addf %scan3A_577, %get3A_811 : vector<16xf32>
      %get3A_813 = arith.index_cast %scan3A_530 : i32 to index
      %get3A_814 = arith.constant 752 : index
      %get3A_815 = tpu.vector_load %arg5[%get3A_813, %get3A_814] {strides = array<i32>} : memref<48x768xf32, #tpu.memory_space<vmem>>, vector<1x16xf32>,
      %get3A_816 = vector.shape_cast %get3A_815 : vector<1x16xf32> to vector<16xf32>
      %add3A_817 = arith.addf %scan3A_578, %get3A_816 : vector<16xf32>
      scf.yield %add3A_582, %add3A_587, %add3A_592, %add3A_597, %add3A_602, %add3A_607, %add3A_612, %add3A_617, %add3A_622, %add3A_627, %add3A_632, %add3A_637, %add3A_642, %add3A_647, %add3A_652, %add3A_657, %add3A_662, %add3A_667, %add3A_672, %add3A_677, %add3A_682, %add3A_687, %add3A_692, %add3A_697, %add3A_702, %add3A_707, %add3A_712, %add3A_717, %add3A_722, %add3A_727, %add3A_732, %add3A_737, %add3A_742, %add3A_747, %add3A_752, %add3A_757, %add3A_762, %add3A_767, %add3A_772, %add3A_777, %add3A_782, %add3A_787, %add3A_792, %add3A_797, %add3A_802, %add3A_807, %add3A_812, %add3A_817 : vector<16xf32>, vector<16xf32>, vector<16xf32>, vector<16xf32>, vector<16xf32>, vector<16xf32>, vector<16xf32>, vector<16xf32>, vector<16xf32>, vector<16xf32>, vector<16xf32>, vector<16xf32>, vector<16xf32>, vector<16xf32>, vector<16xf32>, vector<16xf32>, vector<16xf32>, vector<16xf32>, vector<16xf32>, vector<16xf32>, vector<16xf32>, vector<16xf32>, vector<16xf32>, vector<16xf32>, vector<16xf32>, vector<16xf32>, vector<16xf32>, vector<16xf32>, vector<16xf32>, vector<16xf32>, vector<16xf32>, vector<16xf32>, vector<16xf32>, vector<16xf32>, vector<16xf32>, vector<16xf32>, vector<16xf32>, vector<16xf32>, vector<16xf32>, vector<16xf32>, vector<16xf32>, vector<16xf32>, vector<16xf32>, vector<16xf32>, vector<16xf32>, vector<16xf32>, vector<16xf32>, vector<16xf32>
    }
    %scan3A_170 = arith.constant 48 : i32
    %add3A_171 = arith.constant 144 : i32
    %add3A_172 = arith.addi %mul3A_32, %add3A_171 : i32
    %dma_start3A_173 = arith.constant 0 : i32
    %dma_start3A_174 = tpu.memref_slice %arg2[%select_n3A, %add3A_172, %dma_start3A_173] : memref<64x576x768xf32, #tpu.memory_space<hbm>> -> memref<1x48x768xf32, #tpu.memory_space<hbm>>
    %dma_start3A_175 = tpu.memref_squeeze %dma_start3A_174 : memref<1x48x768xf32, #tpu.memory_space<hbm>> -> memref<48x768xf32, #tpu.memory_space<hbm>>
    %dma_start3A_176 = arith.constant 0 : i32
    %dma_start3A_177 = tpu.memref_slice %arg2[%select_n3A, %add3A_172, %dma_start3A_176] : memref<64x576x768xf32, #tpu.memory_space<hbm>> -> memref<1x48x768xf32, #tpu.memory_space<hbm>>
    %dma_start3A_178 = tpu.memref_squeeze %dma_start3A_177 : memref<1x48x768xf32, #tpu.memory_space<hbm>> -> memref<48x768xf32, #tpu.memory_space<hbm>>
    tpu.enqueue_dma source(%dma_start3A_178 : memref<48x768xf32, #tpu.memory_space<hbm>>) target(%arg5 : memref<48x768xf32, #tpu.memory_space<vmem>>) target_semaphore(%arg7 : memref<!tpu.dma_semaphore, #tpu.memory_space<semaphore_mem>>)
    %dma_wait3A_179 = arith.constant 0 : i32
    %dma_wait3A_180 = tpu.memref_slice %arg2[%select_n3A, %add3A_152, %dma_wait3A_179] : memref<64x576x768xf32, #tpu.memory_space<hbm>> -> memref<1x48x768xf32, #tpu.memory_space<hbm>>
    %dma_wait3A_181 = tpu.memref_squeeze %dma_wait3A_180 : memref<1x48x768xf32, #tpu.memory_space<hbm>> -> memref<48x768xf32, #tpu.memory_space<hbm>>
    %dma_wait3A_182 = arith.constant 0 : i32
    %dma_wait3A_183 = tpu.memref_slice %arg2[%select_n3A, %add3A_152, %dma_wait3A_182] : memref<64x576x768xf32, #tpu.memory_space<hbm>> -> memref<1x48x768xf32, #tpu.memory_space<hbm>>
    %dma_wait3A_184 = tpu.memref_squeeze %dma_wait3A_183 : memref<1x48x768xf32, #tpu.memory_space<hbm>> -> memref<48x768xf32, #tpu.memory_space<hbm>>
    tpu.wait_dma2 semaphore(%arg6 : memref<!tpu.dma_semaphore, #tpu.memory_space<semaphore_mem>>) src(%dma_wait3A_184 : memref<48x768xf32, #tpu.memory_space<hbm>>) dst(%arg4 : memref<48x768xf32, #tpu.memory_space<vmem>>)
    %scan3A_185 = arith.constant 0 : i32
    %scan3A_186 = arith.constant 48 : i32
    %scan3A_187 = arith.addi %scan3A_185, %scan3A_186 : i32
    %scan3A_188 = arith.constant 1 : i32
    %scan3A_189:48 = scf.for %scan3A_530 = %scan3A_185 to %scan3A_187 step %scan3A_188 iter_args(%scan3A_531 = %scan3A_169#0, %scan3A_532 = %scan3A_169#1, %scan3A_533 = %scan3A_169#2, %scan3A_534 = %scan3A_169#3, %scan3A_535 = %scan3A_169#4, %scan3A_536 = %scan3A_169#5, %scan3A_537 = %scan3A_169#6, %scan3A_538 = %scan3A_169#7, %scan3A_539 = %scan3A_169#8, %scan3A_540 = %scan3A_169#9, %scan3A_541 = %scan3A_169#10, %scan3A_542 = %scan3A_169#11, %scan3A_543 = %scan3A_169#12, %scan3A_544 = %scan3A_169#13, %scan3A_545 = %scan3A_169#14, %scan3A_546 = %scan3A_169#15, %scan3A_547 = %scan3A_169#16, %scan3A_548 = %scan3A_169#17, %scan3A_549 = %scan3A_169#18, %scan3A_550 = %scan3A_169#19, %scan3A_551 = %scan3A_169#20, %scan3A_552 = %scan3A_169#21, %scan3A_553 = %scan3A_169#22, %scan3A_554 = %scan3A_169#23, %scan3A_555 = %scan3A_169#24, %scan3A_556 = %scan3A_169#25, %scan3A_557 = %scan3A_169#26, %scan3A_558 = %scan3A_169#27, %scan3A_559 = %scan3A_169#28, %scan3A_560 = %scan3A_169#29, %scan3A_561 = %scan3A_169#30, %scan3A_562 = %scan3A_169#31, %scan3A_563 = %scan3A_169#32, %scan3A_564 = %scan3A_169#33, %scan3A_565 = %scan3A_169#34, %scan3A_566 = %scan3A_169#35, %scan3A_567 = %scan3A_169#36, %scan3A_568 = %scan3A_169#37, %scan3A_569 = %scan3A_169#38, %scan3A_570 = %scan3A_169#39, %scan3A_571 = %scan3A_169#40, %scan3A_572 = %scan3A_169#41, %scan3A_573 = %scan3A_169#42, %scan3A_574 = %scan3A_169#43, %scan3A_575 = %scan3A_169#44, %scan3A_576 = %scan3A_169#45, %scan3A_577 = %scan3A_169#46, %scan3A_578 = %scan3A_169#47) -> (vector<16xf32>, vector<16xf32>, vector<16xf32>, vector<16xf32>, vector<16xf32>, vector<16xf32>, vector<16xf32>, vector<16xf32>, vector<16xf32>, vector<16xf32>, vector<16xf32>, vector<16xf32>, vector<16xf32>, vector<16xf32>, vector<16xf32>, vector<16xf32>, vector<16xf32>, vector<16xf32>, vector<16xf32>, vector<16xf32>, vector<16xf32>, vector<16xf32>, vector<16xf32>, vector<16xf32>, vector<16xf32>, vector<16xf32>, vector<16xf32>, vector<16xf32>, vector<16xf32>, vector<16xf32>, vector<16xf32>, vector<16xf32>, vector<16xf32>, vector<16xf32>, vector<16xf32>, vector<16xf32>, vector<16xf32>, vector<16xf32>, vector<16xf32>, vector<16xf32>, vector<16xf32>, vector<16xf32>, vector<16xf32>, vector<16xf32>, vector<16xf32>, vector<16xf32>, vector<16xf32>, vector<16xf32>)  : i32 {
      %get3A = arith.index_cast %scan3A_530 : i32 to index
      %get3A_579 = arith.constant 0 : index
      %get3A_580 = tpu.vector_load %arg4[%get3A, %get3A_579] {strides = array<i32>} : memref<48x768xf32, #tpu.memory_space<vmem>>, vector<1x16xf32>,
      %get3A_581 = vector.shape_cast %get3A_580 : vector<1x16xf32> to vector<16xf32>
      %add3A_582 = arith.addf %scan3A_531, %get3A_581 : vector<16xf32>
      %get3A_583 = arith.index_cast %scan3A_530 : i32 to index
      %get3A_584 = arith.constant 16 : index
      %get3A_585 = tpu.vector_load %arg4[%get3A_583, %get3A_584] {strides = array<i32>} : memref<48x768xf32, #tpu.memory_space<vmem>>, vector<1x16xf32>,
      %get3A_586 = vector.shape_cast %get3A_585 : vector<1x16xf32> to vector<16xf32>
      %add3A_587 = arith.addf %scan3A_532, %get3A_586 : vector<16xf32>
      %get3A_588 = arith.index_cast %scan3A_530 : i32 to index
      %get3A_589 = arith.constant 32 : index
      %get3A_590 = tpu.vector_load %arg4[%get3A_588, %get3A_589] {strides = array<i32>} : memref<48x768xf32, #tpu.memory_space<vmem>>, vector<1x16xf32>,
      %get3A_591 = vector.shape_cast %get3A_590 : vector<1x16xf32> to vector<16xf32>
      %add3A_592 = arith.addf %scan3A_533, %get3A_591 : vector<16xf32>
      %get3A_593 = arith.index_cast %scan3A_530 : i32 to index
      %get3A_594 = arith.constant 48 : index
      %get3A_595 = tpu.vector_load %arg4[%get3A_593, %get3A_594] {strides = array<i32>} : memref<48x768xf32, #tpu.memory_space<vmem>>, vector<1x16xf32>,
      %get3A_596 = vector.shape_cast %get3A_595 : vector<1x16xf32> to vector<16xf32>
      %add3A_597 = arith.addf %scan3A_534, %get3A_596 : vector<16xf32>
      %get3A_598 = arith.index_cast %scan3A_530 : i32 to index
      %get3A_599 = arith.constant 64 : index
      %get3A_600 = tpu.vector_load %arg4[%get3A_598, %get3A_599] {strides = array<i32>} : memref<48x768xf32, #tpu.memory_space<vmem>>, vector<1x16xf32>,
      %get3A_601 = vector.shape_cast %get3A_600 : vector<1x16xf32> to vector<16xf32>
      %add3A_602 = arith.addf %scan3A_535, %get3A_601 : vector<16xf32>
      %get3A_603 = arith.index_cast %scan3A_530 : i32 to index
      %get3A_604 = arith.constant 80 : index
      %get3A_605 = tpu.vector_load %arg4[%get3A_603, %get3A_604] {strides = array<i32>} : memref<48x768xf32, #tpu.memory_space<vmem>>, vector<1x16xf32>,
      %get3A_606 = vector.shape_cast %get3A_605 : vector<1x16xf32> to vector<16xf32>
      %add3A_607 = arith.addf %scan3A_536, %get3A_606 : vector<16xf32>
      %get3A_608 = arith.index_cast %scan3A_530 : i32 to index
      %get3A_609 = arith.constant 96 : index
      %get3A_610 = tpu.vector_load %arg4[%get3A_608, %get3A_609] {strides = array<i32>} : memref<48x768xf32, #tpu.memory_space<vmem>>, vector<1x16xf32>,
      %get3A_611 = vector.shape_cast %get3A_610 : vector<1x16xf32> to vector<16xf32>
      %add3A_612 = arith.addf %scan3A_537, %get3A_611 : vector<16xf32>
      %get3A_613 = arith.index_cast %scan3A_530 : i32 to index
      %get3A_614 = arith.constant 112 : index
      %get3A_615 = tpu.vector_load %arg4[%get3A_613, %get3A_614] {strides = array<i32>} : memref<48x768xf32, #tpu.memory_space<vmem>>, vector<1x16xf32>,
      %get3A_616 = vector.shape_cast %get3A_615 : vector<1x16xf32> to vector<16xf32>
      %add3A_617 = arith.addf %scan3A_538, %get3A_616 : vector<16xf32>
      %get3A_618 = arith.index_cast %scan3A_530 : i32 to index
      %get3A_619 = arith.constant 128 : index
      %get3A_620 = tpu.vector_load %arg4[%get3A_618, %get3A_619] {strides = array<i32>} : memref<48x768xf32, #tpu.memory_space<vmem>>, vector<1x16xf32>,
      %get3A_621 = vector.shape_cast %get3A_620 : vector<1x16xf32> to vector<16xf32>
      %add3A_622 = arith.addf %scan3A_539, %get3A_621 : vector<16xf32>
      %get3A_623 = arith.index_cast %scan3A_530 : i32 to index
      %get3A_624 = arith.constant 144 : index
      %get3A_625 = tpu.vector_load %arg4[%get3A_623, %get3A_624] {strides = array<i32>} : memref<48x768xf32, #tpu.memory_space<vmem>>, vector<1x16xf32>,
      %get3A_626 = vector.shape_cast %get3A_625 : vector<1x16xf32> to vector<16xf32>
      %add3A_627 = arith.addf %scan3A_540, %get3A_626 : vector<16xf32>
      %get3A_628 = arith.index_cast %scan3A_530 : i32 to index
      %get3A_629 = arith.constant 160 : index
      %get3A_630 = tpu.vector_load %arg4[%get3A_628, %get3A_629] {strides = array<i32>} : memref<48x768xf32, #tpu.memory_space<vmem>>, vector<1x16xf32>,
      %get3A_631 = vector.shape_cast %get3A_630 : vector<1x16xf32> to vector<16xf32>
      %add3A_632 = arith.addf %scan3A_541, %get3A_631 : vector<16xf32>
      %get3A_633 = arith.index_cast %scan3A_530 : i32 to index
      %get3A_634 = arith.constant 176 : index
      %get3A_635 = tpu.vector_load %arg4[%get3A_633, %get3A_634] {strides = array<i32>} : memref<48x768xf32, #tpu.memory_space<vmem>>, vector<1x16xf32>,
      %get3A_636 = vector.shape_cast %get3A_635 : vector<1x16xf32> to vector<16xf32>
      %add3A_637 = arith.addf %scan3A_542, %get3A_636 : vector<16xf32>
      %get3A_638 = arith.index_cast %scan3A_530 : i32 to index
      %get3A_639 = arith.constant 192 : index
      %get3A_640 = tpu.vector_load %arg4[%get3A_638, %get3A_639] {strides = array<i32>} : memref<48x768xf32, #tpu.memory_space<vmem>>, vector<1x16xf32>,
      %get3A_641 = vector.shape_cast %get3A_640 : vector<1x16xf32> to vector<16xf32>
      %add3A_642 = arith.addf %scan3A_543, %get3A_641 : vector<16xf32>
      %get3A_643 = arith.index_cast %scan3A_530 : i32 to index
      %get3A_644 = arith.constant 208 : index
      %get3A_645 = tpu.vector_load %arg4[%get3A_643, %get3A_644] {strides = array<i32>} : memref<48x768xf32, #tpu.memory_space<vmem>>, vector<1x16xf32>,
      %get3A_646 = vector.shape_cast %get3A_645 : vector<1x16xf32> to vector<16xf32>
      %add3A_647 = arith.addf %scan3A_544, %get3A_646 : vector<16xf32>
      %get3A_648 = arith.index_cast %scan3A_530 : i32 to index
      %get3A_649 = arith.constant 224 : index
      %get3A_650 = tpu.vector_load %arg4[%get3A_648, %get3A_649] {strides = array<i32>} : memref<48x768xf32, #tpu.memory_space<vmem>>, vector<1x16xf32>,
      %get3A_651 = vector.shape_cast %get3A_650 : vector<1x16xf32> to vector<16xf32>
      %add3A_652 = arith.addf %scan3A_545, %get3A_651 : vector<16xf32>
      %get3A_653 = arith.index_cast %scan3A_530 : i32 to index
      %get3A_654 = arith.constant 240 : index
      %get3A_655 = tpu.vector_load %arg4[%get3A_653, %get3A_654] {strides = array<i32>} : memref<48x768xf32, #tpu.memory_space<vmem>>, vector<1x16xf32>,
      %get3A_656 = vector.shape_cast %get3A_655 : vector<1x16xf32> to vector<16xf32>
      %add3A_657 = arith.addf %scan3A_546, %get3A_656 : vector<16xf32>
      %get3A_658 = arith.index_cast %scan3A_530 : i32 to index
      %get3A_659 = arith.constant 256 : index
      %get3A_660 = tpu.vector_load %arg4[%get3A_658, %get3A_659] {strides = array<i32>} : memref<48x768xf32, #tpu.memory_space<vmem>>, vector<1x16xf32>,
      %get3A_661 = vector.shape_cast %get3A_660 : vector<1x16xf32> to vector<16xf32>
      %add3A_662 = arith.addf %scan3A_547, %get3A_661 : vector<16xf32>
      %get3A_663 = arith.index_cast %scan3A_530 : i32 to index
      %get3A_664 = arith.constant 272 : index
      %get3A_665 = tpu.vector_load %arg4[%get3A_663, %get3A_664] {strides = array<i32>} : memref<48x768xf32, #tpu.memory_space<vmem>>, vector<1x16xf32>,
      %get3A_666 = vector.shape_cast %get3A_665 : vector<1x16xf32> to vector<16xf32>
      %add3A_667 = arith.addf %scan3A_548, %get3A_666 : vector<16xf32>
      %get3A_668 = arith.index_cast %scan3A_530 : i32 to index
      %get3A_669 = arith.constant 288 : index
      %get3A_670 = tpu.vector_load %arg4[%get3A_668, %get3A_669] {strides = array<i32>} : memref<48x768xf32, #tpu.memory_space<vmem>>, vector<1x16xf32>,
      %get3A_671 = vector.shape_cast %get3A_670 : vector<1x16xf32> to vector<16xf32>
      %add3A_672 = arith.addf %scan3A_549, %get3A_671 : vector<16xf32>
      %get3A_673 = arith.index_cast %scan3A_530 : i32 to index
      %get3A_674 = arith.constant 304 : index
      %get3A_675 = tpu.vector_load %arg4[%get3A_673, %get3A_674] {strides = array<i32>} : memref<48x768xf32, #tpu.memory_space<vmem>>, vector<1x16xf32>,
      %get3A_676 = vector.shape_cast %get3A_675 : vector<1x16xf32> to vector<16xf32>
      %add3A_677 = arith.addf %scan3A_550, %get3A_676 : vector<16xf32>
      %get3A_678 = arith.index_cast %scan3A_530 : i32 to index
      %get3A_679 = arith.constant 320 : index
      %get3A_680 = tpu.vector_load %arg4[%get3A_678, %get3A_679] {strides = array<i32>} : memref<48x768xf32, #tpu.memory_space<vmem>>, vector<1x16xf32>,
      %get3A_681 = vector.shape_cast %get3A_680 : vector<1x16xf32> to vector<16xf32>
      %add3A_682 = arith.addf %scan3A_551, %get3A_681 : vector<16xf32>
      %get3A_683 = arith.index_cast %scan3A_530 : i32 to index
      %get3A_684 = arith.constant 336 : index
      %get3A_685 = tpu.vector_load %arg4[%get3A_683, %get3A_684] {strides = array<i32>} : memref<48x768xf32, #tpu.memory_space<vmem>>, vector<1x16xf32>,
      %get3A_686 = vector.shape_cast %get3A_685 : vector<1x16xf32> to vector<16xf32>
      %add3A_687 = arith.addf %scan3A_552, %get3A_686 : vector<16xf32>
      %get3A_688 = arith.index_cast %scan3A_530 : i32 to index
      %get3A_689 = arith.constant 352 : index
      %get3A_690 = tpu.vector_load %arg4[%get3A_688, %get3A_689] {strides = array<i32>} : memref<48x768xf32, #tpu.memory_space<vmem>>, vector<1x16xf32>,
      %get3A_691 = vector.shape_cast %get3A_690 : vector<1x16xf32> to vector<16xf32>
      %add3A_692 = arith.addf %scan3A_553, %get3A_691 : vector<16xf32>
      %get3A_693 = arith.index_cast %scan3A_530 : i32 to index
      %get3A_694 = arith.constant 368 : index
      %get3A_695 = tpu.vector_load %arg4[%get3A_693, %get3A_694] {strides = array<i32>} : memref<48x768xf32, #tpu.memory_space<vmem>>, vector<1x16xf32>,
      %get3A_696 = vector.shape_cast %get3A_695 : vector<1x16xf32> to vector<16xf32>
      %add3A_697 = arith.addf %scan3A_554, %get3A_696 : vector<16xf32>
      %get3A_698 = arith.index_cast %scan3A_530 : i32 to index
      %get3A_699 = arith.constant 384 : index
      %get3A_700 = tpu.vector_load %arg4[%get3A_698, %get3A_699] {strides = array<i32>} : memref<48x768xf32, #tpu.memory_space<vmem>>, vector<1x16xf32>,
      %get3A_701 = vector.shape_cast %get3A_700 : vector<1x16xf32> to vector<16xf32>
      %add3A_702 = arith.addf %scan3A_555, %get3A_701 : vector<16xf32>
      %get3A_703 = arith.index_cast %scan3A_530 : i32 to index
      %get3A_704 = arith.constant 400 : index
      %get3A_705 = tpu.vector_load %arg4[%get3A_703, %get3A_704] {strides = array<i32>} : memref<48x768xf32, #tpu.memory_space<vmem>>, vector<1x16xf32>,
      %get3A_706 = vector.shape_cast %get3A_705 : vector<1x16xf32> to vector<16xf32>
      %add3A_707 = arith.addf %scan3A_556, %get3A_706 : vector<16xf32>
      %get3A_708 = arith.index_cast %scan3A_530 : i32 to index
      %get3A_709 = arith.constant 416 : index
      %get3A_710 = tpu.vector_load %arg4[%get3A_708, %get3A_709] {strides = array<i32>} : memref<48x768xf32, #tpu.memory_space<vmem>>, vector<1x16xf32>,
      %get3A_711 = vector.shape_cast %get3A_710 : vector<1x16xf32> to vector<16xf32>
      %add3A_712 = arith.addf %scan3A_557, %get3A_711 : vector<16xf32>
      %get3A_713 = arith.index_cast %scan3A_530 : i32 to index
      %get3A_714 = arith.constant 432 : index
      %get3A_715 = tpu.vector_load %arg4[%get3A_713, %get3A_714] {strides = array<i32>} : memref<48x768xf32, #tpu.memory_space<vmem>>, vector<1x16xf32>,
      %get3A_716 = vector.shape_cast %get3A_715 : vector<1x16xf32> to vector<16xf32>
      %add3A_717 = arith.addf %scan3A_558, %get3A_716 : vector<16xf32>
      %get3A_718 = arith.index_cast %scan3A_530 : i32 to index
      %get3A_719 = arith.constant 448 : index
      %get3A_720 = tpu.vector_load %arg4[%get3A_718, %get3A_719] {strides = array<i32>} : memref<48x768xf32, #tpu.memory_space<vmem>>, vector<1x16xf32>,
      %get3A_721 = vector.shape_cast %get3A_720 : vector<1x16xf32> to vector<16xf32>
      %add3A_722 = arith.addf %scan3A_559, %get3A_721 : vector<16xf32>
      %get3A_723 = arith.index_cast %scan3A_530 : i32 to index
      %get3A_724 = arith.constant 464 : index
      %get3A_725 = tpu.vector_load %arg4[%get3A_723, %get3A_724] {strides = array<i32>} : memref<48x768xf32, #tpu.memory_space<vmem>>, vector<1x16xf32>,
      %get3A_726 = vector.shape_cast %get3A_725 : vector<1x16xf32> to vector<16xf32>
      %add3A_727 = arith.addf %scan3A_560, %get3A_726 : vector<16xf32>
      %get3A_728 = arith.index_cast %scan3A_530 : i32 to index
      %get3A_729 = arith.constant 480 : index
      %get3A_730 = tpu.vector_load %arg4[%get3A_728, %get3A_729] {strides = array<i32>} : memref<48x768xf32, #tpu.memory_space<vmem>>, vector<1x16xf32>,
      %get3A_731 = vector.shape_cast %get3A_730 : vector<1x16xf32> to vector<16xf32>
      %add3A_732 = arith.addf %scan3A_561, %get3A_731 : vector<16xf32>
      %get3A_733 = arith.index_cast %scan3A_530 : i32 to index
      %get3A_734 = arith.constant 496 : index
      %get3A_735 = tpu.vector_load %arg4[%get3A_733, %get3A_734] {strides = array<i32>} : memref<48x768xf32, #tpu.memory_space<vmem>>, vector<1x16xf32>,
      %get3A_736 = vector.shape_cast %get3A_735 : vector<1x16xf32> to vector<16xf32>
      %add3A_737 = arith.addf %scan3A_562, %get3A_736 : vector<16xf32>
      %get3A_738 = arith.index_cast %scan3A_530 : i32 to index
      %get3A_739 = arith.constant 512 : index
      %get3A_740 = tpu.vector_load %arg4[%get3A_738, %get3A_739] {strides = array<i32>} : memref<48x768xf32, #tpu.memory_space<vmem>>, vector<1x16xf32>,
      %get3A_741 = vector.shape_cast %get3A_740 : vector<1x16xf32> to vector<16xf32>
      %add3A_742 = arith.addf %scan3A_563, %get3A_741 : vector<16xf32>
      %get3A_743 = arith.index_cast %scan3A_530 : i32 to index
      %get3A_744 = arith.constant 528 : index
      %get3A_745 = tpu.vector_load %arg4[%get3A_743, %get3A_744] {strides = array<i32>} : memref<48x768xf32, #tpu.memory_space<vmem>>, vector<1x16xf32>,
      %get3A_746 = vector.shape_cast %get3A_745 : vector<1x16xf32> to vector<16xf32>
      %add3A_747 = arith.addf %scan3A_564, %get3A_746 : vector<16xf32>
      %get3A_748 = arith.index_cast %scan3A_530 : i32 to index
      %get3A_749 = arith.constant 544 : index
      %get3A_750 = tpu.vector_load %arg4[%get3A_748, %get3A_749] {strides = array<i32>} : memref<48x768xf32, #tpu.memory_space<vmem>>, vector<1x16xf32>,
      %get3A_751 = vector.shape_cast %get3A_750 : vector<1x16xf32> to vector<16xf32>
      %add3A_752 = arith.addf %scan3A_565, %get3A_751 : vector<16xf32>
      %get3A_753 = arith.index_cast %scan3A_530 : i32 to index
      %get3A_754 = arith.constant 560 : index
      %get3A_755 = tpu.vector_load %arg4[%get3A_753, %get3A_754] {strides = array<i32>} : memref<48x768xf32, #tpu.memory_space<vmem>>, vector<1x16xf32>,
      %get3A_756 = vector.shape_cast %get3A_755 : vector<1x16xf32> to vector<16xf32>
      %add3A_757 = arith.addf %scan3A_566, %get3A_756 : vector<16xf32>
      %get3A_758 = arith.index_cast %scan3A_530 : i32 to index
      %get3A_759 = arith.constant 576 : index
      %get3A_760 = tpu.vector_load %arg4[%get3A_758, %get3A_759] {strides = array<i32>} : memref<48x768xf32, #tpu.memory_space<vmem>>, vector<1x16xf32>,
      %get3A_761 = vector.shape_cast %get3A_760 : vector<1x16xf32> to vector<16xf32>
      %add3A_762 = arith.addf %scan3A_567, %get3A_761 : vector<16xf32>
      %get3A_763 = arith.index_cast %scan3A_530 : i32 to index
      %get3A_764 = arith.constant 592 : index
      %get3A_765 = tpu.vector_load %arg4[%get3A_763, %get3A_764] {strides = array<i32>} : memref<48x768xf32, #tpu.memory_space<vmem>>, vector<1x16xf32>,
      %get3A_766 = vector.shape_cast %get3A_765 : vector<1x16xf32> to vector<16xf32>
      %add3A_767 = arith.addf %scan3A_568, %get3A_766 : vector<16xf32>
      %get3A_768 = arith.index_cast %scan3A_530 : i32 to index
      %get3A_769 = arith.constant 608 : index
      %get3A_770 = tpu.vector_load %arg4[%get3A_768, %get3A_769] {strides = array<i32>} : memref<48x768xf32, #tpu.memory_space<vmem>>, vector<1x16xf32>,
      %get3A_771 = vector.shape_cast %get3A_770 : vector<1x16xf32> to vector<16xf32>
      %add3A_772 = arith.addf %scan3A_569, %get3A_771 : vector<16xf32>
      %get3A_773 = arith.index_cast %scan3A_530 : i32 to index
      %get3A_774 = arith.constant 624 : index
      %get3A_775 = tpu.vector_load %arg4[%get3A_773, %get3A_774] {strides = array<i32>} : memref<48x768xf32, #tpu.memory_space<vmem>>, vector<1x16xf32>,
      %get3A_776 = vector.shape_cast %get3A_775 : vector<1x16xf32> to vector<16xf32>
      %add3A_777 = arith.addf %scan3A_570, %get3A_776 : vector<16xf32>
      %get3A_778 = arith.index_cast %scan3A_530 : i32 to index
      %get3A_779 = arith.constant 640 : index
      %get3A_780 = tpu.vector_load %arg4[%get3A_778, %get3A_779] {strides = array<i32>} : memref<48x768xf32, #tpu.memory_space<vmem>>, vector<1x16xf32>,
      %get3A_781 = vector.shape_cast %get3A_780 : vector<1x16xf32> to vector<16xf32>
      %add3A_782 = arith.addf %scan3A_571, %get3A_781 : vector<16xf32>
      %get3A_783 = arith.index_cast %scan3A_530 : i32 to index
      %get3A_784 = arith.constant 656 : index
      %get3A_785 = tpu.vector_load %arg4[%get3A_783, %get3A_784] {strides = array<i32>} : memref<48x768xf32, #tpu.memory_space<vmem>>, vector<1x16xf32>,
      %get3A_786 = vector.shape_cast %get3A_785 : vector<1x16xf32> to vector<16xf32>
      %add3A_787 = arith.addf %scan3A_572, %get3A_786 : vector<16xf32>
      %get3A_788 = arith.index_cast %scan3A_530 : i32 to index
      %get3A_789 = arith.constant 672 : index
      %get3A_790 = tpu.vector_load %arg4[%get3A_788, %get3A_789] {strides = array<i32>} : memref<48x768xf32, #tpu.memory_space<vmem>>, vector<1x16xf32>,
      %get3A_791 = vector.shape_cast %get3A_790 : vector<1x16xf32> to vector<16xf32>
      %add3A_792 = arith.addf %scan3A_573, %get3A_791 : vector<16xf32>
      %get3A_793 = arith.index_cast %scan3A_530 : i32 to index
      %get3A_794 = arith.constant 688 : index
      %get3A_795 = tpu.vector_load %arg4[%get3A_793, %get3A_794] {strides = array<i32>} : memref<48x768xf32, #tpu.memory_space<vmem>>, vector<1x16xf32>,
      %get3A_796 = vector.shape_cast %get3A_795 : vector<1x16xf32> to vector<16xf32>
      %add3A_797 = arith.addf %scan3A_574, %get3A_796 : vector<16xf32>
      %get3A_798 = arith.index_cast %scan3A_530 : i32 to index
      %get3A_799 = arith.constant 704 : index
      %get3A_800 = tpu.vector_load %arg4[%get3A_798, %get3A_799] {strides = array<i32>} : memref<48x768xf32, #tpu.memory_space<vmem>>, vector<1x16xf32>,
      %get3A_801 = vector.shape_cast %get3A_800 : vector<1x16xf32> to vector<16xf32>
      %add3A_802 = arith.addf %scan3A_575, %get3A_801 : vector<16xf32>
      %get3A_803 = arith.index_cast %scan3A_530 : i32 to index
      %get3A_804 = arith.constant 720 : index
      %get3A_805 = tpu.vector_load %arg4[%get3A_803, %get3A_804] {strides = array<i32>} : memref<48x768xf32, #tpu.memory_space<vmem>>, vector<1x16xf32>,
      %get3A_806 = vector.shape_cast %get3A_805 : vector<1x16xf32> to vector<16xf32>
      %add3A_807 = arith.addf %scan3A_576, %get3A_806 : vector<16xf32>
      %get3A_808 = arith.index_cast %scan3A_530 : i32 to index
      %get3A_809 = arith.constant 736 : index
      %get3A_810 = tpu.vector_load %arg4[%get3A_808, %get3A_809] {strides = array<i32>} : memref<48x768xf32, #tpu.memory_space<vmem>>, vector<1x16xf32>,
      %get3A_811 = vector.shape_cast %get3A_810 : vector<1x16xf32> to vector<16xf32>
      %add3A_812 = arith.addf %scan3A_577, %get3A_811 : vector<16xf32>
      %get3A_813 = arith.index_cast %scan3A_530 : i32 to index
      %get3A_814 = arith.constant 752 : index
      %get3A_815 = tpu.vector_load %arg4[%get3A_813, %get3A_814] {strides = array<i32>} : memref<48x768xf32, #tpu.memory_space<vmem>>, vector<1x16xf32>,
      %get3A_816 = vector.shape_cast %get3A_815 : vector<1x16xf32> to vector<16xf32>
      %add3A_817 = arith.addf %scan3A_578, %get3A_816 : vector<16xf32>
      scf.yield %add3A_582, %add3A_587, %add3A_592, %add3A_597, %add3A_602, %add3A_607, %add3A_612, %add3A_617, %add3A_622, %add3A_627, %add3A_632, %add3A_637, %add3A_642, %add3A_647, %add3A_652, %add3A_657, %add3A_662, %add3A_667, %add3A_672, %add3A_677, %add3A_682, %add3A_687, %add3A_692, %add3A_697, %add3A_702, %add3A_707, %add3A_712, %add3A_717, %add3A_722, %add3A_727, %add3A_732, %add3A_737, %add3A_742, %add3A_747, %add3A_752, %add3A_757, %add3A_762, %add3A_767, %add3A_772, %add3A_777, %add3A_782, %add3A_787, %add3A_792, %add3A_797, %add3A_802, %add3A_807, %add3A_812, %add3A_817 : vector<16xf32>, vector<16xf32>, vector<16xf32>, vector<16xf32>, vector<16xf32>, vector<16xf32>, vector<16xf32>, vector<16xf32>, vector<16xf32>, vector<16xf32>, vector<16xf32>, vector<16xf32>, vector<16xf32>, vector<16xf32>, vector<16xf32>, vector<16xf32>, vector<16xf32>, vector<16xf32>, vector<16xf32>, vector<16xf32>, vector<16xf32>, vector<16xf32>, vector<16xf32>, vector<16xf32>, vector<16xf32>, vector<16xf32>, vector<16xf32>, vector<16xf32>, vector<16xf32>, vector<16xf32>, vector<16xf32>, vector<16xf32>, vector<16xf32>, vector<16xf32>, vector<16xf32>, vector<16xf32>, vector<16xf32>, vector<16xf32>, vector<16xf32>, vector<16xf32>, vector<16xf32>, vector<16xf32>, vector<16xf32>, vector<16xf32>, vector<16xf32>, vector<16xf32>, vector<16xf32>, vector<16xf32>
    }
    %scan3A_190 = arith.constant 48 : i32
    %add3A_191 = arith.constant 192 : i32
    %add3A_192 = arith.addi %mul3A_32, %add3A_191 : i32
    %dma_start3A_193 = arith.constant 0 : i32
    %dma_start3A_194 = tpu.memref_slice %arg2[%select_n3A, %add3A_192, %dma_start3A_193] : memref<64x576x768xf32, #tpu.memory_space<hbm>> -> memref<1x48x768xf32, #tpu.memory_space<hbm>>
    %dma_start3A_195 = tpu.memref_squeeze %dma_start3A_194 : memref<1x48x768xf32, #tpu.memory_space<hbm>> -> memref<48x768xf32, #tpu.memory_space<hbm>>
    %dma_start3A_196 = arith.constant 0 : i32
    %dma_start3A_197 = tpu.memref_slice %arg2[%select_n3A, %add3A_192, %dma_start3A_196] : memref<64x576x768xf32, #tpu.memory_space<hbm>> -> memref<1x48x768xf32, #tpu.memory_space<hbm>>
    %dma_start3A_198 = tpu.memref_squeeze %dma_start3A_197 : memref<1x48x768xf32, #tpu.memory_space<hbm>> -> memref<48x768xf32, #tpu.memory_space<hbm>>
    tpu.enqueue_dma source(%dma_start3A_198 : memref<48x768xf32, #tpu.memory_space<hbm>>) target(%arg4 : memref<48x768xf32, #tpu.memory_space<vmem>>) target_semaphore(%arg6 : memref<!tpu.dma_semaphore, #tpu.memory_space<semaphore_mem>>)
    %dma_wait3A_199 = arith.constant 0 : i32
    %dma_wait3A_200 = tpu.memref_slice %arg2[%select_n3A, %add3A_172, %dma_wait3A_199] : memref<64x576x768xf32, #tpu.memory_space<hbm>> -> memref<1x48x768xf32, #tpu.memory_space<hbm>>
    %dma_wait3A_201 = tpu.memref_squeeze %dma_wait3A_200 : memref<1x48x768xf32, #tpu.memory_space<hbm>> -> memref<48x768xf32, #tpu.memory_space<hbm>>
    %dma_wait3A_202 = arith.constant 0 : i32
    %dma_wait3A_203 = tpu.memref_slice %arg2[%select_n3A, %add3A_172, %dma_wait3A_202] : memref<64x576x768xf32, #tpu.memory_space<hbm>> -> memref<1x48x768xf32, #tpu.memory_space<hbm>>
    %dma_wait3A_204 = tpu.memref_squeeze %dma_wait3A_203 : memref<1x48x768xf32, #tpu.memory_space<hbm>> -> memref<48x768xf32, #tpu.memory_space<hbm>>
    tpu.wait_dma2 semaphore(%arg7 : memref<!tpu.dma_semaphore, #tpu.memory_space<semaphore_mem>>) src(%dma_wait3A_204 : memref<48x768xf32, #tpu.memory_space<hbm>>) dst(%arg5 : memref<48x768xf32, #tpu.memory_space<vmem>>)
    %scan3A_205 = arith.constant 0 : i32
    %scan3A_206 = arith.constant 48 : i32
    %scan3A_207 = arith.addi %scan3A_205, %scan3A_206 : i32
    %scan3A_208 = arith.constant 1 : i32
    %scan3A_209:48 = scf.for %scan3A_530 = %scan3A_205 to %scan3A_207 step %scan3A_208 iter_args(%scan3A_531 = %scan3A_189#0, %scan3A_532 = %scan3A_189#1, %scan3A_533 = %scan3A_189#2, %scan3A_534 = %scan3A_189#3, %scan3A_535 = %scan3A_189#4, %scan3A_536 = %scan3A_189#5, %scan3A_537 = %scan3A_189#6, %scan3A_538 = %scan3A_189#7, %scan3A_539 = %scan3A_189#8, %scan3A_540 = %scan3A_189#9, %scan3A_541 = %scan3A_189#10, %scan3A_542 = %scan3A_189#11, %scan3A_543 = %scan3A_189#12, %scan3A_544 = %scan3A_189#13, %scan3A_545 = %scan3A_189#14, %scan3A_546 = %scan3A_189#15, %scan3A_547 = %scan3A_189#16, %scan3A_548 = %scan3A_189#17, %scan3A_549 = %scan3A_189#18, %scan3A_550 = %scan3A_189#19, %scan3A_551 = %scan3A_189#20, %scan3A_552 = %scan3A_189#21, %scan3A_553 = %scan3A_189#22, %scan3A_554 = %scan3A_189#23, %scan3A_555 = %scan3A_189#24, %scan3A_556 = %scan3A_189#25, %scan3A_557 = %scan3A_189#26, %scan3A_558 = %scan3A_189#27, %scan3A_559 = %scan3A_189#28, %scan3A_560 = %scan3A_189#29, %scan3A_561 = %scan3A_189#30, %scan3A_562 = %scan3A_189#31, %scan3A_563 = %scan3A_189#32, %scan3A_564 = %scan3A_189#33, %scan3A_565 = %scan3A_189#34, %scan3A_566 = %scan3A_189#35, %scan3A_567 = %scan3A_189#36, %scan3A_568 = %scan3A_189#37, %scan3A_569 = %scan3A_189#38, %scan3A_570 = %scan3A_189#39, %scan3A_571 = %scan3A_189#40, %scan3A_572 = %scan3A_189#41, %scan3A_573 = %scan3A_189#42, %scan3A_574 = %scan3A_189#43, %scan3A_575 = %scan3A_189#44, %scan3A_576 = %scan3A_189#45, %scan3A_577 = %scan3A_189#46, %scan3A_578 = %scan3A_189#47) -> (vector<16xf32>, vector<16xf32>, vector<16xf32>, vector<16xf32>, vector<16xf32>, vector<16xf32>, vector<16xf32>, vector<16xf32>, vector<16xf32>, vector<16xf32>, vector<16xf32>, vector<16xf32>, vector<16xf32>, vector<16xf32>, vector<16xf32>, vector<16xf32>, vector<16xf32>, vector<16xf32>, vector<16xf32>, vector<16xf32>, vector<16xf32>, vector<16xf32>, vector<16xf32>, vector<16xf32>, vector<16xf32>, vector<16xf32>, vector<16xf32>, vector<16xf32>, vector<16xf32>, vector<16xf32>, vector<16xf32>, vector<16xf32>, vector<16xf32>, vector<16xf32>, vector<16xf32>, vector<16xf32>, vector<16xf32>, vector<16xf32>, vector<16xf32>, vector<16xf32>, vector<16xf32>, vector<16xf32>, vector<16xf32>, vector<16xf32>, vector<16xf32>, vector<16xf32>, vector<16xf32>, vector<16xf32>)  : i32 {
      %get3A = arith.index_cast %scan3A_530 : i32 to index
      %get3A_579 = arith.constant 0 : index
      %get3A_580 = tpu.vector_load %arg5[%get3A, %get3A_579] {strides = array<i32>} : memref<48x768xf32, #tpu.memory_space<vmem>>, vector<1x16xf32>,
      %get3A_581 = vector.shape_cast %get3A_580 : vector<1x16xf32> to vector<16xf32>
      %add3A_582 = arith.addf %scan3A_531, %get3A_581 : vector<16xf32>
      %get3A_583 = arith.index_cast %scan3A_530 : i32 to index
      %get3A_584 = arith.constant 16 : index
      %get3A_585 = tpu.vector_load %arg5[%get3A_583, %get3A_584] {strides = array<i32>} : memref<48x768xf32, #tpu.memory_space<vmem>>, vector<1x16xf32>,
      %get3A_586 = vector.shape_cast %get3A_585 : vector<1x16xf32> to vector<16xf32>
      %add3A_587 = arith.addf %scan3A_532, %get3A_586 : vector<16xf32>
      %get3A_588 = arith.index_cast %scan3A_530 : i32 to index
      %get3A_589 = arith.constant 32 : index
      %get3A_590 = tpu.vector_load %arg5[%get3A_588, %get3A_589] {strides = array<i32>} : memref<48x768xf32, #tpu.memory_space<vmem>>, vector<1x16xf32>,
      %get3A_591 = vector.shape_cast %get3A_590 : vector<1x16xf32> to vector<16xf32>
      %add3A_592 = arith.addf %scan3A_533, %get3A_591 : vector<16xf32>
      %get3A_593 = arith.index_cast %scan3A_530 : i32 to index
      %get3A_594 = arith.constant 48 : index
      %get3A_595 = tpu.vector_load %arg5[%get3A_593, %get3A_594] {strides = array<i32>} : memref<48x768xf32, #tpu.memory_space<vmem>>, vector<1x16xf32>,
      %get3A_596 = vector.shape_cast %get3A_595 : vector<1x16xf32> to vector<16xf32>
      %add3A_597 = arith.addf %scan3A_534, %get3A_596 : vector<16xf32>
      %get3A_598 = arith.index_cast %scan3A_530 : i32 to index
      %get3A_599 = arith.constant 64 : index
      %get3A_600 = tpu.vector_load %arg5[%get3A_598, %get3A_599] {strides = array<i32>} : memref<48x768xf32, #tpu.memory_space<vmem>>, vector<1x16xf32>,
      %get3A_601 = vector.shape_cast %get3A_600 : vector<1x16xf32> to vector<16xf32>
      %add3A_602 = arith.addf %scan3A_535, %get3A_601 : vector<16xf32>
      %get3A_603 = arith.index_cast %scan3A_530 : i32 to index
      %get3A_604 = arith.constant 80 : index
      %get3A_605 = tpu.vector_load %arg5[%get3A_603, %get3A_604] {strides = array<i32>} : memref<48x768xf32, #tpu.memory_space<vmem>>, vector<1x16xf32>,
      %get3A_606 = vector.shape_cast %get3A_605 : vector<1x16xf32> to vector<16xf32>
      %add3A_607 = arith.addf %scan3A_536, %get3A_606 : vector<16xf32>
      %get3A_608 = arith.index_cast %scan3A_530 : i32 to index
      %get3A_609 = arith.constant 96 : index
      %get3A_610 = tpu.vector_load %arg5[%get3A_608, %get3A_609] {strides = array<i32>} : memref<48x768xf32, #tpu.memory_space<vmem>>, vector<1x16xf32>,
      %get3A_611 = vector.shape_cast %get3A_610 : vector<1x16xf32> to vector<16xf32>
      %add3A_612 = arith.addf %scan3A_537, %get3A_611 : vector<16xf32>
      %get3A_613 = arith.index_cast %scan3A_530 : i32 to index
      %get3A_614 = arith.constant 112 : index
      %get3A_615 = tpu.vector_load %arg5[%get3A_613, %get3A_614] {strides = array<i32>} : memref<48x768xf32, #tpu.memory_space<vmem>>, vector<1x16xf32>,
      %get3A_616 = vector.shape_cast %get3A_615 : vector<1x16xf32> to vector<16xf32>
      %add3A_617 = arith.addf %scan3A_538, %get3A_616 : vector<16xf32>
      %get3A_618 = arith.index_cast %scan3A_530 : i32 to index
      %get3A_619 = arith.constant 128 : index
      %get3A_620 = tpu.vector_load %arg5[%get3A_618, %get3A_619] {strides = array<i32>} : memref<48x768xf32, #tpu.memory_space<vmem>>, vector<1x16xf32>,
      %get3A_621 = vector.shape_cast %get3A_620 : vector<1x16xf32> to vector<16xf32>
      %add3A_622 = arith.addf %scan3A_539, %get3A_621 : vector<16xf32>
      %get3A_623 = arith.index_cast %scan3A_530 : i32 to index
      %get3A_624 = arith.constant 144 : index
      %get3A_625 = tpu.vector_load %arg5[%get3A_623, %get3A_624] {strides = array<i32>} : memref<48x768xf32, #tpu.memory_space<vmem>>, vector<1x16xf32>,
      %get3A_626 = vector.shape_cast %get3A_625 : vector<1x16xf32> to vector<16xf32>
      %add3A_627 = arith.addf %scan3A_540, %get3A_626 : vector<16xf32>
      %get3A_628 = arith.index_cast %scan3A_530 : i32 to index
      %get3A_629 = arith.constant 160 : index
      %get3A_630 = tpu.vector_load %arg5[%get3A_628, %get3A_629] {strides = array<i32>} : memref<48x768xf32, #tpu.memory_space<vmem>>, vector<1x16xf32>,
      %get3A_631 = vector.shape_cast %get3A_630 : vector<1x16xf32> to vector<16xf32>
      %add3A_632 = arith.addf %scan3A_541, %get3A_631 : vector<16xf32>
      %get3A_633 = arith.index_cast %scan3A_530 : i32 to index
      %get3A_634 = arith.constant 176 : index
      %get3A_635 = tpu.vector_load %arg5[%get3A_633, %get3A_634] {strides = array<i32>} : memref<48x768xf32, #tpu.memory_space<vmem>>, vector<1x16xf32>,
      %get3A_636 = vector.shape_cast %get3A_635 : vector<1x16xf32> to vector<16xf32>
      %add3A_637 = arith.addf %scan3A_542, %get3A_636 : vector<16xf32>
      %get3A_638 = arith.index_cast %scan3A_530 : i32 to index
      %get3A_639 = arith.constant 192 : index
      %get3A_640 = tpu.vector_load %arg5[%get3A_638, %get3A_639] {strides = array<i32>} : memref<48x768xf32, #tpu.memory_space<vmem>>, vector<1x16xf32>,
      %get3A_641 = vector.shape_cast %get3A_640 : vector<1x16xf32> to vector<16xf32>
      %add3A_642 = arith.addf %scan3A_543, %get3A_641 : vector<16xf32>
      %get3A_643 = arith.index_cast %scan3A_530 : i32 to index
      %get3A_644 = arith.constant 208 : index
      %get3A_645 = tpu.vector_load %arg5[%get3A_643, %get3A_644] {strides = array<i32>} : memref<48x768xf32, #tpu.memory_space<vmem>>, vector<1x16xf32>,
      %get3A_646 = vector.shape_cast %get3A_645 : vector<1x16xf32> to vector<16xf32>
      %add3A_647 = arith.addf %scan3A_544, %get3A_646 : vector<16xf32>
      %get3A_648 = arith.index_cast %scan3A_530 : i32 to index
      %get3A_649 = arith.constant 224 : index
      %get3A_650 = tpu.vector_load %arg5[%get3A_648, %get3A_649] {strides = array<i32>} : memref<48x768xf32, #tpu.memory_space<vmem>>, vector<1x16xf32>,
      %get3A_651 = vector.shape_cast %get3A_650 : vector<1x16xf32> to vector<16xf32>
      %add3A_652 = arith.addf %scan3A_545, %get3A_651 : vector<16xf32>
      %get3A_653 = arith.index_cast %scan3A_530 : i32 to index
      %get3A_654 = arith.constant 240 : index
      %get3A_655 = tpu.vector_load %arg5[%get3A_653, %get3A_654] {strides = array<i32>} : memref<48x768xf32, #tpu.memory_space<vmem>>, vector<1x16xf32>,
      %get3A_656 = vector.shape_cast %get3A_655 : vector<1x16xf32> to vector<16xf32>
      %add3A_657 = arith.addf %scan3A_546, %get3A_656 : vector<16xf32>
      %get3A_658 = arith.index_cast %scan3A_530 : i32 to index
      %get3A_659 = arith.constant 256 : index
      %get3A_660 = tpu.vector_load %arg5[%get3A_658, %get3A_659] {strides = array<i32>} : memref<48x768xf32, #tpu.memory_space<vmem>>, vector<1x16xf32>,
      %get3A_661 = vector.shape_cast %get3A_660 : vector<1x16xf32> to vector<16xf32>
      %add3A_662 = arith.addf %scan3A_547, %get3A_661 : vector<16xf32>
      %get3A_663 = arith.index_cast %scan3A_530 : i32 to index
      %get3A_664 = arith.constant 272 : index
      %get3A_665 = tpu.vector_load %arg5[%get3A_663, %get3A_664] {strides = array<i32>} : memref<48x768xf32, #tpu.memory_space<vmem>>, vector<1x16xf32>,
      %get3A_666 = vector.shape_cast %get3A_665 : vector<1x16xf32> to vector<16xf32>
      %add3A_667 = arith.addf %scan3A_548, %get3A_666 : vector<16xf32>
      %get3A_668 = arith.index_cast %scan3A_530 : i32 to index
      %get3A_669 = arith.constant 288 : index
      %get3A_670 = tpu.vector_load %arg5[%get3A_668, %get3A_669] {strides = array<i32>} : memref<48x768xf32, #tpu.memory_space<vmem>>, vector<1x16xf32>,
      %get3A_671 = vector.shape_cast %get3A_670 : vector<1x16xf32> to vector<16xf32>
      %add3A_672 = arith.addf %scan3A_549, %get3A_671 : vector<16xf32>
      %get3A_673 = arith.index_cast %scan3A_530 : i32 to index
      %get3A_674 = arith.constant 304 : index
      %get3A_675 = tpu.vector_load %arg5[%get3A_673, %get3A_674] {strides = array<i32>} : memref<48x768xf32, #tpu.memory_space<vmem>>, vector<1x16xf32>,
      %get3A_676 = vector.shape_cast %get3A_675 : vector<1x16xf32> to vector<16xf32>
      %add3A_677 = arith.addf %scan3A_550, %get3A_676 : vector<16xf32>
      %get3A_678 = arith.index_cast %scan3A_530 : i32 to index
      %get3A_679 = arith.constant 320 : index
      %get3A_680 = tpu.vector_load %arg5[%get3A_678, %get3A_679] {strides = array<i32>} : memref<48x768xf32, #tpu.memory_space<vmem>>, vector<1x16xf32>,
      %get3A_681 = vector.shape_cast %get3A_680 : vector<1x16xf32> to vector<16xf32>
      %add3A_682 = arith.addf %scan3A_551, %get3A_681 : vector<16xf32>
      %get3A_683 = arith.index_cast %scan3A_530 : i32 to index
      %get3A_684 = arith.constant 336 : index
      %get3A_685 = tpu.vector_load %arg5[%get3A_683, %get3A_684] {strides = array<i32>} : memref<48x768xf32, #tpu.memory_space<vmem>>, vector<1x16xf32>,
      %get3A_686 = vector.shape_cast %get3A_685 : vector<1x16xf32> to vector<16xf32>
      %add3A_687 = arith.addf %scan3A_552, %get3A_686 : vector<16xf32>
      %get3A_688 = arith.index_cast %scan3A_530 : i32 to index
      %get3A_689 = arith.constant 352 : index
      %get3A_690 = tpu.vector_load %arg5[%get3A_688, %get3A_689] {strides = array<i32>} : memref<48x768xf32, #tpu.memory_space<vmem>>, vector<1x16xf32>,
      %get3A_691 = vector.shape_cast %get3A_690 : vector<1x16xf32> to vector<16xf32>
      %add3A_692 = arith.addf %scan3A_553, %get3A_691 : vector<16xf32>
      %get3A_693 = arith.index_cast %scan3A_530 : i32 to index
      %get3A_694 = arith.constant 368 : index
      %get3A_695 = tpu.vector_load %arg5[%get3A_693, %get3A_694] {strides = array<i32>} : memref<48x768xf32, #tpu.memory_space<vmem>>, vector<1x16xf32>,
      %get3A_696 = vector.shape_cast %get3A_695 : vector<1x16xf32> to vector<16xf32>
      %add3A_697 = arith.addf %scan3A_554, %get3A_696 : vector<16xf32>
      %get3A_698 = arith.index_cast %scan3A_530 : i32 to index
      %get3A_699 = arith.constant 384 : index
      %get3A_700 = tpu.vector_load %arg5[%get3A_698, %get3A_699] {strides = array<i32>} : memref<48x768xf32, #tpu.memory_space<vmem>>, vector<1x16xf32>,
      %get3A_701 = vector.shape_cast %get3A_700 : vector<1x16xf32> to vector<16xf32>
      %add3A_702 = arith.addf %scan3A_555, %get3A_701 : vector<16xf32>
      %get3A_703 = arith.index_cast %scan3A_530 : i32 to index
      %get3A_704 = arith.constant 400 : index
      %get3A_705 = tpu.vector_load %arg5[%get3A_703, %get3A_704] {strides = array<i32>} : memref<48x768xf32, #tpu.memory_space<vmem>>, vector<1x16xf32>,
      %get3A_706 = vector.shape_cast %get3A_705 : vector<1x16xf32> to vector<16xf32>
      %add3A_707 = arith.addf %scan3A_556, %get3A_706 : vector<16xf32>
      %get3A_708 = arith.index_cast %scan3A_530 : i32 to index
      %get3A_709 = arith.constant 416 : index
      %get3A_710 = tpu.vector_load %arg5[%get3A_708, %get3A_709] {strides = array<i32>} : memref<48x768xf32, #tpu.memory_space<vmem>>, vector<1x16xf32>,
      %get3A_711 = vector.shape_cast %get3A_710 : vector<1x16xf32> to vector<16xf32>
      %add3A_712 = arith.addf %scan3A_557, %get3A_711 : vector<16xf32>
      %get3A_713 = arith.index_cast %scan3A_530 : i32 to index
      %get3A_714 = arith.constant 432 : index
      %get3A_715 = tpu.vector_load %arg5[%get3A_713, %get3A_714] {strides = array<i32>} : memref<48x768xf32, #tpu.memory_space<vmem>>, vector<1x16xf32>,
      %get3A_716 = vector.shape_cast %get3A_715 : vector<1x16xf32> to vector<16xf32>
      %add3A_717 = arith.addf %scan3A_558, %get3A_716 : vector<16xf32>
      %get3A_718 = arith.index_cast %scan3A_530 : i32 to index
      %get3A_719 = arith.constant 448 : index
      %get3A_720 = tpu.vector_load %arg5[%get3A_718, %get3A_719] {strides = array<i32>} : memref<48x768xf32, #tpu.memory_space<vmem>>, vector<1x16xf32>,
      %get3A_721 = vector.shape_cast %get3A_720 : vector<1x16xf32> to vector<16xf32>
      %add3A_722 = arith.addf %scan3A_559, %get3A_721 : vector<16xf32>
      %get3A_723 = arith.index_cast %scan3A_530 : i32 to index
      %get3A_724 = arith.constant 464 : index
      %get3A_725 = tpu.vector_load %arg5[%get3A_723, %get3A_724] {strides = array<i32>} : memref<48x768xf32, #tpu.memory_space<vmem>>, vector<1x16xf32>,
      %get3A_726 = vector.shape_cast %get3A_725 : vector<1x16xf32> to vector<16xf32>
      %add3A_727 = arith.addf %scan3A_560, %get3A_726 : vector<16xf32>
      %get3A_728 = arith.index_cast %scan3A_530 : i32 to index
      %get3A_729 = arith.constant 480 : index
      %get3A_730 = tpu.vector_load %arg5[%get3A_728, %get3A_729] {strides = array<i32>} : memref<48x768xf32, #tpu.memory_space<vmem>>, vector<1x16xf32>,
      %get3A_731 = vector.shape_cast %get3A_730 : vector<1x16xf32> to vector<16xf32>
      %add3A_732 = arith.addf %scan3A_561, %get3A_731 : vector<16xf32>
      %get3A_733 = arith.index_cast %scan3A_530 : i32 to index
      %get3A_734 = arith.constant 496 : index
      %get3A_735 = tpu.vector_load %arg5[%get3A_733, %get3A_734] {strides = array<i32>} : memref<48x768xf32, #tpu.memory_space<vmem>>, vector<1x16xf32>,
      %get3A_736 = vector.shape_cast %get3A_735 : vector<1x16xf32> to vector<16xf32>
      %add3A_737 = arith.addf %scan3A_562, %get3A_736 : vector<16xf32>
      %get3A_738 = arith.index_cast %scan3A_530 : i32 to index
      %get3A_739 = arith.constant 512 : index
      %get3A_740 = tpu.vector_load %arg5[%get3A_738, %get3A_739] {strides = array<i32>} : memref<48x768xf32, #tpu.memory_space<vmem>>, vector<1x16xf32>,
      %get3A_741 = vector.shape_cast %get3A_740 : vector<1x16xf32> to vector<16xf32>
      %add3A_742 = arith.addf %scan3A_563, %get3A_741 : vector<16xf32>
      %get3A_743 = arith.index_cast %scan3A_530 : i32 to index
      %get3A_744 = arith.constant 528 : index
      %get3A_745 = tpu.vector_load %arg5[%get3A_743, %get3A_744] {strides = array<i32>} : memref<48x768xf32, #tpu.memory_space<vmem>>, vector<1x16xf32>,
      %get3A_746 = vector.shape_cast %get3A_745 : vector<1x16xf32> to vector<16xf32>
      %add3A_747 = arith.addf %scan3A_564, %get3A_746 : vector<16xf32>
      %get3A_748 = arith.index_cast %scan3A_530 : i32 to index
      %get3A_749 = arith.constant 544 : index
      %get3A_750 = tpu.vector_load %arg5[%get3A_748, %get3A_749] {strides = array<i32>} : memref<48x768xf32, #tpu.memory_space<vmem>>, vector<1x16xf32>,
      %get3A_751 = vector.shape_cast %get3A_750 : vector<1x16xf32> to vector<16xf32>
      %add3A_752 = arith.addf %scan3A_565, %get3A_751 : vector<16xf32>
      %get3A_753 = arith.index_cast %scan3A_530 : i32 to index
      %get3A_754 = arith.constant 560 : index
      %get3A_755 = tpu.vector_load %arg5[%get3A_753, %get3A_754] {strides = array<i32>} : memref<48x768xf32, #tpu.memory_space<vmem>>, vector<1x16xf32>,
      %get3A_756 = vector.shape_cast %get3A_755 : vector<1x16xf32> to vector<16xf32>
      %add3A_757 = arith.addf %scan3A_566, %get3A_756 : vector<16xf32>
      %get3A_758 = arith.index_cast %scan3A_530 : i32 to index
      %get3A_759 = arith.constant 576 : index
      %get3A_760 = tpu.vector_load %arg5[%get3A_758, %get3A_759] {strides = array<i32>} : memref<48x768xf32, #tpu.memory_space<vmem>>, vector<1x16xf32>,
      %get3A_761 = vector.shape_cast %get3A_760 : vector<1x16xf32> to vector<16xf32>
      %add3A_762 = arith.addf %scan3A_567, %get3A_761 : vector<16xf32>
      %get3A_763 = arith.index_cast %scan3A_530 : i32 to index
      %get3A_764 = arith.constant 592 : index
      %get3A_765 = tpu.vector_load %arg5[%get3A_763, %get3A_764] {strides = array<i32>} : memref<48x768xf32, #tpu.memory_space<vmem>>, vector<1x16xf32>,
      %get3A_766 = vector.shape_cast %get3A_765 : vector<1x16xf32> to vector<16xf32>
      %add3A_767 = arith.addf %scan3A_568, %get3A_766 : vector<16xf32>
      %get3A_768 = arith.index_cast %scan3A_530 : i32 to index
      %get3A_769 = arith.constant 608 : index
      %get3A_770 = tpu.vector_load %arg5[%get3A_768, %get3A_769] {strides = array<i32>} : memref<48x768xf32, #tpu.memory_space<vmem>>, vector<1x16xf32>,
      %get3A_771 = vector.shape_cast %get3A_770 : vector<1x16xf32> to vector<16xf32>
      %add3A_772 = arith.addf %scan3A_569, %get3A_771 : vector<16xf32>
      %get3A_773 = arith.index_cast %scan3A_530 : i32 to index
      %get3A_774 = arith.constant 624 : index
      %get3A_775 = tpu.vector_load %arg5[%get3A_773, %get3A_774] {strides = array<i32>} : memref<48x768xf32, #tpu.memory_space<vmem>>, vector<1x16xf32>,
      %get3A_776 = vector.shape_cast %get3A_775 : vector<1x16xf32> to vector<16xf32>
      %add3A_777 = arith.addf %scan3A_570, %get3A_776 : vector<16xf32>
      %get3A_778 = arith.index_cast %scan3A_530 : i32 to index
      %get3A_779 = arith.constant 640 : index
      %get3A_780 = tpu.vector_load %arg5[%get3A_778, %get3A_779] {strides = array<i32>} : memref<48x768xf32, #tpu.memory_space<vmem>>, vector<1x16xf32>,
      %get3A_781 = vector.shape_cast %get3A_780 : vector<1x16xf32> to vector<16xf32>
      %add3A_782 = arith.addf %scan3A_571, %get3A_781 : vector<16xf32>
      %get3A_783 = arith.index_cast %scan3A_530 : i32 to index
      %get3A_784 = arith.constant 656 : index
      %get3A_785 = tpu.vector_load %arg5[%get3A_783, %get3A_784] {strides = array<i32>} : memref<48x768xf32, #tpu.memory_space<vmem>>, vector<1x16xf32>,
      %get3A_786 = vector.shape_cast %get3A_785 : vector<1x16xf32> to vector<16xf32>
      %add3A_787 = arith.addf %scan3A_572, %get3A_786 : vector<16xf32>
      %get3A_788 = arith.index_cast %scan3A_530 : i32 to index
      %get3A_789 = arith.constant 672 : index
      %get3A_790 = tpu.vector_load %arg5[%get3A_788, %get3A_789] {strides = array<i32>} : memref<48x768xf32, #tpu.memory_space<vmem>>, vector<1x16xf32>,
      %get3A_791 = vector.shape_cast %get3A_790 : vector<1x16xf32> to vector<16xf32>
      %add3A_792 = arith.addf %scan3A_573, %get3A_791 : vector<16xf32>
      %get3A_793 = arith.index_cast %scan3A_530 : i32 to index
      %get3A_794 = arith.constant 688 : index
      %get3A_795 = tpu.vector_load %arg5[%get3A_793, %get3A_794] {strides = array<i32>} : memref<48x768xf32, #tpu.memory_space<vmem>>, vector<1x16xf32>,
      %get3A_796 = vector.shape_cast %get3A_795 : vector<1x16xf32> to vector<16xf32>
      %add3A_797 = arith.addf %scan3A_574, %get3A_796 : vector<16xf32>
      %get3A_798 = arith.index_cast %scan3A_530 : i32 to index
      %get3A_799 = arith.constant 704 : index
      %get3A_800 = tpu.vector_load %arg5[%get3A_798, %get3A_799] {strides = array<i32>} : memref<48x768xf32, #tpu.memory_space<vmem>>, vector<1x16xf32>,
      %get3A_801 = vector.shape_cast %get3A_800 : vector<1x16xf32> to vector<16xf32>
      %add3A_802 = arith.addf %scan3A_575, %get3A_801 : vector<16xf32>
      %get3A_803 = arith.index_cast %scan3A_530 : i32 to index
      %get3A_804 = arith.constant 720 : index
      %get3A_805 = tpu.vector_load %arg5[%get3A_803, %get3A_804] {strides = array<i32>} : memref<48x768xf32, #tpu.memory_space<vmem>>, vector<1x16xf32>,
      %get3A_806 = vector.shape_cast %get3A_805 : vector<1x16xf32> to vector<16xf32>
      %add3A_807 = arith.addf %scan3A_576, %get3A_806 : vector<16xf32>
      %get3A_808 = arith.index_cast %scan3A_530 : i32 to index
      %get3A_809 = arith.constant 736 : index
      %get3A_810 = tpu.vector_load %arg5[%get3A_808, %get3A_809] {strides = array<i32>} : memref<48x768xf32, #tpu.memory_space<vmem>>, vector<1x16xf32>,
      %get3A_811 = vector.shape_cast %get3A_810 : vector<1x16xf32> to vector<16xf32>
      %add3A_812 = arith.addf %scan3A_577, %get3A_811 : vector<16xf32>
      %get3A_813 = arith.index_cast %scan3A_530 : i32 to index
      %get3A_814 = arith.constant 752 : index
      %get3A_815 = tpu.vector_load %arg5[%get3A_813, %get3A_814] {strides = array<i32>} : memref<48x768xf32, #tpu.memory_space<vmem>>, vector<1x16xf32>,
      %get3A_816 = vector.shape_cast %get3A_815 : vector<1x16xf32> to vector<16xf32>
      %add3A_817 = arith.addf %scan3A_578, %get3A_816 : vector<16xf32>
      scf.yield %add3A_582, %add3A_587, %add3A_592, %add3A_597, %add3A_602, %add3A_607, %add3A_612, %add3A_617, %add3A_622, %add3A_627, %add3A_632, %add3A_637, %add3A_642, %add3A_647, %add3A_652, %add3A_657, %add3A_662, %add3A_667, %add3A_672, %add3A_677, %add3A_682, %add3A_687, %add3A_692, %add3A_697, %add3A_702, %add3A_707, %add3A_712, %add3A_717, %add3A_722, %add3A_727, %add3A_732, %add3A_737, %add3A_742, %add3A_747, %add3A_752, %add3A_757, %add3A_762, %add3A_767, %add3A_772, %add3A_777, %add3A_782, %add3A_787, %add3A_792, %add3A_797, %add3A_802, %add3A_807, %add3A_812, %add3A_817 : vector<16xf32>, vector<16xf32>, vector<16xf32>, vector<16xf32>, vector<16xf32>, vector<16xf32>, vector<16xf32>, vector<16xf32>, vector<16xf32>, vector<16xf32>, vector<16xf32>, vector<16xf32>, vector<16xf32>, vector<16xf32>, vector<16xf32>, vector<16xf32>, vector<16xf32>, vector<16xf32>, vector<16xf32>, vector<16xf32>, vector<16xf32>, vector<16xf32>, vector<16xf32>, vector<16xf32>, vector<16xf32>, vector<16xf32>, vector<16xf32>, vector<16xf32>, vector<16xf32>, vector<16xf32>, vector<16xf32>, vector<16xf32>, vector<16xf32>, vector<16xf32>, vector<16xf32>, vector<16xf32>, vector<16xf32>, vector<16xf32>, vector<16xf32>, vector<16xf32>, vector<16xf32>, vector<16xf32>, vector<16xf32>, vector<16xf32>, vector<16xf32>, vector<16xf32>, vector<16xf32>, vector<16xf32>
    }
    %scan3A_210 = arith.constant 48 : i32
    %add3A_211 = arith.constant 240 : i32
    %add3A_212 = arith.addi %mul3A_32, %add3A_211 : i32
    %dma_start3A_213 = arith.constant 0 : i32
    %dma_start3A_214 = tpu.memref_slice %arg2[%select_n3A, %add3A_212, %dma_start3A_213] : memref<64x576x768xf32, #tpu.memory_space<hbm>> -> memref<1x48x768xf32, #tpu.memory_space<hbm>>
    %dma_start3A_215 = tpu.memref_squeeze %dma_start3A_214 : memref<1x48x768xf32, #tpu.memory_space<hbm>> -> memref<48x768xf32, #tpu.memory_space<hbm>>
    %dma_start3A_216 = arith.constant 0 : i32
    %dma_start3A_217 = tpu.memref_slice %arg2[%select_n3A, %add3A_212, %dma_start3A_216] : memref<64x576x768xf32, #tpu.memory_space<hbm>> -> memref<1x48x768xf32, #tpu.memory_space<hbm>>
    %dma_start3A_218 = tpu.memref_squeeze %dma_start3A_217 : memref<1x48x768xf32, #tpu.memory_space<hbm>> -> memref<48x768xf32, #tpu.memory_space<hbm>>
    tpu.enqueue_dma source(%dma_start3A_218 : memref<48x768xf32, #tpu.memory_space<hbm>>) target(%arg5 : memref<48x768xf32, #tpu.memory_space<vmem>>) target_semaphore(%arg7 : memref<!tpu.dma_semaphore, #tpu.memory_space<semaphore_mem>>)
    %dma_wait3A_219 = arith.constant 0 : i32
    %dma_wait3A_220 = tpu.memref_slice %arg2[%select_n3A, %add3A_192, %dma_wait3A_219] : memref<64x576x768xf32, #tpu.memory_space<hbm>> -> memref<1x48x768xf32, #tpu.memory_space<hbm>>
    %dma_wait3A_221 = tpu.memref_squeeze %dma_wait3A_220 : memref<1x48x768xf32, #tpu.memory_space<hbm>> -> memref<48x768xf32, #tpu.memory_space<hbm>>
    %dma_wait3A_222 = arith.constant 0 : i32
    %dma_wait3A_223 = tpu.memref_slice %arg2[%select_n3A, %add3A_192, %dma_wait3A_222] : memref<64x576x768xf32, #tpu.memory_space<hbm>> -> memref<1x48x768xf32, #tpu.memory_space<hbm>>
    %dma_wait3A_224 = tpu.memref_squeeze %dma_wait3A_223 : memref<1x48x768xf32, #tpu.memory_space<hbm>> -> memref<48x768xf32, #tpu.memory_space<hbm>>
    tpu.wait_dma2 semaphore(%arg6 : memref<!tpu.dma_semaphore, #tpu.memory_space<semaphore_mem>>) src(%dma_wait3A_224 : memref<48x768xf32, #tpu.memory_space<hbm>>) dst(%arg4 : memref<48x768xf32, #tpu.memory_space<vmem>>)
    %scan3A_225 = arith.constant 0 : i32
    %scan3A_226 = arith.constant 48 : i32
    %scan3A_227 = arith.addi %scan3A_225, %scan3A_226 : i32
    %scan3A_228 = arith.constant 1 : i32
    %scan3A_229:48 = scf.for %scan3A_530 = %scan3A_225 to %scan3A_227 step %scan3A_228 iter_args(%scan3A_531 = %scan3A_209#0, %scan3A_532 = %scan3A_209#1, %scan3A_533 = %scan3A_209#2, %scan3A_534 = %scan3A_209#3, %scan3A_535 = %scan3A_209#4, %scan3A_536 = %scan3A_209#5, %scan3A_537 = %scan3A_209#6, %scan3A_538 = %scan3A_209#7, %scan3A_539 = %scan3A_209#8, %scan3A_540 = %scan3A_209#9, %scan3A_541 = %scan3A_209#10, %scan3A_542 = %scan3A_209#11, %scan3A_543 = %scan3A_209#12, %scan3A_544 = %scan3A_209#13, %scan3A_545 = %scan3A_209#14, %scan3A_546 = %scan3A_209#15, %scan3A_547 = %scan3A_209#16, %scan3A_548 = %scan3A_209#17, %scan3A_549 = %scan3A_209#18, %scan3A_550 = %scan3A_209#19, %scan3A_551 = %scan3A_209#20, %scan3A_552 = %scan3A_209#21, %scan3A_553 = %scan3A_209#22, %scan3A_554 = %scan3A_209#23, %scan3A_555 = %scan3A_209#24, %scan3A_556 = %scan3A_209#25, %scan3A_557 = %scan3A_209#26, %scan3A_558 = %scan3A_209#27, %scan3A_559 = %scan3A_209#28, %scan3A_560 = %scan3A_209#29, %scan3A_561 = %scan3A_209#30, %scan3A_562 = %scan3A_209#31, %scan3A_563 = %scan3A_209#32, %scan3A_564 = %scan3A_209#33, %scan3A_565 = %scan3A_209#34, %scan3A_566 = %scan3A_209#35, %scan3A_567 = %scan3A_209#36, %scan3A_568 = %scan3A_209#37, %scan3A_569 = %scan3A_209#38, %scan3A_570 = %scan3A_209#39, %scan3A_571 = %scan3A_209#40, %scan3A_572 = %scan3A_209#41, %scan3A_573 = %scan3A_209#42, %scan3A_574 = %scan3A_209#43, %scan3A_575 = %scan3A_209#44, %scan3A_576 = %scan3A_209#45, %scan3A_577 = %scan3A_209#46, %scan3A_578 = %scan3A_209#47) -> (vector<16xf32>, vector<16xf32>, vector<16xf32>, vector<16xf32>, vector<16xf32>, vector<16xf32>, vector<16xf32>, vector<16xf32>, vector<16xf32>, vector<16xf32>, vector<16xf32>, vector<16xf32>, vector<16xf32>, vector<16xf32>, vector<16xf32>, vector<16xf32>, vector<16xf32>, vector<16xf32>, vector<16xf32>, vector<16xf32>, vector<16xf32>, vector<16xf32>, vector<16xf32>, vector<16xf32>, vector<16xf32>, vector<16xf32>, vector<16xf32>, vector<16xf32>, vector<16xf32>, vector<16xf32>, vector<16xf32>, vector<16xf32>, vector<16xf32>, vector<16xf32>, vector<16xf32>, vector<16xf32>, vector<16xf32>, vector<16xf32>, vector<16xf32>, vector<16xf32>, vector<16xf32>, vector<16xf32>, vector<16xf32>, vector<16xf32>, vector<16xf32>, vector<16xf32>, vector<16xf32>, vector<16xf32>)  : i32 {
      %get3A = arith.index_cast %scan3A_530 : i32 to index
      %get3A_579 = arith.constant 0 : index
      %get3A_580 = tpu.vector_load %arg4[%get3A, %get3A_579] {strides = array<i32>} : memref<48x768xf32, #tpu.memory_space<vmem>>, vector<1x16xf32>,
      %get3A_581 = vector.shape_cast %get3A_580 : vector<1x16xf32> to vector<16xf32>
      %add3A_582 = arith.addf %scan3A_531, %get3A_581 : vector<16xf32>
      %get3A_583 = arith.index_cast %scan3A_530 : i32 to index
      %get3A_584 = arith.constant 16 : index
      %get3A_585 = tpu.vector_load %arg4[%get3A_583, %get3A_584] {strides = array<i32>} : memref<48x768xf32, #tpu.memory_space<vmem>>, vector<1x16xf32>,
      %get3A_586 = vector.shape_cast %get3A_585 : vector<1x16xf32> to vector<16xf32>
      %add3A_587 = arith.addf %scan3A_532, %get3A_586 : vector<16xf32>
      %get3A_588 = arith.index_cast %scan3A_530 : i32 to index
      %get3A_589 = arith.constant 32 : index
      %get3A_590 = tpu.vector_load %arg4[%get3A_588, %get3A_589] {strides = array<i32>} : memref<48x768xf32, #tpu.memory_space<vmem>>, vector<1x16xf32>,
      %get3A_591 = vector.shape_cast %get3A_590 : vector<1x16xf32> to vector<16xf32>
      %add3A_592 = arith.addf %scan3A_533, %get3A_591 : vector<16xf32>
      %get3A_593 = arith.index_cast %scan3A_530 : i32 to index
      %get3A_594 = arith.constant 48 : index
      %get3A_595 = tpu.vector_load %arg4[%get3A_593, %get3A_594] {strides = array<i32>} : memref<48x768xf32, #tpu.memory_space<vmem>>, vector<1x16xf32>,
      %get3A_596 = vector.shape_cast %get3A_595 : vector<1x16xf32> to vector<16xf32>
      %add3A_597 = arith.addf %scan3A_534, %get3A_596 : vector<16xf32>
      %get3A_598 = arith.index_cast %scan3A_530 : i32 to index
      %get3A_599 = arith.constant 64 : index
      %get3A_600 = tpu.vector_load %arg4[%get3A_598, %get3A_599] {strides = array<i32>} : memref<48x768xf32, #tpu.memory_space<vmem>>, vector<1x16xf32>,
      %get3A_601 = vector.shape_cast %get3A_600 : vector<1x16xf32> to vector<16xf32>
      %add3A_602 = arith.addf %scan3A_535, %get3A_601 : vector<16xf32>
      %get3A_603 = arith.index_cast %scan3A_530 : i32 to index
      %get3A_604 = arith.constant 80 : index
      %get3A_605 = tpu.vector_load %arg4[%get3A_603, %get3A_604] {strides = array<i32>} : memref<48x768xf32, #tpu.memory_space<vmem>>, vector<1x16xf32>,
      %get3A_606 = vector.shape_cast %get3A_605 : vector<1x16xf32> to vector<16xf32>
      %add3A_607 = arith.addf %scan3A_536, %get3A_606 : vector<16xf32>
      %get3A_608 = arith.index_cast %scan3A_530 : i32 to index
      %get3A_609 = arith.constant 96 : index
      %get3A_610 = tpu.vector_load %arg4[%get3A_608, %get3A_609] {strides = array<i32>} : memref<48x768xf32, #tpu.memory_space<vmem>>, vector<1x16xf32>,
      %get3A_611 = vector.shape_cast %get3A_610 : vector<1x16xf32> to vector<16xf32>
      %add3A_612 = arith.addf %scan3A_537, %get3A_611 : vector<16xf32>
      %get3A_613 = arith.index_cast %scan3A_530 : i32 to index
      %get3A_614 = arith.constant 112 : index
      %get3A_615 = tpu.vector_load %arg4[%get3A_613, %get3A_614] {strides = array<i32>} : memref<48x768xf32, #tpu.memory_space<vmem>>, vector<1x16xf32>,
      %get3A_616 = vector.shape_cast %get3A_615 : vector<1x16xf32> to vector<16xf32>
      %add3A_617 = arith.addf %scan3A_538, %get3A_616 : vector<16xf32>
      %get3A_618 = arith.index_cast %scan3A_530 : i32 to index
      %get3A_619 = arith.constant 128 : index
      %get3A_620 = tpu.vector_load %arg4[%get3A_618, %get3A_619] {strides = array<i32>} : memref<48x768xf32, #tpu.memory_space<vmem>>, vector<1x16xf32>,
      %get3A_621 = vector.shape_cast %get3A_620 : vector<1x16xf32> to vector<16xf32>
      %add3A_622 = arith.addf %scan3A_539, %get3A_621 : vector<16xf32>
      %get3A_623 = arith.index_cast %scan3A_530 : i32 to index
      %get3A_624 = arith.constant 144 : index
      %get3A_625 = tpu.vector_load %arg4[%get3A_623, %get3A_624] {strides = array<i32>} : memref<48x768xf32, #tpu.memory_space<vmem>>, vector<1x16xf32>,
      %get3A_626 = vector.shape_cast %get3A_625 : vector<1x16xf32> to vector<16xf32>
      %add3A_627 = arith.addf %scan3A_540, %get3A_626 : vector<16xf32>
      %get3A_628 = arith.index_cast %scan3A_530 : i32 to index
      %get3A_629 = arith.constant 160 : index
      %get3A_630 = tpu.vector_load %arg4[%get3A_628, %get3A_629] {strides = array<i32>} : memref<48x768xf32, #tpu.memory_space<vmem>>, vector<1x16xf32>,
      %get3A_631 = vector.shape_cast %get3A_630 : vector<1x16xf32> to vector<16xf32>
      %add3A_632 = arith.addf %scan3A_541, %get3A_631 : vector<16xf32>
      %get3A_633 = arith.index_cast %scan3A_530 : i32 to index
      %get3A_634 = arith.constant 176 : index
      %get3A_635 = tpu.vector_load %arg4[%get3A_633, %get3A_634] {strides = array<i32>} : memref<48x768xf32, #tpu.memory_space<vmem>>, vector<1x16xf32>,
      %get3A_636 = vector.shape_cast %get3A_635 : vector<1x16xf32> to vector<16xf32>
      %add3A_637 = arith.addf %scan3A_542, %get3A_636 : vector<16xf32>
      %get3A_638 = arith.index_cast %scan3A_530 : i32 to index
      %get3A_639 = arith.constant 192 : index
      %get3A_640 = tpu.vector_load %arg4[%get3A_638, %get3A_639] {strides = array<i32>} : memref<48x768xf32, #tpu.memory_space<vmem>>, vector<1x16xf32>,
      %get3A_641 = vector.shape_cast %get3A_640 : vector<1x16xf32> to vector<16xf32>
      %add3A_642 = arith.addf %scan3A_543, %get3A_641 : vector<16xf32>
      %get3A_643 = arith.index_cast %scan3A_530 : i32 to index
      %get3A_644 = arith.constant 208 : index
      %get3A_645 = tpu.vector_load %arg4[%get3A_643, %get3A_644] {strides = array<i32>} : memref<48x768xf32, #tpu.memory_space<vmem>>, vector<1x16xf32>,
      %get3A_646 = vector.shape_cast %get3A_645 : vector<1x16xf32> to vector<16xf32>
      %add3A_647 = arith.addf %scan3A_544, %get3A_646 : vector<16xf32>
      %get3A_648 = arith.index_cast %scan3A_530 : i32 to index
      %get3A_649 = arith.constant 224 : index
      %get3A_650 = tpu.vector_load %arg4[%get3A_648, %get3A_649] {strides = array<i32>} : memref<48x768xf32, #tpu.memory_space<vmem>>, vector<1x16xf32>,
      %get3A_651 = vector.shape_cast %get3A_650 : vector<1x16xf32> to vector<16xf32>
      %add3A_652 = arith.addf %scan3A_545, %get3A_651 : vector<16xf32>
      %get3A_653 = arith.index_cast %scan3A_530 : i32 to index
      %get3A_654 = arith.constant 240 : index
      %get3A_655 = tpu.vector_load %arg4[%get3A_653, %get3A_654] {strides = array<i32>} : memref<48x768xf32, #tpu.memory_space<vmem>>, vector<1x16xf32>,
      %get3A_656 = vector.shape_cast %get3A_655 : vector<1x16xf32> to vector<16xf32>
      %add3A_657 = arith.addf %scan3A_546, %get3A_656 : vector<16xf32>
      %get3A_658 = arith.index_cast %scan3A_530 : i32 to index
      %get3A_659 = arith.constant 256 : index
      %get3A_660 = tpu.vector_load %arg4[%get3A_658, %get3A_659] {strides = array<i32>} : memref<48x768xf32, #tpu.memory_space<vmem>>, vector<1x16xf32>,
      %get3A_661 = vector.shape_cast %get3A_660 : vector<1x16xf32> to vector<16xf32>
      %add3A_662 = arith.addf %scan3A_547, %get3A_661 : vector<16xf32>
      %get3A_663 = arith.index_cast %scan3A_530 : i32 to index
      %get3A_664 = arith.constant 272 : index
      %get3A_665 = tpu.vector_load %arg4[%get3A_663, %get3A_664] {strides = array<i32>} : memref<48x768xf32, #tpu.memory_space<vmem>>, vector<1x16xf32>,
      %get3A_666 = vector.shape_cast %get3A_665 : vector<1x16xf32> to vector<16xf32>
      %add3A_667 = arith.addf %scan3A_548, %get3A_666 : vector<16xf32>
      %get3A_668 = arith.index_cast %scan3A_530 : i32 to index
      %get3A_669 = arith.constant 288 : index
      %get3A_670 = tpu.vector_load %arg4[%get3A_668, %get3A_669] {strides = array<i32>} : memref<48x768xf32, #tpu.memory_space<vmem>>, vector<1x16xf32>,
      %get3A_671 = vector.shape_cast %get3A_670 : vector<1x16xf32> to vector<16xf32>
      %add3A_672 = arith.addf %scan3A_549, %get3A_671 : vector<16xf32>
      %get3A_673 = arith.index_cast %scan3A_530 : i32 to index
      %get3A_674 = arith.constant 304 : index
      %get3A_675 = tpu.vector_load %arg4[%get3A_673, %get3A_674] {strides = array<i32>} : memref<48x768xf32, #tpu.memory_space<vmem>>, vector<1x16xf32>,
      %get3A_676 = vector.shape_cast %get3A_675 : vector<1x16xf32> to vector<16xf32>
      %add3A_677 = arith.addf %scan3A_550, %get3A_676 : vector<16xf32>
      %get3A_678 = arith.index_cast %scan3A_530 : i32 to index
      %get3A_679 = arith.constant 320 : index
      %get3A_680 = tpu.vector_load %arg4[%get3A_678, %get3A_679] {strides = array<i32>} : memref<48x768xf32, #tpu.memory_space<vmem>>, vector<1x16xf32>,
      %get3A_681 = vector.shape_cast %get3A_680 : vector<1x16xf32> to vector<16xf32>
      %add3A_682 = arith.addf %scan3A_551, %get3A_681 : vector<16xf32>
      %get3A_683 = arith.index_cast %scan3A_530 : i32 to index
      %get3A_684 = arith.constant 336 : index
      %get3A_685 = tpu.vector_load %arg4[%get3A_683, %get3A_684] {strides = array<i32>} : memref<48x768xf32, #tpu.memory_space<vmem>>, vector<1x16xf32>,
      %get3A_686 = vector.shape_cast %get3A_685 : vector<1x16xf32> to vector<16xf32>
      %add3A_687 = arith.addf %scan3A_552, %get3A_686 : vector<16xf32>
      %get3A_688 = arith.index_cast %scan3A_530 : i32 to index
      %get3A_689 = arith.constant 352 : index
      %get3A_690 = tpu.vector_load %arg4[%get3A_688, %get3A_689] {strides = array<i32>} : memref<48x768xf32, #tpu.memory_space<vmem>>, vector<1x16xf32>,
      %get3A_691 = vector.shape_cast %get3A_690 : vector<1x16xf32> to vector<16xf32>
      %add3A_692 = arith.addf %scan3A_553, %get3A_691 : vector<16xf32>
      %get3A_693 = arith.index_cast %scan3A_530 : i32 to index
      %get3A_694 = arith.constant 368 : index
      %get3A_695 = tpu.vector_load %arg4[%get3A_693, %get3A_694] {strides = array<i32>} : memref<48x768xf32, #tpu.memory_space<vmem>>, vector<1x16xf32>,
      %get3A_696 = vector.shape_cast %get3A_695 : vector<1x16xf32> to vector<16xf32>
      %add3A_697 = arith.addf %scan3A_554, %get3A_696 : vector<16xf32>
      %get3A_698 = arith.index_cast %scan3A_530 : i32 to index
      %get3A_699 = arith.constant 384 : index
      %get3A_700 = tpu.vector_load %arg4[%get3A_698, %get3A_699] {strides = array<i32>} : memref<48x768xf32, #tpu.memory_space<vmem>>, vector<1x16xf32>,
      %get3A_701 = vector.shape_cast %get3A_700 : vector<1x16xf32> to vector<16xf32>
      %add3A_702 = arith.addf %scan3A_555, %get3A_701 : vector<16xf32>
      %get3A_703 = arith.index_cast %scan3A_530 : i32 to index
      %get3A_704 = arith.constant 400 : index
      %get3A_705 = tpu.vector_load %arg4[%get3A_703, %get3A_704] {strides = array<i32>} : memref<48x768xf32, #tpu.memory_space<vmem>>, vector<1x16xf32>,
      %get3A_706 = vector.shape_cast %get3A_705 : vector<1x16xf32> to vector<16xf32>
      %add3A_707 = arith.addf %scan3A_556, %get3A_706 : vector<16xf32>
      %get3A_708 = arith.index_cast %scan3A_530 : i32 to index
      %get3A_709 = arith.constant 416 : index
      %get3A_710 = tpu.vector_load %arg4[%get3A_708, %get3A_709] {strides = array<i32>} : memref<48x768xf32, #tpu.memory_space<vmem>>, vector<1x16xf32>,
      %get3A_711 = vector.shape_cast %get3A_710 : vector<1x16xf32> to vector<16xf32>
      %add3A_712 = arith.addf %scan3A_557, %get3A_711 : vector<16xf32>
      %get3A_713 = arith.index_cast %scan3A_530 : i32 to index
      %get3A_714 = arith.constant 432 : index
      %get3A_715 = tpu.vector_load %arg4[%get3A_713, %get3A_714] {strides = array<i32>} : memref<48x768xf32, #tpu.memory_space<vmem>>, vector<1x16xf32>,
      %get3A_716 = vector.shape_cast %get3A_715 : vector<1x16xf32> to vector<16xf32>
      %add3A_717 = arith.addf %scan3A_558, %get3A_716 : vector<16xf32>
      %get3A_718 = arith.index_cast %scan3A_530 : i32 to index
      %get3A_719 = arith.constant 448 : index
      %get3A_720 = tpu.vector_load %arg4[%get3A_718, %get3A_719] {strides = array<i32>} : memref<48x768xf32, #tpu.memory_space<vmem>>, vector<1x16xf32>,
      %get3A_721 = vector.shape_cast %get3A_720 : vector<1x16xf32> to vector<16xf32>
      %add3A_722 = arith.addf %scan3A_559, %get3A_721 : vector<16xf32>
      %get3A_723 = arith.index_cast %scan3A_530 : i32 to index
      %get3A_724 = arith.constant 464 : index
      %get3A_725 = tpu.vector_load %arg4[%get3A_723, %get3A_724] {strides = array<i32>} : memref<48x768xf32, #tpu.memory_space<vmem>>, vector<1x16xf32>,
      %get3A_726 = vector.shape_cast %get3A_725 : vector<1x16xf32> to vector<16xf32>
      %add3A_727 = arith.addf %scan3A_560, %get3A_726 : vector<16xf32>
      %get3A_728 = arith.index_cast %scan3A_530 : i32 to index
      %get3A_729 = arith.constant 480 : index
      %get3A_730 = tpu.vector_load %arg4[%get3A_728, %get3A_729] {strides = array<i32>} : memref<48x768xf32, #tpu.memory_space<vmem>>, vector<1x16xf32>,
      %get3A_731 = vector.shape_cast %get3A_730 : vector<1x16xf32> to vector<16xf32>
      %add3A_732 = arith.addf %scan3A_561, %get3A_731 : vector<16xf32>
      %get3A_733 = arith.index_cast %scan3A_530 : i32 to index
      %get3A_734 = arith.constant 496 : index
      %get3A_735 = tpu.vector_load %arg4[%get3A_733, %get3A_734] {strides = array<i32>} : memref<48x768xf32, #tpu.memory_space<vmem>>, vector<1x16xf32>,
      %get3A_736 = vector.shape_cast %get3A_735 : vector<1x16xf32> to vector<16xf32>
      %add3A_737 = arith.addf %scan3A_562, %get3A_736 : vector<16xf32>
      %get3A_738 = arith.index_cast %scan3A_530 : i32 to index
      %get3A_739 = arith.constant 512 : index
      %get3A_740 = tpu.vector_load %arg4[%get3A_738, %get3A_739] {strides = array<i32>} : memref<48x768xf32, #tpu.memory_space<vmem>>, vector<1x16xf32>,
      %get3A_741 = vector.shape_cast %get3A_740 : vector<1x16xf32> to vector<16xf32>
      %add3A_742 = arith.addf %scan3A_563, %get3A_741 : vector<16xf32>
      %get3A_743 = arith.index_cast %scan3A_530 : i32 to index
      %get3A_744 = arith.constant 528 : index
      %get3A_745 = tpu.vector_load %arg4[%get3A_743, %get3A_744] {strides = array<i32>} : memref<48x768xf32, #tpu.memory_space<vmem>>, vector<1x16xf32>,
      %get3A_746 = vector.shape_cast %get3A_745 : vector<1x16xf32> to vector<16xf32>
      %add3A_747 = arith.addf %scan3A_564, %get3A_746 : vector<16xf32>
      %get3A_748 = arith.index_cast %scan3A_530 : i32 to index
      %get3A_749 = arith.constant 544 : index
      %get3A_750 = tpu.vector_load %arg4[%get3A_748, %get3A_749] {strides = array<i32>} : memref<48x768xf32, #tpu.memory_space<vmem>>, vector<1x16xf32>,
      %get3A_751 = vector.shape_cast %get3A_750 : vector<1x16xf32> to vector<16xf32>
      %add3A_752 = arith.addf %scan3A_565, %get3A_751 : vector<16xf32>
      %get3A_753 = arith.index_cast %scan3A_530 : i32 to index
      %get3A_754 = arith.constant 560 : index
      %get3A_755 = tpu.vector_load %arg4[%get3A_753, %get3A_754] {strides = array<i32>} : memref<48x768xf32, #tpu.memory_space<vmem>>, vector<1x16xf32>,
      %get3A_756 = vector.shape_cast %get3A_755 : vector<1x16xf32> to vector<16xf32>
      %add3A_757 = arith.addf %scan3A_566, %get3A_756 : vector<16xf32>
      %get3A_758 = arith.index_cast %scan3A_530 : i32 to index
      %get3A_759 = arith.constant 576 : index
      %get3A_760 = tpu.vector_load %arg4[%get3A_758, %get3A_759] {strides = array<i32>} : memref<48x768xf32, #tpu.memory_space<vmem>>, vector<1x16xf32>,
      %get3A_761 = vector.shape_cast %get3A_760 : vector<1x16xf32> to vector<16xf32>
      %add3A_762 = arith.addf %scan3A_567, %get3A_761 : vector<16xf32>
      %get3A_763 = arith.index_cast %scan3A_530 : i32 to index
      %get3A_764 = arith.constant 592 : index
      %get3A_765 = tpu.vector_load %arg4[%get3A_763, %get3A_764] {strides = array<i32>} : memref<48x768xf32, #tpu.memory_space<vmem>>, vector<1x16xf32>,
      %get3A_766 = vector.shape_cast %get3A_765 : vector<1x16xf32> to vector<16xf32>
      %add3A_767 = arith.addf %scan3A_568, %get3A_766 : vector<16xf32>
      %get3A_768 = arith.index_cast %scan3A_530 : i32 to index
      %get3A_769 = arith.constant 608 : index
      %get3A_770 = tpu.vector_load %arg4[%get3A_768, %get3A_769] {strides = array<i32>} : memref<48x768xf32, #tpu.memory_space<vmem>>, vector<1x16xf32>,
      %get3A_771 = vector.shape_cast %get3A_770 : vector<1x16xf32> to vector<16xf32>
      %add3A_772 = arith.addf %scan3A_569, %get3A_771 : vector<16xf32>
      %get3A_773 = arith.index_cast %scan3A_530 : i32 to index
      %get3A_774 = arith.constant 624 : index
      %get3A_775 = tpu.vector_load %arg4[%get3A_773, %get3A_774] {strides = array<i32>} : memref<48x768xf32, #tpu.memory_space<vmem>>, vector<1x16xf32>,
      %get3A_776 = vector.shape_cast %get3A_775 : vector<1x16xf32> to vector<16xf32>
      %add3A_777 = arith.addf %scan3A_570, %get3A_776 : vector<16xf32>
      %get3A_778 = arith.index_cast %scan3A_530 : i32 to index
      %get3A_779 = arith.constant 640 : index
      %get3A_780 = tpu.vector_load %arg4[%get3A_778, %get3A_779] {strides = array<i32>} : memref<48x768xf32, #tpu.memory_space<vmem>>, vector<1x16xf32>,
      %get3A_781 = vector.shape_cast %get3A_780 : vector<1x16xf32> to vector<16xf32>
      %add3A_782 = arith.addf %scan3A_571, %get3A_781 : vector<16xf32>
      %get3A_783 = arith.index_cast %scan3A_530 : i32 to index
      %get3A_784 = arith.constant 656 : index
      %get3A_785 = tpu.vector_load %arg4[%get3A_783, %get3A_784] {strides = array<i32>} : memref<48x768xf32, #tpu.memory_space<vmem>>, vector<1x16xf32>,
      %get3A_786 = vector.shape_cast %get3A_785 : vector<1x16xf32> to vector<16xf32>
      %add3A_787 = arith.addf %scan3A_572, %get3A_786 : vector<16xf32>
      %get3A_788 = arith.index_cast %scan3A_530 : i32 to index
      %get3A_789 = arith.constant 672 : index
      %get3A_790 = tpu.vector_load %arg4[%get3A_788, %get3A_789] {strides = array<i32>} : memref<48x768xf32, #tpu.memory_space<vmem>>, vector<1x16xf32>,
      %get3A_791 = vector.shape_cast %get3A_790 : vector<1x16xf32> to vector<16xf32>
      %add3A_792 = arith.addf %scan3A_573, %get3A_791 : vector<16xf32>
      %get3A_793 = arith.index_cast %scan3A_530 : i32 to index
      %get3A_794 = arith.constant 688 : index
      %get3A_795 = tpu.vector_load %arg4[%get3A_793, %get3A_794] {strides = array<i32>} : memref<48x768xf32, #tpu.memory_space<vmem>>, vector<1x16xf32>,
      %get3A_796 = vector.shape_cast %get3A_795 : vector<1x16xf32> to vector<16xf32>
      %add3A_797 = arith.addf %scan3A_574, %get3A_796 : vector<16xf32>
      %get3A_798 = arith.index_cast %scan3A_530 : i32 to index
      %get3A_799 = arith.constant 704 : index
      %get3A_800 = tpu.vector_load %arg4[%get3A_798, %get3A_799] {strides = array<i32>} : memref<48x768xf32, #tpu.memory_space<vmem>>, vector<1x16xf32>,
      %get3A_801 = vector.shape_cast %get3A_800 : vector<1x16xf32> to vector<16xf32>
      %add3A_802 = arith.addf %scan3A_575, %get3A_801 : vector<16xf32>
      %get3A_803 = arith.index_cast %scan3A_530 : i32 to index
      %get3A_804 = arith.constant 720 : index
      %get3A_805 = tpu.vector_load %arg4[%get3A_803, %get3A_804] {strides = array<i32>} : memref<48x768xf32, #tpu.memory_space<vmem>>, vector<1x16xf32>,
      %get3A_806 = vector.shape_cast %get3A_805 : vector<1x16xf32> to vector<16xf32>
      %add3A_807 = arith.addf %scan3A_576, %get3A_806 : vector<16xf32>
      %get3A_808 = arith.index_cast %scan3A_530 : i32 to index
      %get3A_809 = arith.constant 736 : index
      %get3A_810 = tpu.vector_load %arg4[%get3A_808, %get3A_809] {strides = array<i32>} : memref<48x768xf32, #tpu.memory_space<vmem>>, vector<1x16xf32>,
      %get3A_811 = vector.shape_cast %get3A_810 : vector<1x16xf32> to vector<16xf32>
      %add3A_812 = arith.addf %scan3A_577, %get3A_811 : vector<16xf32>
      %get3A_813 = arith.index_cast %scan3A_530 : i32 to index
      %get3A_814 = arith.constant 752 : index
      %get3A_815 = tpu.vector_load %arg4[%get3A_813, %get3A_814] {strides = array<i32>} : memref<48x768xf32, #tpu.memory_space<vmem>>, vector<1x16xf32>,
      %get3A_816 = vector.shape_cast %get3A_815 : vector<1x16xf32> to vector<16xf32>
      %add3A_817 = arith.addf %scan3A_578, %get3A_816 : vector<16xf32>
      scf.yield %add3A_582, %add3A_587, %add3A_592, %add3A_597, %add3A_602, %add3A_607, %add3A_612, %add3A_617, %add3A_622, %add3A_627, %add3A_632, %add3A_637, %add3A_642, %add3A_647, %add3A_652, %add3A_657, %add3A_662, %add3A_667, %add3A_672, %add3A_677, %add3A_682, %add3A_687, %add3A_692, %add3A_697, %add3A_702, %add3A_707, %add3A_712, %add3A_717, %add3A_722, %add3A_727, %add3A_732, %add3A_737, %add3A_742, %add3A_747, %add3A_752, %add3A_757, %add3A_762, %add3A_767, %add3A_772, %add3A_777, %add3A_782, %add3A_787, %add3A_792, %add3A_797, %add3A_802, %add3A_807, %add3A_812, %add3A_817 : vector<16xf32>, vector<16xf32>, vector<16xf32>, vector<16xf32>, vector<16xf32>, vector<16xf32>, vector<16xf32>, vector<16xf32>, vector<16xf32>, vector<16xf32>, vector<16xf32>, vector<16xf32>, vector<16xf32>, vector<16xf32>, vector<16xf32>, vector<16xf32>, vector<16xf32>, vector<16xf32>, vector<16xf32>, vector<16xf32>, vector<16xf32>, vector<16xf32>, vector<16xf32>, vector<16xf32>, vector<16xf32>, vector<16xf32>, vector<16xf32>, vector<16xf32>, vector<16xf32>, vector<16xf32>, vector<16xf32>, vector<16xf32>, vector<16xf32>, vector<16xf32>, vector<16xf32>, vector<16xf32>, vector<16xf32>, vector<16xf32>, vector<16xf32>, vector<16xf32>, vector<16xf32>, vector<16xf32>, vector<16xf32>, vector<16xf32>, vector<16xf32>, vector<16xf32>, vector<16xf32>, vector<16xf32>
    }
    %scan3A_230 = arith.constant 48 : i32
    %dma_wait3A_231 = arith.constant 0 : i32
    %dma_wait3A_232 = tpu.memref_slice %arg2[%select_n3A, %add3A_212, %dma_wait3A_231] : memref<64x576x768xf32, #tpu.memory_space<hbm>> -> memref<1x48x768xf32, #tpu.memory_space<hbm>>
    %dma_wait3A_233 = tpu.memref_squeeze %dma_wait3A_232 : memref<1x48x768xf32, #tpu.memory_space<hbm>> -> memref<48x768xf32, #tpu.memory_space<hbm>>
    %dma_wait3A_234 = arith.constant 0 : i32
    %dma_wait3A_235 = tpu.memref_slice %arg2[%select_n3A, %add3A_212, %dma_wait3A_234] : memref<64x576x768xf32, #tpu.memory_space<hbm>> -> memref<1x48x768xf32, #tpu.memory_space<hbm>>
    %dma_wait3A_236 = tpu.memref_squeeze %dma_wait3A_235 : memref<1x48x768xf32, #tpu.memory_space<hbm>> -> memref<48x768xf32, #tpu.memory_space<hbm>>
    tpu.wait_dma2 semaphore(%arg7 : memref<!tpu.dma_semaphore, #tpu.memory_space<semaphore_mem>>) src(%dma_wait3A_236 : memref<48x768xf32, #tpu.memory_space<hbm>>) dst(%arg5 : memref<48x768xf32, #tpu.memory_space<vmem>>)
    %scan3A_237 = arith.constant 0 : i32
    %scan3A_238 = arith.constant 48 : i32
    %scan3A_239 = arith.addi %scan3A_237, %scan3A_238 : i32
    %scan3A_240 = arith.constant 1 : i32
    %scan3A_241:48 = scf.for %scan3A_530 = %scan3A_237 to %scan3A_239 step %scan3A_240 iter_args(%scan3A_531 = %scan3A_229#0, %scan3A_532 = %scan3A_229#1, %scan3A_533 = %scan3A_229#2, %scan3A_534 = %scan3A_229#3, %scan3A_535 = %scan3A_229#4, %scan3A_536 = %scan3A_229#5, %scan3A_537 = %scan3A_229#6, %scan3A_538 = %scan3A_229#7, %scan3A_539 = %scan3A_229#8, %scan3A_540 = %scan3A_229#9, %scan3A_541 = %scan3A_229#10, %scan3A_542 = %scan3A_229#11, %scan3A_543 = %scan3A_229#12, %scan3A_544 = %scan3A_229#13, %scan3A_545 = %scan3A_229#14, %scan3A_546 = %scan3A_229#15, %scan3A_547 = %scan3A_229#16, %scan3A_548 = %scan3A_229#17, %scan3A_549 = %scan3A_229#18, %scan3A_550 = %scan3A_229#19, %scan3A_551 = %scan3A_229#20, %scan3A_552 = %scan3A_229#21, %scan3A_553 = %scan3A_229#22, %scan3A_554 = %scan3A_229#23, %scan3A_555 = %scan3A_229#24, %scan3A_556 = %scan3A_229#25, %scan3A_557 = %scan3A_229#26, %scan3A_558 = %scan3A_229#27, %scan3A_559 = %scan3A_229#28, %scan3A_560 = %scan3A_229#29, %scan3A_561 = %scan3A_229#30, %scan3A_562 = %scan3A_229#31, %scan3A_563 = %scan3A_229#32, %scan3A_564 = %scan3A_229#33, %scan3A_565 = %scan3A_229#34, %scan3A_566 = %scan3A_229#35, %scan3A_567 = %scan3A_229#36, %scan3A_568 = %scan3A_229#37, %scan3A_569 = %scan3A_229#38, %scan3A_570 = %scan3A_229#39, %scan3A_571 = %scan3A_229#40, %scan3A_572 = %scan3A_229#41, %scan3A_573 = %scan3A_229#42, %scan3A_574 = %scan3A_229#43, %scan3A_575 = %scan3A_229#44, %scan3A_576 = %scan3A_229#45, %scan3A_577 = %scan3A_229#46, %scan3A_578 = %scan3A_229#47) -> (vector<16xf32>, vector<16xf32>, vector<16xf32>, vector<16xf32>, vector<16xf32>, vector<16xf32>, vector<16xf32>, vector<16xf32>, vector<16xf32>, vector<16xf32>, vector<16xf32>, vector<16xf32>, vector<16xf32>, vector<16xf32>, vector<16xf32>, vector<16xf32>, vector<16xf32>, vector<16xf32>, vector<16xf32>, vector<16xf32>, vector<16xf32>, vector<16xf32>, vector<16xf32>, vector<16xf32>, vector<16xf32>, vector<16xf32>, vector<16xf32>, vector<16xf32>, vector<16xf32>, vector<16xf32>, vector<16xf32>, vector<16xf32>, vector<16xf32>, vector<16xf32>, vector<16xf32>, vector<16xf32>, vector<16xf32>, vector<16xf32>, vector<16xf32>, vector<16xf32>, vector<16xf32>, vector<16xf32>, vector<16xf32>, vector<16xf32>, vector<16xf32>, vector<16xf32>, vector<16xf32>, vector<16xf32>)  : i32 {
      %get3A = arith.index_cast %scan3A_530 : i32 to index
      %get3A_579 = arith.constant 0 : index
      %get3A_580 = tpu.vector_load %arg5[%get3A, %get3A_579] {strides = array<i32>} : memref<48x768xf32, #tpu.memory_space<vmem>>, vector<1x16xf32>,
      %get3A_581 = vector.shape_cast %get3A_580 : vector<1x16xf32> to vector<16xf32>
      %add3A_582 = arith.addf %scan3A_531, %get3A_581 : vector<16xf32>
      %get3A_583 = arith.index_cast %scan3A_530 : i32 to index
      %get3A_584 = arith.constant 16 : index
      %get3A_585 = tpu.vector_load %arg5[%get3A_583, %get3A_584] {strides = array<i32>} : memref<48x768xf32, #tpu.memory_space<vmem>>, vector<1x16xf32>,
      %get3A_586 = vector.shape_cast %get3A_585 : vector<1x16xf32> to vector<16xf32>
      %add3A_587 = arith.addf %scan3A_532, %get3A_586 : vector<16xf32>
      %get3A_588 = arith.index_cast %scan3A_530 : i32 to index
      %get3A_589 = arith.constant 32 : index
      %get3A_590 = tpu.vector_load %arg5[%get3A_588, %get3A_589] {strides = array<i32>} : memref<48x768xf32, #tpu.memory_space<vmem>>, vector<1x16xf32>,
      %get3A_591 = vector.shape_cast %get3A_590 : vector<1x16xf32> to vector<16xf32>
      %add3A_592 = arith.addf %scan3A_533, %get3A_591 : vector<16xf32>
      %get3A_593 = arith.index_cast %scan3A_530 : i32 to index
      %get3A_594 = arith.constant 48 : index
      %get3A_595 = tpu.vector_load %arg5[%get3A_593, %get3A_594] {strides = array<i32>} : memref<48x768xf32, #tpu.memory_space<vmem>>, vector<1x16xf32>,
      %get3A_596 = vector.shape_cast %get3A_595 : vector<1x16xf32> to vector<16xf32>
      %add3A_597 = arith.addf %scan3A_534, %get3A_596 : vector<16xf32>
      %get3A_598 = arith.index_cast %scan3A_530 : i32 to index
      %get3A_599 = arith.constant 64 : index
      %get3A_600 = tpu.vector_load %arg5[%get3A_598, %get3A_599] {strides = array<i32>} : memref<48x768xf32, #tpu.memory_space<vmem>>, vector<1x16xf32>,
      %get3A_601 = vector.shape_cast %get3A_600 : vector<1x16xf32> to vector<16xf32>
      %add3A_602 = arith.addf %scan3A_535, %get3A_601 : vector<16xf32>
      %get3A_603 = arith.index_cast %scan3A_530 : i32 to index
      %get3A_604 = arith.constant 80 : index
      %get3A_605 = tpu.vector_load %arg5[%get3A_603, %get3A_604] {strides = array<i32>} : memref<48x768xf32, #tpu.memory_space<vmem>>, vector<1x16xf32>,
      %get3A_606 = vector.shape_cast %get3A_605 : vector<1x16xf32> to vector<16xf32>
      %add3A_607 = arith.addf %scan3A_536, %get3A_606 : vector<16xf32>
      %get3A_608 = arith.index_cast %scan3A_530 : i32 to index
      %get3A_609 = arith.constant 96 : index
      %get3A_610 = tpu.vector_load %arg5[%get3A_608, %get3A_609] {strides = array<i32>} : memref<48x768xf32, #tpu.memory_space<vmem>>, vector<1x16xf32>,
      %get3A_611 = vector.shape_cast %get3A_610 : vector<1x16xf32> to vector<16xf32>
      %add3A_612 = arith.addf %scan3A_537, %get3A_611 : vector<16xf32>
      %get3A_613 = arith.index_cast %scan3A_530 : i32 to index
      %get3A_614 = arith.constant 112 : index
      %get3A_615 = tpu.vector_load %arg5[%get3A_613, %get3A_614] {strides = array<i32>} : memref<48x768xf32, #tpu.memory_space<vmem>>, vector<1x16xf32>,
      %get3A_616 = vector.shape_cast %get3A_615 : vector<1x16xf32> to vector<16xf32>
      %add3A_617 = arith.addf %scan3A_538, %get3A_616 : vector<16xf32>
      %get3A_618 = arith.index_cast %scan3A_530 : i32 to index
      %get3A_619 = arith.constant 128 : index
      %get3A_620 = tpu.vector_load %arg5[%get3A_618, %get3A_619] {strides = array<i32>} : memref<48x768xf32, #tpu.memory_space<vmem>>, vector<1x16xf32>,
      %get3A_621 = vector.shape_cast %get3A_620 : vector<1x16xf32> to vector<16xf32>
      %add3A_622 = arith.addf %scan3A_539, %get3A_621 : vector<16xf32>
      %get3A_623 = arith.index_cast %scan3A_530 : i32 to index
      %get3A_624 = arith.constant 144 : index
      %get3A_625 = tpu.vector_load %arg5[%get3A_623, %get3A_624] {strides = array<i32>} : memref<48x768xf32, #tpu.memory_space<vmem>>, vector<1x16xf32>,
      %get3A_626 = vector.shape_cast %get3A_625 : vector<1x16xf32> to vector<16xf32>
      %add3A_627 = arith.addf %scan3A_540, %get3A_626 : vector<16xf32>
      %get3A_628 = arith.index_cast %scan3A_530 : i32 to index
      %get3A_629 = arith.constant 160 : index
      %get3A_630 = tpu.vector_load %arg5[%get3A_628, %get3A_629] {strides = array<i32>} : memref<48x768xf32, #tpu.memory_space<vmem>>, vector<1x16xf32>,
      %get3A_631 = vector.shape_cast %get3A_630 : vector<1x16xf32> to vector<16xf32>
      %add3A_632 = arith.addf %scan3A_541, %get3A_631 : vector<16xf32>
      %get3A_633 = arith.index_cast %scan3A_530 : i32 to index
      %get3A_634 = arith.constant 176 : index
      %get3A_635 = tpu.vector_load %arg5[%get3A_633, %get3A_634] {strides = array<i32>} : memref<48x768xf32, #tpu.memory_space<vmem>>, vector<1x16xf32>,
      %get3A_636 = vector.shape_cast %get3A_635 : vector<1x16xf32> to vector<16xf32>
      %add3A_637 = arith.addf %scan3A_542, %get3A_636 : vector<16xf32>
      %get3A_638 = arith.index_cast %scan3A_530 : i32 to index
      %get3A_639 = arith.constant 192 : index
      %get3A_640 = tpu.vector_load %arg5[%get3A_638, %get3A_639] {strides = array<i32>} : memref<48x768xf32, #tpu.memory_space<vmem>>, vector<1x16xf32>,
      %get3A_641 = vector.shape_cast %get3A_640 : vector<1x16xf32> to vector<16xf32>
      %add3A_642 = arith.addf %scan3A_543, %get3A_641 : vector<16xf32>
      %get3A_643 = arith.index_cast %scan3A_530 : i32 to index
      %get3A_644 = arith.constant 208 : index
      %get3A_645 = tpu.vector_load %arg5[%get3A_643, %get3A_644] {strides = array<i32>} : memref<48x768xf32, #tpu.memory_space<vmem>>, vector<1x16xf32>,
      %get3A_646 = vector.shape_cast %get3A_645 : vector<1x16xf32> to vector<16xf32>
      %add3A_647 = arith.addf %scan3A_544, %get3A_646 : vector<16xf32>
      %get3A_648 = arith.index_cast %scan3A_530 : i32 to index
      %get3A_649 = arith.constant 224 : index
      %get3A_650 = tpu.vector_load %arg5[%get3A_648, %get3A_649] {strides = array<i32>} : memref<48x768xf32, #tpu.memory_space<vmem>>, vector<1x16xf32>,
      %get3A_651 = vector.shape_cast %get3A_650 : vector<1x16xf32> to vector<16xf32>
      %add3A_652 = arith.addf %scan3A_545, %get3A_651 : vector<16xf32>
      %get3A_653 = arith.index_cast %scan3A_530 : i32 to index
      %get3A_654 = arith.constant 240 : index
      %get3A_655 = tpu.vector_load %arg5[%get3A_653, %get3A_654] {strides = array<i32>} : memref<48x768xf32, #tpu.memory_space<vmem>>, vector<1x16xf32>,
      %get3A_656 = vector.shape_cast %get3A_655 : vector<1x16xf32> to vector<16xf32>
      %add3A_657 = arith.addf %scan3A_546, %get3A_656 : vector<16xf32>
      %get3A_658 = arith.index_cast %scan3A_530 : i32 to index
      %get3A_659 = arith.constant 256 : index
      %get3A_660 = tpu.vector_load %arg5[%get3A_658, %get3A_659] {strides = array<i32>} : memref<48x768xf32, #tpu.memory_space<vmem>>, vector<1x16xf32>,
      %get3A_661 = vector.shape_cast %get3A_660 : vector<1x16xf32> to vector<16xf32>
      %add3A_662 = arith.addf %scan3A_547, %get3A_661 : vector<16xf32>
      %get3A_663 = arith.index_cast %scan3A_530 : i32 to index
      %get3A_664 = arith.constant 272 : index
      %get3A_665 = tpu.vector_load %arg5[%get3A_663, %get3A_664] {strides = array<i32>} : memref<48x768xf32, #tpu.memory_space<vmem>>, vector<1x16xf32>,
      %get3A_666 = vector.shape_cast %get3A_665 : vector<1x16xf32> to vector<16xf32>
      %add3A_667 = arith.addf %scan3A_548, %get3A_666 : vector<16xf32>
      %get3A_668 = arith.index_cast %scan3A_530 : i32 to index
      %get3A_669 = arith.constant 288 : index
      %get3A_670 = tpu.vector_load %arg5[%get3A_668, %get3A_669] {strides = array<i32>} : memref<48x768xf32, #tpu.memory_space<vmem>>, vector<1x16xf32>,
      %get3A_671 = vector.shape_cast %get3A_670 : vector<1x16xf32> to vector<16xf32>
      %add3A_672 = arith.addf %scan3A_549, %get3A_671 : vector<16xf32>
      %get3A_673 = arith.index_cast %scan3A_530 : i32 to index
      %get3A_674 = arith.constant 304 : index
      %get3A_675 = tpu.vector_load %arg5[%get3A_673, %get3A_674] {strides = array<i32>} : memref<48x768xf32, #tpu.memory_space<vmem>>, vector<1x16xf32>,
      %get3A_676 = vector.shape_cast %get3A_675 : vector<1x16xf32> to vector<16xf32>
      %add3A_677 = arith.addf %scan3A_550, %get3A_676 : vector<16xf32>
      %get3A_678 = arith.index_cast %scan3A_530 : i32 to index
      %get3A_679 = arith.constant 320 : index
      %get3A_680 = tpu.vector_load %arg5[%get3A_678, %get3A_679] {strides = array<i32>} : memref<48x768xf32, #tpu.memory_space<vmem>>, vector<1x16xf32>,
      %get3A_681 = vector.shape_cast %get3A_680 : vector<1x16xf32> to vector<16xf32>
      %add3A_682 = arith.addf %scan3A_551, %get3A_681 : vector<16xf32>
      %get3A_683 = arith.index_cast %scan3A_530 : i32 to index
      %get3A_684 = arith.constant 336 : index
      %get3A_685 = tpu.vector_load %arg5[%get3A_683, %get3A_684] {strides = array<i32>} : memref<48x768xf32, #tpu.memory_space<vmem>>, vector<1x16xf32>,
      %get3A_686 = vector.shape_cast %get3A_685 : vector<1x16xf32> to vector<16xf32>
      %add3A_687 = arith.addf %scan3A_552, %get3A_686 : vector<16xf32>
      %get3A_688 = arith.index_cast %scan3A_530 : i32 to index
      %get3A_689 = arith.constant 352 : index
      %get3A_690 = tpu.vector_load %arg5[%get3A_688, %get3A_689] {strides = array<i32>} : memref<48x768xf32, #tpu.memory_space<vmem>>, vector<1x16xf32>,
      %get3A_691 = vector.shape_cast %get3A_690 : vector<1x16xf32> to vector<16xf32>
      %add3A_692 = arith.addf %scan3A_553, %get3A_691 : vector<16xf32>
      %get3A_693 = arith.index_cast %scan3A_530 : i32 to index
      %get3A_694 = arith.constant 368 : index
      %get3A_695 = tpu.vector_load %arg5[%get3A_693, %get3A_694] {strides = array<i32>} : memref<48x768xf32, #tpu.memory_space<vmem>>, vector<1x16xf32>,
      %get3A_696 = vector.shape_cast %get3A_695 : vector<1x16xf32> to vector<16xf32>
      %add3A_697 = arith.addf %scan3A_554, %get3A_696 : vector<16xf32>
      %get3A_698 = arith.index_cast %scan3A_530 : i32 to index
      %get3A_699 = arith.constant 384 : index
      %get3A_700 = tpu.vector_load %arg5[%get3A_698, %get3A_699] {strides = array<i32>} : memref<48x768xf32, #tpu.memory_space<vmem>>, vector<1x16xf32>,
      %get3A_701 = vector.shape_cast %get3A_700 : vector<1x16xf32> to vector<16xf32>
      %add3A_702 = arith.addf %scan3A_555, %get3A_701 : vector<16xf32>
      %get3A_703 = arith.index_cast %scan3A_530 : i32 to index
      %get3A_704 = arith.constant 400 : index
      %get3A_705 = tpu.vector_load %arg5[%get3A_703, %get3A_704] {strides = array<i32>} : memref<48x768xf32, #tpu.memory_space<vmem>>, vector<1x16xf32>,
      %get3A_706 = vector.shape_cast %get3A_705 : vector<1x16xf32> to vector<16xf32>
      %add3A_707 = arith.addf %scan3A_556, %get3A_706 : vector<16xf32>
      %get3A_708 = arith.index_cast %scan3A_530 : i32 to index
      %get3A_709 = arith.constant 416 : index
      %get3A_710 = tpu.vector_load %arg5[%get3A_708, %get3A_709] {strides = array<i32>} : memref<48x768xf32, #tpu.memory_space<vmem>>, vector<1x16xf32>,
      %get3A_711 = vector.shape_cast %get3A_710 : vector<1x16xf32> to vector<16xf32>
      %add3A_712 = arith.addf %scan3A_557, %get3A_711 : vector<16xf32>
      %get3A_713 = arith.index_cast %scan3A_530 : i32 to index
      %get3A_714 = arith.constant 432 : index
      %get3A_715 = tpu.vector_load %arg5[%get3A_713, %get3A_714] {strides = array<i32>} : memref<48x768xf32, #tpu.memory_space<vmem>>, vector<1x16xf32>,
      %get3A_716 = vector.shape_cast %get3A_715 : vector<1x16xf32> to vector<16xf32>
      %add3A_717 = arith.addf %scan3A_558, %get3A_716 : vector<16xf32>
      %get3A_718 = arith.index_cast %scan3A_530 : i32 to index
      %get3A_719 = arith.constant 448 : index
      %get3A_720 = tpu.vector_load %arg5[%get3A_718, %get3A_719] {strides = array<i32>} : memref<48x768xf32, #tpu.memory_space<vmem>>, vector<1x16xf32>,
      %get3A_721 = vector.shape_cast %get3A_720 : vector<1x16xf32> to vector<16xf32>
      %add3A_722 = arith.addf %scan3A_559, %get3A_721 : vector<16xf32>
      %get3A_723 = arith.index_cast %scan3A_530 : i32 to index
      %get3A_724 = arith.constant 464 : index
      %get3A_725 = tpu.vector_load %arg5[%get3A_723, %get3A_724] {strides = array<i32>} : memref<48x768xf32, #tpu.memory_space<vmem>>, vector<1x16xf32>,
      %get3A_726 = vector.shape_cast %get3A_725 : vector<1x16xf32> to vector<16xf32>
      %add3A_727 = arith.addf %scan3A_560, %get3A_726 : vector<16xf32>
      %get3A_728 = arith.index_cast %scan3A_530 : i32 to index
      %get3A_729 = arith.constant 480 : index
      %get3A_730 = tpu.vector_load %arg5[%get3A_728, %get3A_729] {strides = array<i32>} : memref<48x768xf32, #tpu.memory_space<vmem>>, vector<1x16xf32>,
      %get3A_731 = vector.shape_cast %get3A_730 : vector<1x16xf32> to vector<16xf32>
      %add3A_732 = arith.addf %scan3A_561, %get3A_731 : vector<16xf32>
      %get3A_733 = arith.index_cast %scan3A_530 : i32 to index
      %get3A_734 = arith.constant 496 : index
      %get3A_735 = tpu.vector_load %arg5[%get3A_733, %get3A_734] {strides = array<i32>} : memref<48x768xf32, #tpu.memory_space<vmem>>, vector<1x16xf32>,
      %get3A_736 = vector.shape_cast %get3A_735 : vector<1x16xf32> to vector<16xf32>
      %add3A_737 = arith.addf %scan3A_562, %get3A_736 : vector<16xf32>
      %get3A_738 = arith.index_cast %scan3A_530 : i32 to index
      %get3A_739 = arith.constant 512 : index
      %get3A_740 = tpu.vector_load %arg5[%get3A_738, %get3A_739] {strides = array<i32>} : memref<48x768xf32, #tpu.memory_space<vmem>>, vector<1x16xf32>,
      %get3A_741 = vector.shape_cast %get3A_740 : vector<1x16xf32> to vector<16xf32>
      %add3A_742 = arith.addf %scan3A_563, %get3A_741 : vector<16xf32>
      %get3A_743 = arith.index_cast %scan3A_530 : i32 to index
      %get3A_744 = arith.constant 528 : index
      %get3A_745 = tpu.vector_load %arg5[%get3A_743, %get3A_744] {strides = array<i32>} : memref<48x768xf32, #tpu.memory_space<vmem>>, vector<1x16xf32>,
      %get3A_746 = vector.shape_cast %get3A_745 : vector<1x16xf32> to vector<16xf32>
      %add3A_747 = arith.addf %scan3A_564, %get3A_746 : vector<16xf32>
      %get3A_748 = arith.index_cast %scan3A_530 : i32 to index
      %get3A_749 = arith.constant 544 : index
      %get3A_750 = tpu.vector_load %arg5[%get3A_748, %get3A_749] {strides = array<i32>} : memref<48x768xf32, #tpu.memory_space<vmem>>, vector<1x16xf32>,
      %get3A_751 = vector.shape_cast %get3A_750 : vector<1x16xf32> to vector<16xf32>
      %add3A_752 = arith.addf %scan3A_565, %get3A_751 : vector<16xf32>
      %get3A_753 = arith.index_cast %scan3A_530 : i32 to index
      %get3A_754 = arith.constant 560 : index
      %get3A_755 = tpu.vector_load %arg5[%get3A_753, %get3A_754] {strides = array<i32>} : memref<48x768xf32, #tpu.memory_space<vmem>>, vector<1x16xf32>,
      %get3A_756 = vector.shape_cast %get3A_755 : vector<1x16xf32> to vector<16xf32>
      %add3A_757 = arith.addf %scan3A_566, %get3A_756 : vector<16xf32>
      %get3A_758 = arith.index_cast %scan3A_530 : i32 to index
      %get3A_759 = arith.constant 576 : index
      %get3A_760 = tpu.vector_load %arg5[%get3A_758, %get3A_759] {strides = array<i32>} : memref<48x768xf32, #tpu.memory_space<vmem>>, vector<1x16xf32>,
      %get3A_761 = vector.shape_cast %get3A_760 : vector<1x16xf32> to vector<16xf32>
      %add3A_762 = arith.addf %scan3A_567, %get3A_761 : vector<16xf32>
      %get3A_763 = arith.index_cast %scan3A_530 : i32 to index
      %get3A_764 = arith.constant 592 : index
      %get3A_765 = tpu.vector_load %arg5[%get3A_763, %get3A_764] {strides = array<i32>} : memref<48x768xf32, #tpu.memory_space<vmem>>, vector<1x16xf32>,
      %get3A_766 = vector.shape_cast %get3A_765 : vector<1x16xf32> to vector<16xf32>
      %add3A_767 = arith.addf %scan3A_568, %get3A_766 : vector<16xf32>
      %get3A_768 = arith.index_cast %scan3A_530 : i32 to index
      %get3A_769 = arith.constant 608 : index
      %get3A_770 = tpu.vector_load %arg5[%get3A_768, %get3A_769] {strides = array<i32>} : memref<48x768xf32, #tpu.memory_space<vmem>>, vector<1x16xf32>,
      %get3A_771 = vector.shape_cast %get3A_770 : vector<1x16xf32> to vector<16xf32>
      %add3A_772 = arith.addf %scan3A_569, %get3A_771 : vector<16xf32>
      %get3A_773 = arith.index_cast %scan3A_530 : i32 to index
      %get3A_774 = arith.constant 624 : index
      %get3A_775 = tpu.vector_load %arg5[%get3A_773, %get3A_774] {strides = array<i32>} : memref<48x768xf32, #tpu.memory_space<vmem>>, vector<1x16xf32>,
      %get3A_776 = vector.shape_cast %get3A_775 : vector<1x16xf32> to vector<16xf32>
      %add3A_777 = arith.addf %scan3A_570, %get3A_776 : vector<16xf32>
      %get3A_778 = arith.index_cast %scan3A_530 : i32 to index
      %get3A_779 = arith.constant 640 : index
      %get3A_780 = tpu.vector_load %arg5[%get3A_778, %get3A_779] {strides = array<i32>} : memref<48x768xf32, #tpu.memory_space<vmem>>, vector<1x16xf32>,
      %get3A_781 = vector.shape_cast %get3A_780 : vector<1x16xf32> to vector<16xf32>
      %add3A_782 = arith.addf %scan3A_571, %get3A_781 : vector<16xf32>
      %get3A_783 = arith.index_cast %scan3A_530 : i32 to index
      %get3A_784 = arith.constant 656 : index
      %get3A_785 = tpu.vector_load %arg5[%get3A_783, %get3A_784] {strides = array<i32>} : memref<48x768xf32, #tpu.memory_space<vmem>>, vector<1x16xf32>,
      %get3A_786 = vector.shape_cast %get3A_785 : vector<1x16xf32> to vector<16xf32>
      %add3A_787 = arith.addf %scan3A_572, %get3A_786 : vector<16xf32>
      %get3A_788 = arith.index_cast %scan3A_530 : i32 to index
      %get3A_789 = arith.constant 672 : index
      %get3A_790 = tpu.vector_load %arg5[%get3A_788, %get3A_789] {strides = array<i32>} : memref<48x768xf32, #tpu.memory_space<vmem>>, vector<1x16xf32>,
      %get3A_791 = vector.shape_cast %get3A_790 : vector<1x16xf32> to vector<16xf32>
      %add3A_792 = arith.addf %scan3A_573, %get3A_791 : vector<16xf32>
      %get3A_793 = arith.index_cast %scan3A_530 : i32 to index
      %get3A_794 = arith.constant 688 : index
      %get3A_795 = tpu.vector_load %arg5[%get3A_793, %get3A_794] {strides = array<i32>} : memref<48x768xf32, #tpu.memory_space<vmem>>, vector<1x16xf32>,
      %get3A_796 = vector.shape_cast %get3A_795 : vector<1x16xf32> to vector<16xf32>
      %add3A_797 = arith.addf %scan3A_574, %get3A_796 : vector<16xf32>
      %get3A_798 = arith.index_cast %scan3A_530 : i32 to index
      %get3A_799 = arith.constant 704 : index
      %get3A_800 = tpu.vector_load %arg5[%get3A_798, %get3A_799] {strides = array<i32>} : memref<48x768xf32, #tpu.memory_space<vmem>>, vector<1x16xf32>,
      %get3A_801 = vector.shape_cast %get3A_800 : vector<1x16xf32> to vector<16xf32>
      %add3A_802 = arith.addf %scan3A_575, %get3A_801 : vector<16xf32>
      %get3A_803 = arith.index_cast %scan3A_530 : i32 to index
      %get3A_804 = arith.constant 720 : index
      %get3A_805 = tpu.vector_load %arg5[%get3A_803, %get3A_804] {strides = array<i32>} : memref<48x768xf32, #tpu.memory_space<vmem>>, vector<1x16xf32>,
      %get3A_806 = vector.shape_cast %get3A_805 : vector<1x16xf32> to vector<16xf32>
      %add3A_807 = arith.addf %scan3A_576, %get3A_806 : vector<16xf32>
      %get3A_808 = arith.index_cast %scan3A_530 : i32 to index
      %get3A_809 = arith.constant 736 : index
      %get3A_810 = tpu.vector_load %arg5[%get3A_808, %get3A_809] {strides = array<i32>} : memref<48x768xf32, #tpu.memory_space<vmem>>, vector<1x16xf32>,
      %get3A_811 = vector.shape_cast %get3A_810 : vector<1x16xf32> to vector<16xf32>
      %add3A_812 = arith.addf %scan3A_577, %get3A_811 : vector<16xf32>
      %get3A_813 = arith.index_cast %scan3A_530 : i32 to index
      %get3A_814 = arith.constant 752 : index
      %get3A_815 = tpu.vector_load %arg5[%get3A_813, %get3A_814] {strides = array<i32>} : memref<48x768xf32, #tpu.memory_space<vmem>>, vector<1x16xf32>,
      %get3A_816 = vector.shape_cast %get3A_815 : vector<1x16xf32> to vector<16xf32>
      %add3A_817 = arith.addf %scan3A_578, %get3A_816 : vector<16xf32>
      scf.yield %add3A_582, %add3A_587, %add3A_592, %add3A_597, %add3A_602, %add3A_607, %add3A_612, %add3A_617, %add3A_622, %add3A_627, %add3A_632, %add3A_637, %add3A_642, %add3A_647, %add3A_652, %add3A_657, %add3A_662, %add3A_667, %add3A_672, %add3A_677, %add3A_682, %add3A_687, %add3A_692, %add3A_697, %add3A_702, %add3A_707, %add3A_712, %add3A_717, %add3A_722, %add3A_727, %add3A_732, %add3A_737, %add3A_742, %add3A_747, %add3A_752, %add3A_757, %add3A_762, %add3A_767, %add3A_772, %add3A_777, %add3A_782, %add3A_787, %add3A_792, %add3A_797, %add3A_802, %add3A_807, %add3A_812, %add3A_817 : vector<16xf32>, vector<16xf32>, vector<16xf32>, vector<16xf32>, vector<16xf32>, vector<16xf32>, vector<16xf32>, vector<16xf32>, vector<16xf32>, vector<16xf32>, vector<16xf32>, vector<16xf32>, vector<16xf32>, vector<16xf32>, vector<16xf32>, vector<16xf32>, vector<16xf32>, vector<16xf32>, vector<16xf32>, vector<16xf32>, vector<16xf32>, vector<16xf32>, vector<16xf32>, vector<16xf32>, vector<16xf32>, vector<16xf32>, vector<16xf32>, vector<16xf32>, vector<16xf32>, vector<16xf32>, vector<16xf32>, vector<16xf32>, vector<16xf32>, vector<16xf32>, vector<16xf32>, vector<16xf32>, vector<16xf32>, vector<16xf32>, vector<16xf32>, vector<16xf32>, vector<16xf32>, vector<16xf32>, vector<16xf32>, vector<16xf32>, vector<16xf32>, vector<16xf32>, vector<16xf32>, vector<16xf32>
    }
    %scan3A_242 = arith.constant 48 : i32
    %swap3A = arith.constant 0 : i32
    %swap3A_243 = arith.index_cast %swap3A : i32 to index
    %swap3A_244 = arith.constant 0 : index
    %swap3A_245 = tpu.vector_load %arg4[%swap3A_243, %swap3A_244] {strides = array<i32>} : memref<48x768xf32, #tpu.memory_space<vmem>>, vector<1x16xf32>,
    %swap3A_246 = vector.shape_cast %swap3A_245 : vector<1x16xf32> to vector<16xf32>
    %swap3A_247 = vector.shape_cast %scan3A_241#0 : vector<16xf32> to vector<1x16xf32>
    tpu.vector_store %arg4[%swap3A_243, %swap3A_244], %swap3A_247 {strides = array<i32>} : memref<48x768xf32, #tpu.memory_space<vmem>>, vector<1x16xf32>,
    %swap3A_248 = arith.constant 0 : i32
    %swap3A_249 = arith.index_cast %swap3A_248 : i32 to index
    %swap3A_250 = arith.constant 16 : index
    %swap3A_251 = tpu.vector_load %arg4[%swap3A_249, %swap3A_250] {strides = array<i32>} : memref<48x768xf32, #tpu.memory_space<vmem>>, vector<1x16xf32>,
    %swap3A_252 = vector.shape_cast %swap3A_251 : vector<1x16xf32> to vector<16xf32>
    %swap3A_253 = vector.shape_cast %scan3A_241#1 : vector<16xf32> to vector<1x16xf32>
    tpu.vector_store %arg4[%swap3A_249, %swap3A_250], %swap3A_253 {strides = array<i32>} : memref<48x768xf32, #tpu.memory_space<vmem>>, vector<1x16xf32>,
    %swap3A_254 = arith.constant 0 : i32
    %swap3A_255 = arith.index_cast %swap3A_254 : i32 to index
    %swap3A_256 = arith.constant 32 : index
    %swap3A_257 = tpu.vector_load %arg4[%swap3A_255, %swap3A_256] {strides = array<i32>} : memref<48x768xf32, #tpu.memory_space<vmem>>, vector<1x16xf32>,
    %swap3A_258 = vector.shape_cast %swap3A_257 : vector<1x16xf32> to vector<16xf32>
    %swap3A_259 = vector.shape_cast %scan3A_241#2 : vector<16xf32> to vector<1x16xf32>
    tpu.vector_store %arg4[%swap3A_255, %swap3A_256], %swap3A_259 {strides = array<i32>} : memref<48x768xf32, #tpu.memory_space<vmem>>, vector<1x16xf32>,
    %swap3A_260 = arith.constant 0 : i32
    %swap3A_261 = arith.index_cast %swap3A_260 : i32 to index
    %swap3A_262 = arith.constant 48 : index
    %swap3A_263 = tpu.vector_load %arg4[%swap3A_261, %swap3A_262] {strides = array<i32>} : memref<48x768xf32, #tpu.memory_space<vmem>>, vector<1x16xf32>,
    %swap3A_264 = vector.shape_cast %swap3A_263 : vector<1x16xf32> to vector<16xf32>
    %swap3A_265 = vector.shape_cast %scan3A_241#3 : vector<16xf32> to vector<1x16xf32>
    tpu.vector_store %arg4[%swap3A_261, %swap3A_262], %swap3A_265 {strides = array<i32>} : memref<48x768xf32, #tpu.memory_space<vmem>>, vector<1x16xf32>,
    %swap3A_266 = arith.constant 0 : i32
    %swap3A_267 = arith.index_cast %swap3A_266 : i32 to index
    %swap3A_268 = arith.constant 64 : index
    %swap3A_269 = tpu.vector_load %arg4[%swap3A_267, %swap3A_268] {strides = array<i32>} : memref<48x768xf32, #tpu.memory_space<vmem>>, vector<1x16xf32>,
    %swap3A_270 = vector.shape_cast %swap3A_269 : vector<1x16xf32> to vector<16xf32>
    %swap3A_271 = vector.shape_cast %scan3A_241#4 : vector<16xf32> to vector<1x16xf32>
    tpu.vector_store %arg4[%swap3A_267, %swap3A_268], %swap3A_271 {strides = array<i32>} : memref<48x768xf32, #tpu.memory_space<vmem>>, vector<1x16xf32>,
    %swap3A_272 = arith.constant 0 : i32
    %swap3A_273 = arith.index_cast %swap3A_272 : i32 to index
    %swap3A_274 = arith.constant 80 : index
    %swap3A_275 = tpu.vector_load %arg4[%swap3A_273, %swap3A_274] {strides = array<i32>} : memref<48x768xf32, #tpu.memory_space<vmem>>, vector<1x16xf32>,
    %swap3A_276 = vector.shape_cast %swap3A_275 : vector<1x16xf32> to vector<16xf32>
    %swap3A_277 = vector.shape_cast %scan3A_241#5 : vector<16xf32> to vector<1x16xf32>
    tpu.vector_store %arg4[%swap3A_273, %swap3A_274], %swap3A_277 {strides = array<i32>} : memref<48x768xf32, #tpu.memory_space<vmem>>, vector<1x16xf32>,
    %swap3A_278 = arith.constant 0 : i32
    %swap3A_279 = arith.index_cast %swap3A_278 : i32 to index
    %swap3A_280 = arith.constant 96 : index
    %swap3A_281 = tpu.vector_load %arg4[%swap3A_279, %swap3A_280] {strides = array<i32>} : memref<48x768xf32, #tpu.memory_space<vmem>>, vector<1x16xf32>,
    %swap3A_282 = vector.shape_cast %swap3A_281 : vector<1x16xf32> to vector<16xf32>
    %swap3A_283 = vector.shape_cast %scan3A_241#6 : vector<16xf32> to vector<1x16xf32>
    tpu.vector_store %arg4[%swap3A_279, %swap3A_280], %swap3A_283 {strides = array<i32>} : memref<48x768xf32, #tpu.memory_space<vmem>>, vector<1x16xf32>,
    %swap3A_284 = arith.constant 0 : i32
    %swap3A_285 = arith.index_cast %swap3A_284 : i32 to index
    %swap3A_286 = arith.constant 112 : index
    %swap3A_287 = tpu.vector_load %arg4[%swap3A_285, %swap3A_286] {strides = array<i32>} : memref<48x768xf32, #tpu.memory_space<vmem>>, vector<1x16xf32>,
    %swap3A_288 = vector.shape_cast %swap3A_287 : vector<1x16xf32> to vector<16xf32>
    %swap3A_289 = vector.shape_cast %scan3A_241#7 : vector<16xf32> to vector<1x16xf32>
    tpu.vector_store %arg4[%swap3A_285, %swap3A_286], %swap3A_289 {strides = array<i32>} : memref<48x768xf32, #tpu.memory_space<vmem>>, vector<1x16xf32>,
    %swap3A_290 = arith.constant 0 : i32
    %swap3A_291 = arith.index_cast %swap3A_290 : i32 to index
    %swap3A_292 = arith.constant 128 : index
    %swap3A_293 = tpu.vector_load %arg4[%swap3A_291, %swap3A_292] {strides = array<i32>} : memref<48x768xf32, #tpu.memory_space<vmem>>, vector<1x16xf32>,
    %swap3A_294 = vector.shape_cast %swap3A_293 : vector<1x16xf32> to vector<16xf32>
    %swap3A_295 = vector.shape_cast %scan3A_241#8 : vector<16xf32> to vector<1x16xf32>
    tpu.vector_store %arg4[%swap3A_291, %swap3A_292], %swap3A_295 {strides = array<i32>} : memref<48x768xf32, #tpu.memory_space<vmem>>, vector<1x16xf32>,
    %swap3A_296 = arith.constant 0 : i32
    %swap3A_297 = arith.index_cast %swap3A_296 : i32 to index
    %swap3A_298 = arith.constant 144 : index
    %swap3A_299 = tpu.vector_load %arg4[%swap3A_297, %swap3A_298] {strides = array<i32>} : memref<48x768xf32, #tpu.memory_space<vmem>>, vector<1x16xf32>,
    %swap3A_300 = vector.shape_cast %swap3A_299 : vector<1x16xf32> to vector<16xf32>
    %swap3A_301 = vector.shape_cast %scan3A_241#9 : vector<16xf32> to vector<1x16xf32>
    tpu.vector_store %arg4[%swap3A_297, %swap3A_298], %swap3A_301 {strides = array<i32>} : memref<48x768xf32, #tpu.memory_space<vmem>>, vector<1x16xf32>,
    %swap3A_302 = arith.constant 0 : i32
    %swap3A_303 = arith.index_cast %swap3A_302 : i32 to index
    %swap3A_304 = arith.constant 160 : index
    %swap3A_305 = tpu.vector_load %arg4[%swap3A_303, %swap3A_304] {strides = array<i32>} : memref<48x768xf32, #tpu.memory_space<vmem>>, vector<1x16xf32>,
    %swap3A_306 = vector.shape_cast %swap3A_305 : vector<1x16xf32> to vector<16xf32>
    %swap3A_307 = vector.shape_cast %scan3A_241#10 : vector<16xf32> to vector<1x16xf32>
    tpu.vector_store %arg4[%swap3A_303, %swap3A_304], %swap3A_307 {strides = array<i32>} : memref<48x768xf32, #tpu.memory_space<vmem>>, vector<1x16xf32>,
    %swap3A_308 = arith.constant 0 : i32
    %swap3A_309 = arith.index_cast %swap3A_308 : i32 to index
    %swap3A_310 = arith.constant 176 : index
    %swap3A_311 = tpu.vector_load %arg4[%swap3A_309, %swap3A_310] {strides = array<i32>} : memref<48x768xf32, #tpu.memory_space<vmem>>, vector<1x16xf32>,
    %swap3A_312 = vector.shape_cast %swap3A_311 : vector<1x16xf32> to vector<16xf32>
    %swap3A_313 = vector.shape_cast %scan3A_241#11 : vector<16xf32> to vector<1x16xf32>
    tpu.vector_store %arg4[%swap3A_309, %swap3A_310], %swap3A_313 {strides = array<i32>} : memref<48x768xf32, #tpu.memory_space<vmem>>, vector<1x16xf32>,
    %swap3A_314 = arith.constant 0 : i32
    %swap3A_315 = arith.index_cast %swap3A_314 : i32 to index
    %swap3A_316 = arith.constant 192 : index
    %swap3A_317 = tpu.vector_load %arg4[%swap3A_315, %swap3A_316] {strides = array<i32>} : memref<48x768xf32, #tpu.memory_space<vmem>>, vector<1x16xf32>,
    %swap3A_318 = vector.shape_cast %swap3A_317 : vector<1x16xf32> to vector<16xf32>
    %swap3A_319 = vector.shape_cast %scan3A_241#12 : vector<16xf32> to vector<1x16xf32>
    tpu.vector_store %arg4[%swap3A_315, %swap3A_316], %swap3A_319 {strides = array<i32>} : memref<48x768xf32, #tpu.memory_space<vmem>>, vector<1x16xf32>,
    %swap3A_320 = arith.constant 0 : i32
    %swap3A_321 = arith.index_cast %swap3A_320 : i32 to index
    %swap3A_322 = arith.constant 208 : index
    %swap3A_323 = tpu.vector_load %arg4[%swap3A_321, %swap3A_322] {strides = array<i32>} : memref<48x768xf32, #tpu.memory_space<vmem>>, vector<1x16xf32>,
    %swap3A_324 = vector.shape_cast %swap3A_323 : vector<1x16xf32> to vector<16xf32>
    %swap3A_325 = vector.shape_cast %scan3A_241#13 : vector<16xf32> to vector<1x16xf32>
    tpu.vector_store %arg4[%swap3A_321, %swap3A_322], %swap3A_325 {strides = array<i32>} : memref<48x768xf32, #tpu.memory_space<vmem>>, vector<1x16xf32>,
    %swap3A_326 = arith.constant 0 : i32
    %swap3A_327 = arith.index_cast %swap3A_326 : i32 to index
    %swap3A_328 = arith.constant 224 : index
    %swap3A_329 = tpu.vector_load %arg4[%swap3A_327, %swap3A_328] {strides = array<i32>} : memref<48x768xf32, #tpu.memory_space<vmem>>, vector<1x16xf32>,
    %swap3A_330 = vector.shape_cast %swap3A_329 : vector<1x16xf32> to vector<16xf32>
    %swap3A_331 = vector.shape_cast %scan3A_241#14 : vector<16xf32> to vector<1x16xf32>
    tpu.vector_store %arg4[%swap3A_327, %swap3A_328], %swap3A_331 {strides = array<i32>} : memref<48x768xf32, #tpu.memory_space<vmem>>, vector<1x16xf32>,
    %swap3A_332 = arith.constant 0 : i32
    %swap3A_333 = arith.index_cast %swap3A_332 : i32 to index
    %swap3A_334 = arith.constant 240 : index
    %swap3A_335 = tpu.vector_load %arg4[%swap3A_333, %swap3A_334] {strides = array<i32>} : memref<48x768xf32, #tpu.memory_space<vmem>>, vector<1x16xf32>,
    %swap3A_336 = vector.shape_cast %swap3A_335 : vector<1x16xf32> to vector<16xf32>
    %swap3A_337 = vector.shape_cast %scan3A_241#15 : vector<16xf32> to vector<1x16xf32>
    tpu.vector_store %arg4[%swap3A_333, %swap3A_334], %swap3A_337 {strides = array<i32>} : memref<48x768xf32, #tpu.memory_space<vmem>>, vector<1x16xf32>,
    %swap3A_338 = arith.constant 0 : i32
    %swap3A_339 = arith.index_cast %swap3A_338 : i32 to index
    %swap3A_340 = arith.constant 256 : index
    %swap3A_341 = tpu.vector_load %arg4[%swap3A_339, %swap3A_340] {strides = array<i32>} : memref<48x768xf32, #tpu.memory_space<vmem>>, vector<1x16xf32>,
    %swap3A_342 = vector.shape_cast %swap3A_341 : vector<1x16xf32> to vector<16xf32>
    %swap3A_343 = vector.shape_cast %scan3A_241#16 : vector<16xf32> to vector<1x16xf32>
    tpu.vector_store %arg4[%swap3A_339, %swap3A_340], %swap3A_343 {strides = array<i32>} : memref<48x768xf32, #tpu.memory_space<vmem>>, vector<1x16xf32>,
    %swap3A_344 = arith.constant 0 : i32
    %swap3A_345 = arith.index_cast %swap3A_344 : i32 to index
    %swap3A_346 = arith.constant 272 : index
    %swap3A_347 = tpu.vector_load %arg4[%swap3A_345, %swap3A_346] {strides = array<i32>} : memref<48x768xf32, #tpu.memory_space<vmem>>, vector<1x16xf32>,
    %swap3A_348 = vector.shape_cast %swap3A_347 : vector<1x16xf32> to vector<16xf32>
    %swap3A_349 = vector.shape_cast %scan3A_241#17 : vector<16xf32> to vector<1x16xf32>
    tpu.vector_store %arg4[%swap3A_345, %swap3A_346], %swap3A_349 {strides = array<i32>} : memref<48x768xf32, #tpu.memory_space<vmem>>, vector<1x16xf32>,
    %swap3A_350 = arith.constant 0 : i32
    %swap3A_351 = arith.index_cast %swap3A_350 : i32 to index
    %swap3A_352 = arith.constant 288 : index
    %swap3A_353 = tpu.vector_load %arg4[%swap3A_351, %swap3A_352] {strides = array<i32>} : memref<48x768xf32, #tpu.memory_space<vmem>>, vector<1x16xf32>,
    %swap3A_354 = vector.shape_cast %swap3A_353 : vector<1x16xf32> to vector<16xf32>
    %swap3A_355 = vector.shape_cast %scan3A_241#18 : vector<16xf32> to vector<1x16xf32>
    tpu.vector_store %arg4[%swap3A_351, %swap3A_352], %swap3A_355 {strides = array<i32>} : memref<48x768xf32, #tpu.memory_space<vmem>>, vector<1x16xf32>,
    %swap3A_356 = arith.constant 0 : i32
    %swap3A_357 = arith.index_cast %swap3A_356 : i32 to index
    %swap3A_358 = arith.constant 304 : index
    %swap3A_359 = tpu.vector_load %arg4[%swap3A_357, %swap3A_358] {strides = array<i32>} : memref<48x768xf32, #tpu.memory_space<vmem>>, vector<1x16xf32>,
    %swap3A_360 = vector.shape_cast %swap3A_359 : vector<1x16xf32> to vector<16xf32>
    %swap3A_361 = vector.shape_cast %scan3A_241#19 : vector<16xf32> to vector<1x16xf32>
    tpu.vector_store %arg4[%swap3A_357, %swap3A_358], %swap3A_361 {strides = array<i32>} : memref<48x768xf32, #tpu.memory_space<vmem>>, vector<1x16xf32>,
    %swap3A_362 = arith.constant 0 : i32
    %swap3A_363 = arith.index_cast %swap3A_362 : i32 to index
    %swap3A_364 = arith.constant 320 : index
    %swap3A_365 = tpu.vector_load %arg4[%swap3A_363, %swap3A_364] {strides = array<i32>} : memref<48x768xf32, #tpu.memory_space<vmem>>, vector<1x16xf32>,
    %swap3A_366 = vector.shape_cast %swap3A_365 : vector<1x16xf32> to vector<16xf32>
    %swap3A_367 = vector.shape_cast %scan3A_241#20 : vector<16xf32> to vector<1x16xf32>
    tpu.vector_store %arg4[%swap3A_363, %swap3A_364], %swap3A_367 {strides = array<i32>} : memref<48x768xf32, #tpu.memory_space<vmem>>, vector<1x16xf32>,
    %swap3A_368 = arith.constant 0 : i32
    %swap3A_369 = arith.index_cast %swap3A_368 : i32 to index
    %swap3A_370 = arith.constant 336 : index
    %swap3A_371 = tpu.vector_load %arg4[%swap3A_369, %swap3A_370] {strides = array<i32>} : memref<48x768xf32, #tpu.memory_space<vmem>>, vector<1x16xf32>,
    %swap3A_372 = vector.shape_cast %swap3A_371 : vector<1x16xf32> to vector<16xf32>
    %swap3A_373 = vector.shape_cast %scan3A_241#21 : vector<16xf32> to vector<1x16xf32>
    tpu.vector_store %arg4[%swap3A_369, %swap3A_370], %swap3A_373 {strides = array<i32>} : memref<48x768xf32, #tpu.memory_space<vmem>>, vector<1x16xf32>,
    %swap3A_374 = arith.constant 0 : i32
    %swap3A_375 = arith.index_cast %swap3A_374 : i32 to index
    %swap3A_376 = arith.constant 352 : index
    %swap3A_377 = tpu.vector_load %arg4[%swap3A_375, %swap3A_376] {strides = array<i32>} : memref<48x768xf32, #tpu.memory_space<vmem>>, vector<1x16xf32>,
    %swap3A_378 = vector.shape_cast %swap3A_377 : vector<1x16xf32> to vector<16xf32>
    %swap3A_379 = vector.shape_cast %scan3A_241#22 : vector<16xf32> to vector<1x16xf32>
    tpu.vector_store %arg4[%swap3A_375, %swap3A_376], %swap3A_379 {strides = array<i32>} : memref<48x768xf32, #tpu.memory_space<vmem>>, vector<1x16xf32>,
    %swap3A_380 = arith.constant 0 : i32
    %swap3A_381 = arith.index_cast %swap3A_380 : i32 to index
    %swap3A_382 = arith.constant 368 : index
    %swap3A_383 = tpu.vector_load %arg4[%swap3A_381, %swap3A_382] {strides = array<i32>} : memref<48x768xf32, #tpu.memory_space<vmem>>, vector<1x16xf32>,
    %swap3A_384 = vector.shape_cast %swap3A_383 : vector<1x16xf32> to vector<16xf32>
    %swap3A_385 = vector.shape_cast %scan3A_241#23 : vector<16xf32> to vector<1x16xf32>
    tpu.vector_store %arg4[%swap3A_381, %swap3A_382], %swap3A_385 {strides = array<i32>} : memref<48x768xf32, #tpu.memory_space<vmem>>, vector<1x16xf32>,
    %swap3A_386 = arith.constant 0 : i32
    %swap3A_387 = arith.index_cast %swap3A_386 : i32 to index
    %swap3A_388 = arith.constant 384 : index
    %swap3A_389 = tpu.vector_load %arg4[%swap3A_387, %swap3A_388] {strides = array<i32>} : memref<48x768xf32, #tpu.memory_space<vmem>>, vector<1x16xf32>,
    %swap3A_390 = vector.shape_cast %swap3A_389 : vector<1x16xf32> to vector<16xf32>
    %swap3A_391 = vector.shape_cast %scan3A_241#24 : vector<16xf32> to vector<1x16xf32>
    tpu.vector_store %arg4[%swap3A_387, %swap3A_388], %swap3A_391 {strides = array<i32>} : memref<48x768xf32, #tpu.memory_space<vmem>>, vector<1x16xf32>,
    %swap3A_392 = arith.constant 0 : i32
    %swap3A_393 = arith.index_cast %swap3A_392 : i32 to index
    %swap3A_394 = arith.constant 400 : index
    %swap3A_395 = tpu.vector_load %arg4[%swap3A_393, %swap3A_394] {strides = array<i32>} : memref<48x768xf32, #tpu.memory_space<vmem>>, vector<1x16xf32>,
    %swap3A_396 = vector.shape_cast %swap3A_395 : vector<1x16xf32> to vector<16xf32>
    %swap3A_397 = vector.shape_cast %scan3A_241#25 : vector<16xf32> to vector<1x16xf32>
    tpu.vector_store %arg4[%swap3A_393, %swap3A_394], %swap3A_397 {strides = array<i32>} : memref<48x768xf32, #tpu.memory_space<vmem>>, vector<1x16xf32>,
    %swap3A_398 = arith.constant 0 : i32
    %swap3A_399 = arith.index_cast %swap3A_398 : i32 to index
    %swap3A_400 = arith.constant 416 : index
    %swap3A_401 = tpu.vector_load %arg4[%swap3A_399, %swap3A_400] {strides = array<i32>} : memref<48x768xf32, #tpu.memory_space<vmem>>, vector<1x16xf32>,
    %swap3A_402 = vector.shape_cast %swap3A_401 : vector<1x16xf32> to vector<16xf32>
    %swap3A_403 = vector.shape_cast %scan3A_241#26 : vector<16xf32> to vector<1x16xf32>
    tpu.vector_store %arg4[%swap3A_399, %swap3A_400], %swap3A_403 {strides = array<i32>} : memref<48x768xf32, #tpu.memory_space<vmem>>, vector<1x16xf32>,
    %swap3A_404 = arith.constant 0 : i32
    %swap3A_405 = arith.index_cast %swap3A_404 : i32 to index
    %swap3A_406 = arith.constant 432 : index
    %swap3A_407 = tpu.vector_load %arg4[%swap3A_405, %swap3A_406] {strides = array<i32>} : memref<48x768xf32, #tpu.memory_space<vmem>>, vector<1x16xf32>,
    %swap3A_408 = vector.shape_cast %swap3A_407 : vector<1x16xf32> to vector<16xf32>
    %swap3A_409 = vector.shape_cast %scan3A_241#27 : vector<16xf32> to vector<1x16xf32>
    tpu.vector_store %arg4[%swap3A_405, %swap3A_406], %swap3A_409 {strides = array<i32>} : memref<48x768xf32, #tpu.memory_space<vmem>>, vector<1x16xf32>,
    %swap3A_410 = arith.constant 0 : i32
    %swap3A_411 = arith.index_cast %swap3A_410 : i32 to index
    %swap3A_412 = arith.constant 448 : index
    %swap3A_413 = tpu.vector_load %arg4[%swap3A_411, %swap3A_412] {strides = array<i32>} : memref<48x768xf32, #tpu.memory_space<vmem>>, vector<1x16xf32>,
    %swap3A_414 = vector.shape_cast %swap3A_413 : vector<1x16xf32> to vector<16xf32>
    %swap3A_415 = vector.shape_cast %scan3A_241#28 : vector<16xf32> to vector<1x16xf32>
    tpu.vector_store %arg4[%swap3A_411, %swap3A_412], %swap3A_415 {strides = array<i32>} : memref<48x768xf32, #tpu.memory_space<vmem>>, vector<1x16xf32>,
    %swap3A_416 = arith.constant 0 : i32
    %swap3A_417 = arith.index_cast %swap3A_416 : i32 to index
    %swap3A_418 = arith.constant 464 : index
    %swap3A_419 = tpu.vector_load %arg4[%swap3A_417, %swap3A_418] {strides = array<i32>} : memref<48x768xf32, #tpu.memory_space<vmem>>, vector<1x16xf32>,
    %swap3A_420 = vector.shape_cast %swap3A_419 : vector<1x16xf32> to vector<16xf32>
    %swap3A_421 = vector.shape_cast %scan3A_241#29 : vector<16xf32> to vector<1x16xf32>
    tpu.vector_store %arg4[%swap3A_417, %swap3A_418], %swap3A_421 {strides = array<i32>} : memref<48x768xf32, #tpu.memory_space<vmem>>, vector<1x16xf32>,
    %swap3A_422 = arith.constant 0 : i32
    %swap3A_423 = arith.index_cast %swap3A_422 : i32 to index
    %swap3A_424 = arith.constant 480 : index
    %swap3A_425 = tpu.vector_load %arg4[%swap3A_423, %swap3A_424] {strides = array<i32>} : memref<48x768xf32, #tpu.memory_space<vmem>>, vector<1x16xf32>,
    %swap3A_426 = vector.shape_cast %swap3A_425 : vector<1x16xf32> to vector<16xf32>
    %swap3A_427 = vector.shape_cast %scan3A_241#30 : vector<16xf32> to vector<1x16xf32>
    tpu.vector_store %arg4[%swap3A_423, %swap3A_424], %swap3A_427 {strides = array<i32>} : memref<48x768xf32, #tpu.memory_space<vmem>>, vector<1x16xf32>,
    %swap3A_428 = arith.constant 0 : i32
    %swap3A_429 = arith.index_cast %swap3A_428 : i32 to index
    %swap3A_430 = arith.constant 496 : index
    %swap3A_431 = tpu.vector_load %arg4[%swap3A_429, %swap3A_430] {strides = array<i32>} : memref<48x768xf32, #tpu.memory_space<vmem>>, vector<1x16xf32>,
    %swap3A_432 = vector.shape_cast %swap3A_431 : vector<1x16xf32> to vector<16xf32>
    %swap3A_433 = vector.shape_cast %scan3A_241#31 : vector<16xf32> to vector<1x16xf32>
    tpu.vector_store %arg4[%swap3A_429, %swap3A_430], %swap3A_433 {strides = array<i32>} : memref<48x768xf32, #tpu.memory_space<vmem>>, vector<1x16xf32>,
    %swap3A_434 = arith.constant 0 : i32
    %swap3A_435 = arith.index_cast %swap3A_434 : i32 to index
    %swap3A_436 = arith.constant 512 : index
    %swap3A_437 = tpu.vector_load %arg4[%swap3A_435, %swap3A_436] {strides = array<i32>} : memref<48x768xf32, #tpu.memory_space<vmem>>, vector<1x16xf32>,
    %swap3A_438 = vector.shape_cast %swap3A_437 : vector<1x16xf32> to vector<16xf32>
    %swap3A_439 = vector.shape_cast %scan3A_241#32 : vector<16xf32> to vector<1x16xf32>
    tpu.vector_store %arg4[%swap3A_435, %swap3A_436], %swap3A_439 {strides = array<i32>} : memref<48x768xf32, #tpu.memory_space<vmem>>, vector<1x16xf32>,
    %swap3A_440 = arith.constant 0 : i32
    %swap3A_441 = arith.index_cast %swap3A_440 : i32 to index
    %swap3A_442 = arith.constant 528 : index
    %swap3A_443 = tpu.vector_load %arg4[%swap3A_441, %swap3A_442] {strides = array<i32>} : memref<48x768xf32, #tpu.memory_space<vmem>>, vector<1x16xf32>,
    %swap3A_444 = vector.shape_cast %swap3A_443 : vector<1x16xf32> to vector<16xf32>
    %swap3A_445 = vector.shape_cast %scan3A_241#33 : vector<16xf32> to vector<1x16xf32>
    tpu.vector_store %arg4[%swap3A_441, %swap3A_442], %swap3A_445 {strides = array<i32>} : memref<48x768xf32, #tpu.memory_space<vmem>>, vector<1x16xf32>,
    %swap3A_446 = arith.constant 0 : i32
    %swap3A_447 = arith.index_cast %swap3A_446 : i32 to index
    %swap3A_448 = arith.constant 544 : index
    %swap3A_449 = tpu.vector_load %arg4[%swap3A_447, %swap3A_448] {strides = array<i32>} : memref<48x768xf32, #tpu.memory_space<vmem>>, vector<1x16xf32>,
    %swap3A_450 = vector.shape_cast %swap3A_449 : vector<1x16xf32> to vector<16xf32>
    %swap3A_451 = vector.shape_cast %scan3A_241#34 : vector<16xf32> to vector<1x16xf32>
    tpu.vector_store %arg4[%swap3A_447, %swap3A_448], %swap3A_451 {strides = array<i32>} : memref<48x768xf32, #tpu.memory_space<vmem>>, vector<1x16xf32>,
    %swap3A_452 = arith.constant 0 : i32
    %swap3A_453 = arith.index_cast %swap3A_452 : i32 to index
    %swap3A_454 = arith.constant 560 : index
    %swap3A_455 = tpu.vector_load %arg4[%swap3A_453, %swap3A_454] {strides = array<i32>} : memref<48x768xf32, #tpu.memory_space<vmem>>, vector<1x16xf32>,
    %swap3A_456 = vector.shape_cast %swap3A_455 : vector<1x16xf32> to vector<16xf32>
    %swap3A_457 = vector.shape_cast %scan3A_241#35 : vector<16xf32> to vector<1x16xf32>
    tpu.vector_store %arg4[%swap3A_453, %swap3A_454], %swap3A_457 {strides = array<i32>} : memref<48x768xf32, #tpu.memory_space<vmem>>, vector<1x16xf32>,
    %swap3A_458 = arith.constant 0 : i32
    %swap3A_459 = arith.index_cast %swap3A_458 : i32 to index
    %swap3A_460 = arith.constant 576 : index
    %swap3A_461 = tpu.vector_load %arg4[%swap3A_459, %swap3A_460] {strides = array<i32>} : memref<48x768xf32, #tpu.memory_space<vmem>>, vector<1x16xf32>,
    %swap3A_462 = vector.shape_cast %swap3A_461 : vector<1x16xf32> to vector<16xf32>
    %swap3A_463 = vector.shape_cast %scan3A_241#36 : vector<16xf32> to vector<1x16xf32>
    tpu.vector_store %arg4[%swap3A_459, %swap3A_460], %swap3A_463 {strides = array<i32>} : memref<48x768xf32, #tpu.memory_space<vmem>>, vector<1x16xf32>,
    %swap3A_464 = arith.constant 0 : i32
    %swap3A_465 = arith.index_cast %swap3A_464 : i32 to index
    %swap3A_466 = arith.constant 592 : index
    %swap3A_467 = tpu.vector_load %arg4[%swap3A_465, %swap3A_466] {strides = array<i32>} : memref<48x768xf32, #tpu.memory_space<vmem>>, vector<1x16xf32>,
    %swap3A_468 = vector.shape_cast %swap3A_467 : vector<1x16xf32> to vector<16xf32>
    %swap3A_469 = vector.shape_cast %scan3A_241#37 : vector<16xf32> to vector<1x16xf32>
    tpu.vector_store %arg4[%swap3A_465, %swap3A_466], %swap3A_469 {strides = array<i32>} : memref<48x768xf32, #tpu.memory_space<vmem>>, vector<1x16xf32>,
    %swap3A_470 = arith.constant 0 : i32
    %swap3A_471 = arith.index_cast %swap3A_470 : i32 to index
    %swap3A_472 = arith.constant 608 : index
    %swap3A_473 = tpu.vector_load %arg4[%swap3A_471, %swap3A_472] {strides = array<i32>} : memref<48x768xf32, #tpu.memory_space<vmem>>, vector<1x16xf32>,
    %swap3A_474 = vector.shape_cast %swap3A_473 : vector<1x16xf32> to vector<16xf32>
    %swap3A_475 = vector.shape_cast %scan3A_241#38 : vector<16xf32> to vector<1x16xf32>
    tpu.vector_store %arg4[%swap3A_471, %swap3A_472], %swap3A_475 {strides = array<i32>} : memref<48x768xf32, #tpu.memory_space<vmem>>, vector<1x16xf32>,
    %swap3A_476 = arith.constant 0 : i32
    %swap3A_477 = arith.index_cast %swap3A_476 : i32 to index
    %swap3A_478 = arith.constant 624 : index
    %swap3A_479 = tpu.vector_load %arg4[%swap3A_477, %swap3A_478] {strides = array<i32>} : memref<48x768xf32, #tpu.memory_space<vmem>>, vector<1x16xf32>,
    %swap3A_480 = vector.shape_cast %swap3A_479 : vector<1x16xf32> to vector<16xf32>
    %swap3A_481 = vector.shape_cast %scan3A_241#39 : vector<16xf32> to vector<1x16xf32>
    tpu.vector_store %arg4[%swap3A_477, %swap3A_478], %swap3A_481 {strides = array<i32>} : memref<48x768xf32, #tpu.memory_space<vmem>>, vector<1x16xf32>,
    %swap3A_482 = arith.constant 0 : i32
    %swap3A_483 = arith.index_cast %swap3A_482 : i32 to index
    %swap3A_484 = arith.constant 640 : index
    %swap3A_485 = tpu.vector_load %arg4[%swap3A_483, %swap3A_484] {strides = array<i32>} : memref<48x768xf32, #tpu.memory_space<vmem>>, vector<1x16xf32>,
    %swap3A_486 = vector.shape_cast %swap3A_485 : vector<1x16xf32> to vector<16xf32>
    %swap3A_487 = vector.shape_cast %scan3A_241#40 : vector<16xf32> to vector<1x16xf32>
    tpu.vector_store %arg4[%swap3A_483, %swap3A_484], %swap3A_487 {strides = array<i32>} : memref<48x768xf32, #tpu.memory_space<vmem>>, vector<1x16xf32>,
    %swap3A_488 = arith.constant 0 : i32
    %swap3A_489 = arith.index_cast %swap3A_488 : i32 to index
    %swap3A_490 = arith.constant 656 : index
    %swap3A_491 = tpu.vector_load %arg4[%swap3A_489, %swap3A_490] {strides = array<i32>} : memref<48x768xf32, #tpu.memory_space<vmem>>, vector<1x16xf32>,
    %swap3A_492 = vector.shape_cast %swap3A_491 : vector<1x16xf32> to vector<16xf32>
    %swap3A_493 = vector.shape_cast %scan3A_241#41 : vector<16xf32> to vector<1x16xf32>
    tpu.vector_store %arg4[%swap3A_489, %swap3A_490], %swap3A_493 {strides = array<i32>} : memref<48x768xf32, #tpu.memory_space<vmem>>, vector<1x16xf32>,
    %swap3A_494 = arith.constant 0 : i32
    %swap3A_495 = arith.index_cast %swap3A_494 : i32 to index
    %swap3A_496 = arith.constant 672 : index
    %swap3A_497 = tpu.vector_load %arg4[%swap3A_495, %swap3A_496] {strides = array<i32>} : memref<48x768xf32, #tpu.memory_space<vmem>>, vector<1x16xf32>,
    %swap3A_498 = vector.shape_cast %swap3A_497 : vector<1x16xf32> to vector<16xf32>
    %swap3A_499 = vector.shape_cast %scan3A_241#42 : vector<16xf32> to vector<1x16xf32>
    tpu.vector_store %arg4[%swap3A_495, %swap3A_496], %swap3A_499 {strides = array<i32>} : memref<48x768xf32, #tpu.memory_space<vmem>>, vector<1x16xf32>,
    %swap3A_500 = arith.constant 0 : i32
    %swap3A_501 = arith.index_cast %swap3A_500 : i32 to index
    %swap3A_502 = arith.constant 688 : index
    %swap3A_503 = tpu.vector_load %arg4[%swap3A_501, %swap3A_502] {strides = array<i32>} : memref<48x768xf32, #tpu.memory_space<vmem>>, vector<1x16xf32>,
    %swap3A_504 = vector.shape_cast %swap3A_503 : vector<1x16xf32> to vector<16xf32>
    %swap3A_505 = vector.shape_cast %scan3A_241#43 : vector<16xf32> to vector<1x16xf32>
    tpu.vector_store %arg4[%swap3A_501, %swap3A_502], %swap3A_505 {strides = array<i32>} : memref<48x768xf32, #tpu.memory_space<vmem>>, vector<1x16xf32>,
    %swap3A_506 = arith.constant 0 : i32
    %swap3A_507 = arith.index_cast %swap3A_506 : i32 to index
    %swap3A_508 = arith.constant 704 : index
    %swap3A_509 = tpu.vector_load %arg4[%swap3A_507, %swap3A_508] {strides = array<i32>} : memref<48x768xf32, #tpu.memory_space<vmem>>, vector<1x16xf32>,
    %swap3A_510 = vector.shape_cast %swap3A_509 : vector<1x16xf32> to vector<16xf32>
    %swap3A_511 = vector.shape_cast %scan3A_241#44 : vector<16xf32> to vector<1x16xf32>
    tpu.vector_store %arg4[%swap3A_507, %swap3A_508], %swap3A_511 {strides = array<i32>} : memref<48x768xf32, #tpu.memory_space<vmem>>, vector<1x16xf32>,
    %swap3A_512 = arith.constant 0 : i32
    %swap3A_513 = arith.index_cast %swap3A_512 : i32 to index
    %swap3A_514 = arith.constant 720 : index
    %swap3A_515 = tpu.vector_load %arg4[%swap3A_513, %swap3A_514] {strides = array<i32>} : memref<48x768xf32, #tpu.memory_space<vmem>>, vector<1x16xf32>,
    %swap3A_516 = vector.shape_cast %swap3A_515 : vector<1x16xf32> to vector<16xf32>
    %swap3A_517 = vector.shape_cast %scan3A_241#45 : vector<16xf32> to vector<1x16xf32>
    tpu.vector_store %arg4[%swap3A_513, %swap3A_514], %swap3A_517 {strides = array<i32>} : memref<48x768xf32, #tpu.memory_space<vmem>>, vector<1x16xf32>,
    %swap3A_518 = arith.constant 0 : i32
    %swap3A_519 = arith.index_cast %swap3A_518 : i32 to index
    %swap3A_520 = arith.constant 736 : index
    %swap3A_521 = tpu.vector_load %arg4[%swap3A_519, %swap3A_520] {strides = array<i32>} : memref<48x768xf32, #tpu.memory_space<vmem>>, vector<1x16xf32>,
    %swap3A_522 = vector.shape_cast %swap3A_521 : vector<1x16xf32> to vector<16xf32>
    %swap3A_523 = vector.shape_cast %scan3A_241#46 : vector<16xf32> to vector<1x16xf32>
    tpu.vector_store %arg4[%swap3A_519, %swap3A_520], %swap3A_523 {strides = array<i32>} : memref<48x768xf32, #tpu.memory_space<vmem>>, vector<1x16xf32>,
    %swap3A_524 = arith.constant 0 : i32
    %swap3A_525 = arith.index_cast %swap3A_524 : i32 to index
    %swap3A_526 = arith.constant 752 : index
    %swap3A_527 = tpu.vector_load %arg4[%swap3A_525, %swap3A_526] {strides = array<i32>} : memref<48x768xf32, #tpu.memory_space<vmem>>, vector<1x16xf32>,
    %swap3A_528 = vector.shape_cast %swap3A_527 : vector<1x16xf32> to vector<16xf32>
    %swap3A_529 = vector.shape_cast %scan3A_241#47 : vector<16xf32> to vector<1x16xf32>
    tpu.vector_store %arg4[%swap3A_525, %swap3A_526], %swap3A_529 {strides = array<i32>} : memref<48x768xf32, #tpu.memory_space<vmem>>, vector<1x16xf32>,
    %run_scoped3A = arith.constant 0 : i32
    "tpu.region"() ({
      %run_scoped3A_530 = tpu.sem_alloc : memref<!tpu.dma_semaphore, #tpu.memory_space<semaphore_mem>>
      %dma_start3A_531 = arith.constant 0 : i32
      %dma_start3A_532 = tpu.memref_slice %arg4[%run_scoped3A, %dma_start3A_531] : memref<48x768xf32, #tpu.memory_space<vmem>> -> memref<1x768xf32, #tpu.memory_space<vmem>>
      %dma_start3A_533 = tpu.memref_squeeze %dma_start3A_532 : memref<1x768xf32, #tpu.memory_space<vmem>> -> memref<768xf32, #tpu.memory_space<vmem>>
      %dma_start3A_534 = arith.constant 0 : i32
      %dma_start3A_535 = tpu.memref_slice %arg3[%add3A, %dma_start3A_534] : memref<32x768xf32, #tpu.memory_space<hbm>> -> memref<1x768xf32, #tpu.memory_space<hbm>>
      %dma_start3A_536 = tpu.memref_squeeze %dma_start3A_535 : memref<1x768xf32, #tpu.memory_space<hbm>> -> memref<768xf32, #tpu.memory_space<hbm>>
      %dma_start3A_537 = arith.constant 0 : i32
      %dma_start3A_538 = tpu.memref_slice %arg3[%add3A, %dma_start3A_537] : memref<32x768xf32, #tpu.memory_space<hbm>> -> memref<1x768xf32, #tpu.memory_space<hbm>>
      %dma_start3A_539 = tpu.memref_squeeze %dma_start3A_538 : memref<1x768xf32, #tpu.memory_space<hbm>> -> memref<768xf32, #tpu.memory_space<hbm>>
      %dma_start3A_540 = arith.constant 0 : i32
      %dma_start3A_541 = tpu.memref_slice %arg4[%run_scoped3A, %dma_start3A_540] : memref<48x768xf32, #tpu.memory_space<vmem>> -> memref<1x768xf32, #tpu.memory_space<vmem>>
      %dma_start3A_542 = tpu.memref_squeeze %dma_start3A_541 : memref<1x768xf32, #tpu.memory_space<vmem>> -> memref<768xf32, #tpu.memory_space<vmem>>
      tpu.enqueue_dma source(%dma_start3A_542 : memref<768xf32, #tpu.memory_space<vmem>>) target(%dma_start3A_539 : memref<768xf32, #tpu.memory_space<hbm>>) target_semaphore(%run_scoped3A_530 : memref<!tpu.dma_semaphore, #tpu.memory_space<semaphore_mem>>)
      %dma_wait3A_543 = arith.constant 0 : i32
      %dma_wait3A_544 = tpu.memref_slice %arg4[%run_scoped3A, %dma_wait3A_543] : memref<48x768xf32, #tpu.memory_space<vmem>> -> memref<1x768xf32, #tpu.memory_space<vmem>>
      %dma_wait3A_545 = tpu.memref_squeeze %dma_wait3A_544 : memref<1x768xf32, #tpu.memory_space<vmem>> -> memref<768xf32, #tpu.memory_space<vmem>>
      %dma_wait3A_546 = arith.constant 0 : i32
      %dma_wait3A_547 = tpu.memref_slice %arg3[%add3A, %dma_wait3A_546] : memref<32x768xf32, #tpu.memory_space<hbm>> -> memref<1x768xf32, #tpu.memory_space<hbm>>
      %dma_wait3A_548 = tpu.memref_squeeze %dma_wait3A_547 : memref<1x768xf32, #tpu.memory_space<hbm>> -> memref<768xf32, #tpu.memory_space<hbm>>
      %dma_wait3A_549 = arith.constant 0 : i32
      %dma_wait3A_550 = tpu.memref_slice %arg3[%add3A, %dma_wait3A_549] : memref<32x768xf32, #tpu.memory_space<hbm>> -> memref<1x768xf32, #tpu.memory_space<hbm>>
      %dma_wait3A_551 = tpu.memref_squeeze %dma_wait3A_550 : memref<1x768xf32, #tpu.memory_space<hbm>> -> memref<768xf32, #tpu.memory_space<hbm>>
      %dma_wait3A_552 = arith.constant 0 : i32
      %dma_wait3A_553 = tpu.memref_slice %arg4[%run_scoped3A, %dma_wait3A_552] : memref<48x768xf32, #tpu.memory_space<vmem>> -> memref<1x768xf32, #tpu.memory_space<vmem>>
      %dma_wait3A_554 = tpu.memref_squeeze %dma_wait3A_553 : memref<1x768xf32, #tpu.memory_space<vmem>> -> memref<768xf32, #tpu.memory_space<vmem>>
      tpu.wait_dma2 semaphore(%run_scoped3A_530 : memref<!tpu.dma_semaphore, #tpu.memory_space<semaphore_mem>>) src(%dma_wait3A_554 : memref<768xf32, #tpu.memory_space<vmem>>) dst(%dma_wait3A_551 : memref<768xf32, #tpu.memory_space<hbm>>)
      tpu.yield
    }) : () -> ()
    return
  }
}

module attributes {stable_mosaic.version = 14 : i64} {
  func.func @_tc_router_body(%arg0: i32, %arg1: memref<4x576x768xf32, #tpu.memory_space<vmem>>, %arg2: memref<768x192xf32, #tpu.memory_space<vmem>>, %arg3: memref<192xf32, #tpu.memory_space<vmem>>, %arg4: memref<192x8xf32, #tpu.memory_space<vmem>>, %arg5: memref<8xf32, #tpu.memory_space<vmem>>, %arg6: memref<1x4x8xf32, #tpu.memory_space<vmem>>) attributes {dimension_semantics = [#tpu.dimension_semantics<arbitrary>], iteration_bounds = array<i64: 12>, scalar_prefetch = 0 : i64, scratch_operands = 0 : i64, tpu.core_type = #tpu.core_type<tc>, window_params = [{transform_indices = @transform_0, window_bounds = array<i64: 4, 576, 768>}, {pipeline_mode = #tpu.pipeline_mode<synchronous>, transform_indices = @transform_1, window_bounds = array<i64: 768, 192>}, {pipeline_mode = #tpu.pipeline_mode<synchronous>, transform_indices = @transform_2, window_bounds = array<i64: 192>}, {pipeline_mode = #tpu.pipeline_mode<synchronous>, transform_indices = @transform_3, window_bounds = array<i64: 192, 8>}, {pipeline_mode = #tpu.pipeline_mode<synchronous>, transform_indices = @transform_4, window_bounds = array<i64: 8>}, {transform_indices = @transform_5, window_bounds = array<i64: 1, 4, 8>}]} {
    %get3A = arith.constant 0 : index
    %get3A_0 = arith.constant 0 : index
    %get3A_1 = arith.constant 0 : index
    %get3A_2 = vector.load %arg1[%get3A, %get3A_0, %get3A_1] : memref<4x576x768xf32, #tpu.memory_space<vmem>>, vector<4x576x768xf32>
    %reduce_sum3A = arith.constant dense<0.000000e+00> : vector<4x768xf32>
    %reduce_sum3A_3 = vector.multi_reduction <add>, %get3A_2, %reduce_sum3A [1] : vector<4x576x768xf32> to vector<4x768xf32>
    %mul3A = arith.constant 0.00173611112 : f32
    %mul3A_4 = vector.broadcast %mul3A : f32 to vector<4x768xf32>
    %mul3A_5 = arith.mulf %reduce_sum3A_3, %mul3A_4 : vector<4x768xf32>
    %get3A_6 = arith.constant 0 : index
    %get3A_7 = arith.constant 0 : index
    %get3A_8 = vector.load %arg2[%get3A_6, %get3A_7] : memref<768x192xf32, #tpu.memory_space<vmem>>, vector<768x192xf32>
    %dot_general3A = arith.constant dense<0.000000e+00> : vector<4x192xf32>
    %dot_general3A_9 = tpu.matmul %mul3A_5, %get3A_8, %dot_general3A {dimension_numbers = #tpu.dot_dimension_numbers<[1], [0], [0], [1], [0, 0, 1, 1], [], []>, transpose_lhs_hint = false} : vector<4x768xf32>, vector<768x192xf32>, vector<4x192xf32> -> vector<4x192xf32>
    %get3A_10 = arith.constant 0 : index
    %get3A_11 = vector.load %arg3[%get3A_10] : memref<192xf32, #tpu.memory_space<vmem>>, vector<192xf32>
    %broadcast_in_dim3A = vector.shape_cast %get3A_11 : vector<192xf32> to vector<1x192xf32>
    %add3A = vector.broadcast %broadcast_in_dim3A : vector<1x192xf32> to vector<4x192xf32>
    %add3A_12 = arith.addf %dot_general3A_9, %add3A : vector<4x192xf32>
    %mul3A_13 = arith.constant 5.000000e-01 : f32
    %mul3A_14 = vector.broadcast %mul3A_13 : f32 to vector<4x192xf32>
    %mul3A_15 = arith.mulf %mul3A_14, %add3A_12 : vector<4x192xf32>
    %mul3A_16 = arith.constant 0.707106769 : f32
    %mul3A_17 = vector.broadcast %mul3A_16 : f32 to vector<4x192xf32>
    %mul3A_18 = arith.mulf %add3A_12, %mul3A_17 : vector<4x192xf32>
    %erf3A = math.erf %mul3A_18 : vector<4x192xf32>
    %add3A_19 = arith.constant 1.000000e+00 : f32
    %add3A_20 = vector.broadcast %add3A_19 : f32 to vector<4x192xf32>
    %add3A_21 = arith.addf %add3A_20, %erf3A : vector<4x192xf32>
    %mul3A_22 = arith.mulf %mul3A_15, %add3A_21 : vector<4x192xf32>
    %get3A_23 = arith.constant 0 : index
    %get3A_24 = arith.constant 0 : index
    %get3A_25 = vector.load %arg4[%get3A_23, %get3A_24] : memref<192x8xf32, #tpu.memory_space<vmem>>, vector<192x8xf32>
    %dot_general3A_26 = arith.constant dense<0.000000e+00> : vector<4x8xf32>
    %dot_general3A_27 = tpu.matmul %mul3A_22, %get3A_25, %dot_general3A_26 {dimension_numbers = #tpu.dot_dimension_numbers<[1], [0], [0], [1], [0, 0, 1, 1], [], []>, transpose_lhs_hint = false} : vector<4x192xf32>, vector<192x8xf32>, vector<4x8xf32> -> vector<4x8xf32>
    %get3A_28 = arith.constant 0 : index
    %get3A_29 = vector.load %arg5[%get3A_28] : memref<8xf32, #tpu.memory_space<vmem>>, vector<8xf32>
    %broadcast_in_dim3A_30 = vector.shape_cast %get3A_29 : vector<8xf32> to vector<1x8xf32>
    %add3A_31 = vector.broadcast %broadcast_in_dim3A_30 : vector<1x8xf32> to vector<4x8xf32>
    %add3A_32 = arith.addf %dot_general3A_27, %add3A_31 : vector<4x8xf32>
    %reduce_max3A = arith.constant dense<0xFF800000> : vector<4xf32>
    %reduce_max3A_33 = vector.multi_reduction <maximumf>, %add3A_32, %reduce_max3A [1] : vector<4x8xf32> to vector<4xf32>
    %broadcast_in_dim3A_34 = vector.shape_cast %reduce_max3A_33 : vector<4xf32> to vector<4x1xf32>
    %sub3A = vector.broadcast %broadcast_in_dim3A_34 : vector<4x1xf32> to vector<4x8xf32>
    %sub3A_35 = arith.subf %add3A_32, %sub3A : vector<4x8xf32>
    %exp3A = math.exp %sub3A_35 : vector<4x8xf32>
    %reduce_sum3A_36 = arith.constant dense<0.000000e+00> : vector<4xf32>
    %reduce_sum3A_37 = vector.multi_reduction <add>, %exp3A, %reduce_sum3A_36 [1] : vector<4x8xf32> to vector<4xf32>
    %broadcast_in_dim3A_38 = vector.shape_cast %reduce_sum3A_37 : vector<4xf32> to vector<4x1xf32>
    %div3A = vector.broadcast %broadcast_in_dim3A_38 : vector<4x1xf32> to vector<4x8xf32>
    %div3A_39 = arith.divf %exp3A, %div3A : vector<4x8xf32>
    %swap3A = arith.constant 0 : index
    %swap3A_40 = arith.constant 0 : index
    %swap3A_41 = arith.constant 0 : index
    %swap3A_42 = vector.load %arg6[%swap3A, %swap3A_40, %swap3A_41] : memref<1x4x8xf32, #tpu.memory_space<vmem>>, vector<1x4x8xf32>
    %swap3A_43 = vector.shape_cast %swap3A_42 : vector<1x4x8xf32> to vector<4x8xf32>
    %swap3A_44 = vector.shape_cast %div3A_39 : vector<4x8xf32> to vector<1x4x8xf32>
    tpu.vector_store %arg6[%swap3A, %swap3A_40, %swap3A_41], %swap3A_44 {strides = array<i32>} : memref<1x4x8xf32, #tpu.memory_space<vmem>>, vector<1x4x8xf32>,
    return
  }
  func.func @transform_0(%arg0: i32) -> (i32, i32, i32) {
    %add3A = arith.constant 4 : i32
    %add3A_0 = arith.addi %arg0, %add3A : i32
    %c0_i32 = arith.constant 0 : i32
    %c0_i32_1 = arith.constant 0 : i32
    %c0_i32_2 = arith.constant 0 : i32
    return %add3A_0, %c0_i32, %c0_i32_1 : i32, i32, i32
  }
  func.func @transform_1(%arg0: i32) -> (i32, i32) {
    %c0_i32 = arith.constant 0 : i32
    %c0_i32_0 = arith.constant 0 : i32
    %c0_i32_1 = arith.constant 0 : i32
    return %c0_i32, %c0_i32_0 : i32, i32
  }
  func.func @transform_2(%arg0: i32) -> i32 {
    %c0_i32 = arith.constant 0 : i32
    %c0_i32_0 = arith.constant 0 : i32
    return %c0_i32 : i32
  }
  func.func @transform_3(%arg0: i32) -> (i32, i32) {
    %c0_i32 = arith.constant 0 : i32
    %c0_i32_0 = arith.constant 0 : i32
    %c0_i32_1 = arith.constant 0 : i32
    return %c0_i32, %c0_i32_0 : i32, i32
  }
  func.func @transform_4(%arg0: i32) -> i32 {
    %c0_i32 = arith.constant 0 : i32
    %c0_i32_0 = arith.constant 0 : i32
    return %c0_i32 : i32
  }
  func.func @transform_5(%arg0: i32) -> (i32, i32, i32) {
    %c0_i32 = arith.constant 0 : i32
    %c0_i32_0 = arith.constant 0 : i32
    %c0_i32_1 = arith.constant 0 : i32
    return %arg0, %c0_i32, %c0_i32_0 : i32, i32, i32
  }
}

module attributes {stable_mosaic.version = 14 : i64} {
  func.func @_sc_mlp_body(%arg0: memref<16x2x768xf32, #tpu.memory_space<vmem>>, %arg1: memref<768x192xf32, #tpu.memory_space<vmem>>, %arg2: memref<192xf32, #tpu.memory_space<vmem>>, %arg3: memref<192x8xf32, #tpu.memory_space<vmem>>, %arg4: memref<8xf32, #tpu.memory_space<vmem>>, %arg5: memref<16x8xf32, #tpu.memory_space<vmem>>) attributes {dimension_semantics = [], scalar_prefetch = 0 : i64, scratch_operands = 0 : i64, tpu.core_type = #tpu.core_type<tc>} {
    %get3A = arith.constant 0 : index
    %get3A_0 = arith.constant 0 : index
    %get3A_1 = arith.constant 0 : index
    %get3A_2 = vector.load %arg0[%get3A, %get3A_0, %get3A_1] : memref<16x2x768xf32, #tpu.memory_space<vmem>>, vector<16x2x768xf32>
    %reduce_sum3A = arith.constant dense<0.000000e+00> : vector<16x768xf32>
    %reduce_sum3A_3 = vector.multi_reduction <add>, %get3A_2, %reduce_sum3A [1] : vector<16x2x768xf32> to vector<16x768xf32>
    %mul3A = arith.constant 0.00173611112 : f32
    %mul3A_4 = vector.broadcast %mul3A : f32 to vector<16x768xf32>
    %mul3A_5 = arith.mulf %reduce_sum3A_3, %mul3A_4 : vector<16x768xf32>
    %get3A_6 = arith.constant 0 : index
    %get3A_7 = arith.constant 0 : index
    %get3A_8 = vector.load %arg1[%get3A_6, %get3A_7] : memref<768x192xf32, #tpu.memory_space<vmem>>, vector<768x192xf32>
    %dot_general3A = arith.constant dense<0.000000e+00> : vector<16x192xf32>
    %dot_general3A_9 = tpu.matmul %mul3A_5, %get3A_8, %dot_general3A {dimension_numbers = #tpu.dot_dimension_numbers<[1], [0], [0], [1], [0, 0, 1, 1], [], []>, transpose_lhs_hint = false} : vector<16x768xf32>, vector<768x192xf32>, vector<16x192xf32> -> vector<16x192xf32>
    %get3A_10 = arith.constant 0 : index
    %get3A_11 = vector.load %arg2[%get3A_10] : memref<192xf32, #tpu.memory_space<vmem>>, vector<192xf32>
    %broadcast_in_dim3A = vector.shape_cast %get3A_11 : vector<192xf32> to vector<1x192xf32>
    %add3A = vector.broadcast %broadcast_in_dim3A : vector<1x192xf32> to vector<16x192xf32>
    %add3A_12 = arith.addf %dot_general3A_9, %add3A : vector<16x192xf32>
    %mul3A_13 = arith.constant 5.000000e-01 : f32
    %mul3A_14 = vector.broadcast %mul3A_13 : f32 to vector<16x192xf32>
    %mul3A_15 = arith.mulf %mul3A_14, %add3A_12 : vector<16x192xf32>
    %mul3A_16 = arith.constant 0.707106769 : f32
    %mul3A_17 = vector.broadcast %mul3A_16 : f32 to vector<16x192xf32>
    %mul3A_18 = arith.mulf %add3A_12, %mul3A_17 : vector<16x192xf32>
    %erf3A = math.erf %mul3A_18 : vector<16x192xf32>
    %add3A_19 = arith.constant 1.000000e+00 : f32
    %add3A_20 = vector.broadcast %add3A_19 : f32 to vector<16x192xf32>
    %add3A_21 = arith.addf %add3A_20, %erf3A : vector<16x192xf32>
    %mul3A_22 = arith.mulf %mul3A_15, %add3A_21 : vector<16x192xf32>
    %get3A_23 = arith.constant 0 : index
    %get3A_24 = arith.constant 0 : index
    %get3A_25 = vector.load %arg3[%get3A_23, %get3A_24] : memref<192x8xf32, #tpu.memory_space<vmem>>, vector<192x8xf32>
    %dot_general3A_26 = arith.constant dense<0.000000e+00> : vector<16x8xf32>
    %dot_general3A_27 = tpu.matmul %mul3A_22, %get3A_25, %dot_general3A_26 {dimension_numbers = #tpu.dot_dimension_numbers<[1], [0], [0], [1], [0, 0, 1, 1], [], []>, transpose_lhs_hint = false} : vector<16x192xf32>, vector<192x8xf32>, vector<16x8xf32> -> vector<16x8xf32>
    %get3A_28 = arith.constant 0 : index
    %get3A_29 = vector.load %arg4[%get3A_28] : memref<8xf32, #tpu.memory_space<vmem>>, vector<8xf32>
    %broadcast_in_dim3A_30 = vector.shape_cast %get3A_29 : vector<8xf32> to vector<1x8xf32>
    %add3A_31 = vector.broadcast %broadcast_in_dim3A_30 : vector<1x8xf32> to vector<16x8xf32>
    %add3A_32 = arith.addf %dot_general3A_27, %add3A_31 : vector<16x8xf32>
    %reduce_max3A = arith.constant dense<0xFF800000> : vector<16xf32>
    %reduce_max3A_33 = vector.multi_reduction <maximumf>, %add3A_32, %reduce_max3A [1] : vector<16x8xf32> to vector<16xf32>
    %broadcast_in_dim3A_34 = vector.shape_cast %reduce_max3A_33 : vector<16xf32> to vector<16x1xf32>
    %sub3A = vector.broadcast %broadcast_in_dim3A_34 : vector<16x1xf32> to vector<16x8xf32>
    %sub3A_35 = arith.subf %add3A_32, %sub3A : vector<16x8xf32>
    %exp3A = math.exp %sub3A_35 : vector<16x8xf32>
    %reduce_sum3A_36 = arith.constant dense<0.000000e+00> : vector<16xf32>
    %reduce_sum3A_37 = vector.multi_reduction <add>, %exp3A, %reduce_sum3A_36 [1] : vector<16x8xf32> to vector<16xf32>
    %broadcast_in_dim3A_38 = vector.shape_cast %reduce_sum3A_37 : vector<16xf32> to vector<16x1xf32>
    %div3A = vector.broadcast %broadcast_in_dim3A_38 : vector<16x1xf32> to vector<16x8xf32>
    %div3A_39 = arith.divf %exp3A, %div3A : vector<16x8xf32>
    %swap3A = arith.constant 0 : index
    %swap3A_40 = arith.constant 0 : index
    %swap3A_41 = vector.load %arg5[%swap3A, %swap3A_40] : memref<16x8xf32, #tpu.memory_space<vmem>>, vector<16x8xf32>
    tpu.vector_store %arg5[%swap3A, %swap3A_40], %div3A_39 {strides = array<i32>} : memref<16x8xf32, #tpu.memory_space<vmem>>, vector<16x8xf32>,
    return
  }
}

</mosaic_0001>

<sc_bundles>
// kernel: kernel.5.cloned.1.call-start
scs
__scs_entry_jumppad:
0x0: {  	(pc) =	sbr.rel $0x88, $3  }
0x1: {  	(tag) =	ssettag $0x0;
	lr =	simm.s32 $0x1  }
0x2: {  	[smem:$0x3F9C] =	sst lr;
	_ =	strace $0xD0000000  }
0x3: {  	_ = 	snop  }
0x4: {  	_ = 	snop  }
0x5: {  	_ = 	snop  }
0x6: {  	_ = 	snop  }
0x7: {  	_ = 	snop  }
__scs_overlays_trampoline_lowered:
0x8: {  	[smem:$0x3FAB] =	sst s0  }
0x9: {  	[smem:$0x3FAC] =	sst s1  }
0xa: {  	[smem:$0x3FAD] =	sst s2  }
0xb: {  	[smem:$0x3FAE] =	sst s3  }
0xc: {  	[smem:$0x3FAF] =	sst s4  }
0xd: {  	[smem:$0x3FB0] =	sst s5  }
0xe: {  	[smem:$0x3FB1] =	sst s6  }
0xf: {  	[smem:$0x3FB2] =	sst s7  }
0x10: {  	[smem:$0x3FB3] =	sst s8  }
0x11: {  	[smem:$0x3FB4] =	sst s9;
	s0 =	simm.s32 @!p0 $0x0  }
0x12: {  	s1 =	sld [smem:$0x3F9A];
	s0 =	simm.s32 @p0 $0x1  }
0x13: {  	[smem:$0x3FB5] =	sst s0;
	s0 =	simm.s32 @!p1 $0x0  }
0x14: {  	s2 =	sld [smem:$0x3F99];
	s0 =	simm.s32 @p1 $0x1  }
0x15: {  	[smem:$0x3FB6] =	sst s0;
	s0 =	simm.s32 @!p2 $0x0  }
0x16: {  	s3 =	sld [smem:$0x3FDB];
	s0 =	simm.s32 @p2 $0x1  }
0x17: {  	s4 =	simm.s32 $0x1BF5;
	[smem:$0x3FB8] =	sst s0  }
0x18: {  	s0 =	sld [smem:$0x3F9B];
	_ =	swait.ge [sflag:s4], $0x0  }
0x19: {  	s7 =	sld [smem:$0x3F9C]  }
0x1a: {  	s8 =	sadd.s32 $0xFFFFE003, lr  }
0x1b: {  	s9 =	sadd.s32 $0xFFFFFEF7, lr;
	s5 =	simm.s32 $0xFFFFFFFF;
	p2 =	slt.u32 s8, $0xFFFFF086  }
0x1c: {  	p1 =	slt.u32 s9, $0xF7A;
	s5 =	simm.s32 @!p2 $0x0  }
0x1d: {  	s5 =	simm.s32 @p1 $0x1;
	p0 =	seq.s32 s7, s2  }
0x1e: {  	s7 =	smul.u32 @!p0 $0xF7A, s2;
	p2 =	seq.s32 @!p0 s5, $0x0  }
0x1f: {  	s9 =	smul.u32 $0xF7A, s1;
	s8 =	simm.s32 @!p0 $0x1BF5;
	p2 =	por !p2, p0  }
0x20: {  	[sflag:s8] =	ssyncset.s32 @!p0 $0xFFFFF086;
	s6 =	sadd.s32 @!p0 s3, s7;
	s7 =	simm.s32 @!p0 $0x108  }
0x21: {  	s3 =	sadd.s32 s3, s9;
	s6 =	sadd.s32 @!p0 $0x88, s6;
	s7 =	simm.s32 @p2 $0x1082  }
0x22: {  	[simem:s7], [sflag:s8] =	dma.local @!p0 [hbm:s6], $0xF7A  }
0x23: {  	s9 =	sor.u32 $0xD0000000, s2;
	s6 =	simm.s32 $0x108;
	_ =	swait.ge @!p0 [sflag:s8], $0x0  }
0x24: {  	s3 =	sadd.s32 $0x88, s3;
	s6 =	simm.s32 @!p1 $0x1082;
	[sflag:s4] =	ssyncset.s32 $0xFFFFF086  }
0x25: {  	[simem:s6], [sflag:s4] =	dma.local [hbm:s3], $0xF7A  }
0x26: {  	[smem:$0x3F9C] =	sst s1;
	(tag) =	ssettag s2;
	_ =	strace s9  }
0x27: {  	s1 =	sld [smem:$0x3FAC]  }
0x28: {  	s2 =	sld [smem:$0x3FAD]  }
0x29: {  	s4 =	sld [smem:$0x3FAF]  }
0x2a: {  	p0 =	seq.s32 s5, $0x0;
	s5 =	sld [smem:$0x3FB0]  }
0x2b: {  	s6 =	sld [smem:$0x3FB1]  }
0x2c: {  	s7 =	sld [smem:$0x3FB2]  }
0x2d: {  	s3 =	simm.s32 $0x108;
	s8 =	sld [smem:$0x3FB3]  }
0x2e: {  	s3 =	simm.s32 @!p0 $0x1082;
	s9 =	sld [smem:$0x3FB4]  }
0x2f: {  	lr =	sadd.s32 s0, s3;
	s0 =	sld [smem:$0x3FAB]  }
0x30: {  	s3 =	sld [smem:$0x3FAE]  }
0x31: {  	[smem:$0x3FB7] =	sst s10  }
0x32: {  	s10 =	sld [smem:$0x3FB5];
	_ =	sdelay $0x3  }
0x33: {  	p0 =	seq.s32 s10, $0x1;
	s10 =	sld [smem:$0x3FB7];
	_ =	sdelay $0x3  }
0x34: {  	[smem:$0x3FB7] =	sst s10  }
0x35: {  	s10 =	sld [smem:$0x3FB6];
	_ =	sdelay $0x3  }
0x36: {  	p1 =	seq.s32 s10, $0x1;
	s10 =	sld [smem:$0x3FB7];
	_ =	sdelay $0x3  }
0x37: {  	[smem:$0x3FB7] =	sst s10  }
0x38: {  	s10 =	sld [smem:$0x3FB8]  }
0x39: {  	_ = 	snop;
	(pc) =	sbr.ind lr, $3  }
0x3a: {  	_ = 	snop  }
0x3b: {  	_ = 	snop  }
0x3c: {  	p2 =	seq.s32 s10, $0x1;
	s10 =	sld [smem:$0x3FB7]  }
0x3d: {  	_ =	shalt  }
0x3e: {  	_ =	shalt  }
0x3f: {  	_ =	shalt  }
0x40: {  	_ =	shalt  }
0x41: {  	_ =	shalt  }
0x42: {  	_ =	shalt  }
0x43: {  	_ =	shalt  }
0x44: {  	_ =	shalt  }
0x45: {  	_ =	shalt  }
0x46: {  	_ =	shalt  }
0x47: {  	_ =	shalt  }
0x48: {  	_ =	shalt  }
0x49: {  	_ =	shalt  }
0x4a: {  	_ =	shalt  }
0x4b: {  	_ =	shalt  }
0x4c: {  	_ =	shalt  }
0x4d: {  	_ =	shalt  }
0x4e: {  	_ =	shalt  }
0x4f: {  	_ =	shalt  }
0x50: {  	_ =	shalt  }
0x51: {  	_ =	shalt  }
0x52: {  	_ =	shalt  }
0x53: {  	_ =	shalt  }
0x54: {  	_ =	shalt  }
0x55: {  	_ =	shalt  }
0x56: {  	_ =	shalt  }
0x57: {  	_ =	shalt  }
0x58: {  	_ =	shalt  }
0x59: {  	_ =	shalt  }
0x5a: {  	_ =	shalt  }
0x5b: {  	_ =	shalt  }
0x5c: {  	_ =	shalt  }
0x5d: {  	_ =	shalt  }
0x5e: {  	_ =	shalt  }
0x5f: {  	_ =	shalt  }
0x60: {  	_ =	shalt  }
0x61: {  	_ =	shalt  }
0x62: {  	_ =	shalt  }
0x63: {  	_ =	shalt  }
0x64: {  	_ =	shalt  }
0x65: {  	_ =	shalt  }
0x66: {  	_ =	shalt  }
0x67: {  	_ =	shalt  }
0x68: {  	_ =	shalt  }
0x69: {  	_ =	shalt  }
0x6a: {  	_ =	shalt  }
0x6b: {  	_ =	shalt  }
0x6c: {  	_ =	shalt  }
0x6d: {  	_ =	shalt  }
0x6e: {  	_ =	shalt  }
0x6f: {  	_ =	shalt  }
0x70: {  	_ =	shalt  }
0x71: {  	_ =	shalt  }
0x72: {  	_ =	shalt  }
0x73: {  	_ =	shalt  }
0x74: {  	_ =	shalt  }
0x75: {  	_ =	shalt  }
0x76: {  	_ =	shalt  }
0x77: {  	_ =	shalt  }
0x78: {  	_ =	shalt  }
0x79: {  	_ =	shalt  }
0x7a: {  	_ =	shalt  }
0x7b: {  	_ =	shalt  }
0x7c: {  	_ =	shalt  }
0x7d: {  	_ =	shalt  }
0x7e: {  	_ =	shalt  }
0x7f: {  	_ =	shalt  }
0x80: {  	_ =	shalt  }
0x81: {  	_ =	shalt  }
0x82: {  	_ =	shalt  }
0x83: {  	_ =	shalt  }
0x84: {  	_ =	shalt  }
0x85: {  	_ =	shalt  }
0x86: {  	_ =	shalt  }
0x87: {  	_ =	shalt  }
.Lfunc_end0:
.L_simem_size_0:
called_computation_lowered:
.L_overlay_start_0:
0x88: {  	s2 =	sld [smem:$0x3FD9]  }
0x89: {  	s3 =	sld [smem:$0x3FFE];
	_ =	sdelay $0x1  }
0x8a: {  	s1 =	srdreg.scid  }
0x8b: {  	s0 =	sand.u32 $0x1, s1  }
0x8c: {  	s17 =	sshll.u32 s0, $0xA;
	s2 =	sadd.s32 s3, s2  }
0x8d: {  	s2 =	sadd.s32 s2, s17  }
0x8e: {  	[smem:$0x3FC3] =	sst s2  }
0x8f: {  	_ = 	snop  }
0x90: {  	s2 =	sld [smem:$0x3FC9];
	(tm) =	ssettm $0x1  }
0x91: {  	s18 =	sld [smem:$0x3FFB];
	_ =	sdelay $0x3  }
0x92: {  	_ =	strace s18  }
0x93: {  	s3 =	sld [smem:$0x3FFC];
	_ =	sdelay $0x3  }
0x94: {  	_ =	strace s3  }
0x95: {  	s3 =	sld [smem:$0x3FFD];
	_ =	sdelay $0x3  }
0x96: {  	_ =	strace s3  }
0x97: {  	_ =	strace $0x8FFFFFFF  }
0x98: {  	s19 =	sld [smem:$0x3FDB];
	_ =	sdelay $0x1  }
0x99: {  	s4 =	simm.s32 $_scs_section_size  }
0x9a: {  	s5 =	simm.s32 $_size__tile_overlayer_lowered;
	s6 =	simm.s32 $_tile_overlayer_lowered  }
0x9b: {  	s22 =	simm.s32 $0x1BFF;
	s21 =	sshll.u32 s6, $0x1;
	s3 =	sadd.s32 s4, s19  }
0x9c: {  	s7 =	simm.s32 $0x0;
	s20 =	sshll.u32 s5, $0x1;
	s5 =	sadd.s32 s21, s3  }
0x9d: {  	[timem:s7], [sflag:s22] =	dma.local [hbm:s5], s20  }
0x9e: {  	_ =	swait.ge [sflag:s22], s20  }
0x9f: {  	s4 =	ssub.s32 $0x0, s20;
	[sflag:s22] =	ssyncset.done $0x0  }
0xa0: {  	[sflag:s22] =	ssyncadd.s32 s4;
	_ =	sdelay $0x1  }
0xa1: {  	s23 =	simm.s32 $0x1B8B  }
0xa2: {  	_ =	swait.ge [sflag:s23], $0x1  }
0xa3: {  	[sflag:s23] =	ssyncset.done $0x0  }
0xa4: {  	s25 =	simm.s32 $0x1B8E;
	s24 =	sld [smem:$0x3FFE];
	[sflag:s23] =	ssyncadd.s32 $0xFFFFFFFF  }
0xa5: {  	s26 =	simm.s32 $execute0_lowered;
	[smem:$0x3FD2] =	sst s25  }
0xa6: {  	s5 =	sshll.u32 s26, $0x1;
	_ =	strace $0x80000046;
	[dreg:$0x1] =	wrdreg $0xFFFFFFFF  }
0xa7: {  	s28 =	simm.s32 $_size_execute0_lowered;
	s3 =	sadd.s32 s3, s5;
	[dreg:$0x0] =	wrdreg $0x0  }
0xa8: {  	s5 =	sshll.u32 s28, $0x1;
	[dreg:$0x2] =	wrdreg s3  }
0xa9: {  	[dreg:$0x3] =	wrdreg s5  }
0xaa: {  	[dreg:$0x4] =	wrdreg $0xC0  }
0xab: {  	_ =	task [dreg:s7], $0x5FFFF  }
0xac: {  	[dreg:$0x1] =	wrdreg $0xFFFFFFFF  }
0xad: {  	[dreg:$0x0] =	wrdreg $0x60  }
0xae: {  	[dreg:$0x2] =	wrdreg s2  }
0xaf: {  	[dreg:$0x3] =	wrdreg s24  }
0xb0: {  	[dreg:$0x4] =	wrdreg $0x9  }
0xb1: {  	_ =	task.clear_ibuf [dreg:s7], $0x5FFFF;
	_ =	strace $0x90000046  }
0xb2: {  	s29 =	simm.s32 $0x9;
	_ =	strace $0x80000048  }
0xb3: {  	_ =	swait.ge [sflag:s29], $0x1  }
0xb4: {  	[sflag:s29] =	ssyncadd.s32 $0xFFFFFFFF  }
0xb5: {  	_ =	strace $0x90000048  }
0xb6: {  	_ =	sfence  }
0xb7: {  	s30 =	sld [smem:$0x0];
	_ =	sdelay $0x2  }
0xb8: {  	s31 =	sshll.u32 s1, $0xD;
	s1 =	sshrl.u32 s1, $0x2  }
0xb9: {  	s3 =	sand.u32 $0x4000, s31;
	s1 =	sadd.s32 s1, s30  }
0xba: {  	s0 =	sor.u32 s3, s0;
	s1 =	sshll.u32 s1, $0x11  }
0xbb: {  	s0 =	sor.u32 s1, s0  }
0xbc: {  	s0 =	sadd.s32 $0x8F2B, s0  }
0xbd: {  	[sflag:s0] =	ssyncadd.remote.s32 $0x1  }
0xbe: {  	_ =	sfence.sel $0xFFFF  }
0xbf: {  	[dreg:$0x0] =	wrdreg $0xFFFFFFFF;
	(pc) =	sbr.abs _section_cstart, $3  }
0xc0: {  	[dreg:$0x1] =	wrdreg $0xFFFFFFFF  }
0xc1: {  	_ =	task.clear_ibuf [dreg:s7], $0x2FFFF;
	_ =	strace $0x9FFFFFFF  }
0xc2: {  	(tm) =	ssettm $0x7FFFFFFF  }
0xc3: {  	_ =	shalt  }
tec
execute0_lowered:
.L_overlay_start_1:
0x0: {  	(tag) =	ssettag $0x1  }
0x1: {  	s9 =	rddreg [dreg:$0x0];
	s1 =	srdreg.scid  }
0x2: {  	s0 =	stileid.u32;
	s3 =	rddreg [dreg:$0x1]  }
0x3: {  	s7 =	simm.s32 $0x1;
	s14 =	simm.s32 $0x400;
	s15 =	simm.s32 $0x800  }
0x4: {  	s16 =	simm.s32 $0xC00;
	s17 =	simm.s32 $0x1000;
	s18 =	simm.s32 $0x1400  }
0x5: {  	s19 =	simm.s32 $0x3;
	s4 =	sand.u32 $0x1, s1;
	s2 =	sshll.u32 s0, $0x1  }
0x6: {  	s20 =	simm.s32 $0x0;
	s1 =	rddreg [dreg:$0x2];
	s5 =	sor.u32 s4, s2  }
0x7: {  	s6 =	sshrl.u32 s0, $0x2;
	p0 =	seq.s32 s4, $0x1;
	p1 =	seq.s32 s5, $0x0  }
0x8: {  	s2 =	simm.s32 $0x0;
	s6 =	smul.u32 $0x1800, s6;
	p1 =	por !p1, !p0  }
0x9: {  	s4 =	ssub.s32 $0x2, s4;
	[smem:$0x7FF] =	sst s2;
	p1 =	por !p1, !p1  }
0xa: {  	s5 =	sshll.u32 s5, $0x7;
	s24 =	sshrl.u32 s4, $0x1;
	s7 =	simm.s32 @!p1 $0x0  }
0xb: {  	_ =	strace $0x80000047;
	s5 =	sand.u32 $0x380, s5;
	s7 =	ssub.s32 s0, s7  }
0xc: {  	s5 =	sor.u32 s6, s5;
	s6 =	simm.s32 $0x36000;
	s7 =	smul.u32 $0x6C000, s7  }
0xd: {  	s11 =	ssub.s32 s4, s24;
	s5 =	sshrl.u32 s5, $0x3;
	s6 =	simm.s32 @!p0 $0x0  }
0xe: {  	s11 =	smax.u32 s11, $0x1;
	s10 =	sadd.s32 s5, s3;
	s7 =	sadd.s32 s6, s7  }
0xf: {  	s3 =	simm.s32 $0x1;
	s10 =	sadd.s32 $0xC00, s10;
	s25 =	sadd.s32 $0x9000, s7  }
0x10: {  	s26 =	sshrl.u32 s7, $0x3;
	s8 =	sadd.s32 $0x12000, s7;
	s30 =	sadd.s32 $0x1B000, s7  }
0x11: {  	s12 =	sadd.s32 $0x24000, s7;
	s13 =	sadd.s32 $0x2D000, s7;
	s28 =	sshrl.u32 s25, $0x3  }
0x12: {  	s4 =	sadd.s32 s9, s26;
	s29 =	sshrl.u32 s8, $0x3;
	s8 =	sshrl.u32 s30, $0x3  }
0x13: {  	s12 =	sshrl.u32 s12, $0x3;
	s31 =	sshrl.u32 s13, $0x3;
	s13 =	simm.s32 $0x2  }
0x14: {  	s5 =	sadd.s32 s9, s28;
	s6 =	sadd.s32 s9, s29;
	s7 =	sadd.s32 s9, s8  }
0x15: {  	s8 =	sadd.s32 s9, s12;
	s9 =	sadd.s32 s9, s31;
	s12 =	simm.s32 $0x9000  }
.LBB2_1:
0x16: {  	[tilespmem:s2], [sflag:$0x1] =	stream.linear.gather [hbm4b:s4+s2], $0x9000, $0x38;
	[tilespmem:$0x12000] =	vst v63  }
0x17: {  	s21 =	simm.s32 $0x0  }
0x18: {  	s21 =	smul.u32 $0x6000, s21  }
0x19: {  	[tilespmem:s12], [sflag:$0x2] =	stream.linear.gather [hbm4b:s5+s2], $0x9000, $0x38;
	[tilespmem:$0x12000] =	vst v63  }
0x1a: {  	_ =	swait.ge [sflag:s3], $0x9000  }
0x1b: {  	s22 =	sand.u32 $0x380, s2;
	s21 =	sshra.s32 s21, $0x2;
	[sflag:s3] =	ssyncset.done $0x0  }
0x1c: {  	s21 =	sor.u32 s22, s21;
	[sflag:s3] =	ssyncadd.s32 $0xFFFF7000  }
0x1d: {  	v0 =	vld [tilespmem:s21+$0x1470]  }
0x1e: {  	v1 =	vld [tilespmem:s21+$0x0]  }
0x1f: {  	v2 =	vld [tilespmem:s21+$0x10]  }
0x20: {  	v3 =	vld [tilespmem:s21+$0x20]  }
0x21: {  	v6 =	vld [tilespmem:s21+$0x30]  }
0x22: {  	v7 =	vld [tilespmem:s21+$0x40]  }
0x23: {  	v8 =	vld [tilespmem:s21+$0x50]  }
0x24: {  	v9 =	vld [tilespmem:s21+$0x60]  }
0x25: {  	v10 =	vld [tilespmem:s21+$0x70]  }
0x26: {  	v11 =	vld [tilespmem:s21+$0x400]  }
0x27: {  	v12 =	vld [tilespmem:s21+$0x410]  }
0x28: {  	v13 =	vld [tilespmem:s21+$0x420]  }
0x29: {  	v14 =	vld [tilespmem:s21+$0x430]  }
0x2a: {  	v15 =	vld [tilespmem:s21+$0x440]  }
0x2b: {  	v16 =	vld [tilespmem:s21+$0x450]  }
0x2c: {  	v17 =	vld [tilespmem:s21+$0x460]  }
0x2d: {  	v18 =	vld [tilespmem:s21+$0x470]  }
0x2e: {  	v19 =	vld [tilespmem:s21+$0x800]  }
0x2f: {  	v20 =	vld [tilespmem:s21+$0x810]  }
0x30: {  	v21 =	vld [tilespmem:s21+$0x820]  }
0x31: {  	v22 =	vld [tilespmem:s21+$0x830]  }
0x32: {  	v34 =	vld [tilespmem:s21+$0x840]  }
0x33: {  	v35 =	vld [tilespmem:s21+$0x850]  }
0x34: {  	v39 =	vimm.f32 $0.0e+00;
	v36 =	vld [tilespmem:s21+$0x860]  }
0x35: {  	v37 =	vld [tilespmem:s21+$0xC30];
	v23 =	vadd.f32 v0, v39;
	v4 =	vadd.f32 v1, v39  }
0x36: {  	v38 =	vld [tilespmem:s21+$0xC40];
	v24 =	vadd.f32 v2, v39;
	v5 =	vadd.f32 v3, v39  }
0x37: {  	v40 =	vld [tilespmem:s21+$0xC50];
	v25 =	vadd.f32 v6, v39;
	v6 =	vadd.f32 v7, v39  }
0x38: {  	v41 =	vld [tilespmem:s21+$0xC60];
	v26 =	vadd.f32 v8, v39;
	v7 =	vadd.f32 v9, v39  }
0x39: {  	v42 =	vld [tilespmem:s21+$0xC70];
	v27 =	vadd.f32 v10, v39;
	v8 =	vadd.f32 v11, v39  }
0x3a: {  	v43 =	vld [tilespmem:s21+$0x1020];
	v28 =	vadd.f32 v12, v39;
	v9 =	vadd.f32 v13, v39  }
0x3b: {  	v44 =	vld [tilespmem:s21+$0x1030];
	v29 =	vadd.f32 v14, v39;
	v10 =	vadd.f32 v15, v39  }
0x3c: {  	v0 =	vld [tilespmem:s21+$0x870];
	v30 =	vadd.f32 v16, v39;
	v11 =	vadd.f32 v17, v39  }
0x3d: {  	v1 =	vld [tilespmem:s21+$0xC00];
	v31 =	vadd.f32 v18, v39;
	v12 =	vadd.f32 v19, v39  }
0x3e: {  	v3 =	vld [tilespmem:s21+$0xC20];
	v32 =	vadd.f32 v20, v39;
	v13 =	vadd.f32 v21, v39  }
0x3f: {  	v2 =	vld [tilespmem:s21+$0xC10];
	v33 =	vadd.f32 v22, v39;
	v14 =	vadd.f32 v34, v39  }
0x40: {  	v21 =	vld [tilespmem:s21+$0x1000];
	v34 =	vadd.f32 v35, v39;
	v15 =	vadd.f32 v36, v39  }
0x41: {  	v22 =	vld [tilespmem:s21+$0x1010];
	v37 =	vadd.f32 v37, v39;
	v18 =	vadd.f32 v38, v39  }
0x42: {  	v46 =	vimm.f32 $0.0e+00;
	v45 =	vld [tilespmem:s21+$0x1050];
	v38 =	vadd.f32 v40, v39;
	v19 =	vadd.f32 v41, v39  }
0x43: {  	v47 =	vimm.f32 $0.0e+00;
	v20 =	vadd.f32 v42, v39;
	v17 =	vadd.f32 v3, v39;
	v3 =	vld [tilespmem:s21+$0x1040]  }
0x44: {  	v49 =	vld [tilespmem:s21+$0x1060];
	v41 =	vimm.f32 $0.0e+00;
	v35 =	vadd.f32 v0, v39;
	v16 =	vadd.f32 v1, v39  }
0x45: {  	v50 =	vld [tilespmem:s21+$0x1070];
	v42 =	vimm.f32 $0.0e+00;
	v36 =	vadd.f32 v2, v39;
	v0 =	vadd.f32 v21, v39  }
0x46: {  	v48 =	vld [tilespmem:s21+$0x1400];
	v40 =	vimm.f32 $0.0e+00;
	v1 =	vadd.f32 v22, v39;
	v2 =	vadd.f32 v43, v39  }
0x47: {  	v51 =	vld [tilespmem:s21+$0x1410];
	v21 =	vadd.f32 v44, v39;
	v22 =	vadd.f32 v45, v39;
	v44 =	vimm.f32 $0.0e+00  }
0x48: {  	s24 =	simm.s32 $0x0;
	s23 =	simm.s32 $0x2;
	s22 =	simm.s32 $0x0;
	v52 =	vld [tilespmem:s21+$0x1420];
	v45 =	vimm.f32 $0.0e+00;
	v43 =	vimm.f32 $0.0e+00;
	v3 =	vadd.f32 v3, v39  }
.LBB2_2:
0x49: {  	p0 =	sne.s32 s23, $0x2F;
	s24 =	smul.u32 $0x6000, s24;
	v39 =	vadd.f32 v49, v39;
	v49 =	vld [tilespmem:s21+$0x1430]  }
0x4a: {  	s22 =	sadd.s32 $0x80, s22;
	v44 =	vadd.f32 v50, v44;
	v50 =	vld [tilespmem:s21+$0x1440]  }
0x4b: {  	s25 =	sand.u32 $0x380, s22;
	s24 =	sshra.s32 s24, $0x2;
	v41 =	vadd.f32 v48, v41;
	v48 =	vld [tilespmem:s21+$0x1450]  }
0x4c: {  	v45 =	vadd.f32 v51, v45;
	v51 =	vld [tilespmem:s21+$0x1460];
	s21 =	sor.u32 s25, s24  }
0x4d: {  	v53 =	vld [tilespmem:s21+$0x1470];
	v42 =	vadd.f32 v52, v42  }
0x4e: {  	v52 =	vld [tilespmem:s21+$0x0];
	v43 =	vadd.f32 v49, v43  }
0x4f: {  	v49 =	vld [tilespmem:s21+$0x10];
	v46 =	vadd.f32 v50, v46  }
0x50: {  	v50 =	vld [tilespmem:s21+$0x20];
	v47 =	vadd.f32 v48, v47  }
0x51: {  	v48 =	vld [tilespmem:s21+$0x30];
	v40 =	vadd.f32 v51, v40  }
0x52: {  	v51 =	vld [tilespmem:s21+$0x40];
	v23 =	vadd.f32 v53, v23  }
0x53: {  	v4 =	vadd.f32 v52, v4;
	v52 =	vld [tilespmem:s21+$0x50]  }
0x54: {  	v24 =	vadd.f32 v49, v24;
	v49 =	vld [tilespmem:s21+$0x60]  }
0x55: {  	v5 =	vadd.f32 v50, v5;
	v50 =	vld [tilespmem:s21+$0x70]  }
0x56: {  	v25 =	vadd.f32 v48, v25;
	v48 =	vld [tilespmem:s21+$0x400]  }
0x57: {  	v6 =	vadd.f32 v51, v6;
	v51 =	vld [tilespmem:s21+$0x410]  }
0x58: {  	v26 =	vadd.f32 v52, v26;
	v52 =	vld [tilespmem:s21+$0x420]  }
0x59: {  	v7 =	vadd.f32 v49, v7;
	v49 =	vld [tilespmem:s21+$0x430]  }
0x5a: {  	v27 =	vadd.f32 v50, v27;
	v50 =	vld [tilespmem:s21+$0x440]  }
0x5b: {  	v8 =	vadd.f32 v48, v8;
	v48 =	vld [tilespmem:s21+$0x450]  }
0x5c: {  	v28 =	vadd.f32 v51, v28;
	v51 =	vld [tilespmem:s21+$0x460]  }
0x5d: {  	v9 =	vadd.f32 v52, v9;
	v52 =	vld [tilespmem:s21+$0x470]  }
0x5e: {  	v29 =	vadd.f32 v49, v29;
	v49 =	vld [tilespmem:s21+$0x800]  }
0x5f: {  	v10 =	vadd.f32 v50, v10;
	v50 =	vld [tilespmem:s21+$0x810]  }
0x60: {  	v30 =	vadd.f32 v48, v30;
	v48 =	vld [tilespmem:s21+$0x820]  }
0x61: {  	v11 =	vadd.f32 v51, v11;
	v51 =	vld [tilespmem:s21+$0x830]  }
0x62: {  	v31 =	vadd.f32 v52, v31;
	v52 =	vld [tilespmem:s21+$0x840]  }
0x63: {  	v12 =	vadd.f32 v49, v12;
	v49 =	vld [tilespmem:s21+$0x850]  }
0x64: {  	v32 =	vadd.f32 v50, v32;
	v50 =	vld [tilespmem:s21+$0x860]  }
0x65: {  	v13 =	vadd.f32 v48, v13;
	v48 =	vld [tilespmem:s21+$0x870]  }
0x66: {  	v33 =	vadd.f32 v51, v33;
	v51 =	vld [tilespmem:s21+$0xC00]  }
0x67: {  	v14 =	vadd.f32 v52, v14;
	v52 =	vld [tilespmem:s21+$0xC10]  }
0x68: {  	v34 =	vadd.f32 v49, v34;
	v49 =	vld [tilespmem:s21+$0xC20]  }
0x69: {  	v15 =	vadd.f32 v50, v15;
	v50 =	vld [tilespmem:s21+$0xC30]  }
0x6a: {  	v35 =	vadd.f32 v48, v35;
	v48 =	vld [tilespmem:s21+$0xC40]  }
0x6b: {  	v16 =	vadd.f32 v51, v16;
	v51 =	vld [tilespmem:s21+$0xC50]  }
0x6c: {  	v36 =	vadd.f32 v52, v36;
	v52 =	vld [tilespmem:s21+$0xC60]  }
0x6d: {  	v17 =	vadd.f32 v49, v17;
	v49 =	vld [tilespmem:s21+$0xC70]  }
0x6e: {  	v37 =	vadd.f32 v50, v37;
	v50 =	vld [tilespmem:s21+$0x1000]  }
0x6f: {  	v18 =	vadd.f32 v48, v18;
	v48 =	vld [tilespmem:s21+$0x1010]  }
0x70: {  	v38 =	vadd.f32 v51, v38;
	v51 =	vld [tilespmem:s21+$0x1020]  }
0x71: {  	v19 =	vadd.f32 v52, v19;
	v52 =	vld [tilespmem:s21+$0x1030]  }
0x72: {  	v20 =	vadd.f32 v49, v20;
	v53 =	vld [tilespmem:s21+$0x1040]  }
0x73: {  	v0 =	vadd.f32 v50, v0;
	v54 =	vld [tilespmem:s21+$0x1050]  }
.Ltmp0:
0x74: {  	v1 =	vadd.f32 v48, v1;
	v49 =	vld [tilespmem:s21+$0x1060];
	(pc) =	sbr.rel @p0 .LBB2_2-.Ltmp0, $4  }
0x75: {  	v2 =	vadd.f32 v51, v2;
	v50 =	vld [tilespmem:s21+$0x1070]  }
0x76: {  	v21 =	vadd.f32 v52, v21;
	v48 =	vld [tilespmem:s21+$0x1400]  }
0x77: {  	v3 =	vadd.f32 v53, v3;
	v51 =	vld [tilespmem:s21+$0x1410]  }
0x78: {  	s24 =	sshrl.u32 s23, $0x3;
	s23 =	sadd.s32 $0x1, s23;
	v22 =	vadd.f32 v54, v22;
	v52 =	vld [tilespmem:s21+$0x1420]  }
0x79: {  	s23 =	smul.u32 $0x6000, s24  }
0x7a: {  	s22 =	sadd.s32 $0x80, s22  }
0x7b: {  	s22 =	sand.u32 $0x380, s22;
	s23 =	sshra.s32 s23, $0x2  }
0x7c: {  	s22 =	sor.u32 s22, s23  }
0x7d: {  	v62 =	vld [tilespmem:s22+$0x40];
	_ =	sdelay $0x4  }
0x7e: {  	[tilespmem:$0x1FC50] =	vst v62;
	v62 =	vld [tilespmem:s22+$0x60];
	_ =	sdelay $0x4  }
0x7f: {  	[tilespmem:$0x1FC60] =	vst v62;
	v62 =	vld [tilespmem:s22+$0x70];
	_ =	sdelay $0x4  }
0x80: {  	[tilespmem:$0x1FC70] =	vst v62;
	v62 =	vld [tilespmem:s22+$0x400];
	_ =	sdelay $0x4  }
0x81: {  	[tilespmem:$0x1FC80] =	vst v62;
	v62 =	vld [tilespmem:s22+$0x410];
	_ =	sdelay $0x4  }
0x82: {  	[tilespmem:$0x1FC90] =	vst v62;
	v62 =	vld [tilespmem:s22+$0x420];
	_ =	sdelay $0x4  }
0x83: {  	[tilespmem:$0x1FCA0] =	vst v62;
	v62 =	vld [tilespmem:s22+$0x430];
	_ =	sdelay $0x4  }
0x84: {  	[tilespmem:$0x1FCB0] =	vst v62;
	v62 =	vld [tilespmem:s22+$0x440];
	_ =	sdelay $0x4  }
0x85: {  	[tilespmem:$0x1FCC0] =	vst v62;
	v62 =	vld [tilespmem:s22+$0x450];
	_ =	sdelay $0x4  }
0x86: {  	[tilespmem:$0x1FCD0] =	vst v62;
	v62 =	vld [tilespmem:s22+$0x460];
	_ =	sdelay $0x4  }
0x87: {  	[tilespmem:$0x1FCE0] =	vst v62;
	v62 =	vld [tilespmem:s22+$0x470];
	_ =	sdelay $0x4  }
0x88: {  	[tilespmem:$0x1FCF0] =	vst v62;
	v62 =	vld [tilespmem:s22+$0x800];
	_ =	sdelay $0x4  }
0x89: {  	[tilespmem:$0x1FD00] =	vst v62;
	v62 =	vld [tilespmem:s22+$0x810];
	_ =	sdelay $0x4  }
0x8a: {  	[tilespmem:$0x1FD10] =	vst v62;
	v62 =	vld [tilespmem:s22+$0x820];
	_ =	sdelay $0x4  }
0x8b: {  	[tilespmem:$0x1FD20] =	vst v62;
	v62 =	vld [tilespmem:s22+$0x830];
	_ =	sdelay $0x4  }
0x8c: {  	[tilespmem:$0x1FD30] =	vst v62;
	v62 =	vld [tilespmem:s22+$0x840];
	_ =	sdelay $0x4  }
0x8d: {  	[tilespmem:$0x1FD40] =	vst v62;
	v62 =	vld [tilespmem:s22+$0x850];
	_ =	sdelay $0x4  }
0x8e: {  	[tilespmem:$0x1FD50] =	vst v62;
	v62 =	vld [tilespmem:s22+$0x860];
	_ =	sdelay $0x4  }
0x8f: {  	[tilespmem:$0x1FD60] =	vst v62;
	v62 =	vld [tilespmem:s22+$0x870];
	_ =	sdelay $0x4  }
0x90: {  	[tilespmem:$0x1FD70] =	vst v62;
	v62 =	vld [tilespmem:s22+$0xC00];
	_ =	sdelay $0x4  }
0x91: {  	[tilespmem:$0x1FD80] =	vst v62;
	v62 =	vld [tilespmem:s22+$0xC10];
	_ =	sdelay $0x4  }
0x92: {  	[tilespmem:$0x1FD90] =	vst v62;
	v62 =	vld [tilespmem:s22+$0xC20];
	_ =	sdelay $0x4  }
0x93: {  	[tilespmem:$0x1FDA0] =	vst v62;
	v62 =	vld [tilespmem:s22+$0xC30];
	_ =	sdelay $0x4  }
0x94: {  	[tilespmem:$0x1FDB0] =	vst v62;
	v62 =	vld [tilespmem:s22+$0xC40];
	_ =	sdelay $0x4  }
0x95: {  	[tilespmem:$0x1FDC0] =	vst v62;
	v62 =	vld [tilespmem:s22+$0xC50];
	_ =	sdelay $0x4  }
0x96: {  	[tilespmem:$0x1FDD0] =	vst v62;
	v62 =	vld [tilespmem:s22+$0xC60];
	_ =	sdelay $0x4  }
0x97: {  	[tilespmem:$0x1FDE0] =	vst v62;
	v62 =	vld [tilespmem:s22+$0xC70];
	_ =	sdelay $0x4  }
0x98: {  	[tilespmem:$0x1FDF0] =	vst v62;
	v62 =	vld [tilespmem:s22+$0x1000];
	_ =	sdelay $0x4  }
0x99: {  	[tilespmem:$0x1FE00] =	vst v62;
	v62 =	vld [tilespmem:s22+$0x1010];
	_ =	sdelay $0x4  }
0x9a: {  	[tilespmem:$0x1FE10] =	vst v62;
	v62 =	vld [tilespmem:s22+$0x1020];
	_ =	sdelay $0x4  }
0x9b: {  	[tilespmem:$0x1FE20] =	vst v62;
	v62 =	vld [tilespmem:s22+$0x1030];
	_ =	sdelay $0x4  }
0x9c: {  	[tilespmem:$0x1FE30] =	vst v62;
	v62 =	vld [tilespmem:s22+$0x1040];
	_ =	sdelay $0x4  }
0x9d: {  	[tilespmem:$0x1FE40] =	vst v62;
	v62 =	vld [tilespmem:s22+$0x1050];
	_ =	sdelay $0x4  }
0x9e: {  	[tilespmem:$0x1FE50] =	vst v62;
	v62 =	vld [tilespmem:s22+$0x1060];
	_ =	sdelay $0x4  }
0x9f: {  	[tilespmem:$0x1FE60] =	vst v62;
	v62 =	vld [tilespmem:s22+$0x1070];
	_ =	sdelay $0x4  }
0xa0: {  	[tilespmem:$0x1FE80] =	vst v62;
	v62 =	vld [tilespmem:s22+$0x1400];
	_ =	sdelay $0x4  }
0xa1: {  	[tilespmem:$0x1FE90] =	vst v62;
	v62 =	vld [tilespmem:s22+$0x1410];
	_ =	sdelay $0x4  }
0xa2: {  	[tilespmem:$0x1FEB0] =	vst v62;
	v62 =	vld [tilespmem:s22+$0x1420];
	_ =	sdelay $0x4  }
0xa3: {  	[tilespmem:$0x1FEC0] =	vst v62;
	v62 =	vld [tilespmem:s22+$0x1430];
	_ =	sdelay $0x4  }
0xa4: {  	[tilespmem:$0x1FEE0] =	vst v62;
	v62 =	vld [tilespmem:s22+$0x1440];
	_ =	sdelay $0x2  }
0xa5: {  	v53 =	vld [tilespmem:s21+$0x1430]  }
0xa6: {  	v54 =	vld [tilespmem:s21+$0x1440]  }
0xa7: {  	[tilespmem:$0x1FF00] =	vst v62;
	v62 =	vld [tilespmem:s22+$0x1450]  }
0xa8: {  	v55 =	vld [tilespmem:s21+$0x1450]  }
0xa9: {  	v56 =	vld [tilespmem:s21+$0x1460]  }
0xaa: {  	v57 =	vld [tilespmem:s22+$0x1470]  }
0xab: {  	v60 =	vld [tilespmem:s22+$0x20]  }
0xac: {  	[tilespmem:$0x1FF10] =	vst v62;
	v62 =	vld [tilespmem:s22+$0x1460]  }
0xad: {  	v39 =	vadd.f32 v49, v39;
	v58 =	vld [tilespmem:s22+$0x0]  }
0xae: {  	v44 =	vadd.f32 v50, v44;
	v50 =	vadd.f32 v48, v41;
	v59 =	vld [tilespmem:s22+$0x10]  }
0xaf: {  	s21 =	simm.s32 $0x0;
	[tilespmem:$0x1FE70] =	vst v39;
	v61 =	vld [tilespmem:s22+$0x30]  }
0xb0: {  	[tilespmem:$0x1FEA0] =	vst v50;
	v63 =	vld [tilespmem:s22+$0x50];
	[tilespmem:s21], [sflag:$0x1] =	stream.linear.gather [hbm4b:s6+s21], $0x9000, $0x38  }
0xb1: {  	v5 =	vadd.f32 v60, v5;
	[tilespmem:$0x1FF30] =	vst v62  }
0xb2: {  	_ =	swait.ge [sflag:s13], $0x9000  }
0xb3: {  	[tilespmem:$0x1FF60] =	vst v5;
	v5 =	vld [tilespmem:$0x1FC50];
	_ =	sdelay $0x4  }
0xb4: {  	v5 =	vadd.f32 v5, v6;
	v6 =	vld [tilespmem:$0x1FC80];
	_ =	sdelay $0x4  }
0xb5: {  	v4 =	vadd.f32 v58, v4;
	v58 =	vadd.f32 v6, v8;
	v8 =	vld [tilespmem:$0x1FCC0];
	_ =	sdelay $0x4  }
0xb6: {  	v60 =	vadd.f32 v8, v10;
	v10 =	vld [tilespmem:$0x1FD00];
	_ =	sdelay $0x2  }
0xb7: {  	v62 =	vadd.f32 v55, v47;
	_ =	sdelay $0x1  }
0xb8: {  	[tilespmem:$0x1FF20] =	vst v62;
	v62 =	vadd.f32 v10, v12;
	v12 =	vld [tilespmem:$0x1FD40];
	_ =	sdelay $0x4  }
0xb9: {  	v41 =	vadd.f32 v12, v14;
	v14 =	vld [tilespmem:$0x1FD80];
	_ =	sdelay $0x4  }
0xba: {  	v49 =	vadd.f32 v14, v16;
	v16 =	vld [tilespmem:$0x1FDC0];
	_ =	sdelay $0x4  }
0xbb: {  	v45 =	vadd.f32 v51, v45;
	v51 =	vadd.f32 v16, v18;
	v18 =	vld [tilespmem:$0x1FE00];
	_ =	sdelay $0x4  }
0xbc: {  	s30 =	simm.s32 $0x0;
	v0 =	vadd.f32 v18, v0  }
0xbd: {  	s22 =	smul.u32 $0x6000, s30  }
0xbe: {  	[tilespmem:$0x1FFA0] =	vst v0;
	v0 =	vld [tilespmem:$0x1FE10]  }
0xbf: {  	s31 =	sand.u32 $0x380, s21;
	v53 =	vadd.f32 v53, v43;
	s22 =	sshra.s32 s22, $0x2;
	[sflag:s13] =	ssyncset.done $0x0  }
0xc0: {  	s22 =	sor.u32 s31, s22;
	[sflag:s13] =	ssyncadd.s32 $0xFFFF7000  }
0xc1: {  	v23 =	vadd.f32 v57, v23;
	[tilespmem:$0x1FEF0] =	vst v53;
	v53 =	vld [tilespmem:s22+$0xA470]  }
0xc2: {  	v39 =	vadd.f32 v54, v46;
	v54 =	vld [tilespmem:s22+$0x9000]  }
0xc3: {  	[tilespmem:$0x1FF40] =	vst v23;
	v55 =	vld [tilespmem:s22+$0x9010];
	v0 =	vadd.f32 v0, v1  }
0xc4: {  	v52 =	vadd.f32 v52, v42;
	[tilespmem:$0x1FF70] =	vst v5;
	v5 =	vld [tilespmem:$0x1FC60]  }
0xc5: {  	v23 =	vadd.f32 v59, v24;
	[tilespmem:$0x1FFB0] =	vst v0;
	v0 =	vld [tilespmem:$0x1FE20]  }
0xc6: {  	[tilespmem:$0x1FED0] =	vst v52;
	v52 =	vadd.f32 v56, v40;
	v56 =	vld [tilespmem:s22+$0x9020]  }
0xc7: {  	[tilespmem:$0x1FF50] =	vst v23;
	v23 =	vld [tilespmem:s22+$0x9850]  }
0xc8: {  	v24 =	vld [tilespmem:s22+$0x9860]  }
0xc9: {  	v6 =	vld [tilespmem:$0x1FC90]  }
0xca: {  	v57 =	vadd.f32 v5, v7;
	v5 =	vld [tilespmem:$0x1FC70];
	v0 =	vadd.f32 v0, v2  }
0xcb: {  	v7 =	vld [tilespmem:$0x1FCA0]  }
0xcc: {  	[tilespmem:$0x1FFC0] =	vst v0;
	v0 =	vld [tilespmem:$0x1FE30]  }
0xcd: {  	v8 =	vld [tilespmem:$0x1FCD0]  }
0xce: {  	v28 =	vadd.f32 v6, v28;
	v6 =	vld [tilespmem:s22+$0x9040]  }
0xcf: {  	v27 =	vadd.f32 v5, v27;
	v5 =	vld [tilespmem:s22+$0x9030]  }
0xd0: {  	v59 =	vadd.f32 v7, v9;
	v7 =	vld [tilespmem:$0x1FCB0]  }
0xd1: {  	v9 =	vld [tilespmem:$0x1FCE0];
	v0 =	vadd.f32 v0, v21  }
0xd2: {  	v30 =	vadd.f32 v8, v30;
	v8 =	vld [tilespmem:s22+$0x9060]  }
0xd3: {  	[tilespmem:$0x1FFD0] =	vst v0;
	v0 =	vld [tilespmem:$0x1FE40]  }
0xd4: {  	v10 =	vld [tilespmem:$0x1FD10]  }
0xd5: {  	v29 =	vadd.f32 v7, v29;
	v7 =	vld [tilespmem:s22+$0x9050]  }
0xd6: {  	v25 =	vadd.f32 v61, v25;
	v61 =	vadd.f32 v9, v11;
	v9 =	vld [tilespmem:$0x1FCF0]  }
0xd7: {  	v11 =	vld [tilespmem:$0x1FD20]  }
0xd8: {  	v5 =	vadd.f32 v5, v25;
	v25 =	vld [tilespmem:$0x1FF70];
	v0 =	vadd.f32 v0, v3  }
0xd9: {  	v32 =	vadd.f32 v10, v32;
	v10 =	vld [tilespmem:s22+$0x9400]  }
0xda: {  	[tilespmem:$0x1FFE0] =	vst v0;
	v0 =	vld [tilespmem:$0x1FE50]  }
0xdb: {  	v12 =	vld [tilespmem:$0x1FD50]  }
0xdc: {  	v8 =	vadd.f32 v8, v57;
	v57 =	vld [tilespmem:s22+$0x9C40]  }
0xdd: {  	v31 =	vadd.f32 v9, v31;
	v9 =	vld [tilespmem:s22+$0x9070]  }
0xde: {  	v26 =	vadd.f32 v63, v26;
	v63 =	vadd.f32 v11, v13;
	v11 =	vld [tilespmem:$0x1FD30]  }
0xdf: {  	v13 =	vld [tilespmem:$0x1FD60];
	v0 =	vadd.f32 v0, v22  }
0xe0: {  	v1 =	vld [tilespmem:$0x1FE70]  }
0xe1: {  	[tilespmem:$0x1FFF0] =	vst v0;
	v0 =	vld [tilespmem:$0x1FE60]  }
0xe2: {  	v34 =	vadd.f32 v12, v34;
	v12 =	vld [tilespmem:s22+$0x9420]  }
0xe3: {  	v14 =	vld [tilespmem:$0x1FD90]  }
0xe4: {  	v10 =	vadd.f32 v10, v58;
	v58 =	vld [tilespmem:s22+$0x9C50]  }
0xe5: {  	v33 =	vadd.f32 v11, v33;
	v11 =	vld [tilespmem:s22+$0x9410]  }
0xe6: {  	v42 =	vadd.f32 v0, v1;
	v0 =	vld [tilespmem:$0x1FE80]  }
0xe7: {  	v48 =	vadd.f32 v13, v15;
	v13 =	vld [tilespmem:$0x1FD70]  }
0xe8: {  	v15 =	vld [tilespmem:$0x1FDA0]  }
0xe9: {  	v36 =	vadd.f32 v14, v36;
	v14 =	vld [tilespmem:s22+$0x9440]  }
0xea: {  	v1 =	vld [tilespmem:$0x1FEA0]  }
0xeb: {  	v43 =	vadd.f32 v0, v44;
	v0 =	vld [tilespmem:$0x1FE90]  }
0xec: {  	v16 =	vld [tilespmem:$0x1FDD0]  }
0xed: {  	v12 =	vadd.f32 v12, v59;
	v59 =	vld [tilespmem:s22+$0x9C60]  }
0xee: {  	v35 =	vadd.f32 v13, v35;
	v13 =	vld [tilespmem:s22+$0x9430]  }
0xef: {  	v50 =	vadd.f32 v15, v17;
	v15 =	vld [tilespmem:$0x1FDB0]  }
0xf0: {  	v44 =	vadd.f32 v0, v1;
	v0 =	vld [tilespmem:$0x1FEB0]  }
0xf1: {  	v17 =	vld [tilespmem:$0x1FDE0]  }
0xf2: {  	v38 =	vadd.f32 v16, v38;
	v16 =	vld [tilespmem:s22+$0x9460]  }
0xf3: {  	v18 =	vld [tilespmem:s22+$0x9800]  }
0xf4: {  	v1 =	vld [tilespmem:$0x1FED0]  }
0xf5: {  	v45 =	vadd.f32 v0, v45;
	v0 =	vld [tilespmem:$0x1FEC0]  }
0xf6: {  	v14 =	vadd.f32 v14, v60;
	v60 =	vld [tilespmem:s22+$0x9C70]  }
0xf7: {  	v37 =	vadd.f32 v15, v37;
	v15 =	vld [tilespmem:s22+$0x9450];
	v17 =	vadd.f32 v17, v19  }
0xf8: {  	v19 =	vld [tilespmem:s22+$0x9810]  }
0xf9: {  	[tilespmem:$0x1FF80] =	vst v17;
	v17 =	vld [tilespmem:$0x1FDF0]  }
0xfa: {  	v46 =	vadd.f32 v0, v1;
	v0 =	vld [tilespmem:$0x1FEE0]  }
0xfb: {  	v1 =	vld [tilespmem:$0x1FEF0]  }
0xfc: {  	v16 =	vadd.f32 v16, v61;
	v61 =	vld [tilespmem:s22+$0xA000]  }
0xfd: {  	v18 =	vadd.f32 v18, v62;
	v62 =	vld [tilespmem:s22+$0xA010]  }
0xfe: {  	v2 =	vadd.f32 v54, v4;
	v4 =	vld [tilespmem:$0x1FF60]  }
0xff: {  	v17 =	vadd.f32 v17, v20;
	v20 =	vld [tilespmem:s22+$0x9820]  }
0x100: {  	v47 =	vadd.f32 v0, v1;
	v0 =	vld [tilespmem:$0x1FF00]  }
0x101: {  	[tilespmem:$0x1FF90] =	vst v17;
	v17 =	vld [tilespmem:s22+$0x9470]  }
0x102: {  	v15 =	vadd.f32 v15, v30;
	v30 =	vadd.f32 v57, v51;
	v57 =	vld [tilespmem:$0x1FF90]  }
0x103: {  	v4 =	vadd.f32 v56, v4;
	v56 =	vld [tilespmem:s22+$0x9C30]  }
0x104: {  	v1 =	vld [tilespmem:$0x1FF20]  }
0x105: {  	v39 =	vadd.f32 v0, v39;
	v0 =	vld [tilespmem:$0x1FF10]  }
0x106: {  	v54 =	vld [tilespmem:s22+$0x9C10]  }
0x107: {  	v20 =	vadd.f32 v20, v63;
	v63 =	vld [tilespmem:s22+$0xA040]  }
0x108: {  	v17 =	vadd.f32 v17, v31;
	v31 =	vadd.f32 v58, v38;
	v58 =	vld [tilespmem:$0x1FFA0]  }
0x109: {  	v13 =	vadd.f32 v13, v29;
	v29 =	vadd.f32 v56, v37;
	v56 =	vld [tilespmem:$0x1FF80]  }
0x10a: {  	v40 =	vadd.f32 v0, v1;
	v0 =	vld [tilespmem:$0x1FF30]  }
0x10b: {  	v9 =	vadd.f32 v9, v27;
	v27 =	vadd.f32 v54, v36;
	v54 =	vld [tilespmem:s22+$0xA050]  }
0x10c: {  	v21 =	vld [tilespmem:s22+$0x9830]  }
0x10d: {  	v23 =	vadd.f32 v23, v34;
	v34 =	vadd.f32 v61, v58;
	v61 =	vld [tilespmem:$0x1FFD0]  }
0x10e: {  	v19 =	vadd.f32 v19, v32;
	v32 =	vadd.f32 v59, v56;
	v59 =	vld [tilespmem:$0x1FFB0]  }
0x10f: {  	v0 =	vadd.f32 v0, v52;
	v52 =	vld [tilespmem:s22+$0x9870]  }
0x110: {  	v3 =	vld [tilespmem:$0x1FF50]  }
0x111: {  	v22 =	vld [tilespmem:s22+$0x9840]  }
0x112: {  	v6 =	vadd.f32 v6, v25;
	v1 =	vld [tilespmem:$0x1FF40]  }
0x113: {  	v21 =	vadd.f32 v21, v33;
	v33 =	vadd.f32 v60, v57;
	v60 =	vld [tilespmem:$0x1FFC0]  }
0x114: {  	v25 =	vadd.f32 v52, v35;
	v35 =	vadd.f32 v62, v59;
	v62 =	vld [tilespmem:$0x1FFE0]  }
0x115: {  	v3 =	vadd.f32 v55, v3;
	v55 =	vld [tilespmem:s22+$0x9C20]  }
0x116: {  	v22 =	vadd.f32 v22, v41;
	v41 =	vld [tilespmem:s22+$0xA020]  }
0x117: {  	v1 =	vadd.f32 v53, v1;
	v53 =	vld [tilespmem:s22+$0x9C00]  }
0x118: {  	v52 =	vld [tilespmem:s22+$0xA030]  }
0x119: {  	v38 =	vadd.f32 v63, v62;
	v63 =	vld [tilespmem:$0x1FFF0]  }
0x11a: {  	v24 =	vadd.f32 v24, v48;
	v48 =	vld [tilespmem:s22+$0xA060]  }
0x11b: {  	v11 =	vadd.f32 v11, v28;
	v28 =	vadd.f32 v55, v50;
	v50 =	vld [tilespmem:s22+$0xA070]  }
0x11c: {  	v7 =	vadd.f32 v7, v26;
	v26 =	vadd.f32 v53, v49;
	v49 =	vld [tilespmem:s22+$0xA400]  }
0x11d: {  	v51 =	vld [tilespmem:s22+$0xA410];
	v36 =	vadd.f32 v41, v60  }
0x11e: {  	s24 =	simm.s32 $0x0;
	s23 =	simm.s32 $0x2;
	v37 =	vadd.f32 v52, v61;
	v52 =	vld [tilespmem:s22+$0xA420];
	v41 =	vadd.f32 v54, v63  }
.LBB2_4:
0x11f: {  	p0 =	sne.s32 s23, $0x2F;
	s24 =	smul.u32 $0x6000, s24;
	v42 =	vadd.f32 v48, v42;
	v48 =	vld [tilespmem:s22+$0xA430]  }
0x120: {  	s21 =	sadd.s32 $0x80, s21;
	v43 =	vadd.f32 v50, v43;
	v50 =	vld [tilespmem:s22+$0xA440]  }
0x121: {  	s25 =	sand.u32 $0x380, s21;
	s24 =	sshra.s32 s24, $0x2;
	v44 =	vadd.f32 v49, v44;
	v49 =	vld [tilespmem:s22+$0xA450]  }
0x122: {  	v45 =	vadd.f32 v51, v45;
	v51 =	vld [tilespmem:s22+$0xA460];
	s22 =	sor.u32 s25, s24  }
0x123: {  	v53 =	vld [tilespmem:s22+$0xA470];
	v46 =	vadd.f32 v52, v46  }
0x124: {  	v52 =	vld [tilespmem:s22+$0x9000];
	v47 =	vadd.f32 v48, v47  }
0x125: {  	v48 =	vld [tilespmem:s22+$0x9010];
	v39 =	vadd.f32 v50, v39  }
0x126: {  	v50 =	vld [tilespmem:s22+$0x9020];
	v40 =	vadd.f32 v49, v40  }
0x127: {  	v49 =	vld [tilespmem:s22+$0x9030];
	v0 =	vadd.f32 v51, v0  }
0x128: {  	v51 =	vld [tilespmem:s22+$0x9040];
	v1 =	vadd.f32 v53, v1  }
0x129: {  	v2 =	vadd.f32 v52, v2;
	v52 =	vld [tilespmem:s22+$0x9050]  }
0x12a: {  	v3 =	vadd.f32 v48, v3;
	v48 =	vld [tilespmem:s22+$0x9060]  }
0x12b: {  	v4 =	vadd.f32 v50, v4;
	v50 =	vld [tilespmem:s22+$0x9070]  }
0x12c: {  	v5 =	vadd.f32 v49, v5;
	v49 =	vld [tilespmem:s22+$0x9400]  }
0x12d: {  	v6 =	vadd.f32 v51, v6;
	v51 =	vld [tilespmem:s22+$0x9410]  }
0x12e: {  	v7 =	vadd.f32 v52, v7;
	v52 =	vld [tilespmem:s22+$0x9420]  }
0x12f: {  	v8 =	vadd.f32 v48, v8;
	v48 =	vld [tilespmem:s22+$0x9430]  }
0x130: {  	v9 =	vadd.f32 v50, v9;
	v50 =	vld [tilespmem:s22+$0x9440]  }
0x131: {  	v10 =	vadd.f32 v49, v10;
	v49 =	vld [tilespmem:s22+$0x9450]  }
0x132: {  	v11 =	vadd.f32 v51, v11;
	v51 =	vld [tilespmem:s22+$0x9460]  }
0x133: {  	v12 =	vadd.f32 v52, v12;
	v52 =	vld [tilespmem:s22+$0x9470]  }
0x134: {  	v13 =	vadd.f32 v48, v13;
	v48 =	vld [tilespmem:s22+$0x9800]  }
0x135: {  	v14 =	vadd.f32 v50, v14;
	v50 =	vld [tilespmem:s22+$0x9810]  }
0x136: {  	v15 =	vadd.f32 v49, v15;
	v49 =	vld [tilespmem:s22+$0x9820]  }
0x137: {  	v16 =	vadd.f32 v51, v16;
	v51 =	vld [tilespmem:s22+$0x9830]  }
0x138: {  	v17 =	vadd.f32 v52, v17;
	v52 =	vld [tilespmem:s22+$0x9840]  }
0x139: {  	v18 =	vadd.f32 v48, v18;
	v48 =	vld [tilespmem:s22+$0x9850]  }
0x13a: {  	v19 =	vadd.f32 v50, v19;
	v50 =	vld [tilespmem:s22+$0x9860]  }
0x13b: {  	v20 =	vadd.f32 v49, v20;
	v49 =	vld [tilespmem:s22+$0x9870]  }
0x13c: {  	v21 =	vadd.f32 v51, v21;
	v51 =	vld [tilespmem:s22+$0x9C00]  }
0x13d: {  	v22 =	vadd.f32 v52, v22;
	v52 =	vld [tilespmem:s22+$0x9C10]  }
0x13e: {  	v23 =	vadd.f32 v48, v23;
	v48 =	vld [tilespmem:s22+$0x9C20]  }
0x13f: {  	v24 =	vadd.f32 v50, v24;
	v50 =	vld [tilespmem:s22+$0x9C30]  }
0x140: {  	v25 =	vadd.f32 v49, v25;
	v49 =	vld [tilespmem:s22+$0x9C40]  }
0x141: {  	v26 =	vadd.f32 v51, v26;
	v51 =	vld [tilespmem:s22+$0x9C50]  }
0x142: {  	v27 =	vadd.f32 v52, v27;
	v52 =	vld [tilespmem:s22+$0x9C60]  }
0x143: {  	v28 =	vadd.f32 v48, v28;
	v48 =	vld [tilespmem:s22+$0x9C70]  }
0x144: {  	v29 =	vadd.f32 v50, v29;
	v50 =	vld [tilespmem:s22+$0xA000]  }
0x145: {  	v30 =	vadd.f32 v49, v30;
	v49 =	vld [tilespmem:s22+$0xA010]  }
0x146: {  	v31 =	vadd.f32 v51, v31;
	v51 =	vld [tilespmem:s22+$0xA020]  }
0x147: {  	v32 =	vadd.f32 v52, v32;
	v52 =	vld [tilespmem:s22+$0xA030]  }
0x148: {  	v33 =	vadd.f32 v48, v33;
	v53 =	vld [tilespmem:s22+$0xA040]  }
0x149: {  	v34 =	vadd.f32 v50, v34;
	v54 =	vld [tilespmem:s22+$0xA050]  }
.Ltmp1:
0x14a: {  	v35 =	vadd.f32 v49, v35;
	v48 =	vld [tilespmem:s22+$0xA060];
	(pc) =	sbr.rel @p0 .LBB2_4-.Ltmp1, $4  }
0x14b: {  	v36 =	vadd.f32 v51, v36;
	v50 =	vld [tilespmem:s22+$0xA070]  }
0x14c: {  	v37 =	vadd.f32 v52, v37;
	v49 =	vld [tilespmem:s22+$0xA400]  }
0x14d: {  	v38 =	vadd.f32 v53, v38;
	v51 =	vld [tilespmem:s22+$0xA410]  }
0x14e: {  	s24 =	sshrl.u32 s23, $0x3;
	s23 =	sadd.s32 $0x1, s23;
	v41 =	vadd.f32 v54, v41;
	v52 =	vld [tilespmem:s22+$0xA420]  }
0x14f: {  	s23 =	smul.u32 $0x6000, s24  }
0x150: {  	s21 =	sadd.s32 $0x80, s21  }
0x151: {  	s21 =	sand.u32 $0x380, s21;
	s23 =	sshra.s32 s23, $0x2  }
0x152: {  	s23 =	sor.u32 s21, s23  }
0x153: {  	v62 =	vld [tilespmem:s23+$0x9040];
	_ =	sdelay $0x4  }
0x154: {  	[tilespmem:$0x1F920] =	vst v62;
	v62 =	vld [tilespmem:s23+$0x9060];
	_ =	sdelay $0x4  }
0x155: {  	[tilespmem:$0x1F930] =	vst v62;
	v62 =	vld [tilespmem:s23+$0x9070];
	_ =	sdelay $0x4  }
0x156: {  	[tilespmem:$0x1F940] =	vst v62;
	v62 =	vld [tilespmem:s23+$0x9400];
	_ =	sdelay $0x4  }
0x157: {  	[tilespmem:$0x1F950] =	vst v62;
	v62 =	vld [tilespmem:s23+$0x9410];
	_ =	sdelay $0x4  }
0x158: {  	[tilespmem:$0x1F960] =	vst v62;
	v62 =	vld [tilespmem:s23+$0x9420];
	_ =	sdelay $0x4  }
0x159: {  	[tilespmem:$0x1F970] =	vst v62;
	v62 =	vld [tilespmem:s23+$0x9430];
	_ =	sdelay $0x4  }
0x15a: {  	[tilespmem:$0x1F980] =	vst v62;
	v62 =	vld [tilespmem:s23+$0x9440];
	_ =	sdelay $0x4  }
0x15b: {  	[tilespmem:$0x1F990] =	vst v62;
	v62 =	vld [tilespmem:s23+$0x9450];
	_ =	sdelay $0x4  }
0x15c: {  	[tilespmem:$0x1F9A0] =	vst v62;
	v62 =	vld [tilespmem:s23+$0x9460];
	_ =	sdelay $0x4  }
0x15d: {  	[tilespmem:$0x1F9B0] =	vst v62;
	v62 =	vld [tilespmem:s23+$0x9470];
	_ =	sdelay $0x4  }
0x15e: {  	[tilespmem:$0x1F9C0] =	vst v62;
	v62 =	vld [tilespmem:s23+$0x9800];
	_ =	sdelay $0x4  }
0x15f: {  	[tilespmem:$0x1F9D0] =	vst v62;
	v62 =	vld [tilespmem:s23+$0x9810];
	_ =	sdelay $0x4  }
0x160: {  	[tilespmem:$0x1F9E0] =	vst v62;
	v62 =	vld [tilespmem:s23+$0x9820];
	_ =	sdelay $0x4  }
0x161: {  	[tilespmem:$0x1F9F0] =	vst v62;
	v62 =	vld [tilespmem:s23+$0x9830];
	_ =	sdelay $0x4  }
0x162: {  	[tilespmem:$0x1FA00] =	vst v62;
	v62 =	vld [tilespmem:s23+$0x9840];
	_ =	sdelay $0x4  }
0x163: {  	[tilespmem:$0x1FA10] =	vst v62;
	v62 =	vld [tilespmem:s23+$0x9850];
	_ =	sdelay $0x4  }
0x164: {  	[tilespmem:$0x1FA20] =	vst v62;
	v62 =	vld [tilespmem:s23+$0x9860];
	_ =	sdelay $0x4  }
0x165: {  	[tilespmem:$0x1FA30] =	vst v62;
	v62 =	vld [tilespmem:s23+$0x9870];
	_ =	sdelay $0x4  }
0x166: {  	[tilespmem:$0x1FA40] =	vst v62;
	v62 =	vld [tilespmem:s23+$0x9C00];
	_ =	sdelay $0x4  }
0x167: {  	[tilespmem:$0x1FA50] =	vst v62;
	v62 =	vld [tilespmem:s23+$0x9C10];
	_ =	sdelay $0x4  }
0x168: {  	[tilespmem:$0x1FA60] =	vst v62;
	v62 =	vld [tilespmem:s23+$0x9C20];
	_ =	sdelay $0x4  }
0x169: {  	[tilespmem:$0x1FA70] =	vst v62;
	v62 =	vld [tilespmem:s23+$0x9C30];
	_ =	sdelay $0x4  }
0x16a: {  	[tilespmem:$0x1FA80] =	vst v62;
	v62 =	vld [tilespmem:s23+$0x9C40];
	_ =	sdelay $0x4  }
0x16b: {  	[tilespmem:$0x1FA90] =	vst v62;
	v62 =	vld [tilespmem:s23+$0x9C50];
	_ =	sdelay $0x4  }
0x16c: {  	[tilespmem:$0x1FAA0] =	vst v62;
	v62 =	vld [tilespmem:s23+$0x9C60];
	_ =	sdelay $0x4  }
0x16d: {  	[tilespmem:$0x1FAB0] =	vst v62;
	v62 =	vld [tilespmem:s23+$0x9C70];
	_ =	sdelay $0x4  }
0x16e: {  	[tilespmem:$0x1FAC0] =	vst v62;
	v62 =	vld [tilespmem:s23+$0xA000];
	_ =	sdelay $0x4  }
0x16f: {  	[tilespmem:$0x1FAD0] =	vst v62;
	v62 =	vld [tilespmem:s23+$0xA010];
	_ =	sdelay $0x4  }
0x170: {  	[tilespmem:$0x1FAE0] =	vst v62;
	v62 =	vld [tilespmem:s23+$0xA020];
	_ =	sdelay $0x4  }
0x171: {  	[tilespmem:$0x1FAF0] =	vst v62;
	v62 =	vld [tilespmem:s23+$0xA030];
	_ =	sdelay $0x4  }
0x172: {  	[tilespmem:$0x1FB00] =	vst v62;
	v62 =	vld [tilespmem:s23+$0xA040];
	_ =	sdelay $0x4  }
0x173: {  	[tilespmem:$0x1FB10] =	vst v62;
	v62 =	vld [tilespmem:s23+$0xA050];
	_ =	sdelay $0x4  }
0x174: {  	[tilespmem:$0x1FB20] =	vst v62;
	v62 =	vld [tilespmem:s23+$0xA060];
	_ =	sdelay $0x4  }
0x175: {  	[tilespmem:$0x1FB30] =	vst v62;
	v62 =	vld [tilespmem:s23+$0xA070];
	_ =	sdelay $0x4  }
0x176: {  	[tilespmem:$0x1FB40] =	vst v62;
	v62 =	vld [tilespmem:s23+$0xA400];
	_ =	sdelay $0x4  }
0x177: {  	[tilespmem:$0x1FB50] =	vst v62;
	v62 =	vld [tilespmem:s23+$0xA410];
	_ =	sdelay $0x4  }
0x178: {  	[tilespmem:$0x1FB60] =	vst v62;
	v62 =	vld [tilespmem:s23+$0xA420];
	_ =	sdelay $0x4  }
0x179: {  	[tilespmem:$0x1FB70] =	vst v62;
	v62 =	vld [tilespmem:s23+$0xA430];
	_ =	sdelay $0x4  }
0x17a: {  	[tilespmem:$0x1FB80] =	vst v62;
	v62 =	vld [tilespmem:s23+$0xA440];
	_ =	sdelay $0x2  }
0x17b: {  	v53 =	vld [tilespmem:s22+$0xA430]  }
0x17c: {  	v54 =	vld [tilespmem:s22+$0xA440]  }
0x17d: {  	[tilespmem:$0x1FB90] =	vst v62;
	v62 =	vld [tilespmem:s23+$0xA450]  }
0x17e: {  	v55 =	vld [tilespmem:s22+$0xA450]  }
0x17f: {  	v56 =	vld [tilespmem:s22+$0xA460]  }
0x180: {  	v57 =	vld [tilespmem:s23+$0xA470]  }
0x181: {  	v58 =	vld [tilespmem:s23+$0x9000]  }
0x182: {  	[tilespmem:$0x1FBA0] =	vst v62;
	v62 =	vld [tilespmem:s23+$0xA460]  }
0x183: {  	v59 =	vld [tilespmem:s23+$0x9010]  }
0x184: {  	v63 =	vld [tilespmem:s23+$0x9050]  }
0x185: {  	s21 =	simm.s32 $0x0;
	v60 =	vld [tilespmem:s23+$0x9020]  }
0x186: {  	v61 =	vld [tilespmem:s23+$0x9030];
	[tilespmem:s12], [sflag:$0x2] =	stream.linear.gather [hbm4b:s7+s21], $0x9000, $0x38  }
0x187: {  	[tilespmem:$0x1FBB0] =	vst v62  }
0x188: {  	_ =	swait.ge [sflag:s3], $0x9000  }
0x189: {  	v7 =	vadd.f32 v63, v7;
	v63 =	vld [tilespmem:$0x1F940];
	_ =	sdelay $0x4  }
0x18a: {  	v9 =	vadd.f32 v63, v9;
	v63 =	vld [tilespmem:$0x1F9C0];
	_ =	sdelay $0x4  }
0x18b: {  	v17 =	vadd.f32 v63, v17;
	_ =	sdelay $0x1  }
0x18c: {  	[tilespmem:$0x1FBC0] =	vst v17;
	v17 =	vld [tilespmem:$0x1F9D0];
	_ =	sdelay $0x4  }
0x18d: {  	v17 =	vadd.f32 v17, v18;
	_ =	sdelay $0x1  }
0x18e: {  	[tilespmem:$0x1FBD0] =	vst v17;
	v17 =	vld [tilespmem:$0x1F9E0];
	_ =	sdelay $0x4  }
0x18f: {  	v17 =	vadd.f32 v17, v19;
	_ =	sdelay $0x1  }
0x190: {  	[tilespmem:$0x1FBE0] =	vst v17;
	v17 =	vld [tilespmem:$0x1F9F0]  }
0x191: {  	v5 =	vadd.f32 v61, v5;
	v61 =	vld [tilespmem:$0x1F920]  }
0x192: {  	v62 =	vld [tilespmem:$0x1F930]  }
0x193: {  	v0 =	vadd.f32 v56, v0;
	v56 =	vld [tilespmem:$0x1F950]  }
0x194: {  	s30 =	simm.s32 $0x0;
	v1 =	vadd.f32 v57, v1;
	v57 =	vld [tilespmem:$0x1F960]  }
0x195: {  	s22 =	smul.u32 $0x6000, s30;
	v2 =	vadd.f32 v58, v2;
	v58 =	vld [tilespmem:$0x1F970];
	v17 =	vadd.f32 v17, v20  }
0x196: {  	v3 =	vadd.f32 v59, v3;
	v59 =	vld [tilespmem:$0x1F980]  }
0x197: {  	s22 =	sshra.s32 s22, $0x2;
	s31 =	sand.u32 $0x380, s21;
	[sflag:s3] =	ssyncset.done $0x0;
	[tilespmem:$0x1FBF0] =	vst v17;
	v17 =	vld [tilespmem:$0x1FA00]  }
0x198: {  	s22 =	sor.u32 s31, s22;
	v4 =	vadd.f32 v60, v4;
	v60 =	vld [tilespmem:$0x1F990];
	[sflag:s3] =	ssyncadd.s32 $0xFFFF7000  }
0x199: {  	v42 =	vadd.f32 v48, v42;
	v48 =	vld [tilespmem:s22+$0x1470]  }
0x19a: {  	v44 =	vadd.f32 v49, v44;
	v49 =	vld [tilespmem:s22+$0x0]  }
0x19b: {  	v43 =	vadd.f32 v50, v43;
	v50 =	vld [tilespmem:s22+$0x10]  }
0x19c: {  	v45 =	vadd.f32 v51, v45;
	v51 =	vld [tilespmem:s22+$0x20];
	v17 =	vadd.f32 v17, v21  }
0x19d: {  	v46 =	vadd.f32 v52, v46;
	v52 =	vld [tilespmem:s22+$0x30]  }
0x19e: {  	[tilespmem:$0x1FC00] =	vst v17;
	v17 =	vld [tilespmem:$0x1FA10]  }
0x19f: {  	v47 =	vadd.f32 v53, v47;
	v53 =	vld [tilespmem:s22+$0x40]  }
0x1a0: {  	v39 =	vadd.f32 v54, v39;
	v54 =	vld [tilespmem:s22+$0x50]  }
0x1a1: {  	v40 =	vadd.f32 v55, v40;
	v55 =	vld [tilespmem:s22+$0x60]  }
0x1a2: {  	v6 =	vadd.f32 v61, v6;
	v61 =	vld [tilespmem:$0x1F9A0]  }
0x1a3: {  	v8 =	vadd.f32 v62, v8;
	v62 =	vld [tilespmem:$0x1F9B0];
	v17 =	vadd.f32 v17, v22  }
0x1a4: {  	v10 =	vadd.f32 v56, v10;
	v56 =	vld [tilespmem:s22+$0x70]  }
0x1a5: {  	[tilespmem:$0x1FC10] =	vst v17;
	v17 =	vld [tilespmem:$0x1FA20]  }
0x1a6: {  	v11 =	vadd.f32 v57, v11;
	v57 =	vld [tilespmem:s22+$0x400]  }
0x1a7: {  	v12 =	vadd.f32 v58, v12;
	v58 =	vld [tilespmem:s22+$0x410]  }
0x1a8: {  	v13 =	vadd.f32 v59, v13;
	v59 =	vld [tilespmem:s22+$0x420]  }
0x1a9: {  	v14 =	vadd.f32 v60, v14;
	v60 =	vld [tilespmem:s22+$0x430]  }
0x1aa: {  	v1 =	vadd.f32 v48, v1;
	v48 =	vld [tilespmem:s22+$0x870];
	v17 =	vadd.f32 v17, v23  }
0x1ab: {  	v2 =	vadd.f32 v49, v2;
	v49 =	vld [tilespmem:s22+$0xC00]  }
0x1ac: {  	[tilespmem:$0x1FC20] =	vst v17;
	v17 =	vld [tilespmem:$0x1FA30]  }
0x1ad: {  	v3 =	vadd.f32 v50, v3;
	v50 =	vld [tilespmem:s22+$0xC10]  }
0x1ae: {  	v4 =	vadd.f32 v51, v4;
	v51 =	vld [tilespmem:s22+$0xC20]  }
0x1af: {  	v5 =	vadd.f32 v52, v5;
	v52 =	vld [tilespmem:s22+$0xC30]  }
0x1b0: {  	v6 =	vadd.f32 v53, v6;
	v53 =	vld [tilespmem:s22+$0xC40]  }
0x1b1: {  	v18 =	vld [tilespmem:$0x1FAD0];
	v17 =	vadd.f32 v17, v24  }
0x1b2: {  	v15 =	vadd.f32 v61, v15;
	v61 =	vld [tilespmem:s22+$0x440]  }
0x1b3: {  	[tilespmem:$0x1FC30] =	vst v17;
	v17 =	vld [tilespmem:$0x1FA40]  }
0x1b4: {  	v16 =	vadd.f32 v62, v16;
	v62 =	vld [tilespmem:s22+$0x450]  }
0x1b5: {  	v63 =	vld [tilespmem:s22+$0x460]  }
0x1b6: {  	v34 =	vadd.f32 v18, v34;
	v18 =	vld [tilespmem:$0x1FAE0]  }
0x1b7: {  	v19 =	vld [tilespmem:$0x1FAF0]  }
0x1b8: {  	v25 =	vadd.f32 v17, v25;
	v17 =	vld [tilespmem:$0x1FA50]  }
0x1b9: {  	v9 =	vadd.f32 v56, v9;
	v56 =	vld [tilespmem:$0x1FBC0]  }
0x1ba: {  	v10 =	vadd.f32 v57, v10;
	v57 =	vld [tilespmem:$0x1FBD0]  }
0x1bb: {  	v35 =	vadd.f32 v18, v35;
	v18 =	vld [tilespmem:s22+$0x800]  }
0x1bc: {  	v36 =	vadd.f32 v19, v36;
	v19 =	vld [tilespmem:$0x1FB00]  }
0x1bd: {  	v26 =	vadd.f32 v17, v26;
	v17 =	vld [tilespmem:$0x1FA60]  }
0x1be: {  	v20 =	vld [tilespmem:$0x1FB10]  }
0x1bf: {  	v11 =	vadd.f32 v58, v11;
	v58 =	vld [tilespmem:$0x1FBE0]  }
0x1c0: {  	v18 =	vadd.f32 v18, v57;
	v57 =	vld [tilespmem:s22+$0x1000]  }
0x1c1: {  	v37 =	vadd.f32 v19, v37;
	v19 =	vld [tilespmem:s22+$0x810]  }
0x1c2: {  	v27 =	vadd.f32 v17, v27;
	v17 =	vld [tilespmem:$0x1FA70]  }
0x1c3: {  	v38 =	vadd.f32 v20, v38;
	v20 =	vld [tilespmem:$0x1FB20]  }
0x1c4: {  	v12 =	vadd.f32 v59, v12;
	v59 =	vld [tilespmem:$0x1FBF0]  }
0x1c5: {  	v21 =	vld [tilespmem:$0x1FB30]  }
0x1c6: {  	v19 =	vadd.f32 v19, v58;
	v58 =	vld [tilespmem:s22+$0x1010]  }
0x1c7: {  	v28 =	vadd.f32 v17, v28;
	v17 =	vld [tilespmem:$0x1FA80]  }
0x1c8: {  	v20 =	vadd.f32 v20, v41;
	v41 =	vld [tilespmem:$0x1FBB0]  }
0x1c9: {  	v13 =	vadd.f32 v60, v13;
	v60 =	vld [tilespmem:$0x1FC00]  }
0x1ca: {  	v42 =	vadd.f32 v21, v42;
	v21 =	vld [tilespmem:$0x1FB40]  }
0x1cb: {  	[tilespmem:$0x1FC40] =	vst v20;
	v20 =	vld [tilespmem:s22+$0x820]  }
0x1cc: {  	v29 =	vadd.f32 v17, v29;
	v17 =	vld [tilespmem:$0x1FA90]  }
0x1cd: {  	v22 =	vld [tilespmem:$0x1FB50]  }
0x1ce: {  	v0 =	vadd.f32 v41, v0;
	v41 =	vld [tilespmem:s22+$0x1040]  }
0x1cf: {  	v43 =	vadd.f32 v21, v43;
	v21 =	vld [tilespmem:s22+$0x830]  }
0x1d0: {  	v23 =	vld [tilespmem:$0x1FB70]  }
0x1d1: {  	v30 =	vadd.f32 v17, v30;
	v17 =	vld [tilespmem:$0x1FAA0]  }
0x1d2: {  	v14 =	vadd.f32 v61, v14;
	v61 =	vld [tilespmem:$0x1FC10]  }
0x1d3: {  	v24 =	vld [tilespmem:$0x1FB90]  }
0x1d4: {  	v20 =	vadd.f32 v20, v59;
	v59 =	vld [tilespmem:s22+$0x1020]  }
0x1d5: {  	v46 =	vadd.f32 v23, v46;
	v23 =	vld [tilespmem:$0x1FB80]  }
0x1d6: {  	v31 =	vadd.f32 v17, v31;
	v17 =	vld [tilespmem:$0x1FAB0]  }
0x1d7: {  	v44 =	vadd.f32 v22, v44;
	v22 =	vld [tilespmem:$0x1FB60]  }
0x1d8: {  	v39 =	vadd.f32 v24, v39;
	v24 =	vld [tilespmem:$0x1FBA0]  }
0x1d9: {  	v15 =	vadd.f32 v62, v15;
	v62 =	vld [tilespmem:$0x1FC20]  }
0x1da: {  	v47 =	vadd.f32 v23, v47;
	v23 =	vld [tilespmem:s22+$0x850]  }
0x1db: {  	v32 =	vadd.f32 v17, v32;
	v17 =	vld [tilespmem:$0x1FAC0]  }
0x1dc: {  	v16 =	vadd.f32 v63, v16;
	v63 =	vld [tilespmem:$0x1FC30]  }
0x1dd: {  	v40 =	vadd.f32 v24, v40;
	v24 =	vld [tilespmem:s22+$0x860]  }
0x1de: {  	v21 =	vadd.f32 v21, v60;
	v60 =	vld [tilespmem:s22+$0x1030]  }
0x1df: {  	v45 =	vadd.f32 v22, v45;
	v22 =	vld [tilespmem:s22+$0x840]  }
0x1e0: {  	v7 =	vadd.f32 v54, v7;
	v33 =	vadd.f32 v17, v33;
	v17 =	vld [tilespmem:s22+$0x470]  }
0x1e1: {  	v8 =	vadd.f32 v55, v8;
	v23 =	vadd.f32 v23, v62;
	v62 =	vld [tilespmem:s22+$0x1050]  }
0x1e2: {  	v34 =	vadd.f32 v57, v34;
	v24 =	vadd.f32 v24, v63;
	v63 =	vld [tilespmem:$0x1FC40]  }
0x1e3: {  	v54 =	vld [tilespmem:s22+$0xC50];
	v35 =	vadd.f32 v58, v35;
	v38 =	vadd.f32 v41, v38  }
0x1e4: {  	v55 =	vld [tilespmem:s22+$0xC60];
	v36 =	vadd.f32 v59, v36;
	v37 =	vadd.f32 v60, v37  }
0x1e5: {  	v22 =	vadd.f32 v22, v61;
	v17 =	vadd.f32 v17, v56;
	v56 =	vld [tilespmem:s22+$0xC70]  }
0x1e6: {  	v25 =	vadd.f32 v48, v25;
	v48 =	vld [tilespmem:s22+$0x1060];
	v26 =	vadd.f32 v49, v26  }
0x1e7: {  	v27 =	vadd.f32 v50, v27;
	v50 =	vld [tilespmem:s22+$0x1070];
	v41 =	vadd.f32 v62, v63  }
0x1e8: {  	v49 =	vld [tilespmem:s22+$0x1400];
	v28 =	vadd.f32 v51, v28;
	v29 =	vadd.f32 v52, v29  }
0x1e9: {  	v51 =	vld [tilespmem:s22+$0x1410];
	v30 =	vadd.f32 v53, v30;
	v31 =	vadd.f32 v54, v31  }
0x1ea: {  	s24 =	simm.s32 $0x0;
	s23 =	simm.s32 $0x2;
	v52 =	vld [tilespmem:s22+$0x1420];
	v32 =	vadd.f32 v55, v32;
	v33 =	vadd.f32 v56, v33  }
.LBB2_6:
0x1eb: {  	p0 =	sne.s32 s23, $0x2F;
	s24 =	smul.u32 $0x6000, s24;
	v42 =	vadd.f32 v48, v42;
	v48 =	vld [tilespmem:s22+$0x1430]  }
0x1ec: {  	s21 =	sadd.s32 $0x80, s21;
	v43 =	vadd.f32 v50, v43;
	v50 =	vld [tilespmem:s22+$0x1440]  }
0x1ed: {  	s25 =	sand.u32 $0x380, s21;
	s24 =	sshra.s32 s24, $0x2;
	v44 =	vadd.f32 v49, v44;
	v49 =	vld [tilespmem:s22+$0x1450]  }
0x1ee: {  	v45 =	vadd.f32 v51, v45;
	v51 =	vld [tilespmem:s22+$0x1460];
	s22 =	sor.u32 s25, s24  }
0x1ef: {  	v53 =	vld [tilespmem:s22+$0x1470];
	v46 =	vadd.f32 v52, v46  }
0x1f0: {  	v52 =	vld [tilespmem:s22+$0x0];
	v47 =	vadd.f32 v48, v47  }
0x1f1: {  	v48 =	vld [tilespmem:s22+$0x10];
	v39 =	vadd.f32 v50, v39  }
0x1f2: {  	v50 =	vld [tilespmem:s22+$0x20];
	v40 =	vadd.f32 v49, v40  }
0x1f3: {  	v49 =	vld [tilespmem:s22+$0x30];
	v0 =	vadd.f32 v51, v0  }
0x1f4: {  	v51 =	vld [tilespmem:s22+$0x40];
	v1 =	vadd.f32 v53, v1  }
0x1f5: {  	v2 =	vadd.f32 v52, v2;
	v52 =	vld [tilespmem:s22+$0x50]  }
0x1f6: {  	v3 =	vadd.f32 v48, v3;
	v48 =	vld [tilespmem:s22+$0x60]  }
0x1f7: {  	v4 =	vadd.f32 v50, v4;
	v50 =	vld [tilespmem:s22+$0x70]  }
0x1f8: {  	v5 =	vadd.f32 v49, v5;
	v49 =	vld [tilespmem:s22+$0x400]  }
0x1f9: {  	v6 =	vadd.f32 v51, v6;
	v51 =	vld [tilespmem:s22+$0x410]  }
0x1fa: {  	v7 =	vadd.f32 v52, v7;
	v52 =	vld [tilespmem:s22+$0x420]  }
0x1fb: {  	v8 =	vadd.f32 v48, v8;
	v48 =	vld [tilespmem:s22+$0x430]  }
0x1fc: {  	v9 =	vadd.f32 v50, v9;
	v50 =	vld [tilespmem:s22+$0x440]  }
0x1fd: {  	v10 =	vadd.f32 v49, v10;
	v49 =	vld [tilespmem:s22+$0x450]  }
0x1fe: {  	v11 =	vadd.f32 v51, v11;
	v51 =	vld [tilespmem:s22+$0x460]  }
0x1ff: {  	v12 =	vadd.f32 v52, v12;
	v52 =	vld [tilespmem:s22+$0x470]  }
0x200: {  	v13 =	vadd.f32 v48, v13;
	v48 =	vld [tilespmem:s22+$0x800]  }
0x201: {  	v14 =	vadd.f32 v50, v14;
	v50 =	vld [tilespmem:s22+$0x810]  }
0x202: {  	v15 =	vadd.f32 v49, v15;
	v49 =	vld [tilespmem:s22+$0x820]  }
0x203: {  	v16 =	vadd.f32 v51, v16;
	v51 =	vld [tilespmem:s22+$0x830]  }
0x204: {  	v17 =	vadd.f32 v52, v17;
	v52 =	vld [tilespmem:s22+$0x840]  }
0x205: {  	v18 =	vadd.f32 v48, v18;
	v48 =	vld [tilespmem:s22+$0x850]  }
0x206: {  	v19 =	vadd.f32 v50, v19;
	v50 =	vld [tilespmem:s22+$0x860]  }
0x207: {  	v20 =	vadd.f32 v49, v20;
	v49 =	vld [tilespmem:s22+$0x870]  }
0x208: {  	v21 =	vadd.f32 v51, v21;
	v51 =	vld [tilespmem:s22+$0xC00]  }
0x209: {  	v22 =	vadd.f32 v52, v22;
	v52 =	vld [tilespmem:s22+$0xC10]  }
0x20a: {  	v23 =	vadd.f32 v48, v23;
	v48 =	vld [tilespmem:s22+$0xC20]  }
0x20b: {  	v24 =	vadd.f32 v50, v24;
	v50 =	vld [tilespmem:s22+$0xC30]  }
0x20c: {  	v25 =	vadd.f32 v49, v25;
	v49 =	vld [tilespmem:s22+$0xC40]  }
0x20d: {  	v26 =	vadd.f32 v51, v26;
	v51 =	vld [tilespmem:s22+$0xC50]  }
0x20e: {  	v27 =	vadd.f32 v52, v27;
	v52 =	vld [tilespmem:s22+$0xC60]  }
0x20f: {  	v28 =	vadd.f32 v48, v28;
	v48 =	vld [tilespmem:s22+$0xC70]  }
0x210: {  	v29 =	vadd.f32 v50, v29;
	v50 =	vld [tilespmem:s22+$0x1000]  }
0x211: {  	v30 =	vadd.f32 v49, v30;
	v49 =	vld [tilespmem:s22+$0x1010]  }
0x212: {  	v31 =	vadd.f32 v51, v31;
	v51 =	vld [tilespmem:s22+$0x1020]  }
0x213: {  	v32 =	vadd.f32 v52, v32;
	v52 =	vld [tilespmem:s22+$0x1030]  }
0x214: {  	v33 =	vadd.f32 v48, v33;
	v53 =	vld [tilespmem:s22+$0x1040]  }
0x215: {  	v34 =	vadd.f32 v50, v34;
	v54 =	vld [tilespmem:s22+$0x1050]  }
.Ltmp2:
0x216: {  	v35 =	vadd.f32 v49, v35;
	v48 =	vld [tilespmem:s22+$0x1060];
	(pc) =	sbr.rel @p0 .LBB2_6-.Ltmp2, $4  }
0x217: {  	v36 =	vadd.f32 v51, v36;
	v50 =	vld [tilespmem:s22+$0x1070]  }
0x218: {  	v37 =	vadd.f32 v52, v37;
	v49 =	vld [tilespmem:s22+$0x1400]  }
0x219: {  	v38 =	vadd.f32 v53, v38;
	v51 =	vld [tilespmem:s22+$0x1410]  }
0x21a: {  	s24 =	sshrl.u32 s23, $0x3;
	s23 =	sadd.s32 $0x1, s23;
	v41 =	vadd.f32 v54, v41;
	v52 =	vld [tilespmem:s22+$0x1420]  }
0x21b: {  	s23 =	smul.u32 $0x6000, s24  }
0x21c: {  	s21 =	sadd.s32 $0x80, s21  }
0x21d: {  	s21 =	sand.u32 $0x380, s21;
	s23 =	sshra.s32 s23, $0x2  }
0x21e: {  	s23 =	sor.u32 s21, s23  }
0x21f: {  	v62 =	vld [tilespmem:s23+$0x40];
	_ =	sdelay $0x4  }
0x220: {  	[tilespmem:$0x1F5F0] =	vst v62;
	v62 =	vld [tilespmem:s23+$0x60];
	_ =	sdelay $0x4  }
0x221: {  	[tilespmem:$0x1F600] =	vst v62;
	v62 =	vld [tilespmem:s23+$0x70];
	_ =	sdelay $0x4  }
0x222: {  	[tilespmem:$0x1F610] =	vst v62;
	v62 =	vld [tilespmem:s23+$0x400];
	_ =	sdelay $0x4  }
0x223: {  	[tilespmem:$0x1F620] =	vst v62;
	v62 =	vld [tilespmem:s23+$0x410];
	_ =	sdelay $0x4  }
0x224: {  	[tilespmem:$0x1F630] =	vst v62;
	v62 =	vld [tilespmem:s23+$0x420];
	_ =	sdelay $0x4  }
0x225: {  	[tilespmem:$0x1F640] =	vst v62;
	v62 =	vld [tilespmem:s23+$0x430];
	_ =	sdelay $0x4  }
0x226: {  	[tilespmem:$0x1F650] =	vst v62;
	v62 =	vld [tilespmem:s23+$0x440];
	_ =	sdelay $0x4  }
0x227: {  	[tilespmem:$0x1F660] =	vst v62;
	v62 =	vld [tilespmem:s23+$0x450];
	_ =	sdelay $0x4  }
0x228: {  	[tilespmem:$0x1F670] =	vst v62;
	v62 =	vld [tilespmem:s23+$0x460];
	_ =	sdelay $0x4  }
0x229: {  	[tilespmem:$0x1F680] =	vst v62;
	v62 =	vld [tilespmem:s23+$0x470];
	_ =	sdelay $0x4  }
0x22a: {  	[tilespmem:$0x1F690] =	vst v62;
	v62 =	vld [tilespmem:s23+$0x800];
	_ =	sdelay $0x4  }
0x22b: {  	[tilespmem:$0x1F6A0] =	vst v62;
	v62 =	vld [tilespmem:s23+$0x810];
	_ =	sdelay $0x4  }
0x22c: {  	[tilespmem:$0x1F6B0] =	vst v62;
	v62 =	vld [tilespmem:s23+$0x820];
	_ =	sdelay $0x4  }
0x22d: {  	[tilespmem:$0x1F6C0] =	vst v62;
	v62 =	vld [tilespmem:s23+$0x830];
	_ =	sdelay $0x4  }
0x22e: {  	[tilespmem:$0x1F6D0] =	vst v62;
	v62 =	vld [tilespmem:s23+$0x840];
	_ =	sdelay $0x4  }
0x22f: {  	[tilespmem:$0x1F6E0] =	vst v62;
	v62 =	vld [tilespmem:s23+$0x850];
	_ =	sdelay $0x4  }
0x230: {  	[tilespmem:$0x1F6F0] =	vst v62;
	v62 =	vld [tilespmem:s23+$0x860];
	_ =	sdelay $0x4  }
0x231: {  	[tilespmem:$0x1F700] =	vst v62;
	v62 =	vld [tilespmem:s23+$0x870];
	_ =	sdelay $0x4  }
0x232: {  	[tilespmem:$0x1F710] =	vst v62;
	v62 =	vld [tilespmem:s23+$0xC00];
	_ =	sdelay $0x4  }
0x233: {  	[tilespmem:$0x1F720] =	vst v62;
	v62 =	vld [tilespmem:s23+$0xC10];
	_ =	sdelay $0x4  }
0x234: {  	[tilespmem:$0x1F730] =	vst v62;
	v62 =	vld [tilespmem:s23+$0xC20];
	_ =	sdelay $0x4  }
0x235: {  	[tilespmem:$0x1F740] =	vst v62;
	v62 =	vld [tilespmem:s23+$0xC30];
	_ =	sdelay $0x4  }
0x236: {  	[tilespmem:$0x1F750] =	vst v62;
	v62 =	vld [tilespmem:s23+$0xC40];
	_ =	sdelay $0x4  }
0x237: {  	[tilespmem:$0x1F760] =	vst v62;
	v62 =	vld [tilespmem:s23+$0xC50];
	_ =	sdelay $0x4  }
0x238: {  	[tilespmem:$0x1F770] =	vst v62;
	v62 =	vld [tilespmem:s23+$0xC60];
	_ =	sdelay $0x4  }
0x239: {  	[tilespmem:$0x1F780] =	vst v62;
	v62 =	vld [tilespmem:s23+$0xC70];
	_ =	sdelay $0x4  }
0x23a: {  	[tilespmem:$0x1F790] =	vst v62;
	v62 =	vld [tilespmem:s23+$0x1000];
	_ =	sdelay $0x4  }
0x23b: {  	[tilespmem:$0x1F7A0] =	vst v62;
	v62 =	vld [tilespmem:s23+$0x1010];
	_ =	sdelay $0x4  }
0x23c: {  	[tilespmem:$0x1F7B0] =	vst v62;
	v62 =	vld [tilespmem:s23+$0x1020];
	_ =	sdelay $0x4  }
0x23d: {  	[tilespmem:$0x1F7C0] =	vst v62;
	v62 =	vld [tilespmem:s23+$0x1030];
	_ =	sdelay $0x4  }
0x23e: {  	[tilespmem:$0x1F7D0] =	vst v62;
	v62 =	vld [tilespmem:s23+$0x1040];
	_ =	sdelay $0x4  }
0x23f: {  	[tilespmem:$0x1F7E0] =	vst v62;
	v62 =	vld [tilespmem:s23+$0x1050];
	_ =	sdelay $0x4  }
0x240: {  	[tilespmem:$0x1F7F0] =	vst v62;
	v62 =	vld [tilespmem:s23+$0x1060];
	_ =	sdelay $0x4  }
0x241: {  	[tilespmem:$0x1F800] =	vst v62;
	v62 =	vld [tilespmem:s23+$0x1070];
	_ =	sdelay $0x4  }
0x242: {  	[tilespmem:$0x1F810] =	vst v62;
	v62 =	vld [tilespmem:s23+$0x1400];
	_ =	sdelay $0x4  }
0x243: {  	[tilespmem:$0x1F820] =	vst v62;
	v62 =	vld [tilespmem:s23+$0x1410];
	_ =	sdelay $0x4  }
0x244: {  	[tilespmem:$0x1F830] =	vst v62;
	v62 =	vld [tilespmem:s23+$0x1420];
	_ =	sdelay $0x4  }
0x245: {  	[tilespmem:$0x1F840] =	vst v62;
	v62 =	vld [tilespmem:s23+$0x1430];
	_ =	sdelay $0x4  }
0x246: {  	[tilespmem:$0x1F850] =	vst v62;
	v62 =	vld [tilespmem:s23+$0x1440];
	_ =	sdelay $0x2  }
0x247: {  	v53 =	vld [tilespmem:s22+$0x1430]  }
0x248: {  	v54 =	vld [tilespmem:s22+$0x1440]  }
0x249: {  	[tilespmem:$0x1F860] =	vst v62;
	v62 =	vld [tilespmem:s23+$0x1450]  }
0x24a: {  	v55 =	vld [tilespmem:s22+$0x1450]  }
0x24b: {  	v56 =	vld [tilespmem:s22+$0x1460]  }
0x24c: {  	v57 =	vld [tilespmem:s23+$0x1470]  }
0x24d: {  	v58 =	vld [tilespmem:s23+$0x0]  }
0x24e: {  	[tilespmem:$0x1F870] =	vst v62;
	v62 =	vld [tilespmem:s23+$0x1460]  }
0x24f: {  	v59 =	vld [tilespmem:s23+$0x10]  }
0x250: {  	v63 =	vld [tilespmem:s23+$0x50]  }
0x251: {  	s21 =	simm.s32 $0x0;
	v60 =	vld [tilespmem:s23+$0x20]  }
0x252: {  	v61 =	vld [tilespmem:s23+$0x30];
	[tilespmem:s21], [sflag:$0x1] =	stream.linear.gather [hbm4b:s8+s21], $0x9000, $0x38  }
0x253: {  	[tilespmem:$0x1F880] =	vst v62  }
0x254: {  	_ =	swait.ge [sflag:s13], $0x9000  }
0x255: {  	v7 =	vadd.f32 v63, v7;
	v63 =	vld [tilespmem:$0x1F610];
	_ =	sdelay $0x4  }
0x256: {  	v9 =	vadd.f32 v63, v9;
	v63 =	vld [tilespmem:$0x1F690];
	_ =	sdelay $0x4  }
0x257: {  	v17 =	vadd.f32 v63, v17;
	_ =	sdelay $0x1  }
0x258: {  	[tilespmem:$0x1F890] =	vst v17;
	v17 =	vld [tilespmem:$0x1F6A0];
	_ =	sdelay $0x4  }
0x259: {  	v17 =	vadd.f32 v17, v18;
	_ =	sdelay $0x1  }
0x25a: {  	[tilespmem:$0x1F8A0] =	vst v17;
	v17 =	vld [tilespmem:$0x1F6B0];
	_ =	sdelay $0x4  }
0x25b: {  	v17 =	vadd.f32 v17, v19;
	_ =	sdelay $0x1  }
0x25c: {  	[tilespmem:$0x1F8B0] =	vst v17;
	v17 =	vld [tilespmem:$0x1F6C0]  }
0x25d: {  	v5 =	vadd.f32 v61, v5;
	v61 =	vld [tilespmem:$0x1F5F0]  }
0x25e: {  	v62 =	vld [tilespmem:$0x1F600]  }
0x25f: {  	v0 =	vadd.f32 v56, v0;
	v56 =	vld [tilespmem:$0x1F620]  }
0x260: {  	s30 =	simm.s32 $0x0;
	v1 =	vadd.f32 v57, v1;
	v57 =	vld [tilespmem:$0x1F630]  }
0x261: {  	s22 =	smul.u32 $0x6000, s30;
	v2 =	vadd.f32 v58, v2;
	v58 =	vld [tilespmem:$0x1F640];
	v17 =	vadd.f32 v17, v20  }
0x262: {  	v3 =	vadd.f32 v59, v3;
	v59 =	vld [tilespmem:$0x1F650]  }
0x263: {  	s22 =	sshra.s32 s22, $0x2;
	s31 =	sand.u32 $0x380, s21;
	[sflag:s13] =	ssyncset.done $0x0;
	[tilespmem:$0x1F8C0] =	vst v17;
	v17 =	vld [tilespmem:$0x1F6D0]  }
0x264: {  	s22 =	sor.u32 s31, s22;
	v4 =	vadd.f32 v60, v4;
	v60 =	vld [tilespmem:$0x1F660];
	[sflag:s13] =	ssyncadd.s32 $0xFFFF7000  }
0x265: {  	v42 =	vadd.f32 v48, v42;
	v48 =	vld [tilespmem:s22+$0xA470]  }
0x266: {  	v44 =	vadd.f32 v49, v44;
	v49 =	vld [tilespmem:s22+$0x9000]  }
0x267: {  	v43 =	vadd.f32 v50, v43;
	v50 =	vld [tilespmem:s22+$0x9010]  }
0x268: {  	v45 =	vadd.f32 v51, v45;
	v51 =	vld [tilespmem:s22+$0x9020];
	v17 =	vadd.f32 v17, v21  }
0x269: {  	v46 =	vadd.f32 v52, v46;
	v52 =	vld [tilespmem:s22+$0x9030]  }
0x26a: {  	[tilespmem:$0x1F8D0] =	vst v17;
	v17 =	vld [tilespmem:$0x1F6E0]  }
0x26b: {  	v47 =	vadd.f32 v53, v47;
	v53 =	vld [tilespmem:s22+$0x9040]  }
0x26c: {  	v39 =	vadd.f32 v54, v39;
	v54 =	vld [tilespmem:s22+$0x9050]  }
0x26d: {  	v40 =	vadd.f32 v55, v40;
	v55 =	vld [tilespmem:s22+$0x9060]  }
0x26e: {  	v6 =	vadd.f32 v61, v6;
	v61 =	vld [tilespmem:$0x1F670]  }
0x26f: {  	v8 =	vadd.f32 v62, v8;
	v62 =	vld [tilespmem:$0x1F680];
	v17 =	vadd.f32 v17, v22  }
0x270: {  	v10 =	vadd.f32 v56, v10;
	v56 =	vld [tilespmem:s22+$0x9070]  }
0x271: {  	[tilespmem:$0x1F8E0] =	vst v17;
	v17 =	vld [tilespmem:$0x1F6F0]  }
0x272: {  	v11 =	vadd.f32 v57, v11;
	v57 =	vld [tilespmem:s22+$0x9400]  }
0x273: {  	v12 =	vadd.f32 v58, v12;
	v58 =	vld [tilespmem:s22+$0x9410]  }
0x274: {  	v13 =	vadd.f32 v59, v13;
	v59 =	vld [tilespmem:s22+$0x9420]  }
0x275: {  	v14 =	vadd.f32 v60, v14;
	v60 =	vld [tilespmem:s22+$0x9430]  }
0x276: {  	v1 =	vadd.f32 v48, v1;
	v48 =	vld [tilespmem:s22+$0x9870];
	v17 =	vadd.f32 v17, v23  }
0x277: {  	v2 =	vadd.f32 v49, v2;
	v49 =	vld [tilespmem:s22+$0x9C00]  }
0x278: {  	[tilespmem:$0x1F8F0] =	vst v17;
	v17 =	vld [tilespmem:$0x1F700]  }
0x279: {  	v3 =	vadd.f32 v50, v3;
	v50 =	vld [tilespmem:s22+$0x9C10]  }
0x27a: {  	v4 =	vadd.f32 v51, v4;
	v51 =	vld [tilespmem:s22+$0x9C20]  }
0x27b: {  	v5 =	vadd.f32 v52, v5;
	v52 =	vld [tilespmem:s22+$0x9C30]  }
0x27c: {  	v6 =	vadd.f32 v53, v6;
	v53 =	vld [tilespmem:s22+$0x9C40]  }
0x27d: {  	v18 =	vld [tilespmem:$0x1F7A0];
	v17 =	vadd.f32 v17, v24  }
0x27e: {  	v15 =	vadd.f32 v61, v15;
	v61 =	vld [tilespmem:s22+$0x9440]  }
0x27f: {  	[tilespmem:$0x1F900] =	vst v17;
	v17 =	vld [tilespmem:$0x1F710]  }
0x280: {  	v16 =	vadd.f32 v62, v16;
	v62 =	vld [tilespmem:s22+$0x9450]  }
0x281: {  	v63 =	vld [tilespmem:s22+$0x9460]  }
0x282: {  	v34 =	vadd.f32 v18, v34;
	v18 =	vld [tilespmem:$0x1F7B0]  }
0x283: {  	v19 =	vld [tilespmem:$0x1F7C0]  }
0x284: {  	v25 =	vadd.f32 v17, v25;
	v17 =	vld [tilespmem:$0x1F720]  }
0x285: {  	v9 =	vadd.f32 v56, v9;
	v56 =	vld [tilespmem:$0x1F890]  }
0x286: {  	v10 =	vadd.f32 v57, v10;
	v57 =	vld [tilespmem:$0x1F8A0]  }
0x287: {  	v35 =	vadd.f32 v18, v35;
	v18 =	vld [tilespmem:s22+$0x9800]  }
0x288: {  	v36 =	vadd.f32 v19, v36;
	v19 =	vld [tilespmem:$0x1F7D0]  }
0x289: {  	v26 =	vadd.f32 v17, v26;
	v17 =	vld [tilespmem:$0x1F730]  }
0x28a: {  	v20 =	vld [tilespmem:$0x1F7E0]  }
0x28b: {  	v11 =	vadd.f32 v58, v11;
	v58 =	vld [tilespmem:$0x1F8B0]  }
0x28c: {  	v18 =	vadd.f32 v18, v57;
	v57 =	vld [tilespmem:s22+$0xA000]  }
0x28d: {  	v37 =	vadd.f32 v19, v37;
	v19 =	vld [tilespmem:s22+$0x9810]  }
0x28e: {  	v27 =	vadd.f32 v17, v27;
	v17 =	vld [tilespmem:$0x1F740]  }
0x28f: {  	v38 =	vadd.f32 v20, v38;
	v20 =	vld [tilespmem:$0x1F7F0]  }
0x290: {  	v12 =	vadd.f32 v59, v12;
	v59 =	vld [tilespmem:$0x1F8C0]  }
0x291: {  	v21 =	vld [tilespmem:$0x1F800]  }
0x292: {  	v19 =	vadd.f32 v19, v58;
	v58 =	vld [tilespmem:s22+$0xA010]  }
0x293: {  	v28 =	vadd.f32 v17, v28;
	v17 =	vld [tilespmem:$0x1F750]  }
0x294: {  	v20 =	vadd.f32 v20, v41;
	v41 =	vld [tilespmem:$0x1F880]  }
0x295: {  	v13 =	vadd.f32 v60, v13;
	v60 =	vld [tilespmem:$0x1F8D0]  }
0x296: {  	v42 =	vadd.f32 v21, v42;
	v21 =	vld [tilespmem:$0x1F810]  }
0x297: {  	[tilespmem:$0x1F910] =	vst v20;
	v20 =	vld [tilespmem:s22+$0x9820]  }
0x298: {  	v29 =	vadd.f32 v17, v29;
	v17 =	vld [tilespmem:$0x1F760]  }
0x299: {  	v22 =	vld [tilespmem:$0x1F820]  }
0x29a: {  	v0 =	vadd.f32 v41, v0;
	v41 =	vld [tilespmem:s22+$0xA040]  }
0x29b: {  	v43 =	vadd.f32 v21, v43;
	v21 =	vld [tilespmem:s22+$0x9830]  }
0x29c: {  	v23 =	vld [tilespmem:$0x1F840]  }
0x29d: {  	v30 =	vadd.f32 v17, v30;
	v17 =	vld [tilespmem:$0x1F770]  }
0x29e: {  	v14 =	vadd.f32 v61, v14;
	v61 =	vld [tilespmem:$0x1F8E0]  }
0x29f: {  	v24 =	vld [tilespmem:$0x1F860]  }
0x2a0: {  	v20 =	vadd.f32 v20, v59;
	v59 =	vld [tilespmem:s22+$0xA020]  }
0x2a1: {  	v46 =	vadd.f32 v23, v46;
	v23 =	vld [tilespmem:$0x1F850]  }
0x2a2: {  	v31 =	vadd.f32 v17, v31;
	v17 =	vld [tilespmem:$0x1F780]  }
0x2a3: {  	v44 =	vadd.f32 v22, v44;
	v22 =	vld [tilespmem:$0x1F830]  }
0x2a4: {  	v39 =	vadd.f32 v24, v39;
	v24 =	vld [tilespmem:$0x1F870]  }
0x2a5: {  	v15 =	vadd.f32 v62, v15;
	v62 =	vld [tilespmem:$0x1F8F0]  }
0x2a6: {  	v47 =	vadd.f32 v23, v47;
	v23 =	vld [tilespmem:s22+$0x9850]  }
0x2a7: {  	v32 =	vadd.f32 v17, v32;
	v17 =	vld [tilespmem:$0x1F790]  }
0x2a8: {  	v16 =	vadd.f32 v63, v16;
	v63 =	vld [tilespmem:$0x1F900]  }
0x2a9: {  	v40 =	vadd.f32 v24, v40;
	v24 =	vld [tilespmem:s22+$0x9860]  }
0x2aa: {  	v21 =	vadd.f32 v21, v60;
	v60 =	vld [tilespmem:s22+$0xA030]  }
0x2ab: {  	v45 =	vadd.f32 v22, v45;
	v22 =	vld [tilespmem:s22+$0x9840]  }
0x2ac: {  	v7 =	vadd.f32 v54, v7;
	v33 =	vadd.f32 v17, v33;
	v17 =	vld [tilespmem:s22+$0x9470]  }
0x2ad: {  	v8 =	vadd.f32 v55, v8;
	v23 =	vadd.f32 v23, v62;
	v62 =	vld [tilespmem:s22+$0xA050]  }
0x2ae: {  	v34 =	vadd.f32 v57, v34;
	v24 =	vadd.f32 v24, v63;
	v63 =	vld [tilespmem:$0x1F910]  }
0x2af: {  	v54 =	vld [tilespmem:s22+$0x9C50];
	v35 =	vadd.f32 v58, v35;
	v38 =	vadd.f32 v41, v38  }
0x2b0: {  	v55 =	vld [tilespmem:s22+$0x9C60];
	v36 =	vadd.f32 v59, v36;
	v37 =	vadd.f32 v60, v37  }
0x2b1: {  	v22 =	vadd.f32 v22, v61;
	v17 =	vadd.f32 v17, v56;
	v56 =	vld [tilespmem:s22+$0x9C70]  }
0x2b2: {  	v25 =	vadd.f32 v48, v25;
	v48 =	vld [tilespmem:s22+$0xA060];
	v26 =	vadd.f32 v49, v26  }
0x2b3: {  	v27 =	vadd.f32 v50, v27;
	v50 =	vld [tilespmem:s22+$0xA070];
	v41 =	vadd.f32 v62, v63  }
0x2b4: {  	v49 =	vld [tilespmem:s22+$0xA400];
	v28 =	vadd.f32 v51, v28;
	v29 =	vadd.f32 v52, v29  }
0x2b5: {  	v51 =	vld [tilespmem:s22+$0xA410];
	v30 =	vadd.f32 v53, v30;
	v31 =	vadd.f32 v54, v31  }
0x2b6: {  	s24 =	simm.s32 $0x0;
	s23 =	simm.s32 $0x2;
	v52 =	vld [tilespmem:s22+$0xA420];
	v32 =	vadd.f32 v55, v32;
	v33 =	vadd.f32 v56, v33  }
.LBB2_8:
0x2b7: {  	p0 =	sne.s32 s23, $0x2F;
	s24 =	smul.u32 $0x6000, s24;
	v42 =	vadd.f32 v48, v42;
	v48 =	vld [tilespmem:s22+$0xA430]  }
0x2b8: {  	s21 =	sadd.s32 $0x80, s21;
	v43 =	vadd.f32 v50, v43;
	v50 =	vld [tilespmem:s22+$0xA440]  }
0x2b9: {  	s25 =	sand.u32 $0x380, s21;
	s24 =	sshra.s32 s24, $0x2;
	v44 =	vadd.f32 v49, v44;
	v49 =	vld [tilespmem:s22+$0xA450]  }
0x2ba: {  	v45 =	vadd.f32 v51, v45;
	v51 =	vld [tilespmem:s22+$0xA460];
	s22 =	sor.u32 s25, s24  }
0x2bb: {  	v53 =	vld [tilespmem:s22+$0xA470];
	v46 =	vadd.f32 v52, v46  }
0x2bc: {  	v52 =	vld [tilespmem:s22+$0x9000];
	v47 =	vadd.f32 v48, v47  }
0x2bd: {  	v48 =	vld [tilespmem:s22+$0x9010];
	v39 =	vadd.f32 v50, v39  }
0x2be: {  	v50 =	vld [tilespmem:s22+$0x9020];
	v40 =	vadd.f32 v49, v40  }
0x2bf: {  	v49 =	vld [tilespmem:s22+$0x9030];
	v0 =	vadd.f32 v51, v0  }
0x2c0: {  	v51 =	vld [tilespmem:s22+$0x9040];
	v1 =	vadd.f32 v53, v1  }
0x2c1: {  	v2 =	vadd.f32 v52, v2;
	v52 =	vld [tilespmem:s22+$0x9050]  }
0x2c2: {  	v3 =	vadd.f32 v48, v3;
	v48 =	vld [tilespmem:s22+$0x9060]  }
0x2c3: {  	v4 =	vadd.f32 v50, v4;
	v50 =	vld [tilespmem:s22+$0x9070]  }
0x2c4: {  	v5 =	vadd.f32 v49, v5;
	v49 =	vld [tilespmem:s22+$0x9400]  }
0x2c5: {  	v6 =	vadd.f32 v51, v6;
	v51 =	vld [tilespmem:s22+$0x9410]  }
0x2c6: {  	v7 =	vadd.f32 v52, v7;
	v52 =	vld [tilespmem:s22+$0x9420]  }
0x2c7: {  	v8 =	vadd.f32 v48, v8;
	v48 =	vld [tilespmem:s22+$0x9430]  }
0x2c8: {  	v9 =	vadd.f32 v50, v9;
	v50 =	vld [tilespmem:s22+$0x9440]  }
0x2c9: {  	v10 =	vadd.f32 v49, v10;
	v49 =	vld [tilespmem:s22+$0x9450]  }
0x2ca: {  	v11 =	vadd.f32 v51, v11;
	v51 =	vld [tilespmem:s22+$0x9460]  }
0x2cb: {  	v12 =	vadd.f32 v52, v12;
	v52 =	vld [tilespmem:s22+$0x9470]  }
0x2cc: {  	v13 =	vadd.f32 v48, v13;
	v48 =	vld [tilespmem:s22+$0x9800]  }
0x2cd: {  	v14 =	vadd.f32 v50, v14;
	v50 =	vld [tilespmem:s22+$0x9810]  }
0x2ce: {  	v15 =	vadd.f32 v49, v15;
	v49 =	vld [tilespmem:s22+$0x9820]  }
0x2cf: {  	v16 =	vadd.f32 v51, v16;
	v51 =	vld [tilespmem:s22+$0x9830]  }
0x2d0: {  	v17 =	vadd.f32 v52, v17;
	v52 =	vld [tilespmem:s22+$0x9840]  }
0x2d1: {  	v18 =	vadd.f32 v48, v18;
	v48 =	vld [tilespmem:s22+$0x9850]  }
0x2d2: {  	v19 =	vadd.f32 v50, v19;
	v50 =	vld [tilespmem:s22+$0x9860]  }
0x2d3: {  	v20 =	vadd.f32 v49, v20;
	v49 =	vld [tilespmem:s22+$0x9870]  }
0x2d4: {  	v21 =	vadd.f32 v51, v21;
	v51 =	vld [tilespmem:s22+$0x9C00]  }
0x2d5: {  	v22 =	vadd.f32 v52, v22;
	v52 =	vld [tilespmem:s22+$0x9C10]  }
0x2d6: {  	v23 =	vadd.f32 v48, v23;
	v48 =	vld [tilespmem:s22+$0x9C20]  }
0x2d7: {  	v24 =	vadd.f32 v50, v24;
	v50 =	vld [tilespmem:s22+$0x9C30]  }
0x2d8: {  	v25 =	vadd.f32 v49, v25;
	v49 =	vld [tilespmem:s22+$0x9C40]  }
0x2d9: {  	v26 =	vadd.f32 v51, v26;
	v51 =	vld [tilespmem:s22+$0x9C50]  }
0x2da: {  	v27 =	vadd.f32 v52, v27;
	v52 =	vld [tilespmem:s22+$0x9C60]  }
0x2db: {  	v28 =	vadd.f32 v48, v28;
	v48 =	vld [tilespmem:s22+$0x9C70]  }
0x2dc: {  	v29 =	vadd.f32 v50, v29;
	v50 =	vld [tilespmem:s22+$0xA000]  }
0x2dd: {  	v30 =	vadd.f32 v49, v30;
	v49 =	vld [tilespmem:s22+$0xA010]  }
0x2de: {  	v31 =	vadd.f32 v51, v31;
	v51 =	vld [tilespmem:s22+$0xA020]  }
0x2df: {  	v32 =	vadd.f32 v52, v32;
	v52 =	vld [tilespmem:s22+$0xA030]  }
0x2e0: {  	v33 =	vadd.f32 v48, v33;
	v53 =	vld [tilespmem:s22+$0xA040]  }
0x2e1: {  	v34 =	vadd.f32 v50, v34;
	v54 =	vld [tilespmem:s22+$0xA050]  }
.Ltmp3:
0x2e2: {  	v35 =	vadd.f32 v49, v35;
	v48 =	vld [tilespmem:s22+$0xA060];
	(pc) =	sbr.rel @p0 .LBB2_8-.Ltmp3, $4  }
0x2e3: {  	v36 =	vadd.f32 v51, v36;
	v50 =	vld [tilespmem:s22+$0xA070]  }
0x2e4: {  	v37 =	vadd.f32 v52, v37;
	v49 =	vld [tilespmem:s22+$0xA400]  }
0x2e5: {  	v38 =	vadd.f32 v53, v38;
	v51 =	vld [tilespmem:s22+$0xA410]  }
0x2e6: {  	s24 =	sshrl.u32 s23, $0x3;
	s23 =	sadd.s32 $0x1, s23;
	v41 =	vadd.f32 v54, v41;
	v52 =	vld [tilespmem:s22+$0xA420]  }
0x2e7: {  	s23 =	smul.u32 $0x6000, s24  }
0x2e8: {  	s21 =	sadd.s32 $0x80, s21  }
0x2e9: {  	s21 =	sand.u32 $0x380, s21;
	s23 =	sshra.s32 s23, $0x2  }
0x2ea: {  	s23 =	sor.u32 s21, s23  }
0x2eb: {  	v62 =	vld [tilespmem:s23+$0x9040];
	_ =	sdelay $0x4  }
0x2ec: {  	[tilespmem:$0x1F2A0] =	vst v62;
	v62 =	vld [tilespmem:s23+$0x9060];
	_ =	sdelay $0x4  }
0x2ed: {  	[tilespmem:$0x1F2B0] =	vst v62;
	v62 =	vld [tilespmem:s23+$0x9070];
	_ =	sdelay $0x4  }
0x2ee: {  	[tilespmem:$0x1F2C0] =	vst v62;
	v62 =	vld [tilespmem:s23+$0x9400];
	_ =	sdelay $0x4  }
0x2ef: {  	[tilespmem:$0x1F2D0] =	vst v62;
	v62 =	vld [tilespmem:s23+$0x9410];
	_ =	sdelay $0x4  }
0x2f0: {  	[tilespmem:$0x1F2E0] =	vst v62;
	v62 =	vld [tilespmem:s23+$0x9420];
	_ =	sdelay $0x4  }
0x2f1: {  	[tilespmem:$0x1F2F0] =	vst v62;
	v62 =	vld [tilespmem:s23+$0x9430];
	_ =	sdelay $0x4  }
0x2f2: {  	[tilespmem:$0x1F300] =	vst v62;
	v62 =	vld [tilespmem:s23+$0x9440];
	_ =	sdelay $0x4  }
0x2f3: {  	[tilespmem:$0x1F310] =	vst v62;
	v62 =	vld [tilespmem:s23+$0x9450];
	_ =	sdelay $0x4  }
0x2f4: {  	[tilespmem:$0x1F320] =	vst v62;
	v62 =	vld [tilespmem:s23+$0x9460];
	_ =	sdelay $0x4  }
0x2f5: {  	[tilespmem:$0x1F330] =	vst v62;
	v62 =	vld [tilespmem:s23+$0x9470];
	_ =	sdelay $0x4  }
0x2f6: {  	[tilespmem:$0x1F340] =	vst v62;
	v62 =	vld [tilespmem:s23+$0x9800];
	_ =	sdelay $0x4  }
0x2f7: {  	[tilespmem:$0x1F350] =	vst v62;
	v62 =	vld [tilespmem:s23+$0x9810];
	_ =	sdelay $0x4  }
0x2f8: {  	[tilespmem:$0x1F360] =	vst v62;
	v62 =	vld [tilespmem:s23+$0x9820];
	_ =	sdelay $0x4  }
0x2f9: {  	[tilespmem:$0x1F370] =	vst v62;
	v62 =	vld [tilespmem:s23+$0x9830];
	_ =	sdelay $0x4  }
0x2fa: {  	[tilespmem:$0x1F380] =	vst v62;
	v62 =	vld [tilespmem:s23+$0x9840];
	_ =	sdelay $0x4  }
0x2fb: {  	[tilespmem:$0x1F390] =	vst v62;
	v62 =	vld [tilespmem:s23+$0x9850];
	_ =	sdelay $0x4  }
0x2fc: {  	[tilespmem:$0x1F3A0] =	vst v62;
	v62 =	vld [tilespmem:s23+$0x9860];
	_ =	sdelay $0x4  }
0x2fd: {  	[tilespmem:$0x1F3B0] =	vst v62;
	v62 =	vld [tilespmem:s23+$0x9870];
	_ =	sdelay $0x4  }
0x2fe: {  	[tilespmem:$0x1F3C0] =	vst v62;
	v62 =	vld [tilespmem:s23+$0x9C00];
	_ =	sdelay $0x4  }
0x2ff: {  	[tilespmem:$0x1F3D0] =	vst v62;
	v62 =	vld [tilespmem:s23+$0x9C10];
	_ =	sdelay $0x4  }
0x300: {  	[tilespmem:$0x1F3E0] =	vst v62;
	v62 =	vld [tilespmem:s23+$0x9C20];
	_ =	sdelay $0x4  }
0x301: {  	[tilespmem:$0x1F3F0] =	vst v62;
	v62 =	vld [tilespmem:s23+$0x9C30];
	_ =	sdelay $0x4  }
0x302: {  	[tilespmem:$0x1F400] =	vst v62;
	v62 =	vld [tilespmem:s23+$0x9C40];
	_ =	sdelay $0x4  }
0x303: {  	[tilespmem:$0x1F410] =	vst v62;
	v62 =	vld [tilespmem:s23+$0x9C50];
	_ =	sdelay $0x4  }
0x304: {  	[tilespmem:$0x1F420] =	vst v62;
	v62 =	vld [tilespmem:s23+$0x9C60];
	_ =	sdelay $0x4  }
0x305: {  	[tilespmem:$0x1F430] =	vst v62;
	v62 =	vld [tilespmem:s23+$0x9C70];
	_ =	sdelay $0x4  }
0x306: {  	[tilespmem:$0x1F440] =	vst v62;
	v62 =	vld [tilespmem:s23+$0xA000];
	_ =	sdelay $0x4  }
0x307: {  	[tilespmem:$0x1F450] =	vst v62;
	v62 =	vld [tilespmem:s23+$0xA010];
	_ =	sdelay $0x4  }
0x308: {  	[tilespmem:$0x1F460] =	vst v62;
	v62 =	vld [tilespmem:s23+$0xA020];
	_ =	sdelay $0x4  }
0x309: {  	[tilespmem:$0x1F470] =	vst v62;
	v62 =	vld [tilespmem:s23+$0xA030];
	_ =	sdelay $0x4  }
0x30a: {  	[tilespmem:$0x1F480] =	vst v62;
	v62 =	vld [tilespmem:s23+$0xA040];
	_ =	sdelay $0x4  }
0x30b: {  	[tilespmem:$0x1F490] =	vst v62;
	v62 =	vld [tilespmem:s23+$0xA050];
	_ =	sdelay $0x4  }
0x30c: {  	[tilespmem:$0x1F4A0] =	vst v62;
	v62 =	vld [tilespmem:s23+$0xA060];
	_ =	sdelay $0x4  }
0x30d: {  	[tilespmem:$0x1F4B0] =	vst v62;
	v62 =	vld [tilespmem:s23+$0xA070];
	_ =	sdelay $0x4  }
0x30e: {  	[tilespmem:$0x1F4C0] =	vst v62;
	v62 =	vld [tilespmem:s23+$0xA400];
	_ =	sdelay $0x4  }
0x30f: {  	[tilespmem:$0x1F4D0] =	vst v62;
	v62 =	vld [tilespmem:s23+$0xA410];
	_ =	sdelay $0x4  }
0x310: {  	[tilespmem:$0x1F4E0] =	vst v62;
	v62 =	vld [tilespmem:s23+$0xA420];
	_ =	sdelay $0x4  }
0x311: {  	[tilespmem:$0x1F4F0] =	vst v62;
	v62 =	vld [tilespmem:s23+$0xA430];
	_ =	sdelay $0x4  }
0x312: {  	[tilespmem:$0x1F510] =	vst v62;
	v62 =	vld [tilespmem:s23+$0xA440];
	_ =	sdelay $0x2  }
0x313: {  	v53 =	vld [tilespmem:s22+$0xA430]  }
0x314: {  	v54 =	vld [tilespmem:s22+$0xA440]  }
0x315: {  	[tilespmem:$0x1F530] =	vst v62;
	v62 =	vld [tilespmem:s23+$0xA450]  }
0x316: {  	v55 =	vld [tilespmem:s22+$0xA450]  }
0x317: {  	v56 =	vld [tilespmem:s22+$0xA460]  }
0x318: {  	v57 =	vld [tilespmem:s23+$0xA470]  }
0x319: {  	v58 =	vld [tilespmem:s23+$0x9000]  }
0x31a: {  	[tilespmem:$0x1F540] =	vst v62;
	v62 =	vld [tilespmem:s23+$0xA460]  }
0x31b: {  	v59 =	vld [tilespmem:s23+$0x9010]  }
0x31c: {  	v60 =	vld [tilespmem:s23+$0x9020]  }
0x31d: {  	s21 =	simm.s32 $0x0;
	v61 =	vld [tilespmem:s23+$0x9030]  }
0x31e: {  	v63 =	vld [tilespmem:s23+$0x9050];
	[tilespmem:s12], [sflag:$0x2] =	stream.linear.gather [hbm4b:s9+s21], $0x9000, $0x38  }
0x31f: {  	[tilespmem:$0x1F550] =	vst v62  }
0x320: {  	_ =	swait.ge [sflag:s3], $0x9000  }
0x321: {  	v62 =	vld [tilespmem:$0x1F320];
	_ =	sdelay $0x4  }
0x322: {  	v42 =	vadd.f32 v48, v42;
	v48 =	vadd.f32 v62, v15;
	v15 =	vld [tilespmem:$0x1F330];
	_ =	sdelay $0x3  }
0x323: {  	v39 =	vadd.f32 v54, v39;
	v54 =	vld [tilespmem:$0x1F2A0]  }
0x324: {  	v44 =	vadd.f32 v49, v44;
	v49 =	vadd.f32 v15, v16;
	v15 =	vld [tilespmem:$0x1F340]  }
0x325: {  	v40 =	vadd.f32 v55, v40;
	v55 =	vld [tilespmem:$0x1F2B0]  }
0x326: {  	v0 =	vadd.f32 v56, v0;
	v56 =	vld [tilespmem:$0x1F2C0]  }
0x327: {  	v1 =	vadd.f32 v57, v1;
	v57 =	vld [tilespmem:$0x1F2D0]  }
0x328: {  	s30 =	simm.s32 $0x0;
	v2 =	vadd.f32 v58, v2;
	v58 =	vld [tilespmem:$0x1F2E0]  }
0x329: {  	s22 =	smul.u32 $0x6000, s30;
	v3 =	vadd.f32 v59, v3;
	v59 =	vld [tilespmem:$0x1F2F0];
	v15 =	vadd.f32 v15, v17  }
0x32a: {  	v4 =	vadd.f32 v60, v4;
	v60 =	vld [tilespmem:$0x1F300]  }
0x32b: {  	s22 =	sshra.s32 s22, $0x2;
	s31 =	sand.u32 $0x380, s21;
	[sflag:s3] =	ssyncset.done $0x0;
	[tilespmem:$0x1F560] =	vst v15;
	v15 =	vld [tilespmem:$0x1F350]  }
0x32c: {  	s22 =	sor.u32 s31, s22;
	v5 =	vadd.f32 v61, v5;
	v61 =	vld [tilespmem:$0x1F310];
	[sflag:s3] =	ssyncadd.s32 $0xFFFF7000  }
0x32d: {  	v43 =	vadd.f32 v50, v43;
	v50 =	vld [tilespmem:s22+$0x1470]  }
0x32e: {  	v45 =	vadd.f32 v51, v45;
	v53 =	vadd.f32 v53, v47;
	v51 =	vld [tilespmem:s22+$0x0]  }
0x32f: {  	v46 =	vadd.f32 v52, v46;
	v52 =	vld [tilespmem:s22+$0x10]  }
0x330: {  	[tilespmem:$0x1F520] =	vst v53;
	v53 =	vld [tilespmem:s22+$0x20];
	v15 =	vadd.f32 v15, v18  }
0x331: {  	v7 =	vadd.f32 v63, v7;
	v63 =	vld [tilespmem:s22+$0x440]  }
0x332: {  	[tilespmem:$0x1F570] =	vst v15;
	v15 =	vld [tilespmem:$0x1F360]  }
0x333: {  	v6 =	vadd.f32 v54, v6;
	v54 =	vld [tilespmem:s22+$0x30]  }
0x334: {  	v8 =	vadd.f32 v55, v8;
	v55 =	vld [tilespmem:s22+$0x40]  }
0x335: {  	v9 =	vadd.f32 v56, v9;
	v56 =	vld [tilespmem:s22+$0x50]  }
0x336: {  	v10 =	vadd.f32 v57, v10;
	v57 =	vld [tilespmem:s22+$0x60]  }
0x337: {  	v11 =	vadd.f32 v58, v11;
	v58 =	vld [tilespmem:s22+$0x70];
	v15 =	vadd.f32 v15, v19  }
0x338: {  	v12 =	vadd.f32 v59, v12;
	v59 =	vld [tilespmem:s22+$0x400]  }
0x339: {  	[tilespmem:$0x1F580] =	vst v15;
	v15 =	vld [tilespmem:$0x1F370]  }
0x33a: {  	v13 =	vadd.f32 v60, v13;
	v60 =	vld [tilespmem:s22+$0x410]  }
0x33b: {  	v14 =	vadd.f32 v61, v14;
	v61 =	vld [tilespmem:s22+$0x420]  }
0x33c: {  	v62 =	vld [tilespmem:s22+$0x430]  }
0x33d: {  	v1 =	vadd.f32 v50, v1;
	v50 =	vld [tilespmem:s22+$0x870]  }
0x33e: {  	v2 =	vadd.f32 v51, v2;
	v51 =	vld [tilespmem:s22+$0xC00];
	v15 =	vadd.f32 v15, v20  }
0x33f: {  	v16 =	vld [tilespmem:$0x1F410]  }
0x340: {  	[tilespmem:$0x1F590] =	vst v15;
	v15 =	vld [tilespmem:$0x1F380]  }
0x341: {  	v3 =	vadd.f32 v52, v3;
	v52 =	vld [tilespmem:s22+$0xC10]  }
0x342: {  	v4 =	vadd.f32 v53, v4;
	v53 =	vld [tilespmem:s22+$0xC20]  }
0x343: {  	v5 =	vadd.f32 v54, v5;
	v54 =	vld [tilespmem:s22+$0xC30]  }
0x344: {  	v6 =	vadd.f32 v55, v6;
	v55 =	vld [tilespmem:s22+$0xC40]  }
0x345: {  	v30 =	vadd.f32 v16, v30;
	v16 =	vld [tilespmem:$0x1F420];
	v15 =	vadd.f32 v15, v21  }
0x346: {  	v17 =	vld [tilespmem:$0x1F430]  }
0x347: {  	[tilespmem:$0x1F5A0] =	vst v15;
	v15 =	vld [tilespmem:$0x1F390]  }
0x348: {  	v7 =	vadd.f32 v56, v7;
	v56 =	vld [tilespmem:s22+$0xC50]  }
0x349: {  	v8 =	vadd.f32 v57, v8;
	v57 =	vld [tilespmem:s22+$0xC70]  }
0x34a: {  	v31 =	vadd.f32 v16, v31;
	v16 =	vld [tilespmem:s22+$0x460]  }
0x34b: {  	v32 =	vadd.f32 v17, v32;
	v17 =	vld [tilespmem:$0x1F440]  }
0x34c: {  	v18 =	vld [tilespmem:$0x1F450];
	v15 =	vadd.f32 v15, v22  }
0x34d: {  	v19 =	vld [tilespmem:$0x1F470]  }
0x34e: {  	[tilespmem:$0x1F5B0] =	vst v15;
	v15 =	vld [tilespmem:$0x1F3A0]  }
0x34f: {  	v14 =	vadd.f32 v63, v14;
	v63 =	vld [tilespmem:$0x1F560]  }
0x350: {  	v33 =	vadd.f32 v17, v33;
	v17 =	vld [tilespmem:s22+$0x470]  }
0x351: {  	v34 =	vadd.f32 v18, v34;
	v18 =	vld [tilespmem:$0x1F460]  }
0x352: {  	v16 =	vadd.f32 v16, v49;
	v49 =	vld [tilespmem:$0x1F570]  }
0x353: {  	v36 =	vadd.f32 v19, v36;
	v19 =	vld [tilespmem:$0x1F480];
	v15 =	vadd.f32 v15, v23  }
0x354: {  	v20 =	vld [tilespmem:$0x1F490]  }
0x355: {  	[tilespmem:$0x1F5C0] =	vst v15;
	v15 =	vld [tilespmem:$0x1F3B0]  }
0x356: {  	v35 =	vadd.f32 v18, v35;
	v18 =	vld [tilespmem:s22+$0x800]  }
0x357: {  	v9 =	vadd.f32 v58, v9;
	v58 =	vld [tilespmem:$0x1F580]  }
0x358: {  	v37 =	vadd.f32 v19, v37;
	v19 =	vld [tilespmem:s22+$0x810]  }
0x359: {  	v38 =	vadd.f32 v20, v38;
	v20 =	vld [tilespmem:$0x1F4A0]  }
0x35a: {  	v10 =	vadd.f32 v59, v10;
	v59 =	vld [tilespmem:$0x1F590];
	v15 =	vadd.f32 v15, v24  }
0x35b: {  	v21 =	vld [tilespmem:$0x1F4B0]  }
0x35c: {  	[tilespmem:$0x1F5D0] =	vst v15;
	v15 =	vld [tilespmem:$0x1F3C0]  }
0x35d: {  	v19 =	vadd.f32 v19, v58;
	v58 =	vld [tilespmem:s22+$0x1000]  }
0x35e: {  	v20 =	vadd.f32 v20, v41;
	v41 =	vld [tilespmem:$0x1F550]  }
0x35f: {  	v11 =	vadd.f32 v60, v11;
	v60 =	vld [tilespmem:$0x1F5A0]  }
0x360: {  	v23 =	vld [tilespmem:$0x1F4F0]  }
0x361: {  	[tilespmem:$0x1F500] =	vst v46;
	v25 =	vadd.f32 v15, v25;
	v15 =	vld [tilespmem:$0x1F3D0]  }
0x362: {  	v24 =	vld [tilespmem:$0x1F500]  }
0x363: {  	[tilespmem:$0x1F5E0] =	vst v20;
	v20 =	vld [tilespmem:s22+$0x820]  }
0x364: {  	v46 =	vadd.f32 v21, v42;
	v21 =	vld [tilespmem:$0x1F4C0]  }
0x365: {  	v22 =	vld [tilespmem:$0x1F4D0]  }
0x366: {  	v26 =	vadd.f32 v15, v26;
	v15 =	vld [tilespmem:$0x1F3E0]  }
0x367: {  	v42 =	vadd.f32 v23, v24;
	v23 =	vld [tilespmem:$0x1F510]  }
0x368: {  	v24 =	vld [tilespmem:$0x1F520]  }
0x369: {  	v0 =	vadd.f32 v41, v0;
	v41 =	vld [tilespmem:s22+$0x1030]  }
0x36a: {  	v47 =	vadd.f32 v21, v43;
	v21 =	vld [tilespmem:s22+$0x830]  }
0x36b: {  	v27 =	vadd.f32 v15, v27;
	v15 =	vld [tilespmem:$0x1F3F0]  }
0x36c: {  	v44 =	vadd.f32 v22, v44;
	v22 =	vld [tilespmem:$0x1F4E0]  }
0x36d: {  	v43 =	vadd.f32 v23, v24;
	v24 =	vld [tilespmem:$0x1F530]  }
0x36e: {  	v20 =	vadd.f32 v20, v59;
	v59 =	vld [tilespmem:s22+$0x1010]  }
0x36f: {  	v12 =	vadd.f32 v61, v12;
	v61 =	vld [tilespmem:$0x1F5B0]  }
0x370: {  	v28 =	vadd.f32 v15, v28;
	v15 =	vld [tilespmem:$0x1F400]  }
0x371: {  	v45 =	vadd.f32 v22, v45;
	v22 =	vld [tilespmem:s22+$0x840]  }
0x372: {  	v39 =	vadd.f32 v24, v39;
	v24 =	vld [tilespmem:$0x1F540]  }
0x373: {  	v13 =	vadd.f32 v62, v13;
	v62 =	vld [tilespmem:$0x1F5C0]  }
0x374: {  	v17 =	vadd.f32 v17, v63;
	v63 =	vld [tilespmem:$0x1F5D0]  }
0x375: {  	v29 =	vadd.f32 v15, v29;
	v15 =	vld [tilespmem:s22+$0x450]  }
0x376: {  	v23 =	vld [tilespmem:s22+$0x850]  }
0x377: {  	v30 =	vadd.f32 v55, v30;
	v40 =	vadd.f32 v24, v40;
	v24 =	vld [tilespmem:s22+$0x860]  }
0x378: {  	v31 =	vadd.f32 v56, v31;
	v21 =	vadd.f32 v21, v60;
	v60 =	vld [tilespmem:s22+$0x1020]  }
0x379: {  	v33 =	vadd.f32 v57, v33;
	v22 =	vadd.f32 v22, v61;
	v61 =	vld [tilespmem:s22+$0x1040]  }
0x37a: {  	v18 =	vadd.f32 v18, v49;
	v15 =	vadd.f32 v15, v48;
	v48 =	vld [tilespmem:s22+$0xC60]  }
0x37b: {  	v34 =	vadd.f32 v58, v34;
	v23 =	vadd.f32 v23, v62;
	v62 =	vld [tilespmem:s22+$0x1050]  }
0x37c: {  	v37 =	vadd.f32 v41, v37;
	v24 =	vadd.f32 v24, v63;
	v63 =	vld [tilespmem:$0x1F5E0]  }
0x37d: {  	v49 =	vld [tilespmem:s22+$0x1060];
	v35 =	vadd.f32 v59, v35;
	v36 =	vadd.f32 v60, v36  }
0x37e: {  	v38 =	vadd.f32 v61, v38;
	v26 =	vadd.f32 v51, v26;
	v51 =	vld [tilespmem:s22+$0x1070]  }
0x37f: {  	v25 =	vadd.f32 v50, v25;
	v32 =	vadd.f32 v48, v32;
	v48 =	vld [tilespmem:s22+$0x1400]  }
0x380: {  	v50 =	vld [tilespmem:s22+$0x1410];
	v27 =	vadd.f32 v52, v27;
	v28 =	vadd.f32 v53, v28  }
0x381: {  	s24 =	simm.s32 $0x0;
	s23 =	simm.s32 $0x2;
	v52 =	vld [tilespmem:s22+$0x1420];
	v29 =	vadd.f32 v54, v29;
	v41 =	vadd.f32 v62, v63  }
.LBB2_10:
0x382: {  	p0 =	sne.s32 s23, $0x2F;
	s24 =	smul.u32 $0x6000, s24;
	v46 =	vadd.f32 v49, v46;
	v49 =	vld [tilespmem:s22+$0x1430]  }
0x383: {  	s21 =	sadd.s32 $0x80, s21;
	v47 =	vadd.f32 v51, v47;
	v51 =	vld [tilespmem:s22+$0x1440]  }
0x384: {  	s25 =	sand.u32 $0x380, s21;
	s24 =	sshra.s32 s24, $0x2;
	v44 =	vadd.f32 v48, v44;
	v48 =	vld [tilespmem:s22+$0x1450]  }
0x385: {  	v45 =	vadd.f32 v50, v45;
	v50 =	vld [tilespmem:s22+$0x1460];
	s22 =	sor.u32 s25, s24  }
0x386: {  	v53 =	vld [tilespmem:s22+$0x1470];
	v42 =	vadd.f32 v52, v42  }
0x387: {  	v52 =	vld [tilespmem:s22+$0x0];
	v43 =	vadd.f32 v49, v43  }
0x388: {  	v49 =	vld [tilespmem:s22+$0x10];
	v39 =	vadd.f32 v51, v39  }
0x389: {  	v51 =	vld [tilespmem:s22+$0x20];
	v40 =	vadd.f32 v48, v40  }
0x38a: {  	v48 =	vld [tilespmem:s22+$0x30];
	v0 =	vadd.f32 v50, v0  }
0x38b: {  	v50 =	vld [tilespmem:s22+$0x40];
	v1 =	vadd.f32 v53, v1  }
0x38c: {  	v2 =	vadd.f32 v52, v2;
	v52 =	vld [tilespmem:s22+$0x50]  }
0x38d: {  	v3 =	vadd.f32 v49, v3;
	v49 =	vld [tilespmem:s22+$0x60]  }
0x38e: {  	v4 =	vadd.f32 v51, v4;
	v51 =	vld [tilespmem:s22+$0x70]  }
0x38f: {  	v5 =	vadd.f32 v48, v5;
	v48 =	vld [tilespmem:s22+$0x400]  }
0x390: {  	v6 =	vadd.f32 v50, v6;
	v50 =	vld [tilespmem:s22+$0x410]  }
0x391: {  	v7 =	vadd.f32 v52, v7;
	v52 =	vld [tilespmem:s22+$0x420]  }
0x392: {  	v8 =	vadd.f32 v49, v8;
	v49 =	vld [tilespmem:s22+$0x430]  }
0x393: {  	v9 =	vadd.f32 v51, v9;
	v51 =	vld [tilespmem:s22+$0x440]  }
0x394: {  	v10 =	vadd.f32 v48, v10;
	v48 =	vld [tilespmem:s22+$0x450]  }
0x395: {  	v11 =	vadd.f32 v50, v11;
	v50 =	vld [tilespmem:s22+$0x460]  }
0x396: {  	v12 =	vadd.f32 v52, v12;
	v52 =	vld [tilespmem:s22+$0x470]  }
0x397: {  	v13 =	vadd.f32 v49, v13;
	v49 =	vld [tilespmem:s22+$0x800]  }
0x398: {  	v14 =	vadd.f32 v51, v14;
	v51 =	vld [tilespmem:s22+$0x810]  }
0x399: {  	v15 =	vadd.f32 v48, v15;
	v48 =	vld [tilespmem:s22+$0x820]  }
0x39a: {  	v16 =	vadd.f32 v50, v16;
	v50 =	vld [tilespmem:s22+$0x830]  }
0x39b: {  	v17 =	vadd.f32 v52, v17;
	v52 =	vld [tilespmem:s22+$0x840]  }
0x39c: {  	v18 =	vadd.f32 v49, v18;
	v49 =	vld [tilespmem:s22+$0x850]  }
0x39d: {  	v19 =	vadd.f32 v51, v19;
	v51 =	vld [tilespmem:s22+$0x860]  }
0x39e: {  	v20 =	vadd.f32 v48, v20;
	v48 =	vld [tilespmem:s22+$0x870]  }
0x39f: {  	v21 =	vadd.f32 v50, v21;
	v50 =	vld [tilespmem:s22+$0xC00]  }
0x3a0: {  	v22 =	vadd.f32 v52, v22;
	v52 =	vld [tilespmem:s22+$0xC10]  }
0x3a1: {  	v23 =	vadd.f32 v49, v23;
	v49 =	vld [tilespmem:s22+$0xC20]  }
0x3a2: {  	v24 =	vadd.f32 v51, v24;
	v51 =	vld [tilespmem:s22+$0xC30]  }
0x3a3: {  	v25 =	vadd.f32 v48, v25;
	v48 =	vld [tilespmem:s22+$0xC40]  }
0x3a4: {  	v26 =	vadd.f32 v50, v26;
	v50 =	vld [tilespmem:s22+$0xC50]  }
0x3a5: {  	v27 =	vadd.f32 v52, v27;
	v52 =	vld [tilespmem:s22+$0xC60]  }
0x3a6: {  	v28 =	vadd.f32 v49, v28;
	v49 =	vld [tilespmem:s22+$0xC70]  }
0x3a7: {  	v29 =	vadd.f32 v51, v29;
	v51 =	vld [tilespmem:s22+$0x1000]  }
0x3a8: {  	v30 =	vadd.f32 v48, v30;
	v48 =	vld [tilespmem:s22+$0x1010]  }
0x3a9: {  	v31 =	vadd.f32 v50, v31;
	v50 =	vld [tilespmem:s22+$0x1020]  }
0x3aa: {  	v32 =	vadd.f32 v52, v32;
	v52 =	vld [tilespmem:s22+$0x1030]  }
0x3ab: {  	v33 =	vadd.f32 v49, v33;
	v53 =	vld [tilespmem:s22+$0x1040]  }
0x3ac: {  	v34 =	vadd.f32 v51, v34;
	v54 =	vld [tilespmem:s22+$0x1050]  }
.Ltmp4:
0x3ad: {  	v35 =	vadd.f32 v48, v35;
	v49 =	vld [tilespmem:s22+$0x1060];
	(pc) =	sbr.rel @p0 .LBB2_10-.Ltmp4, $4  }
0x3ae: {  	v36 =	vadd.f32 v50, v36;
	v51 =	vld [tilespmem:s22+$0x1070]  }
0x3af: {  	v37 =	vadd.f32 v52, v37;
	v48 =	vld [tilespmem:s22+$0x1400]  }
0x3b0: {  	v38 =	vadd.f32 v53, v38;
	v50 =	vld [tilespmem:s22+$0x1410]  }
0x3b1: {  	s24 =	sshrl.u32 s23, $0x3;
	s23 =	sadd.s32 $0x1, s23;
	v41 =	vadd.f32 v54, v41;
	v52 =	vld [tilespmem:s22+$0x1420]  }
0x3b2: {  	s23 =	smul.u32 $0x6000, s24  }
0x3b3: {  	s21 =	sadd.s32 $0x80, s21  }
0x3b4: {  	s21 =	sand.u32 $0x380, s21;
	s23 =	sshra.s32 s23, $0x2  }
0x3b5: {  	s21 =	sor.u32 s21, s23  }
0x3b6: {  	v62 =	vld [tilespmem:s21+$0x40];
	_ =	sdelay $0x4  }
0x3b7: {  	[tilespmem:$0x1EE70] =	vst v62;
	v62 =	vld [tilespmem:s21+$0x60];
	_ =	sdelay $0x4  }
0x3b8: {  	[tilespmem:$0x1EE80] =	vst v62;
	v62 =	vld [tilespmem:s21+$0x70];
	_ =	sdelay $0x4  }
0x3b9: {  	[tilespmem:$0x1EE90] =	vst v62;
	v62 =	vld [tilespmem:s21+$0x400];
	_ =	sdelay $0x4  }
0x3ba: {  	[tilespmem:$0x1EEA0] =	vst v62;
	v62 =	vld [tilespmem:s21+$0x410];
	_ =	sdelay $0x4  }
0x3bb: {  	[tilespmem:$0x1EEB0] =	vst v62;
	v62 =	vld [tilespmem:s21+$0x420];
	_ =	sdelay $0x4  }
0x3bc: {  	[tilespmem:$0x1EEC0] =	vst v62;
	v62 =	vld [tilespmem:s21+$0x430];
	_ =	sdelay $0x4  }
0x3bd: {  	[tilespmem:$0x1EED0] =	vst v62;
	v62 =	vld [tilespmem:s21+$0x440];
	_ =	sdelay $0x4  }
0x3be: {  	[tilespmem:$0x1EEE0] =	vst v62;
	v62 =	vld [tilespmem:s21+$0x450];
	_ =	sdelay $0x4  }
0x3bf: {  	[tilespmem:$0x1EEF0] =	vst v62;
	v62 =	vld [tilespmem:s21+$0x460];
	_ =	sdelay $0x4  }
0x3c0: {  	[tilespmem:$0x1EF00] =	vst v62;
	v62 =	vld [tilespmem:s21+$0x470];
	_ =	sdelay $0x4  }
0x3c1: {  	[tilespmem:$0x1EF10] =	vst v62;
	v62 =	vld [tilespmem:s21+$0x800];
	_ =	sdelay $0x4  }
0x3c2: {  	[tilespmem:$0x1EF20] =	vst v62;
	v62 =	vld [tilespmem:s21+$0x810];
	_ =	sdelay $0x4  }
0x3c3: {  	[tilespmem:$0x1EF30] =	vst v62;
	v62 =	vld [tilespmem:s21+$0x820];
	_ =	sdelay $0x4  }
0x3c4: {  	[tilespmem:$0x1EF40] =	vst v62;
	v62 =	vld [tilespmem:s21+$0x830];
	_ =	sdelay $0x4  }
0x3c5: {  	[tilespmem:$0x1EF50] =	vst v62;
	v62 =	vld [tilespmem:s21+$0x840];
	_ =	sdelay $0x4  }
0x3c6: {  	[tilespmem:$0x1EF60] =	vst v62;
	v62 =	vld [tilespmem:s21+$0x850];
	_ =	sdelay $0x4  }
0x3c7: {  	[tilespmem:$0x1EF70] =	vst v62;
	v62 =	vld [tilespmem:s21+$0x860];
	_ =	sdelay $0x4  }
0x3c8: {  	[tilespmem:$0x1EF80] =	vst v62;
	v62 =	vld [tilespmem:s21+$0x870];
	_ =	sdelay $0x4  }
0x3c9: {  	[tilespmem:$0x1EF90] =	vst v62;
	v62 =	vld [tilespmem:s21+$0xC00];
	_ =	sdelay $0x4  }
0x3ca: {  	[tilespmem:$0x1EFA0] =	vst v62;
	v62 =	vld [tilespmem:s21+$0xC10];
	_ =	sdelay $0x4  }
0x3cb: {  	[tilespmem:$0x1EFB0] =	vst v62;
	v62 =	vld [tilespmem:s21+$0xC20];
	_ =	sdelay $0x4  }
0x3cc: {  	[tilespmem:$0x1EFC0] =	vst v62;
	v62 =	vld [tilespmem:s21+$0xC30];
	_ =	sdelay $0x4  }
0x3cd: {  	[tilespmem:$0x1EFD0] =	vst v62;
	v62 =	vld [tilespmem:s21+$0xC40];
	_ =	sdelay $0x4  }
0x3ce: {  	[tilespmem:$0x1EFE0] =	vst v62;
	v62 =	vld [tilespmem:s21+$0xC50];
	_ =	sdelay $0x4  }
0x3cf: {  	[tilespmem:$0x1EFF0] =	vst v62;
	v62 =	vld [tilespmem:s21+$0xC60];
	_ =	sdelay $0x4  }
0x3d0: {  	[tilespmem:$0x1F000] =	vst v62;
	v62 =	vld [tilespmem:s21+$0xC70];
	_ =	sdelay $0x4  }
0x3d1: {  	[tilespmem:$0x1F010] =	vst v62;
	v62 =	vld [tilespmem:s21+$0x1000];
	_ =	sdelay $0x4  }
0x3d2: {  	[tilespmem:$0x1F020] =	vst v62;
	v62 =	vld [tilespmem:s21+$0x1010];
	_ =	sdelay $0x4  }
0x3d3: {  	[tilespmem:$0x1F030] =	vst v62;
	v62 =	vld [tilespmem:s21+$0x1020];
	_ =	sdelay $0x4  }
0x3d4: {  	[tilespmem:$0x1F040] =	vst v62;
	v62 =	vld [tilespmem:s21+$0x1030];
	_ =	sdelay $0x4  }
0x3d5: {  	[tilespmem:$0x1F050] =	vst v62;
	v62 =	vld [tilespmem:s21+$0x1040];
	_ =	sdelay $0x4  }
0x3d6: {  	[tilespmem:$0x1F060] =	vst v62;
	v62 =	vld [tilespmem:s21+$0x1050];
	_ =	sdelay $0x4  }
0x3d7: {  	[tilespmem:$0x1F070] =	vst v62;
	v62 =	vld [tilespmem:s21+$0x1060];
	_ =	sdelay $0x4  }
0x3d8: {  	[tilespmem:$0x1F080] =	vst v62;
	v62 =	vld [tilespmem:s21+$0x1070];
	_ =	sdelay $0x4  }
0x3d9: {  	[tilespmem:$0x1F0A0] =	vst v62;
	v62 =	vld [tilespmem:s21+$0x1400];
	_ =	sdelay $0x4  }
0x3da: {  	[tilespmem:$0x1F0C0] =	vst v62;
	v62 =	vld [tilespmem:s21+$0x1410];
	_ =	sdelay $0x4  }
0x3db: {  	[tilespmem:$0x1F0E0] =	vst v62;
	v62 =	vld [tilespmem:s21+$0x1420];
	_ =	sdelay $0x4  }
0x3dc: {  	[tilespmem:$0x1F0F0] =	vst v62;
	v62 =	vld [tilespmem:s21+$0x1430];
	_ =	sdelay $0x3  }
0x3dd: {  	v53 =	vld [tilespmem:s22+$0x1430]  }
0x3de: {  	[tilespmem:$0x1F100] =	vst v62;
	v62 =	vld [tilespmem:s21+$0x1440]  }
0x3df: {  	v54 =	vld [tilespmem:s22+$0x1440]  }
0x3e0: {  	v55 =	vld [tilespmem:s22+$0x1450]  }
0x3e1: {  	v56 =	vld [tilespmem:s22+$0x1460]  }
0x3e2: {  	v46 =	vadd.f32 v49, v46;
	v49 =	vadd.f32 v51, v47;
	v51 =	vld [tilespmem:s21+$0x1460]  }
0x3e3: {  	[tilespmem:$0x1F110] =	vst v62;
	v62 =	vld [tilespmem:s21+$0x1450]  }
0x3e4: {  	[tilespmem:$0x1F090] =	vst v46;
	v44 =	vadd.f32 v48, v44;
	v57 =	vld [tilespmem:s21+$0x1470]  }
0x3e5: {  	[tilespmem:$0x1F0B0] =	vst v49;
	v58 =	vld [tilespmem:s21+$0x0]  }
0x3e6: {  	v59 =	vld [tilespmem:s21+$0x10];
	[tilespmem:$0x1F0D0] =	vst v44  }
0x3e7: {  	v60 =	vld [tilespmem:s21+$0x20];
	[tilespmem:$0x1F130] =	vst v51  }
0x3e8: {  	v61 =	vld [tilespmem:s21+$0x30];
	[tilespmem:$0x1F120] =	vst v62  }
0x3e9: {  	v63 =	vld [tilespmem:s21+$0x50];
	_ =	swait.ge [sflag:s13], $0x9000  }
0x3ea: {  	v48 =	vadd.f32 v57, v1;
	v1 =	vld [tilespmem:$0x1EE70];
	_ =	sdelay $0x4  }
0x3eb: {  	v57 =	vadd.f32 v1, v6;
	v1 =	vld [tilespmem:$0x1EE80];
	_ =	sdelay $0x2  }
0x3ec: {  	v47 =	vadd.f32 v50, v45  }
0x3ed: {  	v45 =	vadd.f32 v53, v43;
	v43 =	vadd.f32 v54, v39  }
0x3ee: {  	v54 =	vadd.f32 v60, v4;
	v60 =	vadd.f32 v1, v8;
	v1 =	vld [tilespmem:$0x1EE90];
	_ =	sdelay $0x3  }
0x3ef: {  	v44 =	vadd.f32 v55, v40  }
0x3f0: {  	v55 =	vadd.f32 v61, v5;
	v61 =	vadd.f32 v1, v9;
	v1 =	vld [tilespmem:$0x1EEA0];
	_ =	sdelay $0x4  }
0x3f1: {  	v1 =	vadd.f32 v1, v10;
	_ =	sdelay $0x1  }
0x3f2: {  	[tilespmem:$0x1F140] =	vst v1;
	v1 =	vld [tilespmem:$0x1EEB0];
	_ =	sdelay $0x4  }
0x3f3: {  	v49 =	vadd.f32 v1, v11;
	v1 =	vld [tilespmem:$0x1EEC0];
	_ =	sdelay $0x4  }
0x3f4: {  	v1 =	vadd.f32 v1, v12;
	_ =	sdelay $0x1  }
0x3f5: {  	[tilespmem:$0x1F150] =	vst v1;
	v1 =	vld [tilespmem:$0x1EED0];
	_ =	sdelay $0x4  }
0x3f6: {  	v1 =	vadd.f32 v1, v13;
	_ =	sdelay $0x1  }
0x3f7: {  	[tilespmem:$0x1F160] =	vst v1;
	v1 =	vld [tilespmem:$0x1EEE0];
	_ =	sdelay $0x4  }
0x3f8: {  	v1 =	vadd.f32 v1, v14;
	_ =	sdelay $0x1  }
0x3f9: {  	[tilespmem:$0x1F170] =	vst v1;
	v1 =	vld [tilespmem:$0x1EEF0];
	_ =	sdelay $0x4  }
0x3fa: {  	v1 =	vadd.f32 v1, v15;
	_ =	sdelay $0x1  }
0x3fb: {  	[tilespmem:$0x1F180] =	vst v1;
	v1 =	vld [tilespmem:$0x1EF00];
	_ =	sdelay $0x4  }
0x3fc: {  	v1 =	vadd.f32 v1, v16;
	_ =	sdelay $0x1  }
0x3fd: {  	[tilespmem:$0x1F190] =	vst v1;
	v1 =	vld [tilespmem:$0x1EF10];
	_ =	sdelay $0x4  }
0x3fe: {  	v1 =	vadd.f32 v1, v17;
	_ =	sdelay $0x1  }
0x3ff: {  	[tilespmem:$0x1F1A0] =	vst v1;
	v1 =	vld [tilespmem:$0x1EF20];
	_ =	sdelay $0x4  }
0x400: {  	v18 =	vadd.f32 v1, v18;
	v1 =	vld [tilespmem:$0x1EF30];
	_ =	sdelay $0x4  }
0x401: {  	v19 =	vadd.f32 v1, v19;
	v1 =	vld [tilespmem:$0x1EF40];
	_ =	sdelay $0x4  }
0x402: {  	v20 =	vadd.f32 v1, v20;
	v1 =	vld [tilespmem:$0x1EF50];
	_ =	sdelay $0x4  }
0x403: {  	v21 =	vadd.f32 v1, v21;
	v1 =	vld [tilespmem:$0x1EF60];
	_ =	sdelay $0x4  }
0x404: {  	v22 =	vadd.f32 v1, v22;
	v1 =	vld [tilespmem:$0x1EF70];
	_ =	sdelay $0x4  }
0x405: {  	v23 =	vadd.f32 v1, v23;
	v1 =	vld [tilespmem:$0x1EF80];
	_ =	sdelay $0x4  }
0x406: {  	v24 =	vadd.f32 v1, v24;
	v1 =	vld [tilespmem:$0x1EF90];
	_ =	sdelay $0x4  }
0x407: {  	v1 =	vadd.f32 v1, v25;
	_ =	sdelay $0x1  }
0x408: {  	[tilespmem:$0x1F1B0] =	vst v1;
	v1 =	vld [tilespmem:$0x1EFA0];
	_ =	sdelay $0x4  }
0x409: {  	v1 =	vadd.f32 v1, v26;
	_ =	sdelay $0x1  }
0x40a: {  	[tilespmem:$0x1F1C0] =	vst v1;
	v1 =	vld [tilespmem:$0x1EFB0];
	_ =	sdelay $0x4  }
0x40b: {  	v1 =	vadd.f32 v1, v27;
	_ =	sdelay $0x1  }
0x40c: {  	[tilespmem:$0x1F1D0] =	vst v1;
	v1 =	vld [tilespmem:$0x1EFC0];
	_ =	sdelay $0x4  }
0x40d: {  	v1 =	vadd.f32 v1, v28;
	_ =	sdelay $0x1  }
0x40e: {  	[tilespmem:$0x1F1E0] =	vst v1;
	v1 =	vld [tilespmem:$0x1EFD0];
	_ =	sdelay $0x4  }
0x40f: {  	v1 =	vadd.f32 v1, v29;
	_ =	sdelay $0x1  }
0x410: {  	[tilespmem:$0x1F1F0] =	vst v1;
	v1 =	vld [tilespmem:$0x1EFE0];
	_ =	sdelay $0x4  }
0x411: {  	v1 =	vadd.f32 v1, v30;
	_ =	sdelay $0x1  }
0x412: {  	[tilespmem:$0x1F200] =	vst v1;
	v1 =	vld [tilespmem:$0x1EFF0];
	_ =	sdelay $0x4  }
0x413: {  	v1 =	vadd.f32 v1, v31;
	_ =	sdelay $0x1  }
0x414: {  	[tilespmem:$0x1F210] =	vst v1;
	v1 =	vld [tilespmem:$0x1F000];
	_ =	sdelay $0x4  }
0x415: {  	v1 =	vadd.f32 v1, v32;
	_ =	sdelay $0x1  }
0x416: {  	[tilespmem:$0x1F220] =	vst v1;
	v1 =	vld [tilespmem:$0x1F010];
	_ =	sdelay $0x4  }
0x417: {  	v1 =	vadd.f32 v1, v33;
	_ =	sdelay $0x1  }
0x418: {  	[tilespmem:$0x1F230] =	vst v1;
	v1 =	vld [tilespmem:$0x1F020];
	_ =	sdelay $0x4  }
0x419: {  	v1 =	vadd.f32 v1, v34;
	_ =	sdelay $0x1  }
0x41a: {  	[tilespmem:$0x1F240] =	vst v1;
	v1 =	vld [tilespmem:$0x1F030];
	_ =	sdelay $0x4  }
0x41b: {  	v1 =	vadd.f32 v1, v35;
	_ =	sdelay $0x1  }
0x41c: {  	[tilespmem:$0x1F250] =	vst v1;
	v1 =	vld [tilespmem:$0x1F040];
	_ =	sdelay $0x4  }
0x41d: {  	v1 =	vadd.f32 v1, v36;
	_ =	sdelay $0x1  }
0x41e: {  	[tilespmem:$0x1F260] =	vst v1;
	v1 =	vld [tilespmem:$0x1F050];
	_ =	sdelay $0x4  }
0x41f: {  	v1 =	vadd.f32 v1, v37;
	_ =	sdelay $0x1  }
0x420: {  	[tilespmem:$0x1F270] =	vst v1;
	v1 =	vld [tilespmem:$0x1F060];
	_ =	sdelay $0x4  }
0x421: {  	v1 =	vadd.f32 v1, v38;
	_ =	sdelay $0x1  }
0x422: {  	[tilespmem:$0x1F280] =	vst v1;
	v1 =	vld [tilespmem:$0x1F070];
	_ =	sdelay $0x4  }
0x423: {  	v1 =	vadd.f32 v1, v41  }
0x424: {  	v51 =	vadd.f32 v58, v2;
	v2 =	vld [tilespmem:$0x1F090]  }
0x425: {  	[tilespmem:$0x1F290] =	vst v1;
	v1 =	vld [tilespmem:$0x1F080];
	_ =	sdelay $0x4  }
0x426: {  	v9 =	vadd.f32 v1, v2;
	v1 =	vld [tilespmem:$0x1F0A0]  }
0x427: {  	v2 =	vld [tilespmem:$0x1F0B0];
	_ =	sdelay $0x4  }
0x428: {  	v8 =	vadd.f32 v1, v2;
	v1 =	vld [tilespmem:$0x1F0C0]  }
0x429: {  	v2 =	vld [tilespmem:$0x1F0D0];
	_ =	sdelay $0x4  }
0x42a: {  	v58 =	vadd.f32 v63, v7;
	v7 =	vadd.f32 v1, v2;
	v1 =	vld [tilespmem:$0x1F0E0];
	_ =	sdelay $0x3  }
0x42b: {  	s30 =	simm.s32 $0x0  }
0x42c: {  	s22 =	smul.u32 $0x6000, s30;
	v6 =	vadd.f32 v1, v47;
	v1 =	vld [tilespmem:$0x1F0F0]  }
0x42d: {  	s21 =	simm.s32 $0x0  }
0x42e: {  	s22 =	sshra.s32 s22, $0x2;
	s31 =	sand.u32 $0x380, s21;
	[sflag:s13] =	ssyncset.done $0x0  }
0x42f: {  	v46 =	vadd.f32 v52, v42;
	s22 =	sor.u32 s31, s22;
	[sflag:s13] =	ssyncadd.s32 $0xFFFF7000  }
0x430: {  	v50 =	vld [tilespmem:s22+$0xA470]  }
0x431: {  	v5 =	vadd.f32 v1, v46;
	v1 =	vld [tilespmem:$0x1F100]  }
0x432: {  	v52 =	vadd.f32 v59, v3;
	v59 =	vld [tilespmem:s22+$0x9020]  }
0x433: {  	v62 =	vld [tilespmem:s22+$0x9030]  }
0x434: {  	v63 =	vld [tilespmem:s22+$0x9040]  }
0x435: {  	v42 =	vld [tilespmem:s22+$0x9050]  }
0x436: {  	v4 =	vadd.f32 v1, v45;
	v1 =	vld [tilespmem:$0x1F110]  }
0x437: {  	v40 =	vld [tilespmem:s22+$0x9060]  }
0x438: {  	v12 =	vld [tilespmem:s22+$0x9840]  }
0x439: {  	v17 =	vld [tilespmem:s22+$0x9400]  }
0x43a: {  	v46 =	vadd.f32 v59, v54;
	v59 =	vld [tilespmem:$0x1F140]  }
0x43b: {  	v3 =	vadd.f32 v1, v43;
	v1 =	vld [tilespmem:$0x1F120]  }
0x43c: {  	v15 =	vld [tilespmem:s22+$0x9420]  }
0x43d: {  	v30 =	vld [tilespmem:s22+$0x9800]  }
0x43e: {  	v28 =	vld [tilespmem:s22+$0x9820];
	v41 =	vadd.f32 v42, v58  }
0x43f: {  	v42 =	vadd.f32 v40, v60;
	v40 =	vadd.f32 v17, v59;
	v17 =	vld [tilespmem:$0x1F150]  }
0x440: {  	v2 =	vadd.f32 v1, v44;
	v1 =	vld [tilespmem:$0x1F130]  }
0x441: {  	v10 =	vld [tilespmem:s22+$0x9860]  }
0x442: {  	v0 =	vadd.f32 v56, v0;
	v26 =	vld [tilespmem:s22+$0x9440];
	v32 =	vadd.f32 v30, v18  }
0x443: {  	v30 =	vadd.f32 v28, v20;
	v28 =	vadd.f32 v12, v22;
	v12 =	vld [tilespmem:$0x1F1C0]  }
0x444: {  	v38 =	vadd.f32 v15, v17;
	v17 =	vld [tilespmem:$0x1F170]  }
0x445: {  	v1 =	vadd.f32 v1, v0;
	v0 =	vadd.f32 v50, v48;
	v50 =	vld [tilespmem:s22+$0x9C00]  }
0x446: {  	v13 =	vld [tilespmem:s22+$0x9830]  }
0x447: {  	v27 =	vld [tilespmem:s22+$0x9450]  }
0x448: {  	v43 =	vadd.f32 v62, v55;
	v62 =	vld [tilespmem:s22+$0x9C10]  }
0x449: {  	v36 =	vadd.f32 v26, v17;
	v17 =	vld [tilespmem:$0x1F180]  }
0x44a: {  	v26 =	vadd.f32 v10, v24;
	v24 =	vadd.f32 v50, v12;
	v12 =	vld [tilespmem:$0x1F1D0]  }
0x44b: {  	v14 =	vld [tilespmem:s22+$0x9810]  }
0x44c: {  	v31 =	vld [tilespmem:s22+$0x9460]  }
0x44d: {  	v44 =	vadd.f32 v63, v57;
	v57 =	vld [tilespmem:s22+$0x9C20]  }
0x44e: {  	v33 =	vadd.f32 v27, v17;
	v17 =	vld [tilespmem:$0x1F190]  }
0x44f: {  	v27 =	vadd.f32 v13, v21;
	v21 =	vadd.f32 v62, v12;
	v12 =	vld [tilespmem:$0x1F1E0]  }
0x450: {  	v16 =	vld [tilespmem:s22+$0x9410]  }
0x451: {  	v29 =	vld [tilespmem:s22+$0x9470]  }
0x452: {  	v58 =	vld [tilespmem:s22+$0x9C30]  }
0x453: {  	v34 =	vadd.f32 v31, v17;
	v17 =	vld [tilespmem:$0x1F1A0]  }
0x454: {  	v22 =	vadd.f32 v57, v12;
	v12 =	vld [tilespmem:$0x1F1F0];
	_ =	sdelay $0x1  }
0x455: {  	v25 =	vld [tilespmem:s22+$0x9430]  }
0x456: {  	v37 =	vadd.f32 v16, v49;
	v16 =	vld [tilespmem:s22+$0x9C40]  }
0x457: {  	v15 =	vld [tilespmem:$0x1F160];
	v31 =	vadd.f32 v29, v17  }
0x458: {  	v29 =	vadd.f32 v14, v19;
	v19 =	vadd.f32 v58, v12;
	v12 =	vld [tilespmem:$0x1F200];
	_ =	sdelay $0x3  }
0x459: {  	v35 =	vadd.f32 v25, v15;
	v15 =	vld [tilespmem:s22+$0x9C50]  }
0x45a: {  	v20 =	vadd.f32 v16, v12;
	v12 =	vld [tilespmem:$0x1F210];
	_ =	sdelay $0x2  }
0x45b: {  	v39 =	vld [tilespmem:s22+$0x9070]  }
0x45c: {  	v60 =	vld [tilespmem:s22+$0x9C60]  }
0x45d: {  	v17 =	vadd.f32 v15, v12;
	v12 =	vld [tilespmem:$0x1F220];
	_ =	sdelay $0x3  }
0x45e: {  	v39 =	vadd.f32 v39, v61;
	v61 =	vld [tilespmem:s22+$0x9C70]  }
0x45f: {  	v18 =	vadd.f32 v60, v12;
	v12 =	vld [tilespmem:$0x1F230];
	_ =	sdelay $0x3  }
0x460: {  	v14 =	vld [tilespmem:s22+$0xA000]  }
0x461: {  	v15 =	vadd.f32 v61, v12;
	v12 =	vld [tilespmem:$0x1F240];
	_ =	sdelay $0x1  }
0x462: {  	v11 =	vld [tilespmem:s22+$0x9850];
	_ =	sdelay $0x1  }
0x463: {  	v13 =	vld [tilespmem:s22+$0xA010]  }
0x464: {  	v16 =	vadd.f32 v14, v12;
	v12 =	vld [tilespmem:$0x1F250];
	_ =	sdelay $0x1  }
0x465: {  	v25 =	vadd.f32 v11, v23;
	v11 =	vld [tilespmem:s22+$0xA020]  }
0x466: {  	v10 =	vld [tilespmem:$0x1F1B0]  }
0x467: {  	v48 =	vld [tilespmem:s22+$0x9870]  }
0x468: {  	v13 =	vadd.f32 v13, v12;
	v12 =	vld [tilespmem:$0x1F260];
	_ =	sdelay $0x3  }
0x469: {  	v23 =	vadd.f32 v48, v10;
	v10 =	vld [tilespmem:s22+$0xA030]  }
0x46a: {  	v14 =	vadd.f32 v11, v12;
	v11 =	vld [tilespmem:$0x1F270]  }
0x46b: {  	v53 =	vld [tilespmem:s22+$0x9000]  }
0x46c: {  	v56 =	vld [tilespmem:s22+$0x9010]  }
0x46d: {  	v63 =	vld [tilespmem:s22+$0xA050]  }
0x46e: {  	v62 =	vld [tilespmem:s22+$0xA040]  }
0x46f: {  	v12 =	vadd.f32 v10, v11;
	v10 =	vld [tilespmem:$0x1F280]  }
0x470: {  	v11 =	vld [tilespmem:$0x1F290]  }
0x471: {  	v47 =	vadd.f32 v53, v51;
	v51 =	vld [tilespmem:s22+$0xA060]  }
0x472: {  	v45 =	vadd.f32 v56, v52;
	v52 =	vld [tilespmem:s22+$0xA070]  }
0x473: {  	v48 =	vld [tilespmem:s22+$0xA400]  }
0x474: {  	v49 =	vld [tilespmem:s22+$0xA410]  }
0x475: {  	s24 =	simm.s32 $0x0;
	s23 =	simm.s32 $0x2;
	v50 =	vld [tilespmem:s22+$0xA420];
	v10 =	vadd.f32 v62, v10;
	v11 =	vadd.f32 v63, v11  }
.LBB2_12:
0x476: {  	p0 =	sne.s32 s23, $0x2F;
	s24 =	smul.u32 $0x6000, s24;
	v9 =	vadd.f32 v51, v9;
	v51 =	vld [tilespmem:s22+$0xA430]  }
0x477: {  	s21 =	sadd.s32 $0x80, s21;
	v8 =	vadd.f32 v52, v8;
	v52 =	vld [tilespmem:s22+$0xA440]  }
0x478: {  	s25 =	sand.u32 $0x380, s21;
	s24 =	sshra.s32 s24, $0x2;
	v7 =	vadd.f32 v48, v7;
	v48 =	vld [tilespmem:s22+$0xA450]  }
0x479: {  	v6 =	vadd.f32 v49, v6;
	v49 =	vld [tilespmem:s22+$0xA460];
	s22 =	sor.u32 s25, s24  }
0x47a: {  	v53 =	vld [tilespmem:s22+$0xA470];
	v5 =	vadd.f32 v50, v5  }
0x47b: {  	v50 =	vld [tilespmem:s22+$0x9000];
	v4 =	vadd.f32 v51, v4  }
0x47c: {  	v51 =	vld [tilespmem:s22+$0x9010];
	v3 =	vadd.f32 v52, v3  }
0x47d: {  	v52 =	vld [tilespmem:s22+$0x9020];
	v2 =	vadd.f32 v48, v2  }
0x47e: {  	v48 =	vld [tilespmem:s22+$0x9030];
	v1 =	vadd.f32 v49, v1  }
0x47f: {  	v49 =	vld [tilespmem:s22+$0x9040];
	v0 =	vadd.f32 v53, v0  }
0x480: {  	v47 =	vadd.f32 v50, v47;
	v50 =	vld [tilespmem:s22+$0x9050]  }
0x481: {  	v45 =	vadd.f32 v51, v45;
	v51 =	vld [tilespmem:s22+$0x9060]  }
0x482: {  	v46 =	vadd.f32 v52, v46;
	v52 =	vld [tilespmem:s22+$0x9070]  }
0x483: {  	v43 =	vadd.f32 v48, v43;
	v48 =	vld [tilespmem:s22+$0x9400]  }
0x484: {  	v44 =	vadd.f32 v49, v44;
	v49 =	vld [tilespmem:s22+$0x9410]  }
0x485: {  	v41 =	vadd.f32 v50, v41;
	v50 =	vld [tilespmem:s22+$0x9420]  }
0x486: {  	v42 =	vadd.f32 v51, v42;
	v51 =	vld [tilespmem:s22+$0x9430]  }
0x487: {  	v39 =	vadd.f32 v52, v39;
	v52 =	vld [tilespmem:s22+$0x9440]  }
0x488: {  	v40 =	vadd.f32 v48, v40;
	v48 =	vld [tilespmem:s22+$0x9450]  }
0x489: {  	v37 =	vadd.f32 v49, v37;
	v49 =	vld [tilespmem:s22+$0x9460]  }
0x48a: {  	v38 =	vadd.f32 v50, v38;
	v50 =	vld [tilespmem:s22+$0x9470]  }
0x48b: {  	v35 =	vadd.f32 v51, v35;
	v51 =	vld [tilespmem:s22+$0x9800]  }
0x48c: {  	v36 =	vadd.f32 v52, v36;
	v52 =	vld [tilespmem:s22+$0x9810]  }
0x48d: {  	v33 =	vadd.f32 v48, v33;
	v48 =	vld [tilespmem:s22+$0x9820]  }
0x48e: {  	v34 =	vadd.f32 v49, v34;
	v49 =	vld [tilespmem:s22+$0x9830]  }
0x48f: {  	v31 =	vadd.f32 v50, v31;
	v50 =	vld [tilespmem:s22+$0x9840]  }
0x490: {  	v32 =	vadd.f32 v51, v32;
	v51 =	vld [tilespmem:s22+$0x9850]  }
0x491: {  	v29 =	vadd.f32 v52, v29;
	v52 =	vld [tilespmem:s22+$0x9860]  }
0x492: {  	v30 =	vadd.f32 v48, v30;
	v48 =	vld [tilespmem:s22+$0x9870]  }
0x493: {  	v27 =	vadd.f32 v49, v27;
	v49 =	vld [tilespmem:s22+$0x9C00]  }
0x494: {  	v28 =	vadd.f32 v50, v28;
	v50 =	vld [tilespmem:s22+$0x9C10]  }
0x495: {  	v25 =	vadd.f32 v51, v25;
	v51 =	vld [tilespmem:s22+$0x9C20]  }
0x496: {  	v26 =	vadd.f32 v52, v26;
	v52 =	vld [tilespmem:s22+$0x9C30]  }
0x497: {  	v23 =	vadd.f32 v48, v23;
	v48 =	vld [tilespmem:s22+$0x9C40]  }
0x498: {  	v24 =	vadd.f32 v49, v24;
	v49 =	vld [tilespmem:s22+$0x9C50]  }
0x499: {  	v21 =	vadd.f32 v50, v21;
	v50 =	vld [tilespmem:s22+$0x9C60]  }
0x49a: {  	v22 =	vadd.f32 v51, v22;
	v51 =	vld [tilespmem:s22+$0x9C70]  }
0x49b: {  	v19 =	vadd.f32 v52, v19;
	v52 =	vld [tilespmem:s22+$0xA000]  }
0x49c: {  	v20 =	vadd.f32 v48, v20;
	v48 =	vld [tilespmem:s22+$0xA010]  }
0x49d: {  	v17 =	vadd.f32 v49, v17;
	v49 =	vld [tilespmem:s22+$0xA020]  }
0x49e: {  	v18 =	vadd.f32 v50, v18;
	v50 =	vld [tilespmem:s22+$0xA030]  }
0x49f: {  	v15 =	vadd.f32 v51, v15;
	v53 =	vld [tilespmem:s22+$0xA040]  }
0x4a0: {  	v16 =	vadd.f32 v52, v16;
	v54 =	vld [tilespmem:s22+$0xA050]  }
.Ltmp5:
0x4a1: {  	v13 =	vadd.f32 v48, v13;
	v51 =	vld [tilespmem:s22+$0xA060];
	(pc) =	sbr.rel @p0 .LBB2_12-.Ltmp5, $4  }
0x4a2: {  	v14 =	vadd.f32 v49, v14;
	v52 =	vld [tilespmem:s22+$0xA070]  }
0x4a3: {  	v12 =	vadd.f32 v50, v12;
	v48 =	vld [tilespmem:s22+$0xA400]  }
0x4a4: {  	v10 =	vadd.f32 v53, v10;
	v49 =	vld [tilespmem:s22+$0xA410]  }
0x4a5: {  	s24 =	sshrl.u32 s23, $0x3;
	s23 =	sadd.s32 $0x1, s23;
	v11 =	vadd.f32 v54, v11;
	v50 =	vld [tilespmem:s22+$0xA420]  }
0x4a6: {  	s23 =	smul.u32 $0x6000, s24  }
0x4a7: {  	s21 =	sadd.s32 $0x80, s21  }
0x4a8: {  	s21 =	sand.u32 $0x380, s21;
	s23 =	sshra.s32 s23, $0x2  }
0x4a9: {  	s21 =	sor.u32 s21, s23  }
0x4aa: {  	v57 =	vld [tilespmem:s21+$0x9420];
	_ =	sdelay $0x4  }
0x4ab: {  	[tilespmem:$0x1EBF0] =	vst v57;
	v57 =	vld [tilespmem:s21+$0x9430];
	_ =	sdelay $0x4  }
0x4ac: {  	[tilespmem:$0x1EC00] =	vst v57;
	v57 =	vld [tilespmem:s21+$0x9440];
	_ =	sdelay $0x4  }
0x4ad: {  	[tilespmem:$0x1EC10] =	vst v57;
	v57 =	vld [tilespmem:s21+$0x9450];
	_ =	sdelay $0x4  }
0x4ae: {  	[tilespmem:$0x1EC20] =	vst v57;
	v57 =	vld [tilespmem:s21+$0x9460];
	_ =	sdelay $0x4  }
0x4af: {  	[tilespmem:$0x1EC30] =	vst v57;
	v57 =	vld [tilespmem:s21+$0x9470];
	_ =	sdelay $0x4  }
0x4b0: {  	[tilespmem:$0x1EC40] =	vst v57;
	v57 =	vld [tilespmem:s21+$0x9800];
	_ =	sdelay $0x4  }
0x4b1: {  	[tilespmem:$0x1EC50] =	vst v57;
	v57 =	vld [tilespmem:s21+$0x9810];
	_ =	sdelay $0x4  }
0x4b2: {  	[tilespmem:$0x1EC60] =	vst v57;
	v57 =	vld [tilespmem:s21+$0x9820];
	_ =	sdelay $0x4  }
0x4b3: {  	[tilespmem:$0x1EC70] =	vst v57;
	v57 =	vld [tilespmem:s21+$0x9830];
	_ =	sdelay $0x4  }
0x4b4: {  	[tilespmem:$0x1EC80] =	vst v57;
	v57 =	vld [tilespmem:s21+$0x9840];
	_ =	sdelay $0x4  }
0x4b5: {  	[tilespmem:$0x1EC90] =	vst v57;
	v57 =	vld [tilespmem:s21+$0x9850];
	_ =	sdelay $0x4  }
0x4b6: {  	[tilespmem:$0x1ECA0] =	vst v57;
	v57 =	vld [tilespmem:s21+$0x9860];
	_ =	sdelay $0x4  }
0x4b7: {  	[tilespmem:$0x1ECB0] =	vst v57;
	v57 =	vld [tilespmem:s21+$0x9870];
	_ =	sdelay $0x4  }
0x4b8: {  	[tilespmem:$0x1ECC0] =	vst v57;
	v57 =	vld [tilespmem:s21+$0x9C00];
	_ =	sdelay $0x4  }
0x4b9: {  	[tilespmem:$0x1ECD0] =	vst v57;
	v57 =	vld [tilespmem:s21+$0x9C10];
	_ =	sdelay $0x4  }
0x4ba: {  	[tilespmem:$0x1ECE0] =	vst v57;
	v57 =	vld [tilespmem:s21+$0x9C20];
	_ =	sdelay $0x4  }
0x4bb: {  	[tilespmem:$0x1ECF0] =	vst v57;
	v57 =	vld [tilespmem:s21+$0x9C30];
	_ =	sdelay $0x4  }
0x4bc: {  	[tilespmem:$0x1ED00] =	vst v57;
	v57 =	vld [tilespmem:s21+$0x9C40];
	_ =	sdelay $0x4  }
0x4bd: {  	[tilespmem:$0x1ED10] =	vst v57;
	v57 =	vld [tilespmem:s21+$0x9C50];
	_ =	sdelay $0x4  }
0x4be: {  	[tilespmem:$0x1ED20] =	vst v57;
	v57 =	vld [tilespmem:s21+$0x9C60];
	_ =	sdelay $0x4  }
0x4bf: {  	[tilespmem:$0x1ED30] =	vst v57;
	v57 =	vld [tilespmem:s21+$0x9C70];
	_ =	sdelay $0x4  }
0x4c0: {  	[tilespmem:$0x1ED40] =	vst v57;
	v57 =	vld [tilespmem:s21+$0xA000];
	_ =	sdelay $0x4  }
0x4c1: {  	[tilespmem:$0x1ED50] =	vst v57;
	v57 =	vld [tilespmem:s21+$0xA010];
	_ =	sdelay $0x4  }
0x4c2: {  	[tilespmem:$0x1ED60] =	vst v57;
	v57 =	vld [tilespmem:s21+$0xA020];
	_ =	sdelay $0x4  }
0x4c3: {  	[tilespmem:$0x1ED70] =	vst v57;
	v57 =	vld [tilespmem:s21+$0xA030];
	_ =	sdelay $0x4  }
0x4c4: {  	[tilespmem:$0x1ED80] =	vst v57;
	v57 =	vld [tilespmem:s21+$0xA040];
	_ =	sdelay $0x4  }
0x4c5: {  	[tilespmem:$0x1ED90] =	vst v57;
	v57 =	vld [tilespmem:s21+$0xA050];
	_ =	sdelay $0x4  }
0x4c6: {  	[tilespmem:$0x1EDA0] =	vst v57;
	v57 =	vld [tilespmem:s21+$0xA060];
	_ =	sdelay $0x4  }
0x4c7: {  	[tilespmem:$0x1EDB0] =	vst v57;
	v57 =	vld [tilespmem:s21+$0xA070];
	_ =	sdelay $0x3  }
0x4c8: {  	v53 =	vld [tilespmem:s22+$0xA430]  }
0x4c9: {  	[tilespmem:$0x1EDC0] =	vst v57;
	v57 =	vld [tilespmem:s21+$0xA400]  }
0x4ca: {  	v60 =	vld [tilespmem:s22+$0xA440]  }
0x4cb: {  	v61 =	vld [tilespmem:s22+$0xA450]  }
0x4cc: {  	v62 =	vld [tilespmem:s22+$0xA460]  }
0x4cd: {  	v63 =	vld [tilespmem:s21+$0xA470]  }
0x4ce: {  	[tilespmem:$0x1EDD0] =	vst v57;
	v57 =	vld [tilespmem:s21+$0xA410]  }
0x4cf: {  	v58 =	vld [tilespmem:s21+$0x9000]  }
0x4d0: {  	v59 =	vld [tilespmem:s21+$0x9010]  }
0x4d1: {  	v54 =	vld [tilespmem:s21+$0x9070]  }
0x4d2: {  	v55 =	vld [tilespmem:s21+$0x9400]  }
0x4d3: {  	[tilespmem:$0x1EDF0] =	vst v57;
	v57 =	vld [tilespmem:s21+$0xA420]  }
0x4d4: {  	v56 =	vld [tilespmem:s21+$0x9410]  }
0x4d5: {  	[tilespmem:$0x1EE00] =	vst v60;
	v60 =	vld [tilespmem:s21+$0x9020]  }
0x4d6: {  	[tilespmem:$0x1EE20] =	vst v61;
	v61 =	vld [tilespmem:s21+$0x9030]  }
0x4d7: {  	[tilespmem:$0x1EDE0] =	vst v53;
	v53 =	vld [tilespmem:s21+$0x9060]  }
0x4d8: {  	[tilespmem:$0x1EE10] =	vst v57;
	v57 =	vld [tilespmem:s21+$0xA430]  }
0x4d9: {  	[tilespmem:$0x1EE40] =	vst v62;
	v62 =	vld [tilespmem:s21+$0x9040]  }
0x4da: {  	[tilespmem:$0x1EE60] =	vst v63;
	v63 =	vld [tilespmem:s21+$0x9050]  }
0x4db: {  	v47 =	vadd.f32 v58, v47;
	v58 =	vld [tilespmem:s21+$0xA450]  }
0x4dc: {  	v42 =	vadd.f32 v53, v42;
	v53 =	vld [tilespmem:$0x1EC20]  }
0x4dd: {  	v45 =	vadd.f32 v59, v45;
	v59 =	vld [tilespmem:s21+$0xA460];
	[tilespmem:$0x1EE30] =	vst v57  }
0x4de: {  	v46 =	vadd.f32 v60, v46;
	v57 =	vld [tilespmem:s21+$0xA440];
	[tilespmem:$0x0] =	vst v47  }
0x4df: {  	v43 =	vadd.f32 v61, v43;
	[tilespmem:$0x10] =	vst v45  }
0x4e0: {  	v39 =	vadd.f32 v54, v39;
	v44 =	vadd.f32 v62, v44;
	v54 =	vld [tilespmem:$0x1EC30];
	[tilespmem:$0x20] =	vst v46  }
0x4e1: {  	v41 =	vadd.f32 v63, v41;
	v33 =	vadd.f32 v53, v33;
	v53 =	vld [tilespmem:$0x1EDE0];
	[tilespmem:$0x30] =	vst v43  }
0x4e2: {  	v61 =	vld [tilespmem:$0x1EC80];
	[tilespmem:$0x40] =	vst v44  }
0x4e3: {  	v40 =	vadd.f32 v55, v40;
	v55 =	vld [tilespmem:$0x1EC40];
	[tilespmem:$0x50] =	vst v41  }
0x4e4: {  	v37 =	vadd.f32 v56, v37;
	v56 =	vld [tilespmem:$0x1EC50];
	[tilespmem:$0x60] =	vst v42  }
0x4e5: {  	v60 =	vld [tilespmem:$0x1EC70];
	[tilespmem:$0x70] =	vst v39  }
0x4e6: {  	v62 =	vld [tilespmem:$0x1EC90];
	[tilespmem:$0x400] =	vst v40  }
0x4e7: {  	v34 =	vadd.f32 v54, v34;
	v27 =	vadd.f32 v61, v27;
	v61 =	vld [tilespmem:$0x1EE40];
	[tilespmem:$0x410] =	vst v37  }
0x4e8: {  	v31 =	vadd.f32 v55, v31;
	v63 =	vld [tilespmem:$0x1ECA0];
	[tilespmem:$0x450] =	vst v33  }
0x4e9: {  	v7 =	vadd.f32 v48, v7;
	v32 =	vadd.f32 v56, v32;
	v48 =	vld [tilespmem:$0x1EDB0];
	[tilespmem:$0x460] =	vst v34  }
0x4ea: {  	v9 =	vadd.f32 v51, v9;
	v30 =	vadd.f32 v60, v30;
	v51 =	vld [tilespmem:$0x1EDC0];
	[tilespmem:$0x470] =	vst v31  }
0x4eb: {  	v8 =	vadd.f32 v52, v8;
	v52 =	vld [tilespmem:$0x1EDD0];
	[tilespmem:$0x800] =	vst v32  }
0x4ec: {  	v28 =	vadd.f32 v62, v28;
	v54 =	vld [tilespmem:$0x1EDF0];
	[tilespmem:$0x820] =	vst v30  }
0x4ed: {  	v55 =	vld [tilespmem:$0x1EE00];
	v25 =	vadd.f32 v63, v25;
	[tilespmem:$0x830] =	vst v27  }
0x4ee: {  	v63 =	vld [tilespmem:$0x1EE60];
	v9 =	vadd.f32 v48, v9;
	[tilespmem:$0x840] =	vst v28  }
0x4ef: {  	v6 =	vadd.f32 v49, v6;
	v8 =	vadd.f32 v51, v8;
	v56 =	vld [tilespmem:$0x1EE10];
	[tilespmem:$0x850] =	vst v25  }
0x4f0: {  	v1 =	vadd.f32 v61, v1;
	v7 =	vadd.f32 v52, v7;
	v45 =	vld [tilespmem:$0x1EBF0];
	[tilespmem:$0x1060] =	vst v9  }
0x4f1: {  	v6 =	vadd.f32 v54, v6;
	v46 =	vld [tilespmem:$0x1EC00];
	[tilespmem:$0x1070] =	vst v8  }
0x4f2: {  	v5 =	vadd.f32 v50, v5;
	v1 =	vadd.f32 v59, v1;
	v47 =	vld [tilespmem:$0x1EC10];
	[tilespmem:$0x1400] =	vst v7  }
0x4f3: {  	v0 =	vadd.f32 v63, v0;
	v32 =	vld [tilespmem:$0x1ECB0];
	[tilespmem:$0x1410] =	vst v6  }
0x4f4: {  	v33 =	vld [tilespmem:$0x1ECC0];
	[tilespmem:$0x1460] =	vst v1;
	v5 =	vadd.f32 v56, v5  }
0x4f5: {  	v34 =	vld [tilespmem:$0x1ECD0];
	[tilespmem:$0x1470] =	vst v0  }
0x4f6: {  	v37 =	vld [tilespmem:$0x1ED00];
	[tilespmem:$0x1420] =	vst v5;
	v38 =	vadd.f32 v45, v38  }
0x4f7: {  	v39 =	vld [tilespmem:$0x1ED20];
	[tilespmem:$0x1EE50] =	vst v57;
	v35 =	vadd.f32 v46, v35  }
0x4f8: {  	v40 =	vld [tilespmem:$0x1ED30];
	v36 =	vadd.f32 v47, v36;
	[tilespmem:$0x420] =	vst v38  }
0x4f9: {  	v41 =	vld [tilespmem:$0x1ED40];
	v26 =	vadd.f32 v32, v26;
	[tilespmem:$0x430] =	vst v35  }
0x4fa: {  	v42 =	vld [tilespmem:$0x1ED50];
	v23 =	vadd.f32 v33, v23;
	[tilespmem:$0x440] =	vst v36  }
0x4fb: {  	v43 =	vld [tilespmem:$0x1ED60];
	v24 =	vadd.f32 v34, v24;
	[tilespmem:$0x860] =	vst v26  }
0x4fc: {  	v44 =	vld [tilespmem:$0x1ED70];
	v19 =	vadd.f32 v37, v19;
	[tilespmem:$0x870] =	vst v23  }
0x4fd: {  	v60 =	vld [tilespmem:$0x1EE30];
	v17 =	vadd.f32 v39, v17;
	[tilespmem:$0xC00] =	vst v24  }
0x4fe: {  	v57 =	vld [tilespmem:$0x1EC60];
	v18 =	vadd.f32 v40, v18;
	[tilespmem:$0xC30] =	vst v19  }
0x4ff: {  	v15 =	vadd.f32 v41, v15;
	v45 =	vld [tilespmem:$0x1ED80];
	[tilespmem:$0xC50] =	vst v17  }
0x500: {  	v16 =	vadd.f32 v42, v16;
	v46 =	vld [tilespmem:$0x1ED90];
	[tilespmem:$0xC60] =	vst v18  }
0x501: {  	v4 =	vadd.f32 v53, v4;
	v13 =	vadd.f32 v43, v13;
	v47 =	vld [tilespmem:$0x1EDA0];
	[tilespmem:$0xC70] =	vst v15  }
0x502: {  	v14 =	vadd.f32 v44, v14;
	v62 =	vld [tilespmem:$0x1EE50];
	[tilespmem:$0x1000] =	vst v16  }
0x503: {  	v4 =	vadd.f32 v60, v4;
	v35 =	vld [tilespmem:$0x1ECE0];
	[tilespmem:$0x1010] =	vst v13  }
0x504: {  	v36 =	vld [tilespmem:$0x1ECF0];
	[tilespmem:$0x1020] =	vst v14;
	v29 =	vadd.f32 v57, v29  }
0x505: {  	[tilespmem:$0x1430] =	vst v4;
	v12 =	vadd.f32 v45, v12;
	v57 =	vld [tilespmem:$0x1EE20]  }
0x506: {  	v3 =	vadd.f32 v55, v3;
	v38 =	vld [tilespmem:$0x1ED10];
	v10 =	vadd.f32 v46, v10;
	[tilespmem:$0x810] =	vst v29  }
0x507: {  	v11 =	vadd.f32 v47, v11;
	[tilespmem:$0x1030] =	vst v12  }
0x508: {  	v3 =	vadd.f32 v62, v3;
	[tilespmem:$0x1040] =	vst v10  }
0x509: {  	v21 =	vadd.f32 v35, v21;
	[tilespmem:$0x1050] =	vst v11  }
0x50a: {  	v22 =	vadd.f32 v36, v22;
	[tilespmem:$0x1440] =	vst v3;
	v2 =	vadd.f32 v57, v2  }
0x50b: {  	v20 =	vadd.f32 v38, v20;
	[tilespmem:$0xC10] =	vst v21  }
0x50c: {  	[tilespmem:$0xC20] =	vst v22;
	v2 =	vadd.f32 v58, v2  }
0x50d: {  	[tilespmem:$0xC40] =	vst v20  }
0x50e: {  	[tilespmem:$0x1450] =	vst v2  }
0x50f: {  	[hbm4b:s10+s2] =	stream.linear.scatter [tilespmem:s2], [sflag:$0x3], $0x80, $0x38;
	[tilespmem:$0x12000] =	vst v63  }
0x510: {  	s26 =	sadd.s32 $0x80, s10  }
0x511: {  	[hbm4b:s26+s2] =	stream.linear.scatter [tilespmem:s14], [sflag:$0x3], $0x80, $0x38;
	[tilespmem:$0x12000] =	vst v63  }
0x512: {  	s28 =	sadd.s32 $0x100, s10  }
0x513: {  	[hbm4b:s28+s2] =	stream.linear.scatter [tilespmem:s15], [sflag:$0x3], $0x80, $0x38;
	[tilespmem:$0x12000] =	vst v63  }
0x514: {  	s29 =	sadd.s32 $0x180, s10;
	s20 =	sadd.s32 $0x1, s20  }
0x515: {  	[hbm4b:s29+s2] =	stream.linear.scatter [tilespmem:s16], [sflag:$0x3], $0x80, $0x38;
	[tilespmem:$0x12000] =	vst v63  }
0x516: {  	s30 =	sadd.s32 $0x200, s10;
	p0 =	sne.s32 s20, s11  }
0x517: {  	[hbm4b:s30+s2] =	stream.linear.scatter [tilespmem:s17], [sflag:$0x3], $0x80, $0x38;
	[tilespmem:$0x12000] =	vst v63  }
.Ltmp6:
0x518: {  	s31 =	sadd.s32 $0x280, s10;
	(pc) =	sbr.rel @p0 .LBB2_1-.Ltmp6, $4  }
0x519: {  	[hbm4b:s31+s2] =	stream.linear.scatter [tilespmem:s18], [sflag:$0x3], $0x80, $0x38;
	[tilespmem:$0x12000] =	vst v63  }
0x51a: {  	_ =	swait.ge [sflag:s19], $0x300  }
0x51b: {  	[sflag:s19] =	ssyncset.done $0x0  }
0x51c: {  	[sflag:s19] =	ssyncadd.s32 $0xFFFFFD00  }
0x51d: {  	_ =	sfence.sel $0x180000  }
0x51e: {  	[bflag:$0x0] =	sbarrier.arrive $0xFFFF  }
0x51f: {  	p0 =	sne.s32 s0, $0x0;
	_ =	strace $0x90000047  }
0x520: {  	s0 =	sadd.s32 @!p0 $0x100000, s1;
	[bflag:$0x2] =	sbarrier.arrive $0xFFFF  }
0x521: {  	[sflag:s0] =	ssyncadd.tile.s32 @!p0 $0x1;
	_ =	shalt  }
.Lfunc_end2:
_tile_overlayer_lowered:
.L_overlay_start_2:
0x522: {  	(tag) =	ssettag $0x2  }
0x523: {  	s0 =	rddreg [dreg:$0x0];
	s2 =	stileid.u32  }
0x524: {  	s1 =	rddreg [dreg:$0x1];
	p0 =	sne.s32 s2, $0x0  }
0x525: {  	s3 =	rddreg [dreg:$0x2];
	[bflag:$0x3] =	sbarrier.arrive $0xFFFF;
	s2 =	simm.s32 @!p0 $0x1C03  }
0x526: {  	[timem:s3], [sflag:s2] =	dma.local @!p0 [hbm:s0], s1  }
0x527: {  	s0 =	simm.s32 @!p0 $0x3  }
0x528: {  	_ =	swait.ge @!p0 [sflag:s0], s1  }
0x529: {  	s1 =	ssub.s32 @!p0 $0x0, s1;
	[sflag:s0] =	ssyncset.done @!p0 $0x0  }
0x52a: {  	[sflag:s0] =	ssyncadd.s32 @!p0 s1  }
0x52b: {  	[bflag:$0x3] =	sbarrier.arrive $0xFFFF  }
0x52c: {  	_ =	shalt  }

</sc_bundles>
